<compile_context>
chip_gen: v7x
topology: tpu7x:2x2x1
jax: 0.10.2.dev20260603
libtpu: 0.0.44.dev20260713+nightly
codegen_flags: <defaults>
</compile_context>

<pallas_src>
import functools

import jax
import jax.numpy as jnp
import numpy as np
from jax import lax
from jax.experimental import pallas as pl
from jax.experimental.pallas import tpu as pltpu
from jax.experimental.pallas import tpu_sc as plsc

N_NODES = 10000
N_EDGES = 320000
D_FEAT = 128
EMB = 64
N_CLASSES = 5
N_GRAPHS = 64

NC = 2
NS = 16
NW = NC * NS
GROUP = 128
GROUPS_PER_W = 80
E_PAD = NW * GROUPS_PER_W * GROUP
DUMMY = N_NODES
ROWS_PER_TILE = 640
AGG_ROWS = NS * ROWS_PER_TILE


NBUF = 8
DEPTH = 6
CHUNKS_PER_TILE = ROWS_PER_TILE // GROUP


def _sc_agg_body(y_hbm, src_hbm, dst_hbm, zeros_hbm, out_hbm,
                 src_v, dst_v, rows_v, agg_sh, *sems):
    gsems, ssems = sems[:NBUF], sems[NBUF:]
    c = lax.axis_index("c")
    s = lax.axis_index("s")
    w = c * NS + s
    pltpu.sync_copy(zeros_hbm, rows_v.at[0])
    for k in range(CHUNKS_PER_TILE):
        pltpu.sync_copy(rows_v.at[0],
                        agg_sh.at[pl.ds(s * ROWS_PER_TILE + k * GROUP, GROUP)])
    pltpu.sync_copy(src_hbm.at[pl.ds(w * GROUPS_PER_W, GROUPS_PER_W)], src_v)
    pltpu.sync_copy(dst_hbm.at[pl.ds(w * GROUPS_PER_W, GROUPS_PER_W)], dst_v)
    plsc.subcore_barrier()

    for b in range(DEPTH):
        pltpu.async_copy(y_hbm.at[src_v.at[b]], rows_v.at[b], gsems[b])

    lag = NBUF - DEPTH

    @pl.loop(0, GROUPS_PER_W, step=NBUF)
    def _pipe(j):
        for b in range(NBUF):
            g = j + b
            pltpu.make_async_copy(y_hbm.at[src_v.at[g]], rows_v.at[b],
                                  gsems[b]).wait()
            pltpu.async_copy(rows_v.at[b], agg_sh.at[dst_v.at[g]], ssems[b],
                             add=True)
            b2 = (b + DEPTH) % NBUF

            @pl.when(g + DEPTH < GROUPS_PER_W)
            def _prefetch():
                @pl.when(g >= lag)
                def _wait_prev_scatter():
                    pltpu.make_async_copy(rows_v.at[b2],
                                          agg_sh.at[dst_v.at[g - lag]],
                                          ssems[b2]).wait()

                pltpu.async_copy(y_hbm.at[src_v.at[g + DEPTH]], rows_v.at[b2],
                                 gsems[b2])

    for g in range(GROUPS_PER_W - NBUF, GROUPS_PER_W):
        pltpu.make_async_copy(rows_v.at[g % NBUF], agg_sh.at[dst_v.at[g]],
                              ssems[g % NBUF]).wait()

    plsc.subcore_barrier()
    def _out_slice(k):
        return out_hbm.at[pl.ds(w * ROWS_PER_TILE + k * GROUP, GROUP)]

    for k in range(CHUNKS_PER_TILE):
        b = k % NBUF
        if k >= NBUF:
            pltpu.make_async_copy(rows_v.at[b], _out_slice(k - NBUF),
                                  sems[b]).wait()
        pltpu.sync_copy(
            agg_sh.at[pl.ds(s * ROWS_PER_TILE + k * GROUP, GROUP)],
            rows_v.at[b])
        pltpu.async_copy(rows_v.at[b], _out_slice(k), sems[b])
    for k in range(max(0, CHUNKS_PER_TILE - NBUF), CHUNKS_PER_TILE):
        pltpu.make_async_copy(rows_v.at[k % NBUF], _out_slice(k),
                              sems[k % NBUF]).wait()


@functools.cache
def _get_sc_agg():
    return pl.kernel(
        _sc_agg_body,
        out_type=jax.ShapeDtypeStruct((NC * AGG_ROWS, EMB), jnp.float32),
        mesh=plsc.VectorSubcoreMesh(core_axis_name="c", subcore_axis_name="s",
                                    num_cores=NC, num_subcores=NS),
        scratch_types=[
            pltpu.VMEM((GROUPS_PER_W, GROUP), jnp.int32),
            pltpu.VMEM((GROUPS_PER_W, GROUP), jnp.int32),
            pltpu.VMEM((NBUF, GROUP, EMB), jnp.float32),
            pltpu.VMEM_SHARED((AGG_ROWS, EMB), jnp.float32),
        ] + [pltpu.SemaphoreType.DMA] * (2 * NBUF),
        compiler_params=pltpu.CompilerParams(use_tc_tiling_on_sc=False),
    )


def _mm_body(x_ref, w_ref, o_ref):
    o_ref[...] = jnp.dot(x_ref[...], w_ref[...],
                         preferred_element_type=jnp.float32)


N_GROUPS = N_EDGES // GROUP
PAD_GROUPS = E_PAD // GROUP - N_GROUPS


def _pad_idx_body(ei_ref, ps_ref, pd_ref, os_ref, od_ref):
    os_ref[:N_GROUPS] = ei_ref[0]
    os_ref[N_GROUPS:] = ps_ref[...]
    od_ref[:N_GROUPS] = ei_ref[1]
    od_ref[N_GROUPS:] = pd_ref[...]


def _mid_body(p_ref, y_ref, ba_ref, wb_ref, bb_ref, wn_ref, o_ref):
    agg = p_ref[:N_NODES, :] + p_ref[AGG_ROWS:AGG_ROWS + N_NODES, :]
    t = jnp.maximum(y_ref[...] + agg + ba_ref[...], 0.0)
    h = jnp.maximum(
        jnp.dot(t, wb_ref[...], preferred_element_type=jnp.float32)
        + bb_ref[...], 0.0)
    o_ref[...] = jnp.dot(h, wn_ref[...], preferred_element_type=jnp.float32)


def _final_body(p_ref, y_ref, ba_ref, wb_ref, bb_ref, batch_ref,
                wout_ref, bout_ref, o_ref):
    agg = p_ref[:N_NODES, :] + p_ref[AGG_ROWS:AGG_ROWS + N_NODES, :]
    t = jnp.maximum(y_ref[...] + agg + ba_ref[...], 0.0)
    h = jnp.maximum(
        jnp.dot(t, wb_ref[...], preferred_element_type=jnp.float32)
        + bb_ref[...], 0.0)
    gids = lax.broadcasted_iota(jnp.int32, (1, N_GRAPHS), 1)
    onehot = (batch_ref[...] == gids).astype(jnp.float32)
    sums = lax.dot_general(onehot, h, (((0,), (0,)), ((), ())),
                           preferred_element_type=jnp.float32)
    ones = jnp.ones((N_NODES, 1), jnp.float32)
    counts = lax.dot_general(onehot, ones, (((0,), (0,)), ((), ())),
                             preferred_element_type=jnp.float32)
    pooled = sums / jnp.maximum(counts, 1.0)
    o_ref[...] = (jnp.dot(pooled, wout_ref[...],
                          preferred_element_type=jnp.float32) + bout_ref[...])


def kernel(x, edge_index, batch, W1a, b1a, W1b, b1b, W2a, b2a, W2b, b2b,
           Wout, bout):
    pad_n = E_PAD - N_EDGES
    pad_src_c = jnp.asarray(
        (np.arange(pad_n) % N_NODES).astype(np.int32).reshape(-1, GROUP))
    pad_dst_c = jnp.asarray(
        (DUMMY + np.arange(pad_n) % (AGG_ROWS - N_NODES))
        .astype(np.int32).reshape(-1, GROUP))
    i32 = jnp.int32
    src_p, dst_p = pl.pallas_call(
        _pad_idx_body,
        out_shape=[jax.ShapeDtypeStruct((E_PAD // GROUP, GROUP), i32)] * 2)(
            edge_index.reshape(2, N_GROUPS, GROUP), pad_src_c, pad_dst_c)
    zeros = jnp.zeros((GROUP, EMB), jnp.float32)
    b1a2, b1b2, b2a2, b2b2 = (b.reshape(1, EMB) for b in (b1a, b1b, b2a, b2b))
    batch2 = batch.reshape(N_NODES, 1)
    wout_p = jnp.zeros((EMB, 128), jnp.float32).at[:, :N_CLASSES].set(Wout)
    bout_p = jnp.zeros((1, 128), jnp.float32).at[0, :N_CLASSES].set(bout)

    f32 = jnp.float32
    y1 = pl.pallas_call(
        _mm_body,
        out_shape=jax.ShapeDtypeStruct((N_NODES, EMB), f32))(x, W1a)
    p1 = _get_sc_agg()(y1, src_p, dst_p, zeros)
    y2 = pl.pallas_call(
        _mid_body,
        out_shape=jax.ShapeDtypeStruct((N_NODES, EMB), f32))(
            p1, y1, b1a2, W1b, b1b2, W2a)
    p2 = _get_sc_agg()(y2, src_p, dst_p, zeros)
    out_p = pl.pallas_call(
        _final_body,
        out_shape=jax.ShapeDtypeStruct((N_GRAPHS, 128), f32))(
            p2, y2, b2a2, W2b, b2b2, batch2, wout_p, bout_p)
    return out_p[:, :N_CLASSES]

# --- scband reference (transcript-rebuilt; emitter-appended) ---
"""Pipeline reference for scband-gnn-21569325761066 (READ-ONLY COPY).

The authoritative reference and input builder live on the scoring server;
editing this copy changes nothing except your own understanding.
"""

import jax, jax.numpy as jnp
import numpy as np

N_NODES = 10000
N_EDGES = 320000
D_FEAT = 128
EMB = 64
N_CLASSES = 5
N_GRAPHS = 64


def setup_inputs(seed: int = 0) -> dict:
    key = jax.random.key(seed)
    ks = jax.random.split(key, 16)
    x = jax.random.normal(ks[0], (N_NODES, D_FEAT), dtype=jnp.float32)
    edge_index = jax.random.randint(ks[1], (2, N_EDGES), 0, N_NODES, dtype=jnp.int64 if jax.config.jax_enable_x64 else jnp.int32).astype(jnp.int32)
    batch = jnp.sort(jax.random.randint(ks[2], (N_NODES,), 0, N_GRAPHS).astype(jnp.int32))
    s1 = 1.0 / np.sqrt(D_FEAT)
    s2 = 1.0 / np.sqrt(EMB)
    W1a = jax.random.uniform(ks[3], (D_FEAT, EMB), jnp.float32, -s1, s1)
    b1a = jax.random.uniform(ks[4], (EMB,), jnp.float32, -s1, s1)
    W1b = jax.random.uniform(ks[5], (EMB, EMB), jnp.float32, -s2, s2)
    b1b = jax.random.uniform(ks[6], (EMB,), jnp.float32, -s2, s2)
    W2a = jax.random.uniform(ks[7], (EMB, EMB), jnp.float32, -s2, s2)
    b2a = jax.random.uniform(ks[8], (EMB,), jnp.float32, -s2, s2)
    W2b = jax.random.uniform(ks[9], (EMB, EMB), jnp.float32, -s2, s2)
    b2b = jax.random.uniform(ks[10], (EMB,), jnp.float32, -s2, s2)
    Wout = jax.random.uniform(ks[11], (EMB, N_CLASSES), jnp.float32, -s2, s2)
    bout = jax.random.uniform(ks[12], (N_CLASSES,), jnp.float32, -s2, s2)
    return {"x": x, "edge_index": edge_index, "batch": batch,
            "W1a": W1a, "b1a": b1a, "W1b": W1b, "b1b": b1b,
            "W2a": W2a, "b2a": b2a, "W2b": W2b, "b2b": b2b,
            "Wout": Wout, "bout": bout}


def _gin_conv(x, edge_index, Wa, ba, Wb, bb):
    src = edge_index[0]
    dst = edge_index[1]
    msgs = jnp.take(x, src, axis=0)
    agg = jnp.zeros_like(x).at[dst].add(msgs)
    h = x + agg  # eps = 0 (GINConv default)
    h = jax.nn.relu(h @ Wa + ba)
    h = h @ Wb + bb
    return h


def reference(x, edge_index, batch, W1a, b1a, W1b, b1b, W2a, b2a, W2b, b2b, Wout, bout):
    # initial_conv (GINConv) + relu; dropout is identity at inference
    h = jax.nn.relu(_gin_conv(x, edge_index, W1a, b1a, W1b, b1b))
    # conv1 (GINConv) + relu
    h = jax.nn.relu(_gin_conv(h, edge_index, W2a, b2a, W2b, b2b))
    # global_mean_pool over batch segment ids
    sums = jax.ops.segment_sum(h, batch, num_segments=N_GRAPHS)
    counts = jax.ops.segment_sum(jnp.ones((h.shape[0],), dtype=h.dtype), batch, num_segments=N_GRAPHS)
    counts = jnp.maximum(counts, 1.0)
    pooled = sums / counts[:, None]
    out = pooled @ Wout + bout
    return out

if __name__ == "__main__":
    import jax
    _d = setup_inputs()
    print(jax.jit(kernel)(*tuple(_d.values())))

</pallas_src>

<mosaic_0001>
#map = affine_map<(d0, d1) -> (0, 0)>
module attributes {stable_mosaic.version = 14 : i64} {
  func.func @_sc_agg_body(%arg0: i32, %arg1: i32, %arg2: memref<10000x64xf32, #tpu.memory_space<hbm>>, %arg3: memref<2560x128xi32, #tpu.memory_space<hbm>>, %arg4: memref<2560x128xi32, #tpu.memory_space<hbm>>, %arg5: memref<128x64xf32, #tpu.memory_space<hbm>>, %arg6: memref<20480x64xf32, #tpu.memory_space<hbm>>, %arg7: memref<80x128xi32, #tpu.memory_space<vmem>>, %arg8: memref<80x128xi32, #tpu.memory_space<vmem>>, %arg9: memref<8x128x64xf32, #tpu.memory_space<vmem>>, %arg10: memref<10240x64xf32, #tpu.memory_space<vmem_shared>>, %arg11: memref<!tpu.dma_semaphore, #tpu.memory_space<semaphore_mem>>, %arg12: memref<!tpu.dma_semaphore, #tpu.memory_space<semaphore_mem>>, %arg13: memref<!tpu.dma_semaphore, #tpu.memory_space<semaphore_mem>>, %arg14: memref<!tpu.dma_semaphore, #tpu.memory_space<semaphore_mem>>, %arg15: memref<!tpu.dma_semaphore, #tpu.memory_space<semaphore_mem>>, %arg16: memref<!tpu.dma_semaphore, #tpu.memory_space<semaphore_mem>>, %arg17: memref<!tpu.dma_semaphore, #tpu.memory_space<semaphore_mem>>, %arg18: memref<!tpu.dma_semaphore, #tpu.memory_space<semaphore_mem>>, %arg19: memref<!tpu.dma_semaphore, #tpu.memory_space<semaphore_mem>>, %arg20: memref<!tpu.dma_semaphore, #tpu.memory_space<semaphore_mem>>, %arg21: memref<!tpu.dma_semaphore, #tpu.memory_space<semaphore_mem>>, %arg22: memref<!tpu.dma_semaphore, #tpu.memory_space<semaphore_mem>>, %arg23: memref<!tpu.dma_semaphore, #tpu.memory_space<semaphore_mem>>, %arg24: memref<!tpu.dma_semaphore, #tpu.memory_space<semaphore_mem>>, %arg25: memref<!tpu.dma_semaphore, #tpu.memory_space<semaphore_mem>>, %arg26: memref<!tpu.dma_semaphore, #tpu.memory_space<semaphore_mem>>) attributes {dimension_semantics = [#tpu.dimension_semantics<core_parallel>, #tpu.dimension_semantics<subcore_parallel>], iteration_bounds = array<i64: 2, 16>, scalar_prefetch = 0 : i64, scratch_operands = 20 : i64, tpu.core_type = #tpu.core_type<sc_vector_subcore>, window_params = [{transform_indices = #map}, {transform_indices = #map}, {transform_indices = #map}, {transform_indices = #map}, {transform_indices = #map}]} {
    %mul3A = arith.constant 16 : i32
    %mul3A_0 = arith.muli %arg0, %mul3A : i32
    %add3A = arith.addi %mul3A_0, %arg1 : i32
    %run_scoped3A = arith.constant 0 : i32
    "tpu.region"() ({
      %run_scoped3A_396 = tpu.sem_alloc : memref<!tpu.dma_semaphore, #tpu.memory_space<semaphore_mem>>
      %dma_start3A_397 = arith.constant 0 : i32
      %dma_start3A_398 = arith.constant 0 : i32
      %dma_start3A_399 = tpu.memref_slice %arg9[%run_scoped3A, %dma_start3A_397, %dma_start3A_398] : memref<8x128x64xf32, #tpu.memory_space<vmem>> -> memref<1x128x64xf32, #tpu.memory_space<vmem>>
      %dma_start3A_400 = tpu.memref_squeeze %dma_start3A_399 : memref<1x128x64xf32, #tpu.memory_space<vmem>> -> memref<128x64xf32, #tpu.memory_space<vmem>>
      %dma_start3A_401 = arith.constant 0 : i32
      %dma_start3A_402 = arith.constant 0 : i32
      %dma_start3A_403 = tpu.memref_slice %arg9[%run_scoped3A, %dma_start3A_401, %dma_start3A_402] : memref<8x128x64xf32, #tpu.memory_space<vmem>> -> memref<1x128x64xf32, #tpu.memory_space<vmem>>
      %dma_start3A_404 = tpu.memref_squeeze %dma_start3A_403 : memref<1x128x64xf32, #tpu.memory_space<vmem>> -> memref<128x64xf32, #tpu.memory_space<vmem>>
      tpu.enqueue_dma source(%arg5 : memref<128x64xf32, #tpu.memory_space<hbm>>) target(%dma_start3A_404 : memref<128x64xf32, #tpu.memory_space<vmem>>) target_semaphore(%run_scoped3A_396 : memref<!tpu.dma_semaphore, #tpu.memory_space<semaphore_mem>>)
      %dma_wait3A_405 = arith.constant 0 : i32
      %dma_wait3A_406 = arith.constant 0 : i32
      %dma_wait3A_407 = tpu.memref_slice %arg9[%run_scoped3A, %dma_wait3A_405, %dma_wait3A_406] : memref<8x128x64xf32, #tpu.memory_space<vmem>> -> memref<1x128x64xf32, #tpu.memory_space<vmem>>
      %dma_wait3A_408 = tpu.memref_squeeze %dma_wait3A_407 : memref<1x128x64xf32, #tpu.memory_space<vmem>> -> memref<128x64xf32, #tpu.memory_space<vmem>>
      %dma_wait3A_409 = arith.constant 0 : i32
      %dma_wait3A_410 = arith.constant 0 : i32
      %dma_wait3A_411 = tpu.memref_slice %arg9[%run_scoped3A, %dma_wait3A_409, %dma_wait3A_410] : memref<8x128x64xf32, #tpu.memory_space<vmem>> -> memref<1x128x64xf32, #tpu.memory_space<vmem>>
      %dma_wait3A_412 = tpu.memref_squeeze %dma_wait3A_411 : memref<1x128x64xf32, #tpu.memory_space<vmem>> -> memref<128x64xf32, #tpu.memory_space<vmem>>
      tpu.wait_dma2 semaphore(%run_scoped3A_396 : memref<!tpu.dma_semaphore, #tpu.memory_space<semaphore_mem>>) src(%arg5 : memref<128x64xf32, #tpu.memory_space<hbm>>) dst(%dma_wait3A_412 : memref<128x64xf32, #tpu.memory_space<vmem>>)
      tpu.yield
    }) : () -> ()
    %mul3A_1 = arith.constant 640 : i32
    %mul3A_2 = arith.muli %arg1, %mul3A_1 : i32
    %add3A_3 = arith.constant 0 : i32
    %add3A_4 = arith.addi %mul3A_2, %add3A_3 : i32
    %run_scoped3A_5 = arith.constant 0 : i32
    "tpu.region"() ({
      %run_scoped3A_396 = tpu.sem_alloc : memref<!tpu.dma_semaphore, #tpu.memory_space<semaphore_mem>>
      %dma_start3A_397 = arith.constant 0 : i32
      %dma_start3A_398 = arith.constant 0 : i32
      %dma_start3A_399 = tpu.memref_slice %arg9[%run_scoped3A_5, %dma_start3A_397, %dma_start3A_398] : memref<8x128x64xf32, #tpu.memory_space<vmem>> -> memref<1x128x64xf32, #tpu.memory_space<vmem>>
      %dma_start3A_400 = tpu.memref_squeeze %dma_start3A_399 : memref<1x128x64xf32, #tpu.memory_space<vmem>> -> memref<128x64xf32, #tpu.memory_space<vmem>>
      %dma_start3A_401 = arith.constant 0 : i32
      %dma_start3A_402 = tpu.memref_slice %arg10[%add3A_4, %dma_start3A_401] : memref<10240x64xf32, #tpu.memory_space<vmem_shared>> -> memref<128x64xf32, #tpu.memory_space<vmem_shared>>
      %dma_start3A_403 = arith.constant 0 : i32
      %dma_start3A_404 = tpu.memref_slice %arg10[%add3A_4, %dma_start3A_403] : memref<10240x64xf32, #tpu.memory_space<vmem_shared>> -> memref<128x64xf32, #tpu.memory_space<vmem_shared>>
      %dma_start3A_405 = arith.constant 0 : i32
      %dma_start3A_406 = arith.constant 0 : i32
      %dma_start3A_407 = tpu.memref_slice %arg9[%run_scoped3A_5, %dma_start3A_405, %dma_start3A_406] : memref<8x128x64xf32, #tpu.memory_space<vmem>> -> memref<1x128x64xf32, #tpu.memory_space<vmem>>
      %dma_start3A_408 = tpu.memref_squeeze %dma_start3A_407 : memref<1x128x64xf32, #tpu.memory_space<vmem>> -> memref<128x64xf32, #tpu.memory_space<vmem>>
      tpu.enqueue_dma source(%dma_start3A_408 : memref<128x64xf32, #tpu.memory_space<vmem>>) target(%dma_start3A_404 : memref<128x64xf32, #tpu.memory_space<vmem_shared>>) target_semaphore(%run_scoped3A_396 : memref<!tpu.dma_semaphore, #tpu.memory_space<semaphore_mem>>)
      %dma_wait3A_409 = arith.constant 0 : i32
      %dma_wait3A_410 = arith.constant 0 : i32
      %dma_wait3A_411 = tpu.memref_slice %arg9[%run_scoped3A_5, %dma_wait3A_409, %dma_wait3A_410] : memref<8x128x64xf32, #tpu.memory_space<vmem>> -> memref<1x128x64xf32, #tpu.memory_space<vmem>>
      %dma_wait3A_412 = tpu.memref_squeeze %dma_wait3A_411 : memref<1x128x64xf32, #tpu.memory_space<vmem>> -> memref<128x64xf32, #tpu.memory_space<vmem>>
      %dma_wait3A_413 = arith.constant 0 : i32
      %dma_wait3A_414 = tpu.memref_slice %arg10[%add3A_4, %dma_wait3A_413] : memref<10240x64xf32, #tpu.memory_space<vmem_shared>> -> memref<128x64xf32, #tpu.memory_space<vmem_shared>>
      %dma_wait3A_415 = arith.constant 0 : i32
      %dma_wait3A_416 = tpu.memref_slice %arg10[%add3A_4, %dma_wait3A_415] : memref<10240x64xf32, #tpu.memory_space<vmem_shared>> -> memref<128x64xf32, #tpu.memory_space<vmem_shared>>
      %dma_wait3A_417 = arith.constant 0 : i32
      %dma_wait3A_418 = arith.constant 0 : i32
      %dma_wait3A_419 = tpu.memref_slice %arg9[%run_scoped3A_5, %dma_wait3A_417, %dma_wait3A_418] : memref<8x128x64xf32, #tpu.memory_space<vmem>> -> memref<1x128x64xf32, #tpu.memory_space<vmem>>
      %dma_wait3A_420 = tpu.memref_squeeze %dma_wait3A_419 : memref<1x128x64xf32, #tpu.memory_space<vmem>> -> memref<128x64xf32, #tpu.memory_space<vmem>>
      tpu.wait_dma2 semaphore(%run_scoped3A_396 : memref<!tpu.dma_semaphore, #tpu.memory_space<semaphore_mem>>) src(%dma_wait3A_420 : memref<128x64xf32, #tpu.memory_space<vmem>>) dst(%dma_wait3A_416 : memref<128x64xf32, #tpu.memory_space<vmem_shared>>)
      tpu.yield
    }) : () -> ()
    %mul3A_6 = arith.constant 640 : i32
    %mul3A_7 = arith.muli %arg1, %mul3A_6 : i32
    %add3A_8 = arith.constant 128 : i32
    %add3A_9 = arith.addi %mul3A_7, %add3A_8 : i32
    %run_scoped3A_10 = arith.constant 0 : i32
    "tpu.region"() ({
      %run_scoped3A_396 = tpu.sem_alloc : memref<!tpu.dma_semaphore, #tpu.memory_space<semaphore_mem>>
      %dma_start3A_397 = arith.constant 0 : i32
      %dma_start3A_398 = arith.constant 0 : i32
      %dma_start3A_399 = tpu.memref_slice %arg9[%run_scoped3A_10, %dma_start3A_397, %dma_start3A_398] : memref<8x128x64xf32, #tpu.memory_space<vmem>> -> memref<1x128x64xf32, #tpu.memory_space<vmem>>
      %dma_start3A_400 = tpu.memref_squeeze %dma_start3A_399 : memref<1x128x64xf32, #tpu.memory_space<vmem>> -> memref<128x64xf32, #tpu.memory_space<vmem>>
      %dma_start3A_401 = arith.constant 0 : i32
      %dma_start3A_402 = tpu.memref_slice %arg10[%add3A_9, %dma_start3A_401] : memref<10240x64xf32, #tpu.memory_space<vmem_shared>> -> memref<128x64xf32, #tpu.memory_space<vmem_shared>>
      %dma_start3A_403 = arith.constant 0 : i32
      %dma_start3A_404 = tpu.memref_slice %arg10[%add3A_9, %dma_start3A_403] : memref<10240x64xf32, #tpu.memory_space<vmem_shared>> -> memref<128x64xf32, #tpu.memory_space<vmem_shared>>
      %dma_start3A_405 = arith.constant 0 : i32
      %dma_start3A_406 = arith.constant 0 : i32
      %dma_start3A_407 = tpu.memref_slice %arg9[%run_scoped3A_10, %dma_start3A_405, %dma_start3A_406] : memref<8x128x64xf32, #tpu.memory_space<vmem>> -> memref<1x128x64xf32, #tpu.memory_space<vmem>>
      %dma_start3A_408 = tpu.memref_squeeze %dma_start3A_407 : memref<1x128x64xf32, #tpu.memory_space<vmem>> -> memref<128x64xf32, #tpu.memory_space<vmem>>
      tpu.enqueue_dma source(%dma_start3A_408 : memref<128x64xf32, #tpu.memory_space<vmem>>) target(%dma_start3A_404 : memref<128x64xf32, #tpu.memory_space<vmem_shared>>) target_semaphore(%run_scoped3A_396 : memref<!tpu.dma_semaphore, #tpu.memory_space<semaphore_mem>>)
      %dma_wait3A_409 = arith.constant 0 : i32
      %dma_wait3A_410 = arith.constant 0 : i32
      %dma_wait3A_411 = tpu.memref_slice %arg9[%run_scoped3A_10, %dma_wait3A_409, %dma_wait3A_410] : memref<8x128x64xf32, #tpu.memory_space<vmem>> -> memref<1x128x64xf32, #tpu.memory_space<vmem>>
      %dma_wait3A_412 = tpu.memref_squeeze %dma_wait3A_411 : memref<1x128x64xf32, #tpu.memory_space<vmem>> -> memref<128x64xf32, #tpu.memory_space<vmem>>
      %dma_wait3A_413 = arith.constant 0 : i32
      %dma_wait3A_414 = tpu.memref_slice %arg10[%add3A_9, %dma_wait3A_413] : memref<10240x64xf32, #tpu.memory_space<vmem_shared>> -> memref<128x64xf32, #tpu.memory_space<vmem_shared>>
      %dma_wait3A_415 = arith.constant 0 : i32
      %dma_wait3A_416 = tpu.memref_slice %arg10[%add3A_9, %dma_wait3A_415] : memref<10240x64xf32, #tpu.memory_space<vmem_shared>> -> memref<128x64xf32, #tpu.memory_space<vmem_shared>>
      %dma_wait3A_417 = arith.constant 0 : i32
      %dma_wait3A_418 = arith.constant 0 : i32
      %dma_wait3A_419 = tpu.memref_slice %arg9[%run_scoped3A_10, %dma_wait3A_417, %dma_wait3A_418] : memref<8x128x64xf32, #tpu.memory_space<vmem>> -> memref<1x128x64xf32, #tpu.memory_space<vmem>>
      %dma_wait3A_420 = tpu.memref_squeeze %dma_wait3A_419 : memref<1x128x64xf32, #tpu.memory_space<vmem>> -> memref<128x64xf32, #tpu.memory_space<vmem>>
      tpu.wait_dma2 semaphore(%run_scoped3A_396 : memref<!tpu.dma_semaphore, #tpu.memory_space<semaphore_mem>>) src(%dma_wait3A_420 : memref<128x64xf32, #tpu.memory_space<vmem>>) dst(%dma_wait3A_416 : memref<128x64xf32, #tpu.memory_space<vmem_shared>>)
      tpu.yield
    }) : () -> ()
    %mul3A_11 = arith.constant 640 : i32
    %mul3A_12 = arith.muli %arg1, %mul3A_11 : i32
    %add3A_13 = arith.constant 256 : i32
    %add3A_14 = arith.addi %mul3A_12, %add3A_13 : i32
    %run_scoped3A_15 = arith.constant 0 : i32
    "tpu.region"() ({
      %run_scoped3A_396 = tpu.sem_alloc : memref<!tpu.dma_semaphore, #tpu.memory_space<semaphore_mem>>
      %dma_start3A_397 = arith.constant 0 : i32
      %dma_start3A_398 = arith.constant 0 : i32
      %dma_start3A_399 = tpu.memref_slice %arg9[%run_scoped3A_15, %dma_start3A_397, %dma_start3A_398] : memref<8x128x64xf32, #tpu.memory_space<vmem>> -> memref<1x128x64xf32, #tpu.memory_space<vmem>>
      %dma_start3A_400 = tpu.memref_squeeze %dma_start3A_399 : memref<1x128x64xf32, #tpu.memory_space<vmem>> -> memref<128x64xf32, #tpu.memory_space<vmem>>
      %dma_start3A_401 = arith.constant 0 : i32
      %dma_start3A_402 = tpu.memref_slice %arg10[%add3A_14, %dma_start3A_401] : memref<10240x64xf32, #tpu.memory_space<vmem_shared>> -> memref<128x64xf32, #tpu.memory_space<vmem_shared>>
      %dma_start3A_403 = arith.constant 0 : i32
      %dma_start3A_404 = tpu.memref_slice %arg10[%add3A_14, %dma_start3A_403] : memref<10240x64xf32, #tpu.memory_space<vmem_shared>> -> memref<128x64xf32, #tpu.memory_space<vmem_shared>>
      %dma_start3A_405 = arith.constant 0 : i32
      %dma_start3A_406 = arith.constant 0 : i32
      %dma_start3A_407 = tpu.memref_slice %arg9[%run_scoped3A_15, %dma_start3A_405, %dma_start3A_406] : memref<8x128x64xf32, #tpu.memory_space<vmem>> -> memref<1x128x64xf32, #tpu.memory_space<vmem>>
      %dma_start3A_408 = tpu.memref_squeeze %dma_start3A_407 : memref<1x128x64xf32, #tpu.memory_space<vmem>> -> memref<128x64xf32, #tpu.memory_space<vmem>>
      tpu.enqueue_dma source(%dma_start3A_408 : memref<128x64xf32, #tpu.memory_space<vmem>>) target(%dma_start3A_404 : memref<128x64xf32, #tpu.memory_space<vmem_shared>>) target_semaphore(%run_scoped3A_396 : memref<!tpu.dma_semaphore, #tpu.memory_space<semaphore_mem>>)
      %dma_wait3A_409 = arith.constant 0 : i32
      %dma_wait3A_410 = arith.constant 0 : i32
      %dma_wait3A_411 = tpu.memref_slice %arg9[%run_scoped3A_15, %dma_wait3A_409, %dma_wait3A_410] : memref<8x128x64xf32, #tpu.memory_space<vmem>> -> memref<1x128x64xf32, #tpu.memory_space<vmem>>
      %dma_wait3A_412 = tpu.memref_squeeze %dma_wait3A_411 : memref<1x128x64xf32, #tpu.memory_space<vmem>> -> memref<128x64xf32, #tpu.memory_space<vmem>>
      %dma_wait3A_413 = arith.constant 0 : i32
      %dma_wait3A_414 = tpu.memref_slice %arg10[%add3A_14, %dma_wait3A_413] : memref<10240x64xf32, #tpu.memory_space<vmem_shared>> -> memref<128x64xf32, #tpu.memory_space<vmem_shared>>
      %dma_wait3A_415 = arith.constant 0 : i32
      %dma_wait3A_416 = tpu.memref_slice %arg10[%add3A_14, %dma_wait3A_415] : memref<10240x64xf32, #tpu.memory_space<vmem_shared>> -> memref<128x64xf32, #tpu.memory_space<vmem_shared>>
      %dma_wait3A_417 = arith.constant 0 : i32
      %dma_wait3A_418 = arith.constant 0 : i32
      %dma_wait3A_419 = tpu.memref_slice %arg9[%run_scoped3A_15, %dma_wait3A_417, %dma_wait3A_418] : memref<8x128x64xf32, #tpu.memory_space<vmem>> -> memref<1x128x64xf32, #tpu.memory_space<vmem>>
      %dma_wait3A_420 = tpu.memref_squeeze %dma_wait3A_419 : memref<1x128x64xf32, #tpu.memory_space<vmem>> -> memref<128x64xf32, #tpu.memory_space<vmem>>
      tpu.wait_dma2 semaphore(%run_scoped3A_396 : memref<!tpu.dma_semaphore, #tpu.memory_space<semaphore_mem>>) src(%dma_wait3A_420 : memref<128x64xf32, #tpu.memory_space<vmem>>) dst(%dma_wait3A_416 : memref<128x64xf32, #tpu.memory_space<vmem_shared>>)
      tpu.yield
    }) : () -> ()
    %mul3A_16 = arith.constant 640 : i32
    %mul3A_17 = arith.muli %arg1, %mul3A_16 : i32
    %add3A_18 = arith.constant 384 : i32
    %add3A_19 = arith.addi %mul3A_17, %add3A_18 : i32
    %run_scoped3A_20 = arith.constant 0 : i32
    "tpu.region"() ({
      %run_scoped3A_396 = tpu.sem_alloc : memref<!tpu.dma_semaphore, #tpu.memory_space<semaphore_mem>>
      %dma_start3A_397 = arith.constant 0 : i32
      %dma_start3A_398 = arith.constant 0 : i32
      %dma_start3A_399 = tpu.memref_slice %arg9[%run_scoped3A_20, %dma_start3A_397, %dma_start3A_398] : memref<8x128x64xf32, #tpu.memory_space<vmem>> -> memref<1x128x64xf32, #tpu.memory_space<vmem>>
      %dma_start3A_400 = tpu.memref_squeeze %dma_start3A_399 : memref<1x128x64xf32, #tpu.memory_space<vmem>> -> memref<128x64xf32, #tpu.memory_space<vmem>>
      %dma_start3A_401 = arith.constant 0 : i32
      %dma_start3A_402 = tpu.memref_slice %arg10[%add3A_19, %dma_start3A_401] : memref<10240x64xf32, #tpu.memory_space<vmem_shared>> -> memref<128x64xf32, #tpu.memory_space<vmem_shared>>
      %dma_start3A_403 = arith.constant 0 : i32
      %dma_start3A_404 = tpu.memref_slice %arg10[%add3A_19, %dma_start3A_403] : memref<10240x64xf32, #tpu.memory_space<vmem_shared>> -> memref<128x64xf32, #tpu.memory_space<vmem_shared>>
      %dma_start3A_405 = arith.constant 0 : i32
      %dma_start3A_406 = arith.constant 0 : i32
      %dma_start3A_407 = tpu.memref_slice %arg9[%run_scoped3A_20, %dma_start3A_405, %dma_start3A_406] : memref<8x128x64xf32, #tpu.memory_space<vmem>> -> memref<1x128x64xf32, #tpu.memory_space<vmem>>
      %dma_start3A_408 = tpu.memref_squeeze %dma_start3A_407 : memref<1x128x64xf32, #tpu.memory_space<vmem>> -> memref<128x64xf32, #tpu.memory_space<vmem>>
      tpu.enqueue_dma source(%dma_start3A_408 : memref<128x64xf32, #tpu.memory_space<vmem>>) target(%dma_start3A_404 : memref<128x64xf32, #tpu.memory_space<vmem_shared>>) target_semaphore(%run_scoped3A_396 : memref<!tpu.dma_semaphore, #tpu.memory_space<semaphore_mem>>)
      %dma_wait3A_409 = arith.constant 0 : i32
      %dma_wait3A_410 = arith.constant 0 : i32
      %dma_wait3A_411 = tpu.memref_slice %arg9[%run_scoped3A_20, %dma_wait3A_409, %dma_wait3A_410] : memref<8x128x64xf32, #tpu.memory_space<vmem>> -> memref<1x128x64xf32, #tpu.memory_space<vmem>>
      %dma_wait3A_412 = tpu.memref_squeeze %dma_wait3A_411 : memref<1x128x64xf32, #tpu.memory_space<vmem>> -> memref<128x64xf32, #tpu.memory_space<vmem>>
      %dma_wait3A_413 = arith.constant 0 : i32
      %dma_wait3A_414 = tpu.memref_slice %arg10[%add3A_19, %dma_wait3A_413] : memref<10240x64xf32, #tpu.memory_space<vmem_shared>> -> memref<128x64xf32, #tpu.memory_space<vmem_shared>>
      %dma_wait3A_415 = arith.constant 0 : i32
      %dma_wait3A_416 = tpu.memref_slice %arg10[%add3A_19, %dma_wait3A_415] : memref<10240x64xf32, #tpu.memory_space<vmem_shared>> -> memref<128x64xf32, #tpu.memory_space<vmem_shared>>
      %dma_wait3A_417 = arith.constant 0 : i32
      %dma_wait3A_418 = arith.constant 0 : i32
      %dma_wait3A_419 = tpu.memref_slice %arg9[%run_scoped3A_20, %dma_wait3A_417, %dma_wait3A_418] : memref<8x128x64xf32, #tpu.memory_space<vmem>> -> memref<1x128x64xf32, #tpu.memory_space<vmem>>
      %dma_wait3A_420 = tpu.memref_squeeze %dma_wait3A_419 : memref<1x128x64xf32, #tpu.memory_space<vmem>> -> memref<128x64xf32, #tpu.memory_space<vmem>>
      tpu.wait_dma2 semaphore(%run_scoped3A_396 : memref<!tpu.dma_semaphore, #tpu.memory_space<semaphore_mem>>) src(%dma_wait3A_420 : memref<128x64xf32, #tpu.memory_space<vmem>>) dst(%dma_wait3A_416 : memref<128x64xf32, #tpu.memory_space<vmem_shared>>)
      tpu.yield
    }) : () -> ()
    %mul3A_21 = arith.constant 640 : i32
    %mul3A_22 = arith.muli %arg1, %mul3A_21 : i32
    %add3A_23 = arith.constant 512 : i32
    %add3A_24 = arith.addi %mul3A_22, %add3A_23 : i32
    %run_scoped3A_25 = arith.constant 0 : i32
    "tpu.region"() ({
      %run_scoped3A_396 = tpu.sem_alloc : memref<!tpu.dma_semaphore, #tpu.memory_space<semaphore_mem>>
      %dma_start3A_397 = arith.constant 0 : i32
      %dma_start3A_398 = arith.constant 0 : i32
      %dma_start3A_399 = tpu.memref_slice %arg9[%run_scoped3A_25, %dma_start3A_397, %dma_start3A_398] : memref<8x128x64xf32, #tpu.memory_space<vmem>> -> memref<1x128x64xf32, #tpu.memory_space<vmem>>
      %dma_start3A_400 = tpu.memref_squeeze %dma_start3A_399 : memref<1x128x64xf32, #tpu.memory_space<vmem>> -> memref<128x64xf32, #tpu.memory_space<vmem>>
      %dma_start3A_401 = arith.constant 0 : i32
      %dma_start3A_402 = tpu.memref_slice %arg10[%add3A_24, %dma_start3A_401] : memref<10240x64xf32, #tpu.memory_space<vmem_shared>> -> memref<128x64xf32, #tpu.memory_space<vmem_shared>>
      %dma_start3A_403 = arith.constant 0 : i32
      %dma_start3A_404 = tpu.memref_slice %arg10[%add3A_24, %dma_start3A_403] : memref<10240x64xf32, #tpu.memory_space<vmem_shared>> -> memref<128x64xf32, #tpu.memory_space<vmem_shared>>
      %dma_start3A_405 = arith.constant 0 : i32
      %dma_start3A_406 = arith.constant 0 : i32
      %dma_start3A_407 = tpu.memref_slice %arg9[%run_scoped3A_25, %dma_start3A_405, %dma_start3A_406] : memref<8x128x64xf32, #tpu.memory_space<vmem>> -> memref<1x128x64xf32, #tpu.memory_space<vmem>>
      %dma_start3A_408 = tpu.memref_squeeze %dma_start3A_407 : memref<1x128x64xf32, #tpu.memory_space<vmem>> -> memref<128x64xf32, #tpu.memory_space<vmem>>
      tpu.enqueue_dma source(%dma_start3A_408 : memref<128x64xf32, #tpu.memory_space<vmem>>) target(%dma_start3A_404 : memref<128x64xf32, #tpu.memory_space<vmem_shared>>) target_semaphore(%run_scoped3A_396 : memref<!tpu.dma_semaphore, #tpu.memory_space<semaphore_mem>>)
      %dma_wait3A_409 = arith.constant 0 : i32
      %dma_wait3A_410 = arith.constant 0 : i32
      %dma_wait3A_411 = tpu.memref_slice %arg9[%run_scoped3A_25, %dma_wait3A_409, %dma_wait3A_410] : memref<8x128x64xf32, #tpu.memory_space<vmem>> -> memref<1x128x64xf32, #tpu.memory_space<vmem>>
      %dma_wait3A_412 = tpu.memref_squeeze %dma_wait3A_411 : memref<1x128x64xf32, #tpu.memory_space<vmem>> -> memref<128x64xf32, #tpu.memory_space<vmem>>
      %dma_wait3A_413 = arith.constant 0 : i32
      %dma_wait3A_414 = tpu.memref_slice %arg10[%add3A_24, %dma_wait3A_413] : memref<10240x64xf32, #tpu.memory_space<vmem_shared>> -> memref<128x64xf32, #tpu.memory_space<vmem_shared>>
      %dma_wait3A_415 = arith.constant 0 : i32
      %dma_wait3A_416 = tpu.memref_slice %arg10[%add3A_24, %dma_wait3A_415] : memref<10240x64xf32, #tpu.memory_space<vmem_shared>> -> memref<128x64xf32, #tpu.memory_space<vmem_shared>>
      %dma_wait3A_417 = arith.constant 0 : i32
      %dma_wait3A_418 = arith.constant 0 : i32
      %dma_wait3A_419 = tpu.memref_slice %arg9[%run_scoped3A_25, %dma_wait3A_417, %dma_wait3A_418] : memref<8x128x64xf32, #tpu.memory_space<vmem>> -> memref<1x128x64xf32, #tpu.memory_space<vmem>>
      %dma_wait3A_420 = tpu.memref_squeeze %dma_wait3A_419 : memref<1x128x64xf32, #tpu.memory_space<vmem>> -> memref<128x64xf32, #tpu.memory_space<vmem>>
      tpu.wait_dma2 semaphore(%run_scoped3A_396 : memref<!tpu.dma_semaphore, #tpu.memory_space<semaphore_mem>>) src(%dma_wait3A_420 : memref<128x64xf32, #tpu.memory_space<vmem>>) dst(%dma_wait3A_416 : memref<128x64xf32, #tpu.memory_space<vmem_shared>>)
      tpu.yield
    }) : () -> ()
    %mul3A_26 = arith.constant 80 : i32
    %mul3A_27 = arith.muli %add3A, %mul3A_26 : i32
    "tpu.region"() ({
      %run_scoped3A_396 = tpu.sem_alloc : memref<!tpu.dma_semaphore, #tpu.memory_space<semaphore_mem>>
      %dma_start3A_397 = arith.constant 0 : i32
      %dma_start3A_398 = tpu.memref_slice %arg3[%mul3A_27, %dma_start3A_397] : memref<2560x128xi32, #tpu.memory_space<hbm>> -> memref<80x128xi32, #tpu.memory_space<hbm>>
      %dma_start3A_399 = arith.constant 0 : i32
      %dma_start3A_400 = tpu.memref_slice %arg3[%mul3A_27, %dma_start3A_399] : memref<2560x128xi32, #tpu.memory_space<hbm>> -> memref<80x128xi32, #tpu.memory_space<hbm>>
      tpu.enqueue_dma source(%dma_start3A_400 : memref<80x128xi32, #tpu.memory_space<hbm>>) target(%arg7 : memref<80x128xi32, #tpu.memory_space<vmem>>) target_semaphore(%run_scoped3A_396 : memref<!tpu.dma_semaphore, #tpu.memory_space<semaphore_mem>>)
      %dma_wait3A_401 = arith.constant 0 : i32
      %dma_wait3A_402 = tpu.memref_slice %arg3[%mul3A_27, %dma_wait3A_401] : memref<2560x128xi32, #tpu.memory_space<hbm>> -> memref<80x128xi32, #tpu.memory_space<hbm>>
      %dma_wait3A_403 = arith.constant 0 : i32
      %dma_wait3A_404 = tpu.memref_slice %arg3[%mul3A_27, %dma_wait3A_403] : memref<2560x128xi32, #tpu.memory_space<hbm>> -> memref<80x128xi32, #tpu.memory_space<hbm>>
      tpu.wait_dma2 semaphore(%run_scoped3A_396 : memref<!tpu.dma_semaphore, #tpu.memory_space<semaphore_mem>>) src(%dma_wait3A_404 : memref<80x128xi32, #tpu.memory_space<hbm>>) dst(%arg7 : memref<80x128xi32, #tpu.memory_space<vmem>>)
      tpu.yield
    }) : () -> ()
    %mul3A_28 = arith.constant 80 : i32
    %mul3A_29 = arith.muli %add3A, %mul3A_28 : i32
    "tpu.region"() ({
      %run_scoped3A_396 = tpu.sem_alloc : memref<!tpu.dma_semaphore, #tpu.memory_space<semaphore_mem>>
      %dma_start3A_397 = arith.constant 0 : i32
      %dma_start3A_398 = tpu.memref_slice %arg4[%mul3A_29, %dma_start3A_397] : memref<2560x128xi32, #tpu.memory_space<hbm>> -> memref<80x128xi32, #tpu.memory_space<hbm>>
      %dma_start3A_399 = arith.constant 0 : i32
      %dma_start3A_400 = tpu.memref_slice %arg4[%mul3A_29, %dma_start3A_399] : memref<2560x128xi32, #tpu.memory_space<hbm>> -> memref<80x128xi32, #tpu.memory_space<hbm>>
      tpu.enqueue_dma source(%dma_start3A_400 : memref<80x128xi32, #tpu.memory_space<hbm>>) target(%arg8 : memref<80x128xi32, #tpu.memory_space<vmem>>) target_semaphore(%run_scoped3A_396 : memref<!tpu.dma_semaphore, #tpu.memory_space<semaphore_mem>>)
      %dma_wait3A_401 = arith.constant 0 : i32
      %dma_wait3A_402 = tpu.memref_slice %arg4[%mul3A_29, %dma_wait3A_401] : memref<2560x128xi32, #tpu.memory_space<hbm>> -> memref<80x128xi32, #tpu.memory_space<hbm>>
      %dma_wait3A_403 = arith.constant 0 : i32
      %dma_wait3A_404 = tpu.memref_slice %arg4[%mul3A_29, %dma_wait3A_403] : memref<2560x128xi32, #tpu.memory_space<hbm>> -> memref<80x128xi32, #tpu.memory_space<hbm>>
      tpu.wait_dma2 semaphore(%run_scoped3A_396 : memref<!tpu.dma_semaphore, #tpu.memory_space<semaphore_mem>>) src(%dma_wait3A_404 : memref<80x128xi32, #tpu.memory_space<hbm>>) dst(%arg8 : memref<80x128xi32, #tpu.memory_space<vmem>>)
      tpu.yield
    }) : () -> ()
    %barrier3A = arith.constant 0 : index
    tpu.barrier barrier_id(%barrier3A)
    %dma_start3A = arith.constant 0 : i32
    %dma_start3A_30 = arith.constant 0 : i32
    %dma_start3A_31 = arith.constant 0 : i32
    %dma_start3A_32 = arith.constant 0 : i32
    %dma_start3A_33 = tpu.memref_slice %arg9[%dma_start3A_30, %dma_start3A_31, %dma_start3A_32] : memref<8x128x64xf32, #tpu.memory_space<vmem>> -> memref<1x128x64xf32, #tpu.memory_space<vmem>>
    %dma_start3A_34 = tpu.memref_squeeze %dma_start3A_33 : memref<1x128x64xf32, #tpu.memory_space<vmem>> -> memref<128x64xf32, #tpu.memory_space<vmem>>
    %dma_start3A_35 = arith.constant 0 : i32
    %dma_start3A_36 = tpu.memref_slice %arg7[%dma_start3A, %dma_start3A_35] : memref<80x128xi32, #tpu.memory_space<vmem>> -> memref<1x128xi32, #tpu.memory_space<vmem>>
    %dma_start3A_37 = tpu.memref_squeeze %dma_start3A_36 : memref<1x128xi32, #tpu.memory_space<vmem>> -> memref<128xi32, #tpu.memory_space<vmem>>
    %dma_start3A_38 = arith.constant 0 : i32
    %dma_start3A_39 = arith.constant 0 : i32
    %dma_start3A_40 = tpu.memref_slice %arg2[%dma_start3A_38, %dma_start3A_39] : memref<10000x64xf32, #tpu.memory_space<hbm>> -> memref<10000x64xf32, #tpu.memory_space<hbm>>
    tpu.enqueue_indirect_dma source(%dma_start3A_40 : memref<10000x64xf32, #tpu.memory_space<hbm>>) target(%dma_start3A_34 : memref<128x64xf32, #tpu.memory_space<vmem>>) offsets(%dma_start3A_37 : memref<128xi32, #tpu.memory_space<vmem>>) semaphore(%arg11 : memref<!tpu.dma_semaphore, #tpu.memory_space<semaphore_mem>>)
    %dma_start3A_41 = arith.constant 1 : i32
    %dma_start3A_42 = arith.constant 1 : i32
    %dma_start3A_43 = arith.constant 0 : i32
    %dma_start3A_44 = arith.constant 0 : i32
    %dma_start3A_45 = tpu.memref_slice %arg9[%dma_start3A_42, %dma_start3A_43, %dma_start3A_44] : memref<8x128x64xf32, #tpu.memory_space<vmem>> -> memref<1x128x64xf32, #tpu.memory_space<vmem>>
    %dma_start3A_46 = tpu.memref_squeeze %dma_start3A_45 : memref<1x128x64xf32, #tpu.memory_space<vmem>> -> memref<128x64xf32, #tpu.memory_space<vmem>>
    %dma_start3A_47 = arith.constant 0 : i32
    %dma_start3A_48 = tpu.memref_slice %arg7[%dma_start3A_41, %dma_start3A_47] : memref<80x128xi32, #tpu.memory_space<vmem>> -> memref<1x128xi32, #tpu.memory_space<vmem>>
    %dma_start3A_49 = tpu.memref_squeeze %dma_start3A_48 : memref<1x128xi32, #tpu.memory_space<vmem>> -> memref<128xi32, #tpu.memory_space<vmem>>
    %dma_start3A_50 = arith.constant 0 : i32
    %dma_start3A_51 = arith.constant 0 : i32
    %dma_start3A_52 = tpu.memref_slice %arg2[%dma_start3A_50, %dma_start3A_51] : memref<10000x64xf32, #tpu.memory_space<hbm>> -> memref<10000x64xf32, #tpu.memory_space<hbm>>
    tpu.enqueue_indirect_dma source(%dma_start3A_52 : memref<10000x64xf32, #tpu.memory_space<hbm>>) target(%dma_start3A_46 : memref<128x64xf32, #tpu.memory_space<vmem>>) offsets(%dma_start3A_49 : memref<128xi32, #tpu.memory_space<vmem>>) semaphore(%arg12 : memref<!tpu.dma_semaphore, #tpu.memory_space<semaphore_mem>>)
    %dma_start3A_53 = arith.constant 2 : i32
    %dma_start3A_54 = arith.constant 2 : i32
    %dma_start3A_55 = arith.constant 0 : i32
    %dma_start3A_56 = arith.constant 0 : i32
    %dma_start3A_57 = tpu.memref_slice %arg9[%dma_start3A_54, %dma_start3A_55, %dma_start3A_56] : memref<8x128x64xf32, #tpu.memory_space<vmem>> -> memref<1x128x64xf32, #tpu.memory_space<vmem>>
    %dma_start3A_58 = tpu.memref_squeeze %dma_start3A_57 : memref<1x128x64xf32, #tpu.memory_space<vmem>> -> memref<128x64xf32, #tpu.memory_space<vmem>>
    %dma_start3A_59 = arith.constant 0 : i32
    %dma_start3A_60 = tpu.memref_slice %arg7[%dma_start3A_53, %dma_start3A_59] : memref<80x128xi32, #tpu.memory_space<vmem>> -> memref<1x128xi32, #tpu.memory_space<vmem>>
    %dma_start3A_61 = tpu.memref_squeeze %dma_start3A_60 : memref<1x128xi32, #tpu.memory_space<vmem>> -> memref<128xi32, #tpu.memory_space<vmem>>
    %dma_start3A_62 = arith.constant 0 : i32
    %dma_start3A_63 = arith.constant 0 : i32
    %dma_start3A_64 = tpu.memref_slice %arg2[%dma_start3A_62, %dma_start3A_63] : memref<10000x64xf32, #tpu.memory_space<hbm>> -> memref<10000x64xf32, #tpu.memory_space<hbm>>
    tpu.enqueue_indirect_dma source(%dma_start3A_64 : memref<10000x64xf32, #tpu.memory_space<hbm>>) target(%dma_start3A_58 : memref<128x64xf32, #tpu.memory_space<vmem>>) offsets(%dma_start3A_61 : memref<128xi32, #tpu.memory_space<vmem>>) semaphore(%arg13 : memref<!tpu.dma_semaphore, #tpu.memory_space<semaphore_mem>>)
    %dma_start3A_65 = arith.constant 3 : i32
    %dma_start3A_66 = arith.constant 3 : i32
    %dma_start3A_67 = arith.constant 0 : i32
    %dma_start3A_68 = arith.constant 0 : i32
    %dma_start3A_69 = tpu.memref_slice %arg9[%dma_start3A_66, %dma_start3A_67, %dma_start3A_68] : memref<8x128x64xf32, #tpu.memory_space<vmem>> -> memref<1x128x64xf32, #tpu.memory_space<vmem>>
    %dma_start3A_70 = tpu.memref_squeeze %dma_start3A_69 : memref<1x128x64xf32, #tpu.memory_space<vmem>> -> memref<128x64xf32, #tpu.memory_space<vmem>>
    %dma_start3A_71 = arith.constant 0 : i32
    %dma_start3A_72 = tpu.memref_slice %arg7[%dma_start3A_65, %dma_start3A_71] : memref<80x128xi32, #tpu.memory_space<vmem>> -> memref<1x128xi32, #tpu.memory_space<vmem>>
    %dma_start3A_73 = tpu.memref_squeeze %dma_start3A_72 : memref<1x128xi32, #tpu.memory_space<vmem>> -> memref<128xi32, #tpu.memory_space<vmem>>
    %dma_start3A_74 = arith.constant 0 : i32
    %dma_start3A_75 = arith.constant 0 : i32
    %dma_start3A_76 = tpu.memref_slice %arg2[%dma_start3A_74, %dma_start3A_75] : memref<10000x64xf32, #tpu.memory_space<hbm>> -> memref<10000x64xf32, #tpu.memory_space<hbm>>
    tpu.enqueue_indirect_dma source(%dma_start3A_76 : memref<10000x64xf32, #tpu.memory_space<hbm>>) target(%dma_start3A_70 : memref<128x64xf32, #tpu.memory_space<vmem>>) offsets(%dma_start3A_73 : memref<128xi32, #tpu.memory_space<vmem>>) semaphore(%arg14 : memref<!tpu.dma_semaphore, #tpu.memory_space<semaphore_mem>>)
    %dma_start3A_77 = arith.constant 4 : i32
    %dma_start3A_78 = arith.constant 4 : i32
    %dma_start3A_79 = arith.constant 0 : i32
    %dma_start3A_80 = arith.constant 0 : i32
    %dma_start3A_81 = tpu.memref_slice %arg9[%dma_start3A_78, %dma_start3A_79, %dma_start3A_80] : memref<8x128x64xf32, #tpu.memory_space<vmem>> -> memref<1x128x64xf32, #tpu.memory_space<vmem>>
    %dma_start3A_82 = tpu.memref_squeeze %dma_start3A_81 : memref<1x128x64xf32, #tpu.memory_space<vmem>> -> memref<128x64xf32, #tpu.memory_space<vmem>>
    %dma_start3A_83 = arith.constant 0 : i32
    %dma_start3A_84 = tpu.memref_slice %arg7[%dma_start3A_77, %dma_start3A_83] : memref<80x128xi32, #tpu.memory_space<vmem>> -> memref<1x128xi32, #tpu.memory_space<vmem>>
    %dma_start3A_85 = tpu.memref_squeeze %dma_start3A_84 : memref<1x128xi32, #tpu.memory_space<vmem>> -> memref<128xi32, #tpu.memory_space<vmem>>
    %dma_start3A_86 = arith.constant 0 : i32
    %dma_start3A_87 = arith.constant 0 : i32
    %dma_start3A_88 = tpu.memref_slice %arg2[%dma_start3A_86, %dma_start3A_87] : memref<10000x64xf32, #tpu.memory_space<hbm>> -> memref<10000x64xf32, #tpu.memory_space<hbm>>
    tpu.enqueue_indirect_dma source(%dma_start3A_88 : memref<10000x64xf32, #tpu.memory_space<hbm>>) target(%dma_start3A_82 : memref<128x64xf32, #tpu.memory_space<vmem>>) offsets(%dma_start3A_85 : memref<128xi32, #tpu.memory_space<vmem>>) semaphore(%arg15 : memref<!tpu.dma_semaphore, #tpu.memory_space<semaphore_mem>>)
    %dma_start3A_89 = arith.constant 5 : i32
    %dma_start3A_90 = arith.constant 5 : i32
    %dma_start3A_91 = arith.constant 0 : i32
    %dma_start3A_92 = arith.constant 0 : i32
    %dma_start3A_93 = tpu.memref_slice %arg9[%dma_start3A_90, %dma_start3A_91, %dma_start3A_92] : memref<8x128x64xf32, #tpu.memory_space<vmem>> -> memref<1x128x64xf32, #tpu.memory_space<vmem>>
    %dma_start3A_94 = tpu.memref_squeeze %dma_start3A_93 : memref<1x128x64xf32, #tpu.memory_space<vmem>> -> memref<128x64xf32, #tpu.memory_space<vmem>>
    %dma_start3A_95 = arith.constant 0 : i32
    %dma_start3A_96 = tpu.memref_slice %arg7[%dma_start3A_89, %dma_start3A_95] : memref<80x128xi32, #tpu.memory_space<vmem>> -> memref<1x128xi32, #tpu.memory_space<vmem>>
    %dma_start3A_97 = tpu.memref_squeeze %dma_start3A_96 : memref<1x128xi32, #tpu.memory_space<vmem>> -> memref<128xi32, #tpu.memory_space<vmem>>
    %dma_start3A_98 = arith.constant 0 : i32
    %dma_start3A_99 = arith.constant 0 : i32
    %dma_start3A_100 = tpu.memref_slice %arg2[%dma_start3A_98, %dma_start3A_99] : memref<10000x64xf32, #tpu.memory_space<hbm>> -> memref<10000x64xf32, #tpu.memory_space<hbm>>
    tpu.enqueue_indirect_dma source(%dma_start3A_100 : memref<10000x64xf32, #tpu.memory_space<hbm>>) target(%dma_start3A_94 : memref<128x64xf32, #tpu.memory_space<vmem>>) offsets(%dma_start3A_97 : memref<128xi32, #tpu.memory_space<vmem>>) semaphore(%arg16 : memref<!tpu.dma_semaphore, #tpu.memory_space<semaphore_mem>>)
    %scan3A = arith.constant 0 : i32
    %scan3A_101 = arith.constant 10 : i32
    %scan3A_102 = arith.addi %scan3A, %scan3A_101 : i32
    %scan3A_103 = arith.constant 1 : i32
    scf.for %scan3A_396 = %scan3A to %scan3A_102 step %scan3A_103  : i32 {
      %mul3A_397 = arith.constant 8 : i32
      %mul3A_398 = arith.muli %scan3A_396, %mul3A_397 : i32
      %add3A_399 = arith.constant 0 : i32
      %add3A_400 = arith.addi %add3A_399, %mul3A_398 : i32
      %add3A_401 = arith.constant 0 : i32
      %add3A_402 = arith.addi %add3A_400, %add3A_401 : i32
      %dma_wait3A_403 = arith.constant 0 : i32
      %dma_wait3A_404 = arith.constant 0 : i32
      %dma_wait3A_405 = arith.constant 0 : i32
      %dma_wait3A_406 = tpu.memref_slice %arg9[%dma_wait3A_403, %dma_wait3A_404, %dma_wait3A_405] : memref<8x128x64xf32, #tpu.memory_space<vmem>> -> memref<1x128x64xf32, #tpu.memory_space<vmem>>
      %dma_wait3A_407 = tpu.memref_squeeze %dma_wait3A_406 : memref<1x128x64xf32, #tpu.memory_space<vmem>> -> memref<128x64xf32, #tpu.memory_space<vmem>>
      %dma_wait3A_408 = arith.constant 0 : i32
      %dma_wait3A_409 = tpu.memref_slice %arg7[%add3A_402, %dma_wait3A_408] : memref<80x128xi32, #tpu.memory_space<vmem>> -> memref<1x128xi32, #tpu.memory_space<vmem>>
      %dma_wait3A_410 = tpu.memref_squeeze %dma_wait3A_409 : memref<1x128xi32, #tpu.memory_space<vmem>> -> memref<128xi32, #tpu.memory_space<vmem>>
      %dma_wait3A_411 = arith.constant 0 : i32
      %dma_wait3A_412 = arith.constant 0 : i32
      %dma_wait3A_413 = tpu.memref_slice %arg2[%dma_wait3A_411, %dma_wait3A_412] : memref<10000x64xf32, #tpu.memory_space<hbm>> -> memref<10000x64xf32, #tpu.memory_space<hbm>>
      tpu.wait_indirect_dma semaphore(%arg11 : memref<!tpu.dma_semaphore, #tpu.memory_space<semaphore_mem>>) src(%dma_wait3A_413 : memref<10000x64xf32, #tpu.memory_space<hbm>>) dst(%dma_wait3A_407 : memref<128x64xf32, #tpu.memory_space<vmem>>)
      %dma_start3A_414 = arith.constant 0 : i32
      %dma_start3A_415 = arith.constant 0 : i32
      %dma_start3A_416 = arith.constant 0 : i32
      %dma_start3A_417 = tpu.memref_slice %arg9[%dma_start3A_414, %dma_start3A_415, %dma_start3A_416] : memref<8x128x64xf32, #tpu.memory_space<vmem>> -> memref<1x128x64xf32, #tpu.memory_space<vmem>>
      %dma_start3A_418 = tpu.memref_squeeze %dma_start3A_417 : memref<1x128x64xf32, #tpu.memory_space<vmem>> -> memref<128x64xf32, #tpu.memory_space<vmem>>
      %dma_start3A_419 = arith.constant 0 : i32
      %dma_start3A_420 = tpu.memref_slice %arg8[%add3A_402, %dma_start3A_419] : memref<80x128xi32, #tpu.memory_space<vmem>> -> memref<1x128xi32, #tpu.memory_space<vmem>>
      %dma_start3A_421 = tpu.memref_squeeze %dma_start3A_420 : memref<1x128xi32, #tpu.memory_space<vmem>> -> memref<128xi32, #tpu.memory_space<vmem>>
      %dma_start3A_422 = arith.constant 0 : i32
      %dma_start3A_423 = arith.constant 0 : i32
      %dma_start3A_424 = tpu.memref_slice %arg10[%dma_start3A_422, %dma_start3A_423] : memref<10240x64xf32, #tpu.memory_space<vmem_shared>> -> memref<10240x64xf32, #tpu.memory_space<vmem_shared>>
      tpu.enqueue_indirect_dma source(%dma_start3A_418 : memref<128x64xf32, #tpu.memory_space<vmem>>) target(%dma_start3A_424 : memref<10240x64xf32, #tpu.memory_space<vmem_shared>>) offsets(%dma_start3A_421 : memref<128xi32, #tpu.memory_space<vmem>>) semaphore(%arg19 : memref<!tpu.dma_semaphore, #tpu.memory_space<semaphore_mem>>) {add = true}
      %add3A_425 = arith.constant 6 : i32
      %add3A_426 = arith.addi %add3A_402, %add3A_425 : i32
      %lt3A = arith.constant 80 : i32
      %lt3A_427 = arith.cmpi slt, %add3A_426, %lt3A : i32
      %convert_element_type3A = arith.extui %lt3A_427 : i1 to i32
      %cond3A = arith.constant 0 : i32
      %cond3A_428 = arith.cmpi ne, %convert_element_type3A, %cond3A : i32
      scf.if %cond3A_428 {
        %ge3A = arith.constant 2 : i32
        %ge3A_646 = arith.cmpi sge, %add3A_402, %ge3A : i32
        %convert_element_type3A_647 = arith.extui %ge3A_646 : i1 to i32
        %cond3A_648 = arith.constant 0 : i32
        %cond3A_649 = arith.cmpi ne, %convert_element_type3A_647, %cond3A_648 : i32
        scf.if %cond3A_649 {
          %sub3A = arith.constant 2 : i32
          %sub3A_663 = arith.subi %add3A_402, %sub3A : i32
          %dma_wait3A_664 = arith.constant 6 : i32
          %dma_wait3A_665 = arith.constant 0 : i32
          %dma_wait3A_666 = arith.constant 0 : i32
          %dma_wait3A_667 = tpu.memref_slice %arg9[%dma_wait3A_664, %dma_wait3A_665, %dma_wait3A_666] : memref<8x128x64xf32, #tpu.memory_space<vmem>> -> memref<1x128x64xf32, #tpu.memory_space<vmem>>
          %dma_wait3A_668 = tpu.memref_squeeze %dma_wait3A_667 : memref<1x128x64xf32, #tpu.memory_space<vmem>> -> memref<128x64xf32, #tpu.memory_space<vmem>>
          %dma_wait3A_669 = arith.constant 0 : i32
          %dma_wait3A_670 = tpu.memref_slice %arg8[%sub3A_663, %dma_wait3A_669] : memref<80x128xi32, #tpu.memory_space<vmem>> -> memref<1x128xi32, #tpu.memory_space<vmem>>
          %dma_wait3A_671 = tpu.memref_squeeze %dma_wait3A_670 : memref<1x128xi32, #tpu.memory_space<vmem>> -> memref<128xi32, #tpu.memory_space<vmem>>
          %dma_wait3A_672 = arith.constant 0 : i32
          %dma_wait3A_673 = arith.constant 0 : i32
          %dma_wait3A_674 = tpu.memref_slice %arg10[%dma_wait3A_672, %dma_wait3A_673] : memref<10240x64xf32, #tpu.memory_space<vmem_shared>> -> memref<10240x64xf32, #tpu.memory_space<vmem_shared>>
          tpu.wait_indirect_dma semaphore(%arg25 : memref<!tpu.dma_semaphore, #tpu.memory_space<semaphore_mem>>) src(%dma_wait3A_668 : memref<128x64xf32, #tpu.memory_space<vmem>>) dst(%dma_wait3A_674 : memref<10240x64xf32, #tpu.memory_space<vmem_shared>>)
        } else {
        }
        %add3A_650 = arith.constant 6 : i32
        %add3A_651 = arith.addi %add3A_402, %add3A_650 : i32
        %dma_start3A_652 = arith.constant 6 : i32
        %dma_start3A_653 = arith.constant 0 : i32
        %dma_start3A_654 = arith.constant 0 : i32
        %dma_start3A_655 = tpu.memref_slice %arg9[%dma_start3A_652, %dma_start3A_653, %dma_start3A_654] : memref<8x128x64xf32, #tpu.memory_space<vmem>> -> memref<1x128x64xf32, #tpu.memory_space<vmem>>
        %dma_start3A_656 = tpu.memref_squeeze %dma_start3A_655 : memref<1x128x64xf32, #tpu.memory_space<vmem>> -> memref<128x64xf32, #tpu.memory_space<vmem>>
        %dma_start3A_657 = arith.constant 0 : i32
        %dma_start3A_658 = tpu.memref_slice %arg7[%add3A_651, %dma_start3A_657] : memref<80x128xi32, #tpu.memory_space<vmem>> -> memref<1x128xi32, #tpu.memory_space<vmem>>
        %dma_start3A_659 = tpu.memref_squeeze %dma_start3A_658 : memref<1x128xi32, #tpu.memory_space<vmem>> -> memref<128xi32, #tpu.memory_space<vmem>>
        %dma_start3A_660 = arith.constant 0 : i32
        %dma_start3A_661 = arith.constant 0 : i32
        %dma_start3A_662 = tpu.memref_slice %arg2[%dma_start3A_660, %dma_start3A_661] : memref<10000x64xf32, #tpu.memory_space<hbm>> -> memref<10000x64xf32, #tpu.memory_space<hbm>>
        tpu.enqueue_indirect_dma source(%dma_start3A_662 : memref<10000x64xf32, #tpu.memory_space<hbm>>) target(%dma_start3A_656 : memref<128x64xf32, #tpu.memory_space<vmem>>) offsets(%dma_start3A_659 : memref<128xi32, #tpu.memory_space<vmem>>) semaphore(%arg17 : memref<!tpu.dma_semaphore, #tpu.memory_space<semaphore_mem>>)
      } else {
      }
      %add3A_429 = arith.constant 1 : i32
      %add3A_430 = arith.addi %add3A_400, %add3A_429 : i32
      %dma_wait3A_431 = arith.constant 1 : i32
      %dma_wait3A_432 = arith.constant 0 : i32
      %dma_wait3A_433 = arith.constant 0 : i32
      %dma_wait3A_434 = tpu.memref_slice %arg9[%dma_wait3A_431, %dma_wait3A_432, %dma_wait3A_433] : memref<8x128x64xf32, #tpu.memory_space<vmem>> -> memref<1x128x64xf32, #tpu.memory_space<vmem>>
      %dma_wait3A_435 = tpu.memref_squeeze %dma_wait3A_434 : memref<1x128x64xf32, #tpu.memory_space<vmem>> -> memref<128x64xf32, #tpu.memory_space<vmem>>
      %dma_wait3A_436 = arith.constant 0 : i32
      %dma_wait3A_437 = tpu.memref_slice %arg7[%add3A_430, %dma_wait3A_436] : memref<80x128xi32, #tpu.memory_space<vmem>> -> memref<1x128xi32, #tpu.memory_space<vmem>>
      %dma_wait3A_438 = tpu.memref_squeeze %dma_wait3A_437 : memref<1x128xi32, #tpu.memory_space<vmem>> -> memref<128xi32, #tpu.memory_space<vmem>>
      %dma_wait3A_439 = arith.constant 0 : i32
      %dma_wait3A_440 = arith.constant 0 : i32
      %dma_wait3A_441 = tpu.memref_slice %arg2[%dma_wait3A_439, %dma_wait3A_440] : memref<10000x64xf32, #tpu.memory_space<hbm>> -> memref<10000x64xf32, #tpu.memory_space<hbm>>
      tpu.wait_indirect_dma semaphore(%arg12 : memref<!tpu.dma_semaphore, #tpu.memory_space<semaphore_mem>>) src(%dma_wait3A_441 : memref<10000x64xf32, #tpu.memory_space<hbm>>) dst(%dma_wait3A_435 : memref<128x64xf32, #tpu.memory_space<vmem>>)
      %dma_start3A_442 = arith.constant 1 : i32
      %dma_start3A_443 = arith.constant 0 : i32
      %dma_start3A_444 = arith.constant 0 : i32
      %dma_start3A_445 = tpu.memref_slice %arg9[%dma_start3A_442, %dma_start3A_443, %dma_start3A_444] : memref<8x128x64xf32, #tpu.memory_space<vmem>> -> memref<1x128x64xf32, #tpu.memory_space<vmem>>
      %dma_start3A_446 = tpu.memref_squeeze %dma_start3A_445 : memref<1x128x64xf32, #tpu.memory_space<vmem>> -> memref<128x64xf32, #tpu.memory_space<vmem>>
      %dma_start3A_447 = arith.constant 0 : i32
      %dma_start3A_448 = tpu.memref_slice %arg8[%add3A_430, %dma_start3A_447] : memref<80x128xi32, #tpu.memory_space<vmem>> -> memref<1x128xi32, #tpu.memory_space<vmem>>
      %dma_start3A_449 = tpu.memref_squeeze %dma_start3A_448 : memref<1x128xi32, #tpu.memory_space<vmem>> -> memref<128xi32, #tpu.memory_space<vmem>>
      %dma_start3A_450 = arith.constant 0 : i32
      %dma_start3A_451 = arith.constant 0 : i32
      %dma_start3A_452 = tpu.memref_slice %arg10[%dma_start3A_450, %dma_start3A_451] : memref<10240x64xf32, #tpu.memory_space<vmem_shared>> -> memref<10240x64xf32, #tpu.memory_space<vmem_shared>>
      tpu.enqueue_indirect_dma source(%dma_start3A_446 : memref<128x64xf32, #tpu.memory_space<vmem>>) target(%dma_start3A_452 : memref<10240x64xf32, #tpu.memory_space<vmem_shared>>) offsets(%dma_start3A_449 : memref<128xi32, #tpu.memory_space<vmem>>) semaphore(%arg20 : memref<!tpu.dma_semaphore, #tpu.memory_space<semaphore_mem>>) {add = true}
      %add3A_453 = arith.constant 6 : i32
      %add3A_454 = arith.addi %add3A_430, %add3A_453 : i32
      %lt3A_455 = arith.constant 80 : i32
      %lt3A_456 = arith.cmpi slt, %add3A_454, %lt3A_455 : i32
      %convert_element_type3A_457 = arith.extui %lt3A_456 : i1 to i32
      %cond3A_458 = arith.constant 0 : i32
      %cond3A_459 = arith.cmpi ne, %convert_element_type3A_457, %cond3A_458 : i32
      scf.if %cond3A_459 {
        %ge3A = arith.constant 2 : i32
        %ge3A_646 = arith.cmpi sge, %add3A_430, %ge3A : i32
        %convert_element_type3A_647 = arith.extui %ge3A_646 : i1 to i32
        %cond3A_648 = arith.constant 0 : i32
        %cond3A_649 = arith.cmpi ne, %convert_element_type3A_647, %cond3A_648 : i32
        scf.if %cond3A_649 {
          %sub3A = arith.constant 2 : i32
          %sub3A_663 = arith.subi %add3A_430, %sub3A : i32
          %dma_wait3A_664 = arith.constant 7 : i32
          %dma_wait3A_665 = arith.constant 0 : i32
          %dma_wait3A_666 = arith.constant 0 : i32
          %dma_wait3A_667 = tpu.memref_slice %arg9[%dma_wait3A_664, %dma_wait3A_665, %dma_wait3A_666] : memref<8x128x64xf32, #tpu.memory_space<vmem>> -> memref<1x128x64xf32, #tpu.memory_space<vmem>>
          %dma_wait3A_668 = tpu.memref_squeeze %dma_wait3A_667 : memref<1x128x64xf32, #tpu.memory_space<vmem>> -> memref<128x64xf32, #tpu.memory_space<vmem>>
          %dma_wait3A_669 = arith.constant 0 : i32
          %dma_wait3A_670 = tpu.memref_slice %arg8[%sub3A_663, %dma_wait3A_669] : memref<80x128xi32, #tpu.memory_space<vmem>> -> memref<1x128xi32, #tpu.memory_space<vmem>>
          %dma_wait3A_671 = tpu.memref_squeeze %dma_wait3A_670 : memref<1x128xi32, #tpu.memory_space<vmem>> -> memref<128xi32, #tpu.memory_space<vmem>>
          %dma_wait3A_672 = arith.constant 0 : i32
          %dma_wait3A_673 = arith.constant 0 : i32
          %dma_wait3A_674 = tpu.memref_slice %arg10[%dma_wait3A_672, %dma_wait3A_673] : memref<10240x64xf32, #tpu.memory_space<vmem_shared>> -> memref<10240x64xf32, #tpu.memory_space<vmem_shared>>
          tpu.wait_indirect_dma semaphore(%arg26 : memref<!tpu.dma_semaphore, #tpu.memory_space<semaphore_mem>>) src(%dma_wait3A_668 : memref<128x64xf32, #tpu.memory_space<vmem>>) dst(%dma_wait3A_674 : memref<10240x64xf32, #tpu.memory_space<vmem_shared>>)
        } else {
        }
        %add3A_650 = arith.constant 6 : i32
        %add3A_651 = arith.addi %add3A_430, %add3A_650 : i32
        %dma_start3A_652 = arith.constant 7 : i32
        %dma_start3A_653 = arith.constant 0 : i32
        %dma_start3A_654 = arith.constant 0 : i32
        %dma_start3A_655 = tpu.memref_slice %arg9[%dma_start3A_652, %dma_start3A_653, %dma_start3A_654] : memref<8x128x64xf32, #tpu.memory_space<vmem>> -> memref<1x128x64xf32, #tpu.memory_space<vmem>>
        %dma_start3A_656 = tpu.memref_squeeze %dma_start3A_655 : memref<1x128x64xf32, #tpu.memory_space<vmem>> -> memref<128x64xf32, #tpu.memory_space<vmem>>
        %dma_start3A_657 = arith.constant 0 : i32
        %dma_start3A_658 = tpu.memref_slice %arg7[%add3A_651, %dma_start3A_657] : memref<80x128xi32, #tpu.memory_space<vmem>> -> memref<1x128xi32, #tpu.memory_space<vmem>>
        %dma_start3A_659 = tpu.memref_squeeze %dma_start3A_658 : memref<1x128xi32, #tpu.memory_space<vmem>> -> memref<128xi32, #tpu.memory_space<vmem>>
        %dma_start3A_660 = arith.constant 0 : i32
        %dma_start3A_661 = arith.constant 0 : i32
        %dma_start3A_662 = tpu.memref_slice %arg2[%dma_start3A_660, %dma_start3A_661] : memref<10000x64xf32, #tpu.memory_space<hbm>> -> memref<10000x64xf32, #tpu.memory_space<hbm>>
        tpu.enqueue_indirect_dma source(%dma_start3A_662 : memref<10000x64xf32, #tpu.memory_space<hbm>>) target(%dma_start3A_656 : memref<128x64xf32, #tpu.memory_space<vmem>>) offsets(%dma_start3A_659 : memref<128xi32, #tpu.memory_space<vmem>>) semaphore(%arg18 : memref<!tpu.dma_semaphore, #tpu.memory_space<semaphore_mem>>)
      } else {
      }
      %add3A_460 = arith.constant 2 : i32
      %add3A_461 = arith.addi %add3A_400, %add3A_460 : i32
      %dma_wait3A_462 = arith.constant 2 : i32
      %dma_wait3A_463 = arith.constant 0 : i32
      %dma_wait3A_464 = arith.constant 0 : i32
      %dma_wait3A_465 = tpu.memref_slice %arg9[%dma_wait3A_462, %dma_wait3A_463, %dma_wait3A_464] : memref<8x128x64xf32, #tpu.memory_space<vmem>> -> memref<1x128x64xf32, #tpu.memory_space<vmem>>
      %dma_wait3A_466 = tpu.memref_squeeze %dma_wait3A_465 : memref<1x128x64xf32, #tpu.memory_space<vmem>> -> memref<128x64xf32, #tpu.memory_space<vmem>>
      %dma_wait3A_467 = arith.constant 0 : i32
      %dma_wait3A_468 = tpu.memref_slice %arg7[%add3A_461, %dma_wait3A_467] : memref<80x128xi32, #tpu.memory_space<vmem>> -> memref<1x128xi32, #tpu.memory_space<vmem>>
      %dma_wait3A_469 = tpu.memref_squeeze %dma_wait3A_468 : memref<1x128xi32, #tpu.memory_space<vmem>> -> memref<128xi32, #tpu.memory_space<vmem>>
      %dma_wait3A_470 = arith.constant 0 : i32
      %dma_wait3A_471 = arith.constant 0 : i32
      %dma_wait3A_472 = tpu.memref_slice %arg2[%dma_wait3A_470, %dma_wait3A_471] : memref<10000x64xf32, #tpu.memory_space<hbm>> -> memref<10000x64xf32, #tpu.memory_space<hbm>>
      tpu.wait_indirect_dma semaphore(%arg13 : memref<!tpu.dma_semaphore, #tpu.memory_space<semaphore_mem>>) src(%dma_wait3A_472 : memref<10000x64xf32, #tpu.memory_space<hbm>>) dst(%dma_wait3A_466 : memref<128x64xf32, #tpu.memory_space<vmem>>)
      %dma_start3A_473 = arith.constant 2 : i32
      %dma_start3A_474 = arith.constant 0 : i32
      %dma_start3A_475 = arith.constant 0 : i32
      %dma_start3A_476 = tpu.memref_slice %arg9[%dma_start3A_473, %dma_start3A_474, %dma_start3A_475] : memref<8x128x64xf32, #tpu.memory_space<vmem>> -> memref<1x128x64xf32, #tpu.memory_space<vmem>>
      %dma_start3A_477 = tpu.memref_squeeze %dma_start3A_476 : memref<1x128x64xf32, #tpu.memory_space<vmem>> -> memref<128x64xf32, #tpu.memory_space<vmem>>
      %dma_start3A_478 = arith.constant 0 : i32
      %dma_start3A_479 = tpu.memref_slice %arg8[%add3A_461, %dma_start3A_478] : memref<80x128xi32, #tpu.memory_space<vmem>> -> memref<1x128xi32, #tpu.memory_space<vmem>>
      %dma_start3A_480 = tpu.memref_squeeze %dma_start3A_479 : memref<1x128xi32, #tpu.memory_space<vmem>> -> memref<128xi32, #tpu.memory_space<vmem>>
      %dma_start3A_481 = arith.constant 0 : i32
      %dma_start3A_482 = arith.constant 0 : i32
      %dma_start3A_483 = tpu.memref_slice %arg10[%dma_start3A_481, %dma_start3A_482] : memref<10240x64xf32, #tpu.memory_space<vmem_shared>> -> memref<10240x64xf32, #tpu.memory_space<vmem_shared>>
      tpu.enqueue_indirect_dma source(%dma_start3A_477 : memref<128x64xf32, #tpu.memory_space<vmem>>) target(%dma_start3A_483 : memref<10240x64xf32, #tpu.memory_space<vmem_shared>>) offsets(%dma_start3A_480 : memref<128xi32, #tpu.memory_space<vmem>>) semaphore(%arg21 : memref<!tpu.dma_semaphore, #tpu.memory_space<semaphore_mem>>) {add = true}
      %add3A_484 = arith.constant 6 : i32
      %add3A_485 = arith.addi %add3A_461, %add3A_484 : i32
      %lt3A_486 = arith.constant 80 : i32
      %lt3A_487 = arith.cmpi slt, %add3A_485, %lt3A_486 : i32
      %convert_element_type3A_488 = arith.extui %lt3A_487 : i1 to i32
      %cond3A_489 = arith.constant 0 : i32
      %cond3A_490 = arith.cmpi ne, %convert_element_type3A_488, %cond3A_489 : i32
      scf.if %cond3A_490 {
        %ge3A = arith.constant 2 : i32
        %ge3A_646 = arith.cmpi sge, %add3A_461, %ge3A : i32
        %convert_element_type3A_647 = arith.extui %ge3A_646 : i1 to i32
        %cond3A_648 = arith.constant 0 : i32
        %cond3A_649 = arith.cmpi ne, %convert_element_type3A_647, %cond3A_648 : i32
        scf.if %cond3A_649 {
          %sub3A = arith.constant 2 : i32
          %sub3A_663 = arith.subi %add3A_461, %sub3A : i32
          %dma_wait3A_664 = arith.constant 0 : i32
          %dma_wait3A_665 = arith.constant 0 : i32
          %dma_wait3A_666 = arith.constant 0 : i32
          %dma_wait3A_667 = tpu.memref_slice %arg9[%dma_wait3A_664, %dma_wait3A_665, %dma_wait3A_666] : memref<8x128x64xf32, #tpu.memory_space<vmem>> -> memref<1x128x64xf32, #tpu.memory_space<vmem>>
          %dma_wait3A_668 = tpu.memref_squeeze %dma_wait3A_667 : memref<1x128x64xf32, #tpu.memory_space<vmem>> -> memref<128x64xf32, #tpu.memory_space<vmem>>
          %dma_wait3A_669 = arith.constant 0 : i32
          %dma_wait3A_670 = tpu.memref_slice %arg8[%sub3A_663, %dma_wait3A_669] : memref<80x128xi32, #tpu.memory_space<vmem>> -> memref<1x128xi32, #tpu.memory_space<vmem>>
          %dma_wait3A_671 = tpu.memref_squeeze %dma_wait3A_670 : memref<1x128xi32, #tpu.memory_space<vmem>> -> memref<128xi32, #tpu.memory_space<vmem>>
          %dma_wait3A_672 = arith.constant 0 : i32
          %dma_wait3A_673 = arith.constant 0 : i32
          %dma_wait3A_674 = tpu.memref_slice %arg10[%dma_wait3A_672, %dma_wait3A_673] : memref<10240x64xf32, #tpu.memory_space<vmem_shared>> -> memref<10240x64xf32, #tpu.memory_space<vmem_shared>>
          tpu.wait_indirect_dma semaphore(%arg19 : memref<!tpu.dma_semaphore, #tpu.memory_space<semaphore_mem>>) src(%dma_wait3A_668 : memref<128x64xf32, #tpu.memory_space<vmem>>) dst(%dma_wait3A_674 : memref<10240x64xf32, #tpu.memory_space<vmem_shared>>)
        } else {
        }
        %add3A_650 = arith.constant 6 : i32
        %add3A_651 = arith.addi %add3A_461, %add3A_650 : i32
        %dma_start3A_652 = arith.constant 0 : i32
        %dma_start3A_653 = arith.constant 0 : i32
        %dma_start3A_654 = arith.constant 0 : i32
        %dma_start3A_655 = tpu.memref_slice %arg9[%dma_start3A_652, %dma_start3A_653, %dma_start3A_654] : memref<8x128x64xf32, #tpu.memory_space<vmem>> -> memref<1x128x64xf32, #tpu.memory_space<vmem>>
        %dma_start3A_656 = tpu.memref_squeeze %dma_start3A_655 : memref<1x128x64xf32, #tpu.memory_space<vmem>> -> memref<128x64xf32, #tpu.memory_space<vmem>>
        %dma_start3A_657 = arith.constant 0 : i32
        %dma_start3A_658 = tpu.memref_slice %arg7[%add3A_651, %dma_start3A_657] : memref<80x128xi32, #tpu.memory_space<vmem>> -> memref<1x128xi32, #tpu.memory_space<vmem>>
        %dma_start3A_659 = tpu.memref_squeeze %dma_start3A_658 : memref<1x128xi32, #tpu.memory_space<vmem>> -> memref<128xi32, #tpu.memory_space<vmem>>
        %dma_start3A_660 = arith.constant 0 : i32
        %dma_start3A_661 = arith.constant 0 : i32
        %dma_start3A_662 = tpu.memref_slice %arg2[%dma_start3A_660, %dma_start3A_661] : memref<10000x64xf32, #tpu.memory_space<hbm>> -> memref<10000x64xf32, #tpu.memory_space<hbm>>
        tpu.enqueue_indirect_dma source(%dma_start3A_662 : memref<10000x64xf32, #tpu.memory_space<hbm>>) target(%dma_start3A_656 : memref<128x64xf32, #tpu.memory_space<vmem>>) offsets(%dma_start3A_659 : memref<128xi32, #tpu.memory_space<vmem>>) semaphore(%arg11 : memref<!tpu.dma_semaphore, #tpu.memory_space<semaphore_mem>>)
      } else {
      }
      %add3A_491 = arith.constant 3 : i32
      %add3A_492 = arith.addi %add3A_400, %add3A_491 : i32
      %dma_wait3A_493 = arith.constant 3 : i32
      %dma_wait3A_494 = arith.constant 0 : i32
      %dma_wait3A_495 = arith.constant 0 : i32
      %dma_wait3A_496 = tpu.memref_slice %arg9[%dma_wait3A_493, %dma_wait3A_494, %dma_wait3A_495] : memref<8x128x64xf32, #tpu.memory_space<vmem>> -> memref<1x128x64xf32, #tpu.memory_space<vmem>>
      %dma_wait3A_497 = tpu.memref_squeeze %dma_wait3A_496 : memref<1x128x64xf32, #tpu.memory_space<vmem>> -> memref<128x64xf32, #tpu.memory_space<vmem>>
      %dma_wait3A_498 = arith.constant 0 : i32
      %dma_wait3A_499 = tpu.memref_slice %arg7[%add3A_492, %dma_wait3A_498] : memref<80x128xi32, #tpu.memory_space<vmem>> -> memref<1x128xi32, #tpu.memory_space<vmem>>
      %dma_wait3A_500 = tpu.memref_squeeze %dma_wait3A_499 : memref<1x128xi32, #tpu.memory_space<vmem>> -> memref<128xi32, #tpu.memory_space<vmem>>
      %dma_wait3A_501 = arith.constant 0 : i32
      %dma_wait3A_502 = arith.constant 0 : i32
      %dma_wait3A_503 = tpu.memref_slice %arg2[%dma_wait3A_501, %dma_wait3A_502] : memref<10000x64xf32, #tpu.memory_space<hbm>> -> memref<10000x64xf32, #tpu.memory_space<hbm>>
      tpu.wait_indirect_dma semaphore(%arg14 : memref<!tpu.dma_semaphore, #tpu.memory_space<semaphore_mem>>) src(%dma_wait3A_503 : memref<10000x64xf32, #tpu.memory_space<hbm>>) dst(%dma_wait3A_497 : memref<128x64xf32, #tpu.memory_space<vmem>>)
      %dma_start3A_504 = arith.constant 3 : i32
      %dma_start3A_505 = arith.constant 0 : i32
      %dma_start3A_506 = arith.constant 0 : i32
      %dma_start3A_507 = tpu.memref_slice %arg9[%dma_start3A_504, %dma_start3A_505, %dma_start3A_506] : memref<8x128x64xf32, #tpu.memory_space<vmem>> -> memref<1x128x64xf32, #tpu.memory_space<vmem>>
      %dma_start3A_508 = tpu.memref_squeeze %dma_start3A_507 : memref<1x128x64xf32, #tpu.memory_space<vmem>> -> memref<128x64xf32, #tpu.memory_space<vmem>>
      %dma_start3A_509 = arith.constant 0 : i32
      %dma_start3A_510 = tpu.memref_slice %arg8[%add3A_492, %dma_start3A_509] : memref<80x128xi32, #tpu.memory_space<vmem>> -> memref<1x128xi32, #tpu.memory_space<vmem>>
      %dma_start3A_511 = tpu.memref_squeeze %dma_start3A_510 : memref<1x128xi32, #tpu.memory_space<vmem>> -> memref<128xi32, #tpu.memory_space<vmem>>
      %dma_start3A_512 = arith.constant 0 : i32
      %dma_start3A_513 = arith.constant 0 : i32
      %dma_start3A_514 = tpu.memref_slice %arg10[%dma_start3A_512, %dma_start3A_513] : memref<10240x64xf32, #tpu.memory_space<vmem_shared>> -> memref<10240x64xf32, #tpu.memory_space<vmem_shared>>
      tpu.enqueue_indirect_dma source(%dma_start3A_508 : memref<128x64xf32, #tpu.memory_space<vmem>>) target(%dma_start3A_514 : memref<10240x64xf32, #tpu.memory_space<vmem_shared>>) offsets(%dma_start3A_511 : memref<128xi32, #tpu.memory_space<vmem>>) semaphore(%arg22 : memref<!tpu.dma_semaphore, #tpu.memory_space<semaphore_mem>>) {add = true}
      %add3A_515 = arith.constant 6 : i32
      %add3A_516 = arith.addi %add3A_492, %add3A_515 : i32
      %lt3A_517 = arith.constant 80 : i32
      %lt3A_518 = arith.cmpi slt, %add3A_516, %lt3A_517 : i32
      %convert_element_type3A_519 = arith.extui %lt3A_518 : i1 to i32
      %cond3A_520 = arith.constant 0 : i32
      %cond3A_521 = arith.cmpi ne, %convert_element_type3A_519, %cond3A_520 : i32
      scf.if %cond3A_521 {
        %ge3A = arith.constant 2 : i32
        %ge3A_646 = arith.cmpi sge, %add3A_492, %ge3A : i32
        %convert_element_type3A_647 = arith.extui %ge3A_646 : i1 to i32
        %cond3A_648 = arith.constant 0 : i32
        %cond3A_649 = arith.cmpi ne, %convert_element_type3A_647, %cond3A_648 : i32
        scf.if %cond3A_649 {
          %sub3A = arith.constant 2 : i32
          %sub3A_663 = arith.subi %add3A_492, %sub3A : i32
          %dma_wait3A_664 = arith.constant 1 : i32
          %dma_wait3A_665 = arith.constant 0 : i32
          %dma_wait3A_666 = arith.constant 0 : i32
          %dma_wait3A_667 = tpu.memref_slice %arg9[%dma_wait3A_664, %dma_wait3A_665, %dma_wait3A_666] : memref<8x128x64xf32, #tpu.memory_space<vmem>> -> memref<1x128x64xf32, #tpu.memory_space<vmem>>
          %dma_wait3A_668 = tpu.memref_squeeze %dma_wait3A_667 : memref<1x128x64xf32, #tpu.memory_space<vmem>> -> memref<128x64xf32, #tpu.memory_space<vmem>>
          %dma_wait3A_669 = arith.constant 0 : i32
          %dma_wait3A_670 = tpu.memref_slice %arg8[%sub3A_663, %dma_wait3A_669] : memref<80x128xi32, #tpu.memory_space<vmem>> -> memref<1x128xi32, #tpu.memory_space<vmem>>
          %dma_wait3A_671 = tpu.memref_squeeze %dma_wait3A_670 : memref<1x128xi32, #tpu.memory_space<vmem>> -> memref<128xi32, #tpu.memory_space<vmem>>
          %dma_wait3A_672 = arith.constant 0 : i32
          %dma_wait3A_673 = arith.constant 0 : i32
          %dma_wait3A_674 = tpu.memref_slice %arg10[%dma_wait3A_672, %dma_wait3A_673] : memref<10240x64xf32, #tpu.memory_space<vmem_shared>> -> memref<10240x64xf32, #tpu.memory_space<vmem_shared>>
          tpu.wait_indirect_dma semaphore(%arg20 : memref<!tpu.dma_semaphore, #tpu.memory_space<semaphore_mem>>) src(%dma_wait3A_668 : memref<128x64xf32, #tpu.memory_space<vmem>>) dst(%dma_wait3A_674 : memref<10240x64xf32, #tpu.memory_space<vmem_shared>>)
        } else {
        }
        %add3A_650 = arith.constant 6 : i32
        %add3A_651 = arith.addi %add3A_492, %add3A_650 : i32
        %dma_start3A_652 = arith.constant 1 : i32
        %dma_start3A_653 = arith.constant 0 : i32
        %dma_start3A_654 = arith.constant 0 : i32
        %dma_start3A_655 = tpu.memref_slice %arg9[%dma_start3A_652, %dma_start3A_653, %dma_start3A_654] : memref<8x128x64xf32, #tpu.memory_space<vmem>> -> memref<1x128x64xf32, #tpu.memory_space<vmem>>
        %dma_start3A_656 = tpu.memref_squeeze %dma_start3A_655 : memref<1x128x64xf32, #tpu.memory_space<vmem>> -> memref<128x64xf32, #tpu.memory_space<vmem>>
        %dma_start3A_657 = arith.constant 0 : i32
        %dma_start3A_658 = tpu.memref_slice %arg7[%add3A_651, %dma_start3A_657] : memref<80x128xi32, #tpu.memory_space<vmem>> -> memref<1x128xi32, #tpu.memory_space<vmem>>
        %dma_start3A_659 = tpu.memref_squeeze %dma_start3A_658 : memref<1x128xi32, #tpu.memory_space<vmem>> -> memref<128xi32, #tpu.memory_space<vmem>>
        %dma_start3A_660 = arith.constant 0 : i32
        %dma_start3A_661 = arith.constant 0 : i32
        %dma_start3A_662 = tpu.memref_slice %arg2[%dma_start3A_660, %dma_start3A_661] : memref<10000x64xf32, #tpu.memory_space<hbm>> -> memref<10000x64xf32, #tpu.memory_space<hbm>>
        tpu.enqueue_indirect_dma source(%dma_start3A_662 : memref<10000x64xf32, #tpu.memory_space<hbm>>) target(%dma_start3A_656 : memref<128x64xf32, #tpu.memory_space<vmem>>) offsets(%dma_start3A_659 : memref<128xi32, #tpu.memory_space<vmem>>) semaphore(%arg12 : memref<!tpu.dma_semaphore, #tpu.memory_space<semaphore_mem>>)
      } else {
      }
      %add3A_522 = arith.constant 4 : i32
      %add3A_523 = arith.addi %add3A_400, %add3A_522 : i32
      %dma_wait3A_524 = arith.constant 4 : i32
      %dma_wait3A_525 = arith.constant 0 : i32
      %dma_wait3A_526 = arith.constant 0 : i32
      %dma_wait3A_527 = tpu.memref_slice %arg9[%dma_wait3A_524, %dma_wait3A_525, %dma_wait3A_526] : memref<8x128x64xf32, #tpu.memory_space<vmem>> -> memref<1x128x64xf32, #tpu.memory_space<vmem>>
      %dma_wait3A_528 = tpu.memref_squeeze %dma_wait3A_527 : memref<1x128x64xf32, #tpu.memory_space<vmem>> -> memref<128x64xf32, #tpu.memory_space<vmem>>
      %dma_wait3A_529 = arith.constant 0 : i32
      %dma_wait3A_530 = tpu.memref_slice %arg7[%add3A_523, %dma_wait3A_529] : memref<80x128xi32, #tpu.memory_space<vmem>> -> memref<1x128xi32, #tpu.memory_space<vmem>>
      %dma_wait3A_531 = tpu.memref_squeeze %dma_wait3A_530 : memref<1x128xi32, #tpu.memory_space<vmem>> -> memref<128xi32, #tpu.memory_space<vmem>>
      %dma_wait3A_532 = arith.constant 0 : i32
      %dma_wait3A_533 = arith.constant 0 : i32
      %dma_wait3A_534 = tpu.memref_slice %arg2[%dma_wait3A_532, %dma_wait3A_533] : memref<10000x64xf32, #tpu.memory_space<hbm>> -> memref<10000x64xf32, #tpu.memory_space<hbm>>
      tpu.wait_indirect_dma semaphore(%arg15 : memref<!tpu.dma_semaphore, #tpu.memory_space<semaphore_mem>>) src(%dma_wait3A_534 : memref<10000x64xf32, #tpu.memory_space<hbm>>) dst(%dma_wait3A_528 : memref<128x64xf32, #tpu.memory_space<vmem>>)
      %dma_start3A_535 = arith.constant 4 : i32
      %dma_start3A_536 = arith.constant 0 : i32
      %dma_start3A_537 = arith.constant 0 : i32
      %dma_start3A_538 = tpu.memref_slice %arg9[%dma_start3A_535, %dma_start3A_536, %dma_start3A_537] : memref<8x128x64xf32, #tpu.memory_space<vmem>> -> memref<1x128x64xf32, #tpu.memory_space<vmem>>
      %dma_start3A_539 = tpu.memref_squeeze %dma_start3A_538 : memref<1x128x64xf32, #tpu.memory_space<vmem>> -> memref<128x64xf32, #tpu.memory_space<vmem>>
      %dma_start3A_540 = arith.constant 0 : i32
      %dma_start3A_541 = tpu.memref_slice %arg8[%add3A_523, %dma_start3A_540] : memref<80x128xi32, #tpu.memory_space<vmem>> -> memref<1x128xi32, #tpu.memory_space<vmem>>
      %dma_start3A_542 = tpu.memref_squeeze %dma_start3A_541 : memref<1x128xi32, #tpu.memory_space<vmem>> -> memref<128xi32, #tpu.memory_space<vmem>>
      %dma_start3A_543 = arith.constant 0 : i32
      %dma_start3A_544 = arith.constant 0 : i32
      %dma_start3A_545 = tpu.memref_slice %arg10[%dma_start3A_543, %dma_start3A_544] : memref<10240x64xf32, #tpu.memory_space<vmem_shared>> -> memref<10240x64xf32, #tpu.memory_space<vmem_shared>>
      tpu.enqueue_indirect_dma source(%dma_start3A_539 : memref<128x64xf32, #tpu.memory_space<vmem>>) target(%dma_start3A_545 : memref<10240x64xf32, #tpu.memory_space<vmem_shared>>) offsets(%dma_start3A_542 : memref<128xi32, #tpu.memory_space<vmem>>) semaphore(%arg23 : memref<!tpu.dma_semaphore, #tpu.memory_space<semaphore_mem>>) {add = true}
      %add3A_546 = arith.constant 6 : i32
      %add3A_547 = arith.addi %add3A_523, %add3A_546 : i32
      %lt3A_548 = arith.constant 80 : i32
      %lt3A_549 = arith.cmpi slt, %add3A_547, %lt3A_548 : i32
      %convert_element_type3A_550 = arith.extui %lt3A_549 : i1 to i32
      %cond3A_551 = arith.constant 0 : i32
      %cond3A_552 = arith.cmpi ne, %convert_element_type3A_550, %cond3A_551 : i32
      scf.if %cond3A_552 {
        %ge3A = arith.constant 2 : i32
        %ge3A_646 = arith.cmpi sge, %add3A_523, %ge3A : i32
        %convert_element_type3A_647 = arith.extui %ge3A_646 : i1 to i32
        %cond3A_648 = arith.constant 0 : i32
        %cond3A_649 = arith.cmpi ne, %convert_element_type3A_647, %cond3A_648 : i32
        scf.if %cond3A_649 {
          %sub3A = arith.constant 2 : i32
          %sub3A_663 = arith.subi %add3A_523, %sub3A : i32
          %dma_wait3A_664 = arith.constant 2 : i32
          %dma_wait3A_665 = arith.constant 0 : i32
          %dma_wait3A_666 = arith.constant 0 : i32
          %dma_wait3A_667 = tpu.memref_slice %arg9[%dma_wait3A_664, %dma_wait3A_665, %dma_wait3A_666] : memref<8x128x64xf32, #tpu.memory_space<vmem>> -> memref<1x128x64xf32, #tpu.memory_space<vmem>>
          %dma_wait3A_668 = tpu.memref_squeeze %dma_wait3A_667 : memref<1x128x64xf32, #tpu.memory_space<vmem>> -> memref<128x64xf32, #tpu.memory_space<vmem>>
          %dma_wait3A_669 = arith.constant 0 : i32
          %dma_wait3A_670 = tpu.memref_slice %arg8[%sub3A_663, %dma_wait3A_669] : memref<80x128xi32, #tpu.memory_space<vmem>> -> memref<1x128xi32, #tpu.memory_space<vmem>>
          %dma_wait3A_671 = tpu.memref_squeeze %dma_wait3A_670 : memref<1x128xi32, #tpu.memory_space<vmem>> -> memref<128xi32, #tpu.memory_space<vmem>>
          %dma_wait3A_672 = arith.constant 0 : i32
          %dma_wait3A_673 = arith.constant 0 : i32
          %dma_wait3A_674 = tpu.memref_slice %arg10[%dma_wait3A_672, %dma_wait3A_673] : memref<10240x64xf32, #tpu.memory_space<vmem_shared>> -> memref<10240x64xf32, #tpu.memory_space<vmem_shared>>
          tpu.wait_indirect_dma semaphore(%arg21 : memref<!tpu.dma_semaphore, #tpu.memory_space<semaphore_mem>>) src(%dma_wait3A_668 : memref<128x64xf32, #tpu.memory_space<vmem>>) dst(%dma_wait3A_674 : memref<10240x64xf32, #tpu.memory_space<vmem_shared>>)
        } else {
        }
        %add3A_650 = arith.constant 6 : i32
        %add3A_651 = arith.addi %add3A_523, %add3A_650 : i32
        %dma_start3A_652 = arith.constant 2 : i32
        %dma_start3A_653 = arith.constant 0 : i32
        %dma_start3A_654 = arith.constant 0 : i32
        %dma_start3A_655 = tpu.memref_slice %arg9[%dma_start3A_652, %dma_start3A_653, %dma_start3A_654] : memref<8x128x64xf32, #tpu.memory_space<vmem>> -> memref<1x128x64xf32, #tpu.memory_space<vmem>>
        %dma_start3A_656 = tpu.memref_squeeze %dma_start3A_655 : memref<1x128x64xf32, #tpu.memory_space<vmem>> -> memref<128x64xf32, #tpu.memory_space<vmem>>
        %dma_start3A_657 = arith.constant 0 : i32
        %dma_start3A_658 = tpu.memref_slice %arg7[%add3A_651, %dma_start3A_657] : memref<80x128xi32, #tpu.memory_space<vmem>> -> memref<1x128xi32, #tpu.memory_space<vmem>>
        %dma_start3A_659 = tpu.memref_squeeze %dma_start3A_658 : memref<1x128xi32, #tpu.memory_space<vmem>> -> memref<128xi32, #tpu.memory_space<vmem>>
        %dma_start3A_660 = arith.constant 0 : i32
        %dma_start3A_661 = arith.constant 0 : i32
        %dma_start3A_662 = tpu.memref_slice %arg2[%dma_start3A_660, %dma_start3A_661] : memref<10000x64xf32, #tpu.memory_space<hbm>> -> memref<10000x64xf32, #tpu.memory_space<hbm>>
        tpu.enqueue_indirect_dma source(%dma_start3A_662 : memref<10000x64xf32, #tpu.memory_space<hbm>>) target(%dma_start3A_656 : memref<128x64xf32, #tpu.memory_space<vmem>>) offsets(%dma_start3A_659 : memref<128xi32, #tpu.memory_space<vmem>>) semaphore(%arg13 : memref<!tpu.dma_semaphore, #tpu.memory_space<semaphore_mem>>)
      } else {
      }
      %add3A_553 = arith.constant 5 : i32
      %add3A_554 = arith.addi %add3A_400, %add3A_553 : i32
      %dma_wait3A_555 = arith.constant 5 : i32
      %dma_wait3A_556 = arith.constant 0 : i32
      %dma_wait3A_557 = arith.constant 0 : i32
      %dma_wait3A_558 = tpu.memref_slice %arg9[%dma_wait3A_555, %dma_wait3A_556, %dma_wait3A_557] : memref<8x128x64xf32, #tpu.memory_space<vmem>> -> memref<1x128x64xf32, #tpu.memory_space<vmem>>
      %dma_wait3A_559 = tpu.memref_squeeze %dma_wait3A_558 : memref<1x128x64xf32, #tpu.memory_space<vmem>> -> memref<128x64xf32, #tpu.memory_space<vmem>>
      %dma_wait3A_560 = arith.constant 0 : i32
      %dma_wait3A_561 = tpu.memref_slice %arg7[%add3A_554, %dma_wait3A_560] : memref<80x128xi32, #tpu.memory_space<vmem>> -> memref<1x128xi32, #tpu.memory_space<vmem>>
      %dma_wait3A_562 = tpu.memref_squeeze %dma_wait3A_561 : memref<1x128xi32, #tpu.memory_space<vmem>> -> memref<128xi32, #tpu.memory_space<vmem>>
      %dma_wait3A_563 = arith.constant 0 : i32
      %dma_wait3A_564 = arith.constant 0 : i32
      %dma_wait3A_565 = tpu.memref_slice %arg2[%dma_wait3A_563, %dma_wait3A_564] : memref<10000x64xf32, #tpu.memory_space<hbm>> -> memref<10000x64xf32, #tpu.memory_space<hbm>>
      tpu.wait_indirect_dma semaphore(%arg16 : memref<!tpu.dma_semaphore, #tpu.memory_space<semaphore_mem>>) src(%dma_wait3A_565 : memref<10000x64xf32, #tpu.memory_space<hbm>>) dst(%dma_wait3A_559 : memref<128x64xf32, #tpu.memory_space<vmem>>)
      %dma_start3A_566 = arith.constant 5 : i32
      %dma_start3A_567 = arith.constant 0 : i32
      %dma_start3A_568 = arith.constant 0 : i32
      %dma_start3A_569 = tpu.memref_slice %arg9[%dma_start3A_566, %dma_start3A_567, %dma_start3A_568] : memref<8x128x64xf32, #tpu.memory_space<vmem>> -> memref<1x128x64xf32, #tpu.memory_space<vmem>>
      %dma_start3A_570 = tpu.memref_squeeze %dma_start3A_569 : memref<1x128x64xf32, #tpu.memory_space<vmem>> -> memref<128x64xf32, #tpu.memory_space<vmem>>
      %dma_start3A_571 = arith.constant 0 : i32
      %dma_start3A_572 = tpu.memref_slice %arg8[%add3A_554, %dma_start3A_571] : memref<80x128xi32, #tpu.memory_space<vmem>> -> memref<1x128xi32, #tpu.memory_space<vmem>>
      %dma_start3A_573 = tpu.memref_squeeze %dma_start3A_572 : memref<1x128xi32, #tpu.memory_space<vmem>> -> memref<128xi32, #tpu.memory_space<vmem>>
      %dma_start3A_574 = arith.constant 0 : i32
      %dma_start3A_575 = arith.constant 0 : i32
      %dma_start3A_576 = tpu.memref_slice %arg10[%dma_start3A_574, %dma_start3A_575] : memref<10240x64xf32, #tpu.memory_space<vmem_shared>> -> memref<10240x64xf32, #tpu.memory_space<vmem_shared>>
      tpu.enqueue_indirect_dma source(%dma_start3A_570 : memref<128x64xf32, #tpu.memory_space<vmem>>) target(%dma_start3A_576 : memref<10240x64xf32, #tpu.memory_space<vmem_shared>>) offsets(%dma_start3A_573 : memref<128xi32, #tpu.memory_space<vmem>>) semaphore(%arg24 : memref<!tpu.dma_semaphore, #tpu.memory_space<semaphore_mem>>) {add = true}
      %add3A_577 = arith.constant 6 : i32
      %add3A_578 = arith.addi %add3A_554, %add3A_577 : i32
      %lt3A_579 = arith.constant 80 : i32
      %lt3A_580 = arith.cmpi slt, %add3A_578, %lt3A_579 : i32
      %convert_element_type3A_581 = arith.extui %lt3A_580 : i1 to i32
      %cond3A_582 = arith.constant 0 : i32
      %cond3A_583 = arith.cmpi ne, %convert_element_type3A_581, %cond3A_582 : i32
      scf.if %cond3A_583 {
        %ge3A = arith.constant 2 : i32
        %ge3A_646 = arith.cmpi sge, %add3A_554, %ge3A : i32
        %convert_element_type3A_647 = arith.extui %ge3A_646 : i1 to i32
        %cond3A_648 = arith.constant 0 : i32
        %cond3A_649 = arith.cmpi ne, %convert_element_type3A_647, %cond3A_648 : i32
        scf.if %cond3A_649 {
          %sub3A = arith.constant 2 : i32
          %sub3A_663 = arith.subi %add3A_554, %sub3A : i32
          %dma_wait3A_664 = arith.constant 3 : i32
          %dma_wait3A_665 = arith.constant 0 : i32
          %dma_wait3A_666 = arith.constant 0 : i32
          %dma_wait3A_667 = tpu.memref_slice %arg9[%dma_wait3A_664, %dma_wait3A_665, %dma_wait3A_666] : memref<8x128x64xf32, #tpu.memory_space<vmem>> -> memref<1x128x64xf32, #tpu.memory_space<vmem>>
          %dma_wait3A_668 = tpu.memref_squeeze %dma_wait3A_667 : memref<1x128x64xf32, #tpu.memory_space<vmem>> -> memref<128x64xf32, #tpu.memory_space<vmem>>
          %dma_wait3A_669 = arith.constant 0 : i32
          %dma_wait3A_670 = tpu.memref_slice %arg8[%sub3A_663, %dma_wait3A_669] : memref<80x128xi32, #tpu.memory_space<vmem>> -> memref<1x128xi32, #tpu.memory_space<vmem>>
          %dma_wait3A_671 = tpu.memref_squeeze %dma_wait3A_670 : memref<1x128xi32, #tpu.memory_space<vmem>> -> memref<128xi32, #tpu.memory_space<vmem>>
          %dma_wait3A_672 = arith.constant 0 : i32
          %dma_wait3A_673 = arith.constant 0 : i32
          %dma_wait3A_674 = tpu.memref_slice %arg10[%dma_wait3A_672, %dma_wait3A_673] : memref<10240x64xf32, #tpu.memory_space<vmem_shared>> -> memref<10240x64xf32, #tpu.memory_space<vmem_shared>>
          tpu.wait_indirect_dma semaphore(%arg22 : memref<!tpu.dma_semaphore, #tpu.memory_space<semaphore_mem>>) src(%dma_wait3A_668 : memref<128x64xf32, #tpu.memory_space<vmem>>) dst(%dma_wait3A_674 : memref<10240x64xf32, #tpu.memory_space<vmem_shared>>)
        } else {
        }
        %add3A_650 = arith.constant 6 : i32
        %add3A_651 = arith.addi %add3A_554, %add3A_650 : i32
        %dma_start3A_652 = arith.constant 3 : i32
        %dma_start3A_653 = arith.constant 0 : i32
        %dma_start3A_654 = arith.constant 0 : i32
        %dma_start3A_655 = tpu.memref_slice %arg9[%dma_start3A_652, %dma_start3A_653, %dma_start3A_654] : memref<8x128x64xf32, #tpu.memory_space<vmem>> -> memref<1x128x64xf32, #tpu.memory_space<vmem>>
        %dma_start3A_656 = tpu.memref_squeeze %dma_start3A_655 : memref<1x128x64xf32, #tpu.memory_space<vmem>> -> memref<128x64xf32, #tpu.memory_space<vmem>>
        %dma_start3A_657 = arith.constant 0 : i32
        %dma_start3A_658 = tpu.memref_slice %arg7[%add3A_651, %dma_start3A_657] : memref<80x128xi32, #tpu.memory_space<vmem>> -> memref<1x128xi32, #tpu.memory_space<vmem>>
        %dma_start3A_659 = tpu.memref_squeeze %dma_start3A_658 : memref<1x128xi32, #tpu.memory_space<vmem>> -> memref<128xi32, #tpu.memory_space<vmem>>
        %dma_start3A_660 = arith.constant 0 : i32
        %dma_start3A_661 = arith.constant 0 : i32
        %dma_start3A_662 = tpu.memref_slice %arg2[%dma_start3A_660, %dma_start3A_661] : memref<10000x64xf32, #tpu.memory_space<hbm>> -> memref<10000x64xf32, #tpu.memory_space<hbm>>
        tpu.enqueue_indirect_dma source(%dma_start3A_662 : memref<10000x64xf32, #tpu.memory_space<hbm>>) target(%dma_start3A_656 : memref<128x64xf32, #tpu.memory_space<vmem>>) offsets(%dma_start3A_659 : memref<128xi32, #tpu.memory_space<vmem>>) semaphore(%arg14 : memref<!tpu.dma_semaphore, #tpu.memory_space<semaphore_mem>>)
      } else {
      }
      %add3A_584 = arith.constant 6 : i32
      %add3A_585 = arith.addi %add3A_400, %add3A_584 : i32
      %dma_wait3A_586 = arith.constant 6 : i32
      %dma_wait3A_587 = arith.constant 0 : i32
      %dma_wait3A_588 = arith.constant 0 : i32
      %dma_wait3A_589 = tpu.memref_slice %arg9[%dma_wait3A_586, %dma_wait3A_587, %dma_wait3A_588] : memref<8x128x64xf32, #tpu.memory_space<vmem>> -> memref<1x128x64xf32, #tpu.memory_space<vmem>>
      %dma_wait3A_590 = tpu.memref_squeeze %dma_wait3A_589 : memref<1x128x64xf32, #tpu.memory_space<vmem>> -> memref<128x64xf32, #tpu.memory_space<vmem>>
      %dma_wait3A_591 = arith.constant 0 : i32
      %dma_wait3A_592 = tpu.memref_slice %arg7[%add3A_585, %dma_wait3A_591] : memref<80x128xi32, #tpu.memory_space<vmem>> -> memref<1x128xi32, #tpu.memory_space<vmem>>
      %dma_wait3A_593 = tpu.memref_squeeze %dma_wait3A_592 : memref<1x128xi32, #tpu.memory_space<vmem>> -> memref<128xi32, #tpu.memory_space<vmem>>
      %dma_wait3A_594 = arith.constant 0 : i32
      %dma_wait3A_595 = arith.constant 0 : i32
      %dma_wait3A_596 = tpu.memref_slice %arg2[%dma_wait3A_594, %dma_wait3A_595] : memref<10000x64xf32, #tpu.memory_space<hbm>> -> memref<10000x64xf32, #tpu.memory_space<hbm>>
      tpu.wait_indirect_dma semaphore(%arg17 : memref<!tpu.dma_semaphore, #tpu.memory_space<semaphore_mem>>) src(%dma_wait3A_596 : memref<10000x64xf32, #tpu.memory_space<hbm>>) dst(%dma_wait3A_590 : memref<128x64xf32, #tpu.memory_space<vmem>>)
      %dma_start3A_597 = arith.constant 6 : i32
      %dma_start3A_598 = arith.constant 0 : i32
      %dma_start3A_599 = arith.constant 0 : i32
      %dma_start3A_600 = tpu.memref_slice %arg9[%dma_start3A_597, %dma_start3A_598, %dma_start3A_599] : memref<8x128x64xf32, #tpu.memory_space<vmem>> -> memref<1x128x64xf32, #tpu.memory_space<vmem>>
      %dma_start3A_601 = tpu.memref_squeeze %dma_start3A_600 : memref<1x128x64xf32, #tpu.memory_space<vmem>> -> memref<128x64xf32, #tpu.memory_space<vmem>>
      %dma_start3A_602 = arith.constant 0 : i32
      %dma_start3A_603 = tpu.memref_slice %arg8[%add3A_585, %dma_start3A_602] : memref<80x128xi32, #tpu.memory_space<vmem>> -> memref<1x128xi32, #tpu.memory_space<vmem>>
      %dma_start3A_604 = tpu.memref_squeeze %dma_start3A_603 : memref<1x128xi32, #tpu.memory_space<vmem>> -> memref<128xi32, #tpu.memory_space<vmem>>
      %dma_start3A_605 = arith.constant 0 : i32
      %dma_start3A_606 = arith.constant 0 : i32
      %dma_start3A_607 = tpu.memref_slice %arg10[%dma_start3A_605, %dma_start3A_606] : memref<10240x64xf32, #tpu.memory_space<vmem_shared>> -> memref<10240x64xf32, #tpu.memory_space<vmem_shared>>
      tpu.enqueue_indirect_dma source(%dma_start3A_601 : memref<128x64xf32, #tpu.memory_space<vmem>>) target(%dma_start3A_607 : memref<10240x64xf32, #tpu.memory_space<vmem_shared>>) offsets(%dma_start3A_604 : memref<128xi32, #tpu.memory_space<vmem>>) semaphore(%arg25 : memref<!tpu.dma_semaphore, #tpu.memory_space<semaphore_mem>>) {add = true}
      %add3A_608 = arith.constant 6 : i32
      %add3A_609 = arith.addi %add3A_585, %add3A_608 : i32
      %lt3A_610 = arith.constant 80 : i32
      %lt3A_611 = arith.cmpi slt, %add3A_609, %lt3A_610 : i32
      %convert_element_type3A_612 = arith.extui %lt3A_611 : i1 to i32
      %cond3A_613 = arith.constant 0 : i32
      %cond3A_614 = arith.cmpi ne, %convert_element_type3A_612, %cond3A_613 : i32
      scf.if %cond3A_614 {
        %ge3A = arith.constant 2 : i32
        %ge3A_646 = arith.cmpi sge, %add3A_585, %ge3A : i32
        %convert_element_type3A_647 = arith.extui %ge3A_646 : i1 to i32
        %cond3A_648 = arith.constant 0 : i32
        %cond3A_649 = arith.cmpi ne, %convert_element_type3A_647, %cond3A_648 : i32
        scf.if %cond3A_649 {
          %sub3A = arith.constant 2 : i32
          %sub3A_663 = arith.subi %add3A_585, %sub3A : i32
          %dma_wait3A_664 = arith.constant 4 : i32
          %dma_wait3A_665 = arith.constant 0 : i32
          %dma_wait3A_666 = arith.constant 0 : i32
          %dma_wait3A_667 = tpu.memref_slice %arg9[%dma_wait3A_664, %dma_wait3A_665, %dma_wait3A_666] : memref<8x128x64xf32, #tpu.memory_space<vmem>> -> memref<1x128x64xf32, #tpu.memory_space<vmem>>
          %dma_wait3A_668 = tpu.memref_squeeze %dma_wait3A_667 : memref<1x128x64xf32, #tpu.memory_space<vmem>> -> memref<128x64xf32, #tpu.memory_space<vmem>>
          %dma_wait3A_669 = arith.constant 0 : i32
          %dma_wait3A_670 = tpu.memref_slice %arg8[%sub3A_663, %dma_wait3A_669] : memref<80x128xi32, #tpu.memory_space<vmem>> -> memref<1x128xi32, #tpu.memory_space<vmem>>
          %dma_wait3A_671 = tpu.memref_squeeze %dma_wait3A_670 : memref<1x128xi32, #tpu.memory_space<vmem>> -> memref<128xi32, #tpu.memory_space<vmem>>
          %dma_wait3A_672 = arith.constant 0 : i32
          %dma_wait3A_673 = arith.constant 0 : i32
          %dma_wait3A_674 = tpu.memref_slice %arg10[%dma_wait3A_672, %dma_wait3A_673] : memref<10240x64xf32, #tpu.memory_space<vmem_shared>> -> memref<10240x64xf32, #tpu.memory_space<vmem_shared>>
          tpu.wait_indirect_dma semaphore(%arg23 : memref<!tpu.dma_semaphore, #tpu.memory_space<semaphore_mem>>) src(%dma_wait3A_668 : memref<128x64xf32, #tpu.memory_space<vmem>>) dst(%dma_wait3A_674 : memref<10240x64xf32, #tpu.memory_space<vmem_shared>>)
        } else {
        }
        %add3A_650 = arith.constant 6 : i32
        %add3A_651 = arith.addi %add3A_585, %add3A_650 : i32
        %dma_start3A_652 = arith.constant 4 : i32
        %dma_start3A_653 = arith.constant 0 : i32
        %dma_start3A_654 = arith.constant 0 : i32
        %dma_start3A_655 = tpu.memref_slice %arg9[%dma_start3A_652, %dma_start3A_653, %dma_start3A_654] : memref<8x128x64xf32, #tpu.memory_space<vmem>> -> memref<1x128x64xf32, #tpu.memory_space<vmem>>
        %dma_start3A_656 = tpu.memref_squeeze %dma_start3A_655 : memref<1x128x64xf32, #tpu.memory_space<vmem>> -> memref<128x64xf32, #tpu.memory_space<vmem>>
        %dma_start3A_657 = arith.constant 0 : i32
        %dma_start3A_658 = tpu.memref_slice %arg7[%add3A_651, %dma_start3A_657] : memref<80x128xi32, #tpu.memory_space<vmem>> -> memref<1x128xi32, #tpu.memory_space<vmem>>
        %dma_start3A_659 = tpu.memref_squeeze %dma_start3A_658 : memref<1x128xi32, #tpu.memory_space<vmem>> -> memref<128xi32, #tpu.memory_space<vmem>>
        %dma_start3A_660 = arith.constant 0 : i32
        %dma_start3A_661 = arith.constant 0 : i32
        %dma_start3A_662 = tpu.memref_slice %arg2[%dma_start3A_660, %dma_start3A_661] : memref<10000x64xf32, #tpu.memory_space<hbm>> -> memref<10000x64xf32, #tpu.memory_space<hbm>>
        tpu.enqueue_indirect_dma source(%dma_start3A_662 : memref<10000x64xf32, #tpu.memory_space<hbm>>) target(%dma_start3A_656 : memref<128x64xf32, #tpu.memory_space<vmem>>) offsets(%dma_start3A_659 : memref<128xi32, #tpu.memory_space<vmem>>) semaphore(%arg15 : memref<!tpu.dma_semaphore, #tpu.memory_space<semaphore_mem>>)
      } else {
      }
      %add3A_615 = arith.constant 7 : i32
      %add3A_616 = arith.addi %add3A_400, %add3A_615 : i32
      %dma_wait3A_617 = arith.constant 7 : i32
      %dma_wait3A_618 = arith.constant 0 : i32
      %dma_wait3A_619 = arith.constant 0 : i32
      %dma_wait3A_620 = tpu.memref_slice %arg9[%dma_wait3A_617, %dma_wait3A_618, %dma_wait3A_619] : memref<8x128x64xf32, #tpu.memory_space<vmem>> -> memref<1x128x64xf32, #tpu.memory_space<vmem>>
      %dma_wait3A_621 = tpu.memref_squeeze %dma_wait3A_620 : memref<1x128x64xf32, #tpu.memory_space<vmem>> -> memref<128x64xf32, #tpu.memory_space<vmem>>
      %dma_wait3A_622 = arith.constant 0 : i32
      %dma_wait3A_623 = tpu.memref_slice %arg7[%add3A_616, %dma_wait3A_622] : memref<80x128xi32, #tpu.memory_space<vmem>> -> memref<1x128xi32, #tpu.memory_space<vmem>>
      %dma_wait3A_624 = tpu.memref_squeeze %dma_wait3A_623 : memref<1x128xi32, #tpu.memory_space<vmem>> -> memref<128xi32, #tpu.memory_space<vmem>>
      %dma_wait3A_625 = arith.constant 0 : i32
      %dma_wait3A_626 = arith.constant 0 : i32
      %dma_wait3A_627 = tpu.memref_slice %arg2[%dma_wait3A_625, %dma_wait3A_626] : memref<10000x64xf32, #tpu.memory_space<hbm>> -> memref<10000x64xf32, #tpu.memory_space<hbm>>
      tpu.wait_indirect_dma semaphore(%arg18 : memref<!tpu.dma_semaphore, #tpu.memory_space<semaphore_mem>>) src(%dma_wait3A_627 : memref<10000x64xf32, #tpu.memory_space<hbm>>) dst(%dma_wait3A_621 : memref<128x64xf32, #tpu.memory_space<vmem>>)
      %dma_start3A_628 = arith.constant 7 : i32
      %dma_start3A_629 = arith.constant 0 : i32
      %dma_start3A_630 = arith.constant 0 : i32
      %dma_start3A_631 = tpu.memref_slice %arg9[%dma_start3A_628, %dma_start3A_629, %dma_start3A_630] : memref<8x128x64xf32, #tpu.memory_space<vmem>> -> memref<1x128x64xf32, #tpu.memory_space<vmem>>
      %dma_start3A_632 = tpu.memref_squeeze %dma_start3A_631 : memref<1x128x64xf32, #tpu.memory_space<vmem>> -> memref<128x64xf32, #tpu.memory_space<vmem>>
      %dma_start3A_633 = arith.constant 0 : i32
      %dma_start3A_634 = tpu.memref_slice %arg8[%add3A_616, %dma_start3A_633] : memref<80x128xi32, #tpu.memory_space<vmem>> -> memref<1x128xi32, #tpu.memory_space<vmem>>
      %dma_start3A_635 = tpu.memref_squeeze %dma_start3A_634 : memref<1x128xi32, #tpu.memory_space<vmem>> -> memref<128xi32, #tpu.memory_space<vmem>>
      %dma_start3A_636 = arith.constant 0 : i32
      %dma_start3A_637 = arith.constant 0 : i32
      %dma_start3A_638 = tpu.memref_slice %arg10[%dma_start3A_636, %dma_start3A_637] : memref<10240x64xf32, #tpu.memory_space<vmem_shared>> -> memref<10240x64xf32, #tpu.memory_space<vmem_shared>>
      tpu.enqueue_indirect_dma source(%dma_start3A_632 : memref<128x64xf32, #tpu.memory_space<vmem>>) target(%dma_start3A_638 : memref<10240x64xf32, #tpu.memory_space<vmem_shared>>) offsets(%dma_start3A_635 : memref<128xi32, #tpu.memory_space<vmem>>) semaphore(%arg26 : memref<!tpu.dma_semaphore, #tpu.memory_space<semaphore_mem>>) {add = true}
      %add3A_639 = arith.constant 6 : i32
      %add3A_640 = arith.addi %add3A_616, %add3A_639 : i32
      %lt3A_641 = arith.constant 80 : i32
      %lt3A_642 = arith.cmpi slt, %add3A_640, %lt3A_641 : i32
      %convert_element_type3A_643 = arith.extui %lt3A_642 : i1 to i32
      %cond3A_644 = arith.constant 0 : i32
      %cond3A_645 = arith.cmpi ne, %convert_element_type3A_643, %cond3A_644 : i32
      scf.if %cond3A_645 {
        %ge3A = arith.constant 2 : i32
        %ge3A_646 = arith.cmpi sge, %add3A_616, %ge3A : i32
        %convert_element_type3A_647 = arith.extui %ge3A_646 : i1 to i32
        %cond3A_648 = arith.constant 0 : i32
        %cond3A_649 = arith.cmpi ne, %convert_element_type3A_647, %cond3A_648 : i32
        scf.if %cond3A_649 {
          %sub3A = arith.constant 2 : i32
          %sub3A_663 = arith.subi %add3A_616, %sub3A : i32
          %dma_wait3A_664 = arith.constant 5 : i32
          %dma_wait3A_665 = arith.constant 0 : i32
          %dma_wait3A_666 = arith.constant 0 : i32
          %dma_wait3A_667 = tpu.memref_slice %arg9[%dma_wait3A_664, %dma_wait3A_665, %dma_wait3A_666] : memref<8x128x64xf32, #tpu.memory_space<vmem>> -> memref<1x128x64xf32, #tpu.memory_space<vmem>>
          %dma_wait3A_668 = tpu.memref_squeeze %dma_wait3A_667 : memref<1x128x64xf32, #tpu.memory_space<vmem>> -> memref<128x64xf32, #tpu.memory_space<vmem>>
          %dma_wait3A_669 = arith.constant 0 : i32
          %dma_wait3A_670 = tpu.memref_slice %arg8[%sub3A_663, %dma_wait3A_669] : memref<80x128xi32, #tpu.memory_space<vmem>> -> memref<1x128xi32, #tpu.memory_space<vmem>>
          %dma_wait3A_671 = tpu.memref_squeeze %dma_wait3A_670 : memref<1x128xi32, #tpu.memory_space<vmem>> -> memref<128xi32, #tpu.memory_space<vmem>>
          %dma_wait3A_672 = arith.constant 0 : i32
          %dma_wait3A_673 = arith.constant 0 : i32
          %dma_wait3A_674 = tpu.memref_slice %arg10[%dma_wait3A_672, %dma_wait3A_673] : memref<10240x64xf32, #tpu.memory_space<vmem_shared>> -> memref<10240x64xf32, #tpu.memory_space<vmem_shared>>
          tpu.wait_indirect_dma semaphore(%arg24 : memref<!tpu.dma_semaphore, #tpu.memory_space<semaphore_mem>>) src(%dma_wait3A_668 : memref<128x64xf32, #tpu.memory_space<vmem>>) dst(%dma_wait3A_674 : memref<10240x64xf32, #tpu.memory_space<vmem_shared>>)
        } else {
        }
        %add3A_650 = arith.constant 6 : i32
        %add3A_651 = arith.addi %add3A_616, %add3A_650 : i32
        %dma_start3A_652 = arith.constant 5 : i32
        %dma_start3A_653 = arith.constant 0 : i32
        %dma_start3A_654 = arith.constant 0 : i32
        %dma_start3A_655 = tpu.memref_slice %arg9[%dma_start3A_652, %dma_start3A_653, %dma_start3A_654] : memref<8x128x64xf32, #tpu.memory_space<vmem>> -> memref<1x128x64xf32, #tpu.memory_space<vmem>>
        %dma_start3A_656 = tpu.memref_squeeze %dma_start3A_655 : memref<1x128x64xf32, #tpu.memory_space<vmem>> -> memref<128x64xf32, #tpu.memory_space<vmem>>
        %dma_start3A_657 = arith.constant 0 : i32
        %dma_start3A_658 = tpu.memref_slice %arg7[%add3A_651, %dma_start3A_657] : memref<80x128xi32, #tpu.memory_space<vmem>> -> memref<1x128xi32, #tpu.memory_space<vmem>>
        %dma_start3A_659 = tpu.memref_squeeze %dma_start3A_658 : memref<1x128xi32, #tpu.memory_space<vmem>> -> memref<128xi32, #tpu.memory_space<vmem>>
        %dma_start3A_660 = arith.constant 0 : i32
        %dma_start3A_661 = arith.constant 0 : i32
        %dma_start3A_662 = tpu.memref_slice %arg2[%dma_start3A_660, %dma_start3A_661] : memref<10000x64xf32, #tpu.memory_space<hbm>> -> memref<10000x64xf32, #tpu.memory_space<hbm>>
        tpu.enqueue_indirect_dma source(%dma_start3A_662 : memref<10000x64xf32, #tpu.memory_space<hbm>>) target(%dma_start3A_656 : memref<128x64xf32, #tpu.memory_space<vmem>>) offsets(%dma_start3A_659 : memref<128xi32, #tpu.memory_space<vmem>>) semaphore(%arg16 : memref<!tpu.dma_semaphore, #tpu.memory_space<semaphore_mem>>)
      } else {
      }
    }
    %scan3A_104 = arith.constant 10 : i32
    %dma_wait3A = arith.constant 0 : i32
    %dma_wait3A_105 = arith.constant 72 : i32
    %dma_wait3A_106 = arith.constant 0 : i32
    %dma_wait3A_107 = arith.constant 0 : i32
    %dma_wait3A_108 = tpu.memref_slice %arg9[%dma_wait3A, %dma_wait3A_106, %dma_wait3A_107] : memref<8x128x64xf32, #tpu.memory_space<vmem>> -> memref<1x128x64xf32, #tpu.memory_space<vmem>>
    %dma_wait3A_109 = tpu.memref_squeeze %dma_wait3A_108 : memref<1x128x64xf32, #tpu.memory_space<vmem>> -> memref<128x64xf32, #tpu.memory_space<vmem>>
    %dma_wait3A_110 = arith.constant 0 : i32
    %dma_wait3A_111 = tpu.memref_slice %arg8[%dma_wait3A_105, %dma_wait3A_110] : memref<80x128xi32, #tpu.memory_space<vmem>> -> memref<1x128xi32, #tpu.memory_space<vmem>>
    %dma_wait3A_112 = tpu.memref_squeeze %dma_wait3A_111 : memref<1x128xi32, #tpu.memory_space<vmem>> -> memref<128xi32, #tpu.memory_space<vmem>>
    %dma_wait3A_113 = arith.constant 0 : i32
    %dma_wait3A_114 = arith.constant 0 : i32
    %dma_wait3A_115 = tpu.memref_slice %arg10[%dma_wait3A_113, %dma_wait3A_114] : memref<10240x64xf32, #tpu.memory_space<vmem_shared>> -> memref<10240x64xf32, #tpu.memory_space<vmem_shared>>
    tpu.wait_indirect_dma semaphore(%arg19 : memref<!tpu.dma_semaphore, #tpu.memory_space<semaphore_mem>>) src(%dma_wait3A_109 : memref<128x64xf32, #tpu.memory_space<vmem>>) dst(%dma_wait3A_115 : memref<10240x64xf32, #tpu.memory_space<vmem_shared>>)
    %dma_wait3A_116 = arith.constant 1 : i32
    %dma_wait3A_117 = arith.constant 73 : i32
    %dma_wait3A_118 = arith.constant 0 : i32
    %dma_wait3A_119 = arith.constant 0 : i32
    %dma_wait3A_120 = tpu.memref_slice %arg9[%dma_wait3A_116, %dma_wait3A_118, %dma_wait3A_119] : memref<8x128x64xf32, #tpu.memory_space<vmem>> -> memref<1x128x64xf32, #tpu.memory_space<vmem>>
    %dma_wait3A_121 = tpu.memref_squeeze %dma_wait3A_120 : memref<1x128x64xf32, #tpu.memory_space<vmem>> -> memref<128x64xf32, #tpu.memory_space<vmem>>
    %dma_wait3A_122 = arith.constant 0 : i32
    %dma_wait3A_123 = tpu.memref_slice %arg8[%dma_wait3A_117, %dma_wait3A_122] : memref<80x128xi32, #tpu.memory_space<vmem>> -> memref<1x128xi32, #tpu.memory_space<vmem>>
    %dma_wait3A_124 = tpu.memref_squeeze %dma_wait3A_123 : memref<1x128xi32, #tpu.memory_space<vmem>> -> memref<128xi32, #tpu.memory_space<vmem>>
    %dma_wait3A_125 = arith.constant 0 : i32
    %dma_wait3A_126 = arith.constant 0 : i32
    %dma_wait3A_127 = tpu.memref_slice %arg10[%dma_wait3A_125, %dma_wait3A_126] : memref<10240x64xf32, #tpu.memory_space<vmem_shared>> -> memref<10240x64xf32, #tpu.memory_space<vmem_shared>>
    tpu.wait_indirect_dma semaphore(%arg20 : memref<!tpu.dma_semaphore, #tpu.memory_space<semaphore_mem>>) src(%dma_wait3A_121 : memref<128x64xf32, #tpu.memory_space<vmem>>) dst(%dma_wait3A_127 : memref<10240x64xf32, #tpu.memory_space<vmem_shared>>)
    %dma_wait3A_128 = arith.constant 2 : i32
    %dma_wait3A_129 = arith.constant 74 : i32
    %dma_wait3A_130 = arith.constant 0 : i32
    %dma_wait3A_131 = arith.constant 0 : i32
    %dma_wait3A_132 = tpu.memref_slice %arg9[%dma_wait3A_128, %dma_wait3A_130, %dma_wait3A_131] : memref<8x128x64xf32, #tpu.memory_space<vmem>> -> memref<1x128x64xf32, #tpu.memory_space<vmem>>
    %dma_wait3A_133 = tpu.memref_squeeze %dma_wait3A_132 : memref<1x128x64xf32, #tpu.memory_space<vmem>> -> memref<128x64xf32, #tpu.memory_space<vmem>>
    %dma_wait3A_134 = arith.constant 0 : i32
    %dma_wait3A_135 = tpu.memref_slice %arg8[%dma_wait3A_129, %dma_wait3A_134] : memref<80x128xi32, #tpu.memory_space<vmem>> -> memref<1x128xi32, #tpu.memory_space<vmem>>
    %dma_wait3A_136 = tpu.memref_squeeze %dma_wait3A_135 : memref<1x128xi32, #tpu.memory_space<vmem>> -> memref<128xi32, #tpu.memory_space<vmem>>
    %dma_wait3A_137 = arith.constant 0 : i32
    %dma_wait3A_138 = arith.constant 0 : i32
    %dma_wait3A_139 = tpu.memref_slice %arg10[%dma_wait3A_137, %dma_wait3A_138] : memref<10240x64xf32, #tpu.memory_space<vmem_shared>> -> memref<10240x64xf32, #tpu.memory_space<vmem_shared>>
    tpu.wait_indirect_dma semaphore(%arg21 : memref<!tpu.dma_semaphore, #tpu.memory_space<semaphore_mem>>) src(%dma_wait3A_133 : memref<128x64xf32, #tpu.memory_space<vmem>>) dst(%dma_wait3A_139 : memref<10240x64xf32, #tpu.memory_space<vmem_shared>>)
    %dma_wait3A_140 = arith.constant 3 : i32
    %dma_wait3A_141 = arith.constant 75 : i32
    %dma_wait3A_142 = arith.constant 0 : i32
    %dma_wait3A_143 = arith.constant 0 : i32
    %dma_wait3A_144 = tpu.memref_slice %arg9[%dma_wait3A_140, %dma_wait3A_142, %dma_wait3A_143] : memref<8x128x64xf32, #tpu.memory_space<vmem>> -> memref<1x128x64xf32, #tpu.memory_space<vmem>>
    %dma_wait3A_145 = tpu.memref_squeeze %dma_wait3A_144 : memref<1x128x64xf32, #tpu.memory_space<vmem>> -> memref<128x64xf32, #tpu.memory_space<vmem>>
    %dma_wait3A_146 = arith.constant 0 : i32
    %dma_wait3A_147 = tpu.memref_slice %arg8[%dma_wait3A_141, %dma_wait3A_146] : memref<80x128xi32, #tpu.memory_space<vmem>> -> memref<1x128xi32, #tpu.memory_space<vmem>>
    %dma_wait3A_148 = tpu.memref_squeeze %dma_wait3A_147 : memref<1x128xi32, #tpu.memory_space<vmem>> -> memref<128xi32, #tpu.memory_space<vmem>>
    %dma_wait3A_149 = arith.constant 0 : i32
    %dma_wait3A_150 = arith.constant 0 : i32
    %dma_wait3A_151 = tpu.memref_slice %arg10[%dma_wait3A_149, %dma_wait3A_150] : memref<10240x64xf32, #tpu.memory_space<vmem_shared>> -> memref<10240x64xf32, #tpu.memory_space<vmem_shared>>
    tpu.wait_indirect_dma semaphore(%arg22 : memref<!tpu.dma_semaphore, #tpu.memory_space<semaphore_mem>>) src(%dma_wait3A_145 : memref<128x64xf32, #tpu.memory_space<vmem>>) dst(%dma_wait3A_151 : memref<10240x64xf32, #tpu.memory_space<vmem_shared>>)
    %dma_wait3A_152 = arith.constant 4 : i32
    %dma_wait3A_153 = arith.constant 76 : i32
    %dma_wait3A_154 = arith.constant 0 : i32
    %dma_wait3A_155 = arith.constant 0 : i32
    %dma_wait3A_156 = tpu.memref_slice %arg9[%dma_wait3A_152, %dma_wait3A_154, %dma_wait3A_155] : memref<8x128x64xf32, #tpu.memory_space<vmem>> -> memref<1x128x64xf32, #tpu.memory_space<vmem>>
    %dma_wait3A_157 = tpu.memref_squeeze %dma_wait3A_156 : memref<1x128x64xf32, #tpu.memory_space<vmem>> -> memref<128x64xf32, #tpu.memory_space<vmem>>
    %dma_wait3A_158 = arith.constant 0 : i32
    %dma_wait3A_159 = tpu.memref_slice %arg8[%dma_wait3A_153, %dma_wait3A_158] : memref<80x128xi32, #tpu.memory_space<vmem>> -> memref<1x128xi32, #tpu.memory_space<vmem>>
    %dma_wait3A_160 = tpu.memref_squeeze %dma_wait3A_159 : memref<1x128xi32, #tpu.memory_space<vmem>> -> memref<128xi32, #tpu.memory_space<vmem>>
    %dma_wait3A_161 = arith.constant 0 : i32
    %dma_wait3A_162 = arith.constant 0 : i32
    %dma_wait3A_163 = tpu.memref_slice %arg10[%dma_wait3A_161, %dma_wait3A_162] : memref<10240x64xf32, #tpu.memory_space<vmem_shared>> -> memref<10240x64xf32, #tpu.memory_space<vmem_shared>>
    tpu.wait_indirect_dma semaphore(%arg23 : memref<!tpu.dma_semaphore, #tpu.memory_space<semaphore_mem>>) src(%dma_wait3A_157 : memref<128x64xf32, #tpu.memory_space<vmem>>) dst(%dma_wait3A_163 : memref<10240x64xf32, #tpu.memory_space<vmem_shared>>)
    %dma_wait3A_164 = arith.constant 5 : i32
    %dma_wait3A_165 = arith.constant 77 : i32
    %dma_wait3A_166 = arith.constant 0 : i32
    %dma_wait3A_167 = arith.constant 0 : i32
    %dma_wait3A_168 = tpu.memref_slice %arg9[%dma_wait3A_164, %dma_wait3A_166, %dma_wait3A_167] : memref<8x128x64xf32, #tpu.memory_space<vmem>> -> memref<1x128x64xf32, #tpu.memory_space<vmem>>
    %dma_wait3A_169 = tpu.memref_squeeze %dma_wait3A_168 : memref<1x128x64xf32, #tpu.memory_space<vmem>> -> memref<128x64xf32, #tpu.memory_space<vmem>>
    %dma_wait3A_170 = arith.constant 0 : i32
    %dma_wait3A_171 = tpu.memref_slice %arg8[%dma_wait3A_165, %dma_wait3A_170] : memref<80x128xi32, #tpu.memory_space<vmem>> -> memref<1x128xi32, #tpu.memory_space<vmem>>
    %dma_wait3A_172 = tpu.memref_squeeze %dma_wait3A_171 : memref<1x128xi32, #tpu.memory_space<vmem>> -> memref<128xi32, #tpu.memory_space<vmem>>
    %dma_wait3A_173 = arith.constant 0 : i32
    %dma_wait3A_174 = arith.constant 0 : i32
    %dma_wait3A_175 = tpu.memref_slice %arg10[%dma_wait3A_173, %dma_wait3A_174] : memref<10240x64xf32, #tpu.memory_space<vmem_shared>> -> memref<10240x64xf32, #tpu.memory_space<vmem_shared>>
    tpu.wait_indirect_dma semaphore(%arg24 : memref<!tpu.dma_semaphore, #tpu.memory_space<semaphore_mem>>) src(%dma_wait3A_169 : memref<128x64xf32, #tpu.memory_space<vmem>>) dst(%dma_wait3A_175 : memref<10240x64xf32, #tpu.memory_space<vmem_shared>>)
    %dma_wait3A_176 = arith.constant 6 : i32
    %dma_wait3A_177 = arith.constant 78 : i32
    %dma_wait3A_178 = arith.constant 0 : i32
    %dma_wait3A_179 = arith.constant 0 : i32
    %dma_wait3A_180 = tpu.memref_slice %arg9[%dma_wait3A_176, %dma_wait3A_178, %dma_wait3A_179] : memref<8x128x64xf32, #tpu.memory_space<vmem>> -> memref<1x128x64xf32, #tpu.memory_space<vmem>>
    %dma_wait3A_181 = tpu.memref_squeeze %dma_wait3A_180 : memref<1x128x64xf32, #tpu.memory_space<vmem>> -> memref<128x64xf32, #tpu.memory_space<vmem>>
    %dma_wait3A_182 = arith.constant 0 : i32
    %dma_wait3A_183 = tpu.memref_slice %arg8[%dma_wait3A_177, %dma_wait3A_182] : memref<80x128xi32, #tpu.memory_space<vmem>> -> memref<1x128xi32, #tpu.memory_space<vmem>>
    %dma_wait3A_184 = tpu.memref_squeeze %dma_wait3A_183 : memref<1x128xi32, #tpu.memory_space<vmem>> -> memref<128xi32, #tpu.memory_space<vmem>>
    %dma_wait3A_185 = arith.constant 0 : i32
    %dma_wait3A_186 = arith.constant 0 : i32
    %dma_wait3A_187 = tpu.memref_slice %arg10[%dma_wait3A_185, %dma_wait3A_186] : memref<10240x64xf32, #tpu.memory_space<vmem_shared>> -> memref<10240x64xf32, #tpu.memory_space<vmem_shared>>
    tpu.wait_indirect_dma semaphore(%arg25 : memref<!tpu.dma_semaphore, #tpu.memory_space<semaphore_mem>>) src(%dma_wait3A_181 : memref<128x64xf32, #tpu.memory_space<vmem>>) dst(%dma_wait3A_187 : memref<10240x64xf32, #tpu.memory_space<vmem_shared>>)
    %dma_wait3A_188 = arith.constant 7 : i32
    %dma_wait3A_189 = arith.constant 79 : i32
    %dma_wait3A_190 = arith.constant 0 : i32
    %dma_wait3A_191 = arith.constant 0 : i32
    %dma_wait3A_192 = tpu.memref_slice %arg9[%dma_wait3A_188, %dma_wait3A_190, %dma_wait3A_191] : memref<8x128x64xf32, #tpu.memory_space<vmem>> -> memref<1x128x64xf32, #tpu.memory_space<vmem>>
    %dma_wait3A_193 = tpu.memref_squeeze %dma_wait3A_192 : memref<1x128x64xf32, #tpu.memory_space<vmem>> -> memref<128x64xf32, #tpu.memory_space<vmem>>
    %dma_wait3A_194 = arith.constant 0 : i32
    %dma_wait3A_195 = tpu.memref_slice %arg8[%dma_wait3A_189, %dma_wait3A_194] : memref<80x128xi32, #tpu.memory_space<vmem>> -> memref<1x128xi32, #tpu.memory_space<vmem>>
    %dma_wait3A_196 = tpu.memref_squeeze %dma_wait3A_195 : memref<1x128xi32, #tpu.memory_space<vmem>> -> memref<128xi32, #tpu.memory_space<vmem>>
    %dma_wait3A_197 = arith.constant 0 : i32
    %dma_wait3A_198 = arith.constant 0 : i32
    %dma_wait3A_199 = tpu.memref_slice %arg10[%dma_wait3A_197, %dma_wait3A_198] : memref<10240x64xf32, #tpu.memory_space<vmem_shared>> -> memref<10240x64xf32, #tpu.memory_space<vmem_shared>>
    tpu.wait_indirect_dma semaphore(%arg26 : memref<!tpu.dma_semaphore, #tpu.memory_space<semaphore_mem>>) src(%dma_wait3A_193 : memref<128x64xf32, #tpu.memory_space<vmem>>) dst(%dma_wait3A_199 : memref<10240x64xf32, #tpu.memory_space<vmem_shared>>)
    %barrier3A_200 = arith.constant 0 : index
    tpu.barrier barrier_id(%barrier3A_200)
    %mul3A_201 = arith.constant 640 : i32
    %mul3A_202 = arith.muli %arg1, %mul3A_201 : i32
    %add3A_203 = arith.constant 0 : i32
    %add3A_204 = arith.addi %mul3A_202, %add3A_203 : i32
    %run_scoped3A_205 = arith.constant 0 : i32
    "tpu.region"() ({
      %run_scoped3A_396 = tpu.sem_alloc : memref<!tpu.dma_semaphore, #tpu.memory_space<semaphore_mem>>
      %dma_start3A_397 = arith.constant 0 : i32
      %dma_start3A_398 = arith.constant 0 : i32
      %dma_start3A_399 = tpu.memref_slice %arg9[%run_scoped3A_205, %dma_start3A_397, %dma_start3A_398] : memref<8x128x64xf32, #tpu.memory_space<vmem>> -> memref<1x128x64xf32, #tpu.memory_space<vmem>>
      %dma_start3A_400 = tpu.memref_squeeze %dma_start3A_399 : memref<1x128x64xf32, #tpu.memory_space<vmem>> -> memref<128x64xf32, #tpu.memory_space<vmem>>
      %dma_start3A_401 = arith.constant 0 : i32
      %dma_start3A_402 = tpu.memref_slice %arg10[%add3A_204, %dma_start3A_401] : memref<10240x64xf32, #tpu.memory_space<vmem_shared>> -> memref<128x64xf32, #tpu.memory_space<vmem_shared>>
      %dma_start3A_403 = arith.constant 0 : i32
      %dma_start3A_404 = arith.constant 0 : i32
      %dma_start3A_405 = tpu.memref_slice %arg9[%run_scoped3A_205, %dma_start3A_403, %dma_start3A_404] : memref<8x128x64xf32, #tpu.memory_space<vmem>> -> memref<1x128x64xf32, #tpu.memory_space<vmem>>
      %dma_start3A_406 = tpu.memref_squeeze %dma_start3A_405 : memref<1x128x64xf32, #tpu.memory_space<vmem>> -> memref<128x64xf32, #tpu.memory_space<vmem>>
      %dma_start3A_407 = arith.constant 0 : i32
      %dma_start3A_408 = tpu.memref_slice %arg10[%add3A_204, %dma_start3A_407] : memref<10240x64xf32, #tpu.memory_space<vmem_shared>> -> memref<128x64xf32, #tpu.memory_space<vmem_shared>>
      tpu.enqueue_dma source(%dma_start3A_408 : memref<128x64xf32, #tpu.memory_space<vmem_shared>>) target(%dma_start3A_406 : memref<128x64xf32, #tpu.memory_space<vmem>>) target_semaphore(%run_scoped3A_396 : memref<!tpu.dma_semaphore, #tpu.memory_space<semaphore_mem>>)
      %dma_wait3A_409 = arith.constant 0 : i32
      %dma_wait3A_410 = arith.constant 0 : i32
      %dma_wait3A_411 = tpu.memref_slice %arg9[%run_scoped3A_205, %dma_wait3A_409, %dma_wait3A_410] : memref<8x128x64xf32, #tpu.memory_space<vmem>> -> memref<1x128x64xf32, #tpu.memory_space<vmem>>
      %dma_wait3A_412 = tpu.memref_squeeze %dma_wait3A_411 : memref<1x128x64xf32, #tpu.memory_space<vmem>> -> memref<128x64xf32, #tpu.memory_space<vmem>>
      %dma_wait3A_413 = arith.constant 0 : i32
      %dma_wait3A_414 = tpu.memref_slice %arg10[%add3A_204, %dma_wait3A_413] : memref<10240x64xf32, #tpu.memory_space<vmem_shared>> -> memref<128x64xf32, #tpu.memory_space<vmem_shared>>
      %dma_wait3A_415 = arith.constant 0 : i32
      %dma_wait3A_416 = arith.constant 0 : i32
      %dma_wait3A_417 = tpu.memref_slice %arg9[%run_scoped3A_205, %dma_wait3A_415, %dma_wait3A_416] : memref<8x128x64xf32, #tpu.memory_space<vmem>> -> memref<1x128x64xf32, #tpu.memory_space<vmem>>
      %dma_wait3A_418 = tpu.memref_squeeze %dma_wait3A_417 : memref<1x128x64xf32, #tpu.memory_space<vmem>> -> memref<128x64xf32, #tpu.memory_space<vmem>>
      %dma_wait3A_419 = arith.constant 0 : i32
      %dma_wait3A_420 = tpu.memref_slice %arg10[%add3A_204, %dma_wait3A_419] : memref<10240x64xf32, #tpu.memory_space<vmem_shared>> -> memref<128x64xf32, #tpu.memory_space<vmem_shared>>
      tpu.wait_dma2 semaphore(%run_scoped3A_396 : memref<!tpu.dma_semaphore, #tpu.memory_space<semaphore_mem>>) src(%dma_wait3A_420 : memref<128x64xf32, #tpu.memory_space<vmem_shared>>) dst(%dma_wait3A_418 : memref<128x64xf32, #tpu.memory_space<vmem>>)
      tpu.yield
    }) : () -> ()
    %mul3A_206 = arith.constant 640 : i32
    %mul3A_207 = arith.muli %add3A, %mul3A_206 : i32
    %add3A_208 = arith.constant 0 : i32
    %add3A_209 = arith.addi %mul3A_207, %add3A_208 : i32
    %dma_start3A_210 = arith.constant 0 : i32
    %dma_start3A_211 = arith.constant 0 : i32
    %dma_start3A_212 = arith.constant 0 : i32
    %dma_start3A_213 = tpu.memref_slice %arg9[%dma_start3A_210, %dma_start3A_211, %dma_start3A_212] : memref<8x128x64xf32, #tpu.memory_space<vmem>> -> memref<1x128x64xf32, #tpu.memory_space<vmem>>
    %dma_start3A_214 = tpu.memref_squeeze %dma_start3A_213 : memref<1x128x64xf32, #tpu.memory_space<vmem>> -> memref<128x64xf32, #tpu.memory_space<vmem>>
    %dma_start3A_215 = arith.constant 0 : i32
    %dma_start3A_216 = tpu.memref_slice %arg6[%add3A_209, %dma_start3A_215] : memref<20480x64xf32, #tpu.memory_space<hbm>> -> memref<128x64xf32, #tpu.memory_space<hbm>>
    %dma_start3A_217 = arith.constant 0 : i32
    %dma_start3A_218 = tpu.memref_slice %arg6[%add3A_209, %dma_start3A_217] : memref<20480x64xf32, #tpu.memory_space<hbm>> -> memref<128x64xf32, #tpu.memory_space<hbm>>
    %dma_start3A_219 = arith.constant 0 : i32
    %dma_start3A_220 = arith.constant 0 : i32
    %dma_start3A_221 = tpu.memref_slice %arg9[%dma_start3A_210, %dma_start3A_219, %dma_start3A_220] : memref<8x128x64xf32, #tpu.memory_space<vmem>> -> memref<1x128x64xf32, #tpu.memory_space<vmem>>
    %dma_start3A_222 = tpu.memref_squeeze %dma_start3A_221 : memref<1x128x64xf32, #tpu.memory_space<vmem>> -> memref<128x64xf32, #tpu.memory_space<vmem>>
    tpu.enqueue_dma source(%dma_start3A_222 : memref<128x64xf32, #tpu.memory_space<vmem>>) target(%dma_start3A_218 : memref<128x64xf32, #tpu.memory_space<hbm>>) target_semaphore(%arg11 : memref<!tpu.dma_semaphore, #tpu.memory_space<semaphore_mem>>)
    %mul3A_223 = arith.constant 640 : i32
    %mul3A_224 = arith.muli %arg1, %mul3A_223 : i32
    %add3A_225 = arith.constant 128 : i32
    %add3A_226 = arith.addi %mul3A_224, %add3A_225 : i32
    %run_scoped3A_227 = arith.constant 1 : i32
    "tpu.region"() ({
      %run_scoped3A_396 = tpu.sem_alloc : memref<!tpu.dma_semaphore, #tpu.memory_space<semaphore_mem>>
      %dma_start3A_397 = arith.constant 0 : i32
      %dma_start3A_398 = arith.constant 0 : i32
      %dma_start3A_399 = tpu.memref_slice %arg9[%run_scoped3A_227, %dma_start3A_397, %dma_start3A_398] : memref<8x128x64xf32, #tpu.memory_space<vmem>> -> memref<1x128x64xf32, #tpu.memory_space<vmem>>
      %dma_start3A_400 = tpu.memref_squeeze %dma_start3A_399 : memref<1x128x64xf32, #tpu.memory_space<vmem>> -> memref<128x64xf32, #tpu.memory_space<vmem>>
      %dma_start3A_401 = arith.constant 0 : i32
      %dma_start3A_402 = tpu.memref_slice %arg10[%add3A_226, %dma_start3A_401] : memref<10240x64xf32, #tpu.memory_space<vmem_shared>> -> memref<128x64xf32, #tpu.memory_space<vmem_shared>>
      %dma_start3A_403 = arith.constant 0 : i32
      %dma_start3A_404 = arith.constant 0 : i32
      %dma_start3A_405 = tpu.memref_slice %arg9[%run_scoped3A_227, %dma_start3A_403, %dma_start3A_404] : memref<8x128x64xf32, #tpu.memory_space<vmem>> -> memref<1x128x64xf32, #tpu.memory_space<vmem>>
      %dma_start3A_406 = tpu.memref_squeeze %dma_start3A_405 : memref<1x128x64xf32, #tpu.memory_space<vmem>> -> memref<128x64xf32, #tpu.memory_space<vmem>>
      %dma_start3A_407 = arith.constant 0 : i32
      %dma_start3A_408 = tpu.memref_slice %arg10[%add3A_226, %dma_start3A_407] : memref<10240x64xf32, #tpu.memory_space<vmem_shared>> -> memref<128x64xf32, #tpu.memory_space<vmem_shared>>
      tpu.enqueue_dma source(%dma_start3A_408 : memref<128x64xf32, #tpu.memory_space<vmem_shared>>) target(%dma_start3A_406 : memref<128x64xf32, #tpu.memory_space<vmem>>) target_semaphore(%run_scoped3A_396 : memref<!tpu.dma_semaphore, #tpu.memory_space<semaphore_mem>>)
      %dma_wait3A_409 = arith.constant 0 : i32
      %dma_wait3A_410 = arith.constant 0 : i32
      %dma_wait3A_411 = tpu.memref_slice %arg9[%run_scoped3A_227, %dma_wait3A_409, %dma_wait3A_410] : memref<8x128x64xf32, #tpu.memory_space<vmem>> -> memref<1x128x64xf32, #tpu.memory_space<vmem>>
      %dma_wait3A_412 = tpu.memref_squeeze %dma_wait3A_411 : memref<1x128x64xf32, #tpu.memory_space<vmem>> -> memref<128x64xf32, #tpu.memory_space<vmem>>
      %dma_wait3A_413 = arith.constant 0 : i32
      %dma_wait3A_414 = tpu.memref_slice %arg10[%add3A_226, %dma_wait3A_413] : memref<10240x64xf32, #tpu.memory_space<vmem_shared>> -> memref<128x64xf32, #tpu.memory_space<vmem_shared>>
      %dma_wait3A_415 = arith.constant 0 : i32
      %dma_wait3A_416 = arith.constant 0 : i32
      %dma_wait3A_417 = tpu.memref_slice %arg9[%run_scoped3A_227, %dma_wait3A_415, %dma_wait3A_416] : memref<8x128x64xf32, #tpu.memory_space<vmem>> -> memref<1x128x64xf32, #tpu.memory_space<vmem>>
      %dma_wait3A_418 = tpu.memref_squeeze %dma_wait3A_417 : memref<1x128x64xf32, #tpu.memory_space<vmem>> -> memref<128x64xf32, #tpu.memory_space<vmem>>
      %dma_wait3A_419 = arith.constant 0 : i32
      %dma_wait3A_420 = tpu.memref_slice %arg10[%add3A_226, %dma_wait3A_419] : memref<10240x64xf32, #tpu.memory_space<vmem_shared>> -> memref<128x64xf32, #tpu.memory_space<vmem_shared>>
      tpu.wait_dma2 semaphore(%run_scoped3A_396 : memref<!tpu.dma_semaphore, #tpu.memory_space<semaphore_mem>>) src(%dma_wait3A_420 : memref<128x64xf32, #tpu.memory_space<vmem_shared>>) dst(%dma_wait3A_418 : memref<128x64xf32, #tpu.memory_space<vmem>>)
      tpu.yield
    }) : () -> ()
    %mul3A_228 = arith.constant 640 : i32
    %mul3A_229 = arith.muli %add3A, %mul3A_228 : i32
    %add3A_230 = arith.constant 128 : i32
    %add3A_231 = arith.addi %mul3A_229, %add3A_230 : i32
    %dma_start3A_232 = arith.constant 1 : i32
    %dma_start3A_233 = arith.constant 0 : i32
    %dma_start3A_234 = arith.constant 0 : i32
    %dma_start3A_235 = tpu.memref_slice %arg9[%dma_start3A_232, %dma_start3A_233, %dma_start3A_234] : memref<8x128x64xf32, #tpu.memory_space<vmem>> -> memref<1x128x64xf32, #tpu.memory_space<vmem>>
    %dma_start3A_236 = tpu.memref_squeeze %dma_start3A_235 : memref<1x128x64xf32, #tpu.memory_space<vmem>> -> memref<128x64xf32, #tpu.memory_space<vmem>>
    %dma_start3A_237 = arith.constant 0 : i32
    %dma_start3A_238 = tpu.memref_slice %arg6[%add3A_231, %dma_start3A_237] : memref<20480x64xf32, #tpu.memory_space<hbm>> -> memref<128x64xf32, #tpu.memory_space<hbm>>
    %dma_start3A_239 = arith.constant 0 : i32
    %dma_start3A_240 = tpu.memref_slice %arg6[%add3A_231, %dma_start3A_239] : memref<20480x64xf32, #tpu.memory_space<hbm>> -> memref<128x64xf32, #tpu.memory_space<hbm>>
    %dma_start3A_241 = arith.constant 0 : i32
    %dma_start3A_242 = arith.constant 0 : i32
    %dma_start3A_243 = tpu.memref_slice %arg9[%dma_start3A_232, %dma_start3A_241, %dma_start3A_242] : memref<8x128x64xf32, #tpu.memory_space<vmem>> -> memref<1x128x64xf32, #tpu.memory_space<vmem>>
    %dma_start3A_244 = tpu.memref_squeeze %dma_start3A_243 : memref<1x128x64xf32, #tpu.memory_space<vmem>> -> memref<128x64xf32, #tpu.memory_space<vmem>>
    tpu.enqueue_dma source(%dma_start3A_244 : memref<128x64xf32, #tpu.memory_space<vmem>>) target(%dma_start3A_240 : memref<128x64xf32, #tpu.memory_space<hbm>>) target_semaphore(%arg12 : memref<!tpu.dma_semaphore, #tpu.memory_space<semaphore_mem>>)
    %mul3A_245 = arith.constant 640 : i32
    %mul3A_246 = arith.muli %arg1, %mul3A_245 : i32
    %add3A_247 = arith.constant 256 : i32
    %add3A_248 = arith.addi %mul3A_246, %add3A_247 : i32
    %run_scoped3A_249 = arith.constant 2 : i32
    "tpu.region"() ({
      %run_scoped3A_396 = tpu.sem_alloc : memref<!tpu.dma_semaphore, #tpu.memory_space<semaphore_mem>>
      %dma_start3A_397 = arith.constant 0 : i32
      %dma_start3A_398 = arith.constant 0 : i32
      %dma_start3A_399 = tpu.memref_slice %arg9[%run_scoped3A_249, %dma_start3A_397, %dma_start3A_398] : memref<8x128x64xf32, #tpu.memory_space<vmem>> -> memref<1x128x64xf32, #tpu.memory_space<vmem>>
      %dma_start3A_400 = tpu.memref_squeeze %dma_start3A_399 : memref<1x128x64xf32, #tpu.memory_space<vmem>> -> memref<128x64xf32, #tpu.memory_space<vmem>>
      %dma_start3A_401 = arith.constant 0 : i32
      %dma_start3A_402 = tpu.memref_slice %arg10[%add3A_248, %dma_start3A_401] : memref<10240x64xf32, #tpu.memory_space<vmem_shared>> -> memref<128x64xf32, #tpu.memory_space<vmem_shared>>
      %dma_start3A_403 = arith.constant 0 : i32
      %dma_start3A_404 = arith.constant 0 : i32
      %dma_start3A_405 = tpu.memref_slice %arg9[%run_scoped3A_249, %dma_start3A_403, %dma_start3A_404] : memref<8x128x64xf32, #tpu.memory_space<vmem>> -> memref<1x128x64xf32, #tpu.memory_space<vmem>>
      %dma_start3A_406 = tpu.memref_squeeze %dma_start3A_405 : memref<1x128x64xf32, #tpu.memory_space<vmem>> -> memref<128x64xf32, #tpu.memory_space<vmem>>
      %dma_start3A_407 = arith.constant 0 : i32
      %dma_start3A_408 = tpu.memref_slice %arg10[%add3A_248, %dma_start3A_407] : memref<10240x64xf32, #tpu.memory_space<vmem_shared>> -> memref<128x64xf32, #tpu.memory_space<vmem_shared>>
      tpu.enqueue_dma source(%dma_start3A_408 : memref<128x64xf32, #tpu.memory_space<vmem_shared>>) target(%dma_start3A_406 : memref<128x64xf32, #tpu.memory_space<vmem>>) target_semaphore(%run_scoped3A_396 : memref<!tpu.dma_semaphore, #tpu.memory_space<semaphore_mem>>)
      %dma_wait3A_409 = arith.constant 0 : i32
      %dma_wait3A_410 = arith.constant 0 : i32
      %dma_wait3A_411 = tpu.memref_slice %arg9[%run_scoped3A_249, %dma_wait3A_409, %dma_wait3A_410] : memref<8x128x64xf32, #tpu.memory_space<vmem>> -> memref<1x128x64xf32, #tpu.memory_space<vmem>>
      %dma_wait3A_412 = tpu.memref_squeeze %dma_wait3A_411 : memref<1x128x64xf32, #tpu.memory_space<vmem>> -> memref<128x64xf32, #tpu.memory_space<vmem>>
      %dma_wait3A_413 = arith.constant 0 : i32
      %dma_wait3A_414 = tpu.memref_slice %arg10[%add3A_248, %dma_wait3A_413] : memref<10240x64xf32, #tpu.memory_space<vmem_shared>> -> memref<128x64xf32, #tpu.memory_space<vmem_shared>>
      %dma_wait3A_415 = arith.constant 0 : i32
      %dma_wait3A_416 = arith.constant 0 : i32
      %dma_wait3A_417 = tpu.memref_slice %arg9[%run_scoped3A_249, %dma_wait3A_415, %dma_wait3A_416] : memref<8x128x64xf32, #tpu.memory_space<vmem>> -> memref<1x128x64xf32, #tpu.memory_space<vmem>>
      %dma_wait3A_418 = tpu.memref_squeeze %dma_wait3A_417 : memref<1x128x64xf32, #tpu.memory_space<vmem>> -> memref<128x64xf32, #tpu.memory_space<vmem>>
      %dma_wait3A_419 = arith.constant 0 : i32
      %dma_wait3A_420 = tpu.memref_slice %arg10[%add3A_248, %dma_wait3A_419] : memref<10240x64xf32, #tpu.memory_space<vmem_shared>> -> memref<128x64xf32, #tpu.memory_space<vmem_shared>>
      tpu.wait_dma2 semaphore(%run_scoped3A_396 : memref<!tpu.dma_semaphore, #tpu.memory_space<semaphore_mem>>) src(%dma_wait3A_420 : memref<128x64xf32, #tpu.memory_space<vmem_shared>>) dst(%dma_wait3A_418 : memref<128x64xf32, #tpu.memory_space<vmem>>)
      tpu.yield
    }) : () -> ()
    %mul3A_250 = arith.constant 640 : i32
    %mul3A_251 = arith.muli %add3A, %mul3A_250 : i32
    %add3A_252 = arith.constant 256 : i32
    %add3A_253 = arith.addi %mul3A_251, %add3A_252 : i32
    %dma_start3A_254 = arith.constant 2 : i32
    %dma_start3A_255 = arith.constant 0 : i32
    %dma_start3A_256 = arith.constant 0 : i32
    %dma_start3A_257 = tpu.memref_slice %arg9[%dma_start3A_254, %dma_start3A_255, %dma_start3A_256] : memref<8x128x64xf32, #tpu.memory_space<vmem>> -> memref<1x128x64xf32, #tpu.memory_space<vmem>>
    %dma_start3A_258 = tpu.memref_squeeze %dma_start3A_257 : memref<1x128x64xf32, #tpu.memory_space<vmem>> -> memref<128x64xf32, #tpu.memory_space<vmem>>
    %dma_start3A_259 = arith.constant 0 : i32
    %dma_start3A_260 = tpu.memref_slice %arg6[%add3A_253, %dma_start3A_259] : memref<20480x64xf32, #tpu.memory_space<hbm>> -> memref<128x64xf32, #tpu.memory_space<hbm>>
    %dma_start3A_261 = arith.constant 0 : i32
    %dma_start3A_262 = tpu.memref_slice %arg6[%add3A_253, %dma_start3A_261] : memref<20480x64xf32, #tpu.memory_space<hbm>> -> memref<128x64xf32, #tpu.memory_space<hbm>>
    %dma_start3A_263 = arith.constant 0 : i32
    %dma_start3A_264 = arith.constant 0 : i32
    %dma_start3A_265 = tpu.memref_slice %arg9[%dma_start3A_254, %dma_start3A_263, %dma_start3A_264] : memref<8x128x64xf32, #tpu.memory_space<vmem>> -> memref<1x128x64xf32, #tpu.memory_space<vmem>>
    %dma_start3A_266 = tpu.memref_squeeze %dma_start3A_265 : memref<1x128x64xf32, #tpu.memory_space<vmem>> -> memref<128x64xf32, #tpu.memory_space<vmem>>
    tpu.enqueue_dma source(%dma_start3A_266 : memref<128x64xf32, #tpu.memory_space<vmem>>) target(%dma_start3A_262 : memref<128x64xf32, #tpu.memory_space<hbm>>) target_semaphore(%arg13 : memref<!tpu.dma_semaphore, #tpu.memory_space<semaphore_mem>>)
    %mul3A_267 = arith.constant 640 : i32
    %mul3A_268 = arith.muli %arg1, %mul3A_267 : i32
    %add3A_269 = arith.constant 384 : i32
    %add3A_270 = arith.addi %mul3A_268, %add3A_269 : i32
    %run_scoped3A_271 = arith.constant 3 : i32
    "tpu.region"() ({
      %run_scoped3A_396 = tpu.sem_alloc : memref<!tpu.dma_semaphore, #tpu.memory_space<semaphore_mem>>
      %dma_start3A_397 = arith.constant 0 : i32
      %dma_start3A_398 = arith.constant 0 : i32
      %dma_start3A_399 = tpu.memref_slice %arg9[%run_scoped3A_271, %dma_start3A_397, %dma_start3A_398] : memref<8x128x64xf32, #tpu.memory_space<vmem>> -> memref<1x128x64xf32, #tpu.memory_space<vmem>>
      %dma_start3A_400 = tpu.memref_squeeze %dma_start3A_399 : memref<1x128x64xf32, #tpu.memory_space<vmem>> -> memref<128x64xf32, #tpu.memory_space<vmem>>
      %dma_start3A_401 = arith.constant 0 : i32
      %dma_start3A_402 = tpu.memref_slice %arg10[%add3A_270, %dma_start3A_401] : memref<10240x64xf32, #tpu.memory_space<vmem_shared>> -> memref<128x64xf32, #tpu.memory_space<vmem_shared>>
      %dma_start3A_403 = arith.constant 0 : i32
      %dma_start3A_404 = arith.constant 0 : i32
      %dma_start3A_405 = tpu.memref_slice %arg9[%run_scoped3A_271, %dma_start3A_403, %dma_start3A_404] : memref<8x128x64xf32, #tpu.memory_space<vmem>> -> memref<1x128x64xf32, #tpu.memory_space<vmem>>
      %dma_start3A_406 = tpu.memref_squeeze %dma_start3A_405 : memref<1x128x64xf32, #tpu.memory_space<vmem>> -> memref<128x64xf32, #tpu.memory_space<vmem>>
      %dma_start3A_407 = arith.constant 0 : i32
      %dma_start3A_408 = tpu.memref_slice %arg10[%add3A_270, %dma_start3A_407] : memref<10240x64xf32, #tpu.memory_space<vmem_shared>> -> memref<128x64xf32, #tpu.memory_space<vmem_shared>>
      tpu.enqueue_dma source(%dma_start3A_408 : memref<128x64xf32, #tpu.memory_space<vmem_shared>>) target(%dma_start3A_406 : memref<128x64xf32, #tpu.memory_space<vmem>>) target_semaphore(%run_scoped3A_396 : memref<!tpu.dma_semaphore, #tpu.memory_space<semaphore_mem>>)
      %dma_wait3A_409 = arith.constant 0 : i32
      %dma_wait3A_410 = arith.constant 0 : i32
      %dma_wait3A_411 = tpu.memref_slice %arg9[%run_scoped3A_271, %dma_wait3A_409, %dma_wait3A_410] : memref<8x128x64xf32, #tpu.memory_space<vmem>> -> memref<1x128x64xf32, #tpu.memory_space<vmem>>
      %dma_wait3A_412 = tpu.memref_squeeze %dma_wait3A_411 : memref<1x128x64xf32, #tpu.memory_space<vmem>> -> memref<128x64xf32, #tpu.memory_space<vmem>>
      %dma_wait3A_413 = arith.constant 0 : i32
      %dma_wait3A_414 = tpu.memref_slice %arg10[%add3A_270, %dma_wait3A_413] : memref<10240x64xf32, #tpu.memory_space<vmem_shared>> -> memref<128x64xf32, #tpu.memory_space<vmem_shared>>
      %dma_wait3A_415 = arith.constant 0 : i32
      %dma_wait3A_416 = arith.constant 0 : i32
      %dma_wait3A_417 = tpu.memref_slice %arg9[%run_scoped3A_271, %dma_wait3A_415, %dma_wait3A_416] : memref<8x128x64xf32, #tpu.memory_space<vmem>> -> memref<1x128x64xf32, #tpu.memory_space<vmem>>
      %dma_wait3A_418 = tpu.memref_squeeze %dma_wait3A_417 : memref<1x128x64xf32, #tpu.memory_space<vmem>> -> memref<128x64xf32, #tpu.memory_space<vmem>>
      %dma_wait3A_419 = arith.constant 0 : i32
      %dma_wait3A_420 = tpu.memref_slice %arg10[%add3A_270, %dma_wait3A_419] : memref<10240x64xf32, #tpu.memory_space<vmem_shared>> -> memref<128x64xf32, #tpu.memory_space<vmem_shared>>
      tpu.wait_dma2 semaphore(%run_scoped3A_396 : memref<!tpu.dma_semaphore, #tpu.memory_space<semaphore_mem>>) src(%dma_wait3A_420 : memref<128x64xf32, #tpu.memory_space<vmem_shared>>) dst(%dma_wait3A_418 : memref<128x64xf32, #tpu.memory_space<vmem>>)
      tpu.yield
    }) : () -> ()
    %mul3A_272 = arith.constant 640 : i32
    %mul3A_273 = arith.muli %add3A, %mul3A_272 : i32
    %add3A_274 = arith.constant 384 : i32
    %add3A_275 = arith.addi %mul3A_273, %add3A_274 : i32
    %dma_start3A_276 = arith.constant 3 : i32
    %dma_start3A_277 = arith.constant 0 : i32
    %dma_start3A_278 = arith.constant 0 : i32
    %dma_start3A_279 = tpu.memref_slice %arg9[%dma_start3A_276, %dma_start3A_277, %dma_start3A_278] : memref<8x128x64xf32, #tpu.memory_space<vmem>> -> memref<1x128x64xf32, #tpu.memory_space<vmem>>
    %dma_start3A_280 = tpu.memref_squeeze %dma_start3A_279 : memref<1x128x64xf32, #tpu.memory_space<vmem>> -> memref<128x64xf32, #tpu.memory_space<vmem>>
    %dma_start3A_281 = arith.constant 0 : i32
    %dma_start3A_282 = tpu.memref_slice %arg6[%add3A_275, %dma_start3A_281] : memref<20480x64xf32, #tpu.memory_space<hbm>> -> memref<128x64xf32, #tpu.memory_space<hbm>>
    %dma_start3A_283 = arith.constant 0 : i32
    %dma_start3A_284 = tpu.memref_slice %arg6[%add3A_275, %dma_start3A_283] : memref<20480x64xf32, #tpu.memory_space<hbm>> -> memref<128x64xf32, #tpu.memory_space<hbm>>
    %dma_start3A_285 = arith.constant 0 : i32
    %dma_start3A_286 = arith.constant 0 : i32
    %dma_start3A_287 = tpu.memref_slice %arg9[%dma_start3A_276, %dma_start3A_285, %dma_start3A_286] : memref<8x128x64xf32, #tpu.memory_space<vmem>> -> memref<1x128x64xf32, #tpu.memory_space<vmem>>
    %dma_start3A_288 = tpu.memref_squeeze %dma_start3A_287 : memref<1x128x64xf32, #tpu.memory_space<vmem>> -> memref<128x64xf32, #tpu.memory_space<vmem>>
    tpu.enqueue_dma source(%dma_start3A_288 : memref<128x64xf32, #tpu.memory_space<vmem>>) target(%dma_start3A_284 : memref<128x64xf32, #tpu.memory_space<hbm>>) target_semaphore(%arg14 : memref<!tpu.dma_semaphore, #tpu.memory_space<semaphore_mem>>)
    %mul3A_289 = arith.constant 640 : i32
    %mul3A_290 = arith.muli %arg1, %mul3A_289 : i32
    %add3A_291 = arith.constant 512 : i32
    %add3A_292 = arith.addi %mul3A_290, %add3A_291 : i32
    %run_scoped3A_293 = arith.constant 4 : i32
    "tpu.region"() ({
      %run_scoped3A_396 = tpu.sem_alloc : memref<!tpu.dma_semaphore, #tpu.memory_space<semaphore_mem>>
      %dma_start3A_397 = arith.constant 0 : i32
      %dma_start3A_398 = arith.constant 0 : i32
      %dma_start3A_399 = tpu.memref_slice %arg9[%run_scoped3A_293, %dma_start3A_397, %dma_start3A_398] : memref<8x128x64xf32, #tpu.memory_space<vmem>> -> memref<1x128x64xf32, #tpu.memory_space<vmem>>
      %dma_start3A_400 = tpu.memref_squeeze %dma_start3A_399 : memref<1x128x64xf32, #tpu.memory_space<vmem>> -> memref<128x64xf32, #tpu.memory_space<vmem>>
      %dma_start3A_401 = arith.constant 0 : i32
      %dma_start3A_402 = tpu.memref_slice %arg10[%add3A_292, %dma_start3A_401] : memref<10240x64xf32, #tpu.memory_space<vmem_shared>> -> memref<128x64xf32, #tpu.memory_space<vmem_shared>>
      %dma_start3A_403 = arith.constant 0 : i32
      %dma_start3A_404 = arith.constant 0 : i32
      %dma_start3A_405 = tpu.memref_slice %arg9[%run_scoped3A_293, %dma_start3A_403, %dma_start3A_404] : memref<8x128x64xf32, #tpu.memory_space<vmem>> -> memref<1x128x64xf32, #tpu.memory_space<vmem>>
      %dma_start3A_406 = tpu.memref_squeeze %dma_start3A_405 : memref<1x128x64xf32, #tpu.memory_space<vmem>> -> memref<128x64xf32, #tpu.memory_space<vmem>>
      %dma_start3A_407 = arith.constant 0 : i32
      %dma_start3A_408 = tpu.memref_slice %arg10[%add3A_292, %dma_start3A_407] : memref<10240x64xf32, #tpu.memory_space<vmem_shared>> -> memref<128x64xf32, #tpu.memory_space<vmem_shared>>
      tpu.enqueue_dma source(%dma_start3A_408 : memref<128x64xf32, #tpu.memory_space<vmem_shared>>) target(%dma_start3A_406 : memref<128x64xf32, #tpu.memory_space<vmem>>) target_semaphore(%run_scoped3A_396 : memref<!tpu.dma_semaphore, #tpu.memory_space<semaphore_mem>>)
      %dma_wait3A_409 = arith.constant 0 : i32
      %dma_wait3A_410 = arith.constant 0 : i32
      %dma_wait3A_411 = tpu.memref_slice %arg9[%run_scoped3A_293, %dma_wait3A_409, %dma_wait3A_410] : memref<8x128x64xf32, #tpu.memory_space<vmem>> -> memref<1x128x64xf32, #tpu.memory_space<vmem>>
      %dma_wait3A_412 = tpu.memref_squeeze %dma_wait3A_411 : memref<1x128x64xf32, #tpu.memory_space<vmem>> -> memref<128x64xf32, #tpu.memory_space<vmem>>
      %dma_wait3A_413 = arith.constant 0 : i32
      %dma_wait3A_414 = tpu.memref_slice %arg10[%add3A_292, %dma_wait3A_413] : memref<10240x64xf32, #tpu.memory_space<vmem_shared>> -> memref<128x64xf32, #tpu.memory_space<vmem_shared>>
      %dma_wait3A_415 = arith.constant 0 : i32
      %dma_wait3A_416 = arith.constant 0 : i32
      %dma_wait3A_417 = tpu.memref_slice %arg9[%run_scoped3A_293, %dma_wait3A_415, %dma_wait3A_416] : memref<8x128x64xf32, #tpu.memory_space<vmem>> -> memref<1x128x64xf32, #tpu.memory_space<vmem>>
      %dma_wait3A_418 = tpu.memref_squeeze %dma_wait3A_417 : memref<1x128x64xf32, #tpu.memory_space<vmem>> -> memref<128x64xf32, #tpu.memory_space<vmem>>
      %dma_wait3A_419 = arith.constant 0 : i32
      %dma_wait3A_420 = tpu.memref_slice %arg10[%add3A_292, %dma_wait3A_419] : memref<10240x64xf32, #tpu.memory_space<vmem_shared>> -> memref<128x64xf32, #tpu.memory_space<vmem_shared>>
      tpu.wait_dma2 semaphore(%run_scoped3A_396 : memref<!tpu.dma_semaphore, #tpu.memory_space<semaphore_mem>>) src(%dma_wait3A_420 : memref<128x64xf32, #tpu.memory_space<vmem_shared>>) dst(%dma_wait3A_418 : memref<128x64xf32, #tpu.memory_space<vmem>>)
      tpu.yield
    }) : () -> ()
    %mul3A_294 = arith.constant 640 : i32
    %mul3A_295 = arith.muli %add3A, %mul3A_294 : i32
    %add3A_296 = arith.constant 512 : i32
    %add3A_297 = arith.addi %mul3A_295, %add3A_296 : i32
    %dma_start3A_298 = arith.constant 4 : i32
    %dma_start3A_299 = arith.constant 0 : i32
    %dma_start3A_300 = arith.constant 0 : i32
    %dma_start3A_301 = tpu.memref_slice %arg9[%dma_start3A_298, %dma_start3A_299, %dma_start3A_300] : memref<8x128x64xf32, #tpu.memory_space<vmem>> -> memref<1x128x64xf32, #tpu.memory_space<vmem>>
    %dma_start3A_302 = tpu.memref_squeeze %dma_start3A_301 : memref<1x128x64xf32, #tpu.memory_space<vmem>> -> memref<128x64xf32, #tpu.memory_space<vmem>>
    %dma_start3A_303 = arith.constant 0 : i32
    %dma_start3A_304 = tpu.memref_slice %arg6[%add3A_297, %dma_start3A_303] : memref<20480x64xf32, #tpu.memory_space<hbm>> -> memref<128x64xf32, #tpu.memory_space<hbm>>
    %dma_start3A_305 = arith.constant 0 : i32
    %dma_start3A_306 = tpu.memref_slice %arg6[%add3A_297, %dma_start3A_305] : memref<20480x64xf32, #tpu.memory_space<hbm>> -> memref<128x64xf32, #tpu.memory_space<hbm>>
    %dma_start3A_307 = arith.constant 0 : i32
    %dma_start3A_308 = arith.constant 0 : i32
    %dma_start3A_309 = tpu.memref_slice %arg9[%dma_start3A_298, %dma_start3A_307, %dma_start3A_308] : memref<8x128x64xf32, #tpu.memory_space<vmem>> -> memref<1x128x64xf32, #tpu.memory_space<vmem>>
    %dma_start3A_310 = tpu.memref_squeeze %dma_start3A_309 : memref<1x128x64xf32, #tpu.memory_space<vmem>> -> memref<128x64xf32, #tpu.memory_space<vmem>>
    tpu.enqueue_dma source(%dma_start3A_310 : memref<128x64xf32, #tpu.memory_space<vmem>>) target(%dma_start3A_306 : memref<128x64xf32, #tpu.memory_space<hbm>>) target_semaphore(%arg15 : memref<!tpu.dma_semaphore, #tpu.memory_space<semaphore_mem>>)
    %mul3A_311 = arith.constant 640 : i32
    %mul3A_312 = arith.muli %add3A, %mul3A_311 : i32
    %add3A_313 = arith.constant 0 : i32
    %add3A_314 = arith.addi %mul3A_312, %add3A_313 : i32
    %dma_wait3A_315 = arith.constant 0 : i32
    %dma_wait3A_316 = arith.constant 0 : i32
    %dma_wait3A_317 = arith.constant 0 : i32
    %dma_wait3A_318 = tpu.memref_slice %arg9[%dma_wait3A_315, %dma_wait3A_316, %dma_wait3A_317] : memref<8x128x64xf32, #tpu.memory_space<vmem>> -> memref<1x128x64xf32, #tpu.memory_space<vmem>>
    %dma_wait3A_319 = tpu.memref_squeeze %dma_wait3A_318 : memref<1x128x64xf32, #tpu.memory_space<vmem>> -> memref<128x64xf32, #tpu.memory_space<vmem>>
    %dma_wait3A_320 = arith.constant 0 : i32
    %dma_wait3A_321 = tpu.memref_slice %arg6[%add3A_314, %dma_wait3A_320] : memref<20480x64xf32, #tpu.memory_space<hbm>> -> memref<128x64xf32, #tpu.memory_space<hbm>>
    %dma_wait3A_322 = arith.constant 0 : i32
    %dma_wait3A_323 = tpu.memref_slice %arg6[%add3A_314, %dma_wait3A_322] : memref<20480x64xf32, #tpu.memory_space<hbm>> -> memref<128x64xf32, #tpu.memory_space<hbm>>
    %dma_wait3A_324 = arith.constant 0 : i32
    %dma_wait3A_325 = arith.constant 0 : i32
    %dma_wait3A_326 = tpu.memref_slice %arg9[%dma_wait3A_315, %dma_wait3A_324, %dma_wait3A_325] : memref<8x128x64xf32, #tpu.memory_space<vmem>> -> memref<1x128x64xf32, #tpu.memory_space<vmem>>
    %dma_wait3A_327 = tpu.memref_squeeze %dma_wait3A_326 : memref<1x128x64xf32, #tpu.memory_space<vmem>> -> memref<128x64xf32, #tpu.memory_space<vmem>>
    tpu.wait_dma2 semaphore(%arg11 : memref<!tpu.dma_semaphore, #tpu.memory_space<semaphore_mem>>) src(%dma_wait3A_327 : memref<128x64xf32, #tpu.memory_space<vmem>>) dst(%dma_wait3A_323 : memref<128x64xf32, #tpu.memory_space<hbm>>)
    %mul3A_328 = arith.constant 640 : i32
    %mul3A_329 = arith.muli %add3A, %mul3A_328 : i32
    %add3A_330 = arith.constant 128 : i32
    %add3A_331 = arith.addi %mul3A_329, %add3A_330 : i32
    %dma_wait3A_332 = arith.constant 1 : i32
    %dma_wait3A_333 = arith.constant 0 : i32
    %dma_wait3A_334 = arith.constant 0 : i32
    %dma_wait3A_335 = tpu.memref_slice %arg9[%dma_wait3A_332, %dma_wait3A_333, %dma_wait3A_334] : memref<8x128x64xf32, #tpu.memory_space<vmem>> -> memref<1x128x64xf32, #tpu.memory_space<vmem>>
    %dma_wait3A_336 = tpu.memref_squeeze %dma_wait3A_335 : memref<1x128x64xf32, #tpu.memory_space<vmem>> -> memref<128x64xf32, #tpu.memory_space<vmem>>
    %dma_wait3A_337 = arith.constant 0 : i32
    %dma_wait3A_338 = tpu.memref_slice %arg6[%add3A_331, %dma_wait3A_337] : memref<20480x64xf32, #tpu.memory_space<hbm>> -> memref<128x64xf32, #tpu.memory_space<hbm>>
    %dma_wait3A_339 = arith.constant 0 : i32
    %dma_wait3A_340 = tpu.memref_slice %arg6[%add3A_331, %dma_wait3A_339] : memref<20480x64xf32, #tpu.memory_space<hbm>> -> memref<128x64xf32, #tpu.memory_space<hbm>>
    %dma_wait3A_341 = arith.constant 0 : i32
    %dma_wait3A_342 = arith.constant 0 : i32
    %dma_wait3A_343 = tpu.memref_slice %arg9[%dma_wait3A_332, %dma_wait3A_341, %dma_wait3A_342] : memref<8x128x64xf32, #tpu.memory_space<vmem>> -> memref<1x128x64xf32, #tpu.memory_space<vmem>>
    %dma_wait3A_344 = tpu.memref_squeeze %dma_wait3A_343 : memref<1x128x64xf32, #tpu.memory_space<vmem>> -> memref<128x64xf32, #tpu.memory_space<vmem>>
    tpu.wait_dma2 semaphore(%arg12 : memref<!tpu.dma_semaphore, #tpu.memory_space<semaphore_mem>>) src(%dma_wait3A_344 : memref<128x64xf32, #tpu.memory_space<vmem>>) dst(%dma_wait3A_340 : memref<128x64xf32, #tpu.memory_space<hbm>>)
    %mul3A_345 = arith.constant 640 : i32
    %mul3A_346 = arith.muli %add3A, %mul3A_345 : i32
    %add3A_347 = arith.constant 256 : i32
    %add3A_348 = arith.addi %mul3A_346, %add3A_347 : i32
    %dma_wait3A_349 = arith.constant 2 : i32
    %dma_wait3A_350 = arith.constant 0 : i32
    %dma_wait3A_351 = arith.constant 0 : i32
    %dma_wait3A_352 = tpu.memref_slice %arg9[%dma_wait3A_349, %dma_wait3A_350, %dma_wait3A_351] : memref<8x128x64xf32, #tpu.memory_space<vmem>> -> memref<1x128x64xf32, #tpu.memory_space<vmem>>
    %dma_wait3A_353 = tpu.memref_squeeze %dma_wait3A_352 : memref<1x128x64xf32, #tpu.memory_space<vmem>> -> memref<128x64xf32, #tpu.memory_space<vmem>>
    %dma_wait3A_354 = arith.constant 0 : i32
    %dma_wait3A_355 = tpu.memref_slice %arg6[%add3A_348, %dma_wait3A_354] : memref<20480x64xf32, #tpu.memory_space<hbm>> -> memref<128x64xf32, #tpu.memory_space<hbm>>
    %dma_wait3A_356 = arith.constant 0 : i32
    %dma_wait3A_357 = tpu.memref_slice %arg6[%add3A_348, %dma_wait3A_356] : memref<20480x64xf32, #tpu.memory_space<hbm>> -> memref<128x64xf32, #tpu.memory_space<hbm>>
    %dma_wait3A_358 = arith.constant 0 : i32
    %dma_wait3A_359 = arith.constant 0 : i32
    %dma_wait3A_360 = tpu.memref_slice %arg9[%dma_wait3A_349, %dma_wait3A_358, %dma_wait3A_359] : memref<8x128x64xf32, #tpu.memory_space<vmem>> -> memref<1x128x64xf32, #tpu.memory_space<vmem>>
    %dma_wait3A_361 = tpu.memref_squeeze %dma_wait3A_360 : memref<1x128x64xf32, #tpu.memory_space<vmem>> -> memref<128x64xf32, #tpu.memory_space<vmem>>
    tpu.wait_dma2 semaphore(%arg13 : memref<!tpu.dma_semaphore, #tpu.memory_space<semaphore_mem>>) src(%dma_wait3A_361 : memref<128x64xf32, #tpu.memory_space<vmem>>) dst(%dma_wait3A_357 : memref<128x64xf32, #tpu.memory_space<hbm>>)
    %mul3A_362 = arith.constant 640 : i32
    %mul3A_363 = arith.muli %add3A, %mul3A_362 : i32
    %add3A_364 = arith.constant 384 : i32
    %add3A_365 = arith.addi %mul3A_363, %add3A_364 : i32
    %dma_wait3A_366 = arith.constant 3 : i32
    %dma_wait3A_367 = arith.constant 0 : i32
    %dma_wait3A_368 = arith.constant 0 : i32
    %dma_wait3A_369 = tpu.memref_slice %arg9[%dma_wait3A_366, %dma_wait3A_367, %dma_wait3A_368] : memref<8x128x64xf32, #tpu.memory_space<vmem>> -> memref<1x128x64xf32, #tpu.memory_space<vmem>>
    %dma_wait3A_370 = tpu.memref_squeeze %dma_wait3A_369 : memref<1x128x64xf32, #tpu.memory_space<vmem>> -> memref<128x64xf32, #tpu.memory_space<vmem>>
    %dma_wait3A_371 = arith.constant 0 : i32
    %dma_wait3A_372 = tpu.memref_slice %arg6[%add3A_365, %dma_wait3A_371] : memref<20480x64xf32, #tpu.memory_space<hbm>> -> memref<128x64xf32, #tpu.memory_space<hbm>>
    %dma_wait3A_373 = arith.constant 0 : i32
    %dma_wait3A_374 = tpu.memref_slice %arg6[%add3A_365, %dma_wait3A_373] : memref<20480x64xf32, #tpu.memory_space<hbm>> -> memref<128x64xf32, #tpu.memory_space<hbm>>
    %dma_wait3A_375 = arith.constant 0 : i32
    %dma_wait3A_376 = arith.constant 0 : i32
    %dma_wait3A_377 = tpu.memref_slice %arg9[%dma_wait3A_366, %dma_wait3A_375, %dma_wait3A_376] : memref<8x128x64xf32, #tpu.memory_space<vmem>> -> memref<1x128x64xf32, #tpu.memory_space<vmem>>
    %dma_wait3A_378 = tpu.memref_squeeze %dma_wait3A_377 : memref<1x128x64xf32, #tpu.memory_space<vmem>> -> memref<128x64xf32, #tpu.memory_space<vmem>>
    tpu.wait_dma2 semaphore(%arg14 : memref<!tpu.dma_semaphore, #tpu.memory_space<semaphore_mem>>) src(%dma_wait3A_378 : memref<128x64xf32, #tpu.memory_space<vmem>>) dst(%dma_wait3A_374 : memref<128x64xf32, #tpu.memory_space<hbm>>)
    %mul3A_379 = arith.constant 640 : i32
    %mul3A_380 = arith.muli %add3A, %mul3A_379 : i32
    %add3A_381 = arith.constant 512 : i32
    %add3A_382 = arith.addi %mul3A_380, %add3A_381 : i32
    %dma_wait3A_383 = arith.constant 4 : i32
    %dma_wait3A_384 = arith.constant 0 : i32
    %dma_wait3A_385 = arith.constant 0 : i32
    %dma_wait3A_386 = tpu.memref_slice %arg9[%dma_wait3A_383, %dma_wait3A_384, %dma_wait3A_385] : memref<8x128x64xf32, #tpu.memory_space<vmem>> -> memref<1x128x64xf32, #tpu.memory_space<vmem>>
    %dma_wait3A_387 = tpu.memref_squeeze %dma_wait3A_386 : memref<1x128x64xf32, #tpu.memory_space<vmem>> -> memref<128x64xf32, #tpu.memory_space<vmem>>
    %dma_wait3A_388 = arith.constant 0 : i32
    %dma_wait3A_389 = tpu.memref_slice %arg6[%add3A_382, %dma_wait3A_388] : memref<20480x64xf32, #tpu.memory_space<hbm>> -> memref<128x64xf32, #tpu.memory_space<hbm>>
    %dma_wait3A_390 = arith.constant 0 : i32
    %dma_wait3A_391 = tpu.memref_slice %arg6[%add3A_382, %dma_wait3A_390] : memref<20480x64xf32, #tpu.memory_space<hbm>> -> memref<128x64xf32, #tpu.memory_space<hbm>>
    %dma_wait3A_392 = arith.constant 0 : i32
    %dma_wait3A_393 = arith.constant 0 : i32
    %dma_wait3A_394 = tpu.memref_slice %arg9[%dma_wait3A_383, %dma_wait3A_392, %dma_wait3A_393] : memref<8x128x64xf32, #tpu.memory_space<vmem>> -> memref<1x128x64xf32, #tpu.memory_space<vmem>>
    %dma_wait3A_395 = tpu.memref_squeeze %dma_wait3A_394 : memref<1x128x64xf32, #tpu.memory_space<vmem>> -> memref<128x64xf32, #tpu.memory_space<vmem>>
    tpu.wait_dma2 semaphore(%arg15 : memref<!tpu.dma_semaphore, #tpu.memory_space<semaphore_mem>>) src(%dma_wait3A_395 : memref<128x64xf32, #tpu.memory_space<vmem>>) dst(%dma_wait3A_391 : memref<128x64xf32, #tpu.memory_space<hbm>>)
    return
  }
}

#map = affine_map<(d0, d1) -> (0, 0)>
module attributes {stable_mosaic.version = 14 : i64} {
  func.func @_sc_agg_body(%arg0: i32, %arg1: i32, %arg2: memref<10000x64xf32, #tpu.memory_space<hbm>>, %arg3: memref<2560x128xi32, #tpu.memory_space<hbm>>, %arg4: memref<2560x128xi32, #tpu.memory_space<hbm>>, %arg5: memref<128x64xf32, #tpu.memory_space<hbm>>, %arg6: memref<20480x64xf32, #tpu.memory_space<hbm>>, %arg7: memref<80x128xi32, #tpu.memory_space<vmem>>, %arg8: memref<80x128xi32, #tpu.memory_space<vmem>>, %arg9: memref<8x128x64xf32, #tpu.memory_space<vmem>>, %arg10: memref<10240x64xf32, #tpu.memory_space<vmem_shared>>, %arg11: memref<!tpu.dma_semaphore, #tpu.memory_space<semaphore_mem>>, %arg12: memref<!tpu.dma_semaphore, #tpu.memory_space<semaphore_mem>>, %arg13: memref<!tpu.dma_semaphore, #tpu.memory_space<semaphore_mem>>, %arg14: memref<!tpu.dma_semaphore, #tpu.memory_space<semaphore_mem>>, %arg15: memref<!tpu.dma_semaphore, #tpu.memory_space<semaphore_mem>>, %arg16: memref<!tpu.dma_semaphore, #tpu.memory_space<semaphore_mem>>, %arg17: memref<!tpu.dma_semaphore, #tpu.memory_space<semaphore_mem>>, %arg18: memref<!tpu.dma_semaphore, #tpu.memory_space<semaphore_mem>>, %arg19: memref<!tpu.dma_semaphore, #tpu.memory_space<semaphore_mem>>, %arg20: memref<!tpu.dma_semaphore, #tpu.memory_space<semaphore_mem>>, %arg21: memref<!tpu.dma_semaphore, #tpu.memory_space<semaphore_mem>>, %arg22: memref<!tpu.dma_semaphore, #tpu.memory_space<semaphore_mem>>, %arg23: memref<!tpu.dma_semaphore, #tpu.memory_space<semaphore_mem>>, %arg24: memref<!tpu.dma_semaphore, #tpu.memory_space<semaphore_mem>>, %arg25: memref<!tpu.dma_semaphore, #tpu.memory_space<semaphore_mem>>, %arg26: memref<!tpu.dma_semaphore, #tpu.memory_space<semaphore_mem>>) attributes {dimension_semantics = [#tpu.dimension_semantics<core_parallel>, #tpu.dimension_semantics<subcore_parallel>], iteration_bounds = array<i64: 2, 16>, scalar_prefetch = 0 : i64, scratch_operands = 20 : i64, tpu.core_type = #tpu.core_type<sc_vector_subcore>, window_params = [{transform_indices = #map}, {transform_indices = #map}, {transform_indices = #map}, {transform_indices = #map}, {transform_indices = #map}]} {
    %mul3A = arith.constant 16 : i32
    %mul3A_0 = arith.muli %arg0, %mul3A : i32
    %add3A = arith.addi %mul3A_0, %arg1 : i32
    %run_scoped3A = arith.constant 0 : i32
    "tpu.region"() ({
      %run_scoped3A_396 = tpu.sem_alloc : memref<!tpu.dma_semaphore, #tpu.memory_space<semaphore_mem>>
      %dma_start3A_397 = arith.constant 0 : i32
      %dma_start3A_398 = arith.constant 0 : i32
      %dma_start3A_399 = tpu.memref_slice %arg9[%run_scoped3A, %dma_start3A_397, %dma_start3A_398] : memref<8x128x64xf32, #tpu.memory_space<vmem>> -> memref<1x128x64xf32, #tpu.memory_space<vmem>>
      %dma_start3A_400 = tpu.memref_squeeze %dma_start3A_399 : memref<1x128x64xf32, #tpu.memory_space<vmem>> -> memref<128x64xf32, #tpu.memory_space<vmem>>
      %dma_start3A_401 = arith.constant 0 : i32
      %dma_start3A_402 = arith.constant 0 : i32
      %dma_start3A_403 = tpu.memref_slice %arg9[%run_scoped3A, %dma_start3A_401, %dma_start3A_402] : memref<8x128x64xf32, #tpu.memory_space<vmem>> -> memref<1x128x64xf32, #tpu.memory_space<vmem>>
      %dma_start3A_404 = tpu.memref_squeeze %dma_start3A_403 : memref<1x128x64xf32, #tpu.memory_space<vmem>> -> memref<128x64xf32, #tpu.memory_space<vmem>>
      tpu.enqueue_dma source(%arg5 : memref<128x64xf32, #tpu.memory_space<hbm>>) target(%dma_start3A_404 : memref<128x64xf32, #tpu.memory_space<vmem>>) target_semaphore(%run_scoped3A_396 : memref<!tpu.dma_semaphore, #tpu.memory_space<semaphore_mem>>)
      %dma_wait3A_405 = arith.constant 0 : i32
      %dma_wait3A_406 = arith.constant 0 : i32
      %dma_wait3A_407 = tpu.memref_slice %arg9[%run_scoped3A, %dma_wait3A_405, %dma_wait3A_406] : memref<8x128x64xf32, #tpu.memory_space<vmem>> -> memref<1x128x64xf32, #tpu.memory_space<vmem>>
      %dma_wait3A_408 = tpu.memref_squeeze %dma_wait3A_407 : memref<1x128x64xf32, #tpu.memory_space<vmem>> -> memref<128x64xf32, #tpu.memory_space<vmem>>
      %dma_wait3A_409 = arith.constant 0 : i32
      %dma_wait3A_410 = arith.constant 0 : i32
      %dma_wait3A_411 = tpu.memref_slice %arg9[%run_scoped3A, %dma_wait3A_409, %dma_wait3A_410] : memref<8x128x64xf32, #tpu.memory_space<vmem>> -> memref<1x128x64xf32, #tpu.memory_space<vmem>>
      %dma_wait3A_412 = tpu.memref_squeeze %dma_wait3A_411 : memref<1x128x64xf32, #tpu.memory_space<vmem>> -> memref<128x64xf32, #tpu.memory_space<vmem>>
      tpu.wait_dma2 semaphore(%run_scoped3A_396 : memref<!tpu.dma_semaphore, #tpu.memory_space<semaphore_mem>>) src(%arg5 : memref<128x64xf32, #tpu.memory_space<hbm>>) dst(%dma_wait3A_412 : memref<128x64xf32, #tpu.memory_space<vmem>>)
      tpu.yield
    }) : () -> ()
    %mul3A_1 = arith.constant 640 : i32
    %mul3A_2 = arith.muli %arg1, %mul3A_1 : i32
    %add3A_3 = arith.constant 0 : i32
    %add3A_4 = arith.addi %mul3A_2, %add3A_3 : i32
    %run_scoped3A_5 = arith.constant 0 : i32
    "tpu.region"() ({
      %run_scoped3A_396 = tpu.sem_alloc : memref<!tpu.dma_semaphore, #tpu.memory_space<semaphore_mem>>
      %dma_start3A_397 = arith.constant 0 : i32
      %dma_start3A_398 = arith.constant 0 : i32
      %dma_start3A_399 = tpu.memref_slice %arg9[%run_scoped3A_5, %dma_start3A_397, %dma_start3A_398] : memref<8x128x64xf32, #tpu.memory_space<vmem>> -> memref<1x128x64xf32, #tpu.memory_space<vmem>>
      %dma_start3A_400 = tpu.memref_squeeze %dma_start3A_399 : memref<1x128x64xf32, #tpu.memory_space<vmem>> -> memref<128x64xf32, #tpu.memory_space<vmem>>
      %dma_start3A_401 = arith.constant 0 : i32
      %dma_start3A_402 = tpu.memref_slice %arg10[%add3A_4, %dma_start3A_401] : memref<10240x64xf32, #tpu.memory_space<vmem_shared>> -> memref<128x64xf32, #tpu.memory_space<vmem_shared>>
      %dma_start3A_403 = arith.constant 0 : i32
      %dma_start3A_404 = tpu.memref_slice %arg10[%add3A_4, %dma_start3A_403] : memref<10240x64xf32, #tpu.memory_space<vmem_shared>> -> memref<128x64xf32, #tpu.memory_space<vmem_shared>>
      %dma_start3A_405 = arith.constant 0 : i32
      %dma_start3A_406 = arith.constant 0 : i32
      %dma_start3A_407 = tpu.memref_slice %arg9[%run_scoped3A_5, %dma_start3A_405, %dma_start3A_406] : memref<8x128x64xf32, #tpu.memory_space<vmem>> -> memref<1x128x64xf32, #tpu.memory_space<vmem>>
      %dma_start3A_408 = tpu.memref_squeeze %dma_start3A_407 : memref<1x128x64xf32, #tpu.memory_space<vmem>> -> memref<128x64xf32, #tpu.memory_space<vmem>>
      tpu.enqueue_dma source(%dma_start3A_408 : memref<128x64xf32, #tpu.memory_space<vmem>>) target(%dma_start3A_404 : memref<128x64xf32, #tpu.memory_space<vmem_shared>>) target_semaphore(%run_scoped3A_396 : memref<!tpu.dma_semaphore, #tpu.memory_space<semaphore_mem>>)
      %dma_wait3A_409 = arith.constant 0 : i32
      %dma_wait3A_410 = arith.constant 0 : i32
      %dma_wait3A_411 = tpu.memref_slice %arg9[%run_scoped3A_5, %dma_wait3A_409, %dma_wait3A_410] : memref<8x128x64xf32, #tpu.memory_space<vmem>> -> memref<1x128x64xf32, #tpu.memory_space<vmem>>
      %dma_wait3A_412 = tpu.memref_squeeze %dma_wait3A_411 : memref<1x128x64xf32, #tpu.memory_space<vmem>> -> memref<128x64xf32, #tpu.memory_space<vmem>>
      %dma_wait3A_413 = arith.constant 0 : i32
      %dma_wait3A_414 = tpu.memref_slice %arg10[%add3A_4, %dma_wait3A_413] : memref<10240x64xf32, #tpu.memory_space<vmem_shared>> -> memref<128x64xf32, #tpu.memory_space<vmem_shared>>
      %dma_wait3A_415 = arith.constant 0 : i32
      %dma_wait3A_416 = tpu.memref_slice %arg10[%add3A_4, %dma_wait3A_415] : memref<10240x64xf32, #tpu.memory_space<vmem_shared>> -> memref<128x64xf32, #tpu.memory_space<vmem_shared>>
      %dma_wait3A_417 = arith.constant 0 : i32
      %dma_wait3A_418 = arith.constant 0 : i32
      %dma_wait3A_419 = tpu.memref_slice %arg9[%run_scoped3A_5, %dma_wait3A_417, %dma_wait3A_418] : memref<8x128x64xf32, #tpu.memory_space<vmem>> -> memref<1x128x64xf32, #tpu.memory_space<vmem>>
      %dma_wait3A_420 = tpu.memref_squeeze %dma_wait3A_419 : memref<1x128x64xf32, #tpu.memory_space<vmem>> -> memref<128x64xf32, #tpu.memory_space<vmem>>
      tpu.wait_dma2 semaphore(%run_scoped3A_396 : memref<!tpu.dma_semaphore, #tpu.memory_space<semaphore_mem>>) src(%dma_wait3A_420 : memref<128x64xf32, #tpu.memory_space<vmem>>) dst(%dma_wait3A_416 : memref<128x64xf32, #tpu.memory_space<vmem_shared>>)
      tpu.yield
    }) : () -> ()
    %mul3A_6 = arith.constant 640 : i32
    %mul3A_7 = arith.muli %arg1, %mul3A_6 : i32
    %add3A_8 = arith.constant 128 : i32
    %add3A_9 = arith.addi %mul3A_7, %add3A_8 : i32
    %run_scoped3A_10 = arith.constant 0 : i32
    "tpu.region"() ({
      %run_scoped3A_396 = tpu.sem_alloc : memref<!tpu.dma_semaphore, #tpu.memory_space<semaphore_mem>>
      %dma_start3A_397 = arith.constant 0 : i32
      %dma_start3A_398 = arith.constant 0 : i32
      %dma_start3A_399 = tpu.memref_slice %arg9[%run_scoped3A_10, %dma_start3A_397, %dma_start3A_398] : memref<8x128x64xf32, #tpu.memory_space<vmem>> -> memref<1x128x64xf32, #tpu.memory_space<vmem>>
      %dma_start3A_400 = tpu.memref_squeeze %dma_start3A_399 : memref<1x128x64xf32, #tpu.memory_space<vmem>> -> memref<128x64xf32, #tpu.memory_space<vmem>>
      %dma_start3A_401 = arith.constant 0 : i32
      %dma_start3A_402 = tpu.memref_slice %arg10[%add3A_9, %dma_start3A_401] : memref<10240x64xf32, #tpu.memory_space<vmem_shared>> -> memref<128x64xf32, #tpu.memory_space<vmem_shared>>
      %dma_start3A_403 = arith.constant 0 : i32
      %dma_start3A_404 = tpu.memref_slice %arg10[%add3A_9, %dma_start3A_403] : memref<10240x64xf32, #tpu.memory_space<vmem_shared>> -> memref<128x64xf32, #tpu.memory_space<vmem_shared>>
      %dma_start3A_405 = arith.constant 0 : i32
      %dma_start3A_406 = arith.constant 0 : i32
      %dma_start3A_407 = tpu.memref_slice %arg9[%run_scoped3A_10, %dma_start3A_405, %dma_start3A_406] : memref<8x128x64xf32, #tpu.memory_space<vmem>> -> memref<1x128x64xf32, #tpu.memory_space<vmem>>
      %dma_start3A_408 = tpu.memref_squeeze %dma_start3A_407 : memref<1x128x64xf32, #tpu.memory_space<vmem>> -> memref<128x64xf32, #tpu.memory_space<vmem>>
      tpu.enqueue_dma source(%dma_start3A_408 : memref<128x64xf32, #tpu.memory_space<vmem>>) target(%dma_start3A_404 : memref<128x64xf32, #tpu.memory_space<vmem_shared>>) target_semaphore(%run_scoped3A_396 : memref<!tpu.dma_semaphore, #tpu.memory_space<semaphore_mem>>)
      %dma_wait3A_409 = arith.constant 0 : i32
      %dma_wait3A_410 = arith.constant 0 : i32
      %dma_wait3A_411 = tpu.memref_slice %arg9[%run_scoped3A_10, %dma_wait3A_409, %dma_wait3A_410] : memref<8x128x64xf32, #tpu.memory_space<vmem>> -> memref<1x128x64xf32, #tpu.memory_space<vmem>>
      %dma_wait3A_412 = tpu.memref_squeeze %dma_wait3A_411 : memref<1x128x64xf32, #tpu.memory_space<vmem>> -> memref<128x64xf32, #tpu.memory_space<vmem>>
      %dma_wait3A_413 = arith.constant 0 : i32
      %dma_wait3A_414 = tpu.memref_slice %arg10[%add3A_9, %dma_wait3A_413] : memref<10240x64xf32, #tpu.memory_space<vmem_shared>> -> memref<128x64xf32, #tpu.memory_space<vmem_shared>>
      %dma_wait3A_415 = arith.constant 0 : i32
      %dma_wait3A_416 = tpu.memref_slice %arg10[%add3A_9, %dma_wait3A_415] : memref<10240x64xf32, #tpu.memory_space<vmem_shared>> -> memref<128x64xf32, #tpu.memory_space<vmem_shared>>
      %dma_wait3A_417 = arith.constant 0 : i32
      %dma_wait3A_418 = arith.constant 0 : i32
      %dma_wait3A_419 = tpu.memref_slice %arg9[%run_scoped3A_10, %dma_wait3A_417, %dma_wait3A_418] : memref<8x128x64xf32, #tpu.memory_space<vmem>> -> memref<1x128x64xf32, #tpu.memory_space<vmem>>
      %dma_wait3A_420 = tpu.memref_squeeze %dma_wait3A_419 : memref<1x128x64xf32, #tpu.memory_space<vmem>> -> memref<128x64xf32, #tpu.memory_space<vmem>>
      tpu.wait_dma2 semaphore(%run_scoped3A_396 : memref<!tpu.dma_semaphore, #tpu.memory_space<semaphore_mem>>) src(%dma_wait3A_420 : memref<128x64xf32, #tpu.memory_space<vmem>>) dst(%dma_wait3A_416 : memref<128x64xf32, #tpu.memory_space<vmem_shared>>)
      tpu.yield
    }) : () -> ()
    %mul3A_11 = arith.constant 640 : i32
    %mul3A_12 = arith.muli %arg1, %mul3A_11 : i32
    %add3A_13 = arith.constant 256 : i32
    %add3A_14 = arith.addi %mul3A_12, %add3A_13 : i32
    %run_scoped3A_15 = arith.constant 0 : i32
    "tpu.region"() ({
      %run_scoped3A_396 = tpu.sem_alloc : memref<!tpu.dma_semaphore, #tpu.memory_space<semaphore_mem>>
      %dma_start3A_397 = arith.constant 0 : i32
      %dma_start3A_398 = arith.constant 0 : i32
      %dma_start3A_399 = tpu.memref_slice %arg9[%run_scoped3A_15, %dma_start3A_397, %dma_start3A_398] : memref<8x128x64xf32, #tpu.memory_space<vmem>> -> memref<1x128x64xf32, #tpu.memory_space<vmem>>
      %dma_start3A_400 = tpu.memref_squeeze %dma_start3A_399 : memref<1x128x64xf32, #tpu.memory_space<vmem>> -> memref<128x64xf32, #tpu.memory_space<vmem>>
      %dma_start3A_401 = arith.constant 0 : i32
      %dma_start3A_402 = tpu.memref_slice %arg10[%add3A_14, %dma_start3A_401] : memref<10240x64xf32, #tpu.memory_space<vmem_shared>> -> memref<128x64xf32, #tpu.memory_space<vmem_shared>>
      %dma_start3A_403 = arith.constant 0 : i32
      %dma_start3A_404 = tpu.memref_slice %arg10[%add3A_14, %dma_start3A_403] : memref<10240x64xf32, #tpu.memory_space<vmem_shared>> -> memref<128x64xf32, #tpu.memory_space<vmem_shared>>
      %dma_start3A_405 = arith.constant 0 : i32
      %dma_start3A_406 = arith.constant 0 : i32
      %dma_start3A_407 = tpu.memref_slice %arg9[%run_scoped3A_15, %dma_start3A_405, %dma_start3A_406] : memref<8x128x64xf32, #tpu.memory_space<vmem>> -> memref<1x128x64xf32, #tpu.memory_space<vmem>>
      %dma_start3A_408 = tpu.memref_squeeze %dma_start3A_407 : memref<1x128x64xf32, #tpu.memory_space<vmem>> -> memref<128x64xf32, #tpu.memory_space<vmem>>
      tpu.enqueue_dma source(%dma_start3A_408 : memref<128x64xf32, #tpu.memory_space<vmem>>) target(%dma_start3A_404 : memref<128x64xf32, #tpu.memory_space<vmem_shared>>) target_semaphore(%run_scoped3A_396 : memref<!tpu.dma_semaphore, #tpu.memory_space<semaphore_mem>>)
      %dma_wait3A_409 = arith.constant 0 : i32
      %dma_wait3A_410 = arith.constant 0 : i32
      %dma_wait3A_411 = tpu.memref_slice %arg9[%run_scoped3A_15, %dma_wait3A_409, %dma_wait3A_410] : memref<8x128x64xf32, #tpu.memory_space<vmem>> -> memref<1x128x64xf32, #tpu.memory_space<vmem>>
      %dma_wait3A_412 = tpu.memref_squeeze %dma_wait3A_411 : memref<1x128x64xf32, #tpu.memory_space<vmem>> -> memref<128x64xf32, #tpu.memory_space<vmem>>
      %dma_wait3A_413 = arith.constant 0 : i32
      %dma_wait3A_414 = tpu.memref_slice %arg10[%add3A_14, %dma_wait3A_413] : memref<10240x64xf32, #tpu.memory_space<vmem_shared>> -> memref<128x64xf32, #tpu.memory_space<vmem_shared>>
      %dma_wait3A_415 = arith.constant 0 : i32
      %dma_wait3A_416 = tpu.memref_slice %arg10[%add3A_14, %dma_wait3A_415] : memref<10240x64xf32, #tpu.memory_space<vmem_shared>> -> memref<128x64xf32, #tpu.memory_space<vmem_shared>>
      %dma_wait3A_417 = arith.constant 0 : i32
      %dma_wait3A_418 = arith.constant 0 : i32
      %dma_wait3A_419 = tpu.memref_slice %arg9[%run_scoped3A_15, %dma_wait3A_417, %dma_wait3A_418] : memref<8x128x64xf32, #tpu.memory_space<vmem>> -> memref<1x128x64xf32, #tpu.memory_space<vmem>>
      %dma_wait3A_420 = tpu.memref_squeeze %dma_wait3A_419 : memref<1x128x64xf32, #tpu.memory_space<vmem>> -> memref<128x64xf32, #tpu.memory_space<vmem>>
      tpu.wait_dma2 semaphore(%run_scoped3A_396 : memref<!tpu.dma_semaphore, #tpu.memory_space<semaphore_mem>>) src(%dma_wait3A_420 : memref<128x64xf32, #tpu.memory_space<vmem>>) dst(%dma_wait3A_416 : memref<128x64xf32, #tpu.memory_space<vmem_shared>>)
      tpu.yield
    }) : () -> ()
    %mul3A_16 = arith.constant 640 : i32
    %mul3A_17 = arith.muli %arg1, %mul3A_16 : i32
    %add3A_18 = arith.constant 384 : i32
    %add3A_19 = arith.addi %mul3A_17, %add3A_18 : i32
    %run_scoped3A_20 = arith.constant 0 : i32
    "tpu.region"() ({
      %run_scoped3A_396 = tpu.sem_alloc : memref<!tpu.dma_semaphore, #tpu.memory_space<semaphore_mem>>
      %dma_start3A_397 = arith.constant 0 : i32
      %dma_start3A_398 = arith.constant 0 : i32
      %dma_start3A_399 = tpu.memref_slice %arg9[%run_scoped3A_20, %dma_start3A_397, %dma_start3A_398] : memref<8x128x64xf32, #tpu.memory_space<vmem>> -> memref<1x128x64xf32, #tpu.memory_space<vmem>>
      %dma_start3A_400 = tpu.memref_squeeze %dma_start3A_399 : memref<1x128x64xf32, #tpu.memory_space<vmem>> -> memref<128x64xf32, #tpu.memory_space<vmem>>
      %dma_start3A_401 = arith.constant 0 : i32
      %dma_start3A_402 = tpu.memref_slice %arg10[%add3A_19, %dma_start3A_401] : memref<10240x64xf32, #tpu.memory_space<vmem_shared>> -> memref<128x64xf32, #tpu.memory_space<vmem_shared>>
      %dma_start3A_403 = arith.constant 0 : i32
      %dma_start3A_404 = tpu.memref_slice %arg10[%add3A_19, %dma_start3A_403] : memref<10240x64xf32, #tpu.memory_space<vmem_shared>> -> memref<128x64xf32, #tpu.memory_space<vmem_shared>>
      %dma_start3A_405 = arith.constant 0 : i32
      %dma_start3A_406 = arith.constant 0 : i32
      %dma_start3A_407 = tpu.memref_slice %arg9[%run_scoped3A_20, %dma_start3A_405, %dma_start3A_406] : memref<8x128x64xf32, #tpu.memory_space<vmem>> -> memref<1x128x64xf32, #tpu.memory_space<vmem>>
      %dma_start3A_408 = tpu.memref_squeeze %dma_start3A_407 : memref<1x128x64xf32, #tpu.memory_space<vmem>> -> memref<128x64xf32, #tpu.memory_space<vmem>>
      tpu.enqueue_dma source(%dma_start3A_408 : memref<128x64xf32, #tpu.memory_space<vmem>>) target(%dma_start3A_404 : memref<128x64xf32, #tpu.memory_space<vmem_shared>>) target_semaphore(%run_scoped3A_396 : memref<!tpu.dma_semaphore, #tpu.memory_space<semaphore_mem>>)
      %dma_wait3A_409 = arith.constant 0 : i32
      %dma_wait3A_410 = arith.constant 0 : i32
      %dma_wait3A_411 = tpu.memref_slice %arg9[%run_scoped3A_20, %dma_wait3A_409, %dma_wait3A_410] : memref<8x128x64xf32, #tpu.memory_space<vmem>> -> memref<1x128x64xf32, #tpu.memory_space<vmem>>
      %dma_wait3A_412 = tpu.memref_squeeze %dma_wait3A_411 : memref<1x128x64xf32, #tpu.memory_space<vmem>> -> memref<128x64xf32, #tpu.memory_space<vmem>>
      %dma_wait3A_413 = arith.constant 0 : i32
      %dma_wait3A_414 = tpu.memref_slice %arg10[%add3A_19, %dma_wait3A_413] : memref<10240x64xf32, #tpu.memory_space<vmem_shared>> -> memref<128x64xf32, #tpu.memory_space<vmem_shared>>
      %dma_wait3A_415 = arith.constant 0 : i32
      %dma_wait3A_416 = tpu.memref_slice %arg10[%add3A_19, %dma_wait3A_415] : memref<10240x64xf32, #tpu.memory_space<vmem_shared>> -> memref<128x64xf32, #tpu.memory_space<vmem_shared>>
      %dma_wait3A_417 = arith.constant 0 : i32
      %dma_wait3A_418 = arith.constant 0 : i32
      %dma_wait3A_419 = tpu.memref_slice %arg9[%run_scoped3A_20, %dma_wait3A_417, %dma_wait3A_418] : memref<8x128x64xf32, #tpu.memory_space<vmem>> -> memref<1x128x64xf32, #tpu.memory_space<vmem>>
      %dma_wait3A_420 = tpu.memref_squeeze %dma_wait3A_419 : memref<1x128x64xf32, #tpu.memory_space<vmem>> -> memref<128x64xf32, #tpu.memory_space<vmem>>
      tpu.wait_dma2 semaphore(%run_scoped3A_396 : memref<!tpu.dma_semaphore, #tpu.memory_space<semaphore_mem>>) src(%dma_wait3A_420 : memref<128x64xf32, #tpu.memory_space<vmem>>) dst(%dma_wait3A_416 : memref<128x64xf32, #tpu.memory_space<vmem_shared>>)
      tpu.yield
    }) : () -> ()
    %mul3A_21 = arith.constant 640 : i32
    %mul3A_22 = arith.muli %arg1, %mul3A_21 : i32
    %add3A_23 = arith.constant 512 : i32
    %add3A_24 = arith.addi %mul3A_22, %add3A_23 : i32
    %run_scoped3A_25 = arith.constant 0 : i32
    "tpu.region"() ({
      %run_scoped3A_396 = tpu.sem_alloc : memref<!tpu.dma_semaphore, #tpu.memory_space<semaphore_mem>>
      %dma_start3A_397 = arith.constant 0 : i32
      %dma_start3A_398 = arith.constant 0 : i32
      %dma_start3A_399 = tpu.memref_slice %arg9[%run_scoped3A_25, %dma_start3A_397, %dma_start3A_398] : memref<8x128x64xf32, #tpu.memory_space<vmem>> -> memref<1x128x64xf32, #tpu.memory_space<vmem>>
      %dma_start3A_400 = tpu.memref_squeeze %dma_start3A_399 : memref<1x128x64xf32, #tpu.memory_space<vmem>> -> memref<128x64xf32, #tpu.memory_space<vmem>>
      %dma_start3A_401 = arith.constant 0 : i32
      %dma_start3A_402 = tpu.memref_slice %arg10[%add3A_24, %dma_start3A_401] : memref<10240x64xf32, #tpu.memory_space<vmem_shared>> -> memref<128x64xf32, #tpu.memory_space<vmem_shared>>
      %dma_start3A_403 = arith.constant 0 : i32
      %dma_start3A_404 = tpu.memref_slice %arg10[%add3A_24, %dma_start3A_403] : memref<10240x64xf32, #tpu.memory_space<vmem_shared>> -> memref<128x64xf32, #tpu.memory_space<vmem_shared>>
      %dma_start3A_405 = arith.constant 0 : i32
      %dma_start3A_406 = arith.constant 0 : i32
      %dma_start3A_407 = tpu.memref_slice %arg9[%run_scoped3A_25, %dma_start3A_405, %dma_start3A_406] : memref<8x128x64xf32, #tpu.memory_space<vmem>> -> memref<1x128x64xf32, #tpu.memory_space<vmem>>
      %dma_start3A_408 = tpu.memref_squeeze %dma_start3A_407 : memref<1x128x64xf32, #tpu.memory_space<vmem>> -> memref<128x64xf32, #tpu.memory_space<vmem>>
      tpu.enqueue_dma source(%dma_start3A_408 : memref<128x64xf32, #tpu.memory_space<vmem>>) target(%dma_start3A_404 : memref<128x64xf32, #tpu.memory_space<vmem_shared>>) target_semaphore(%run_scoped3A_396 : memref<!tpu.dma_semaphore, #tpu.memory_space<semaphore_mem>>)
      %dma_wait3A_409 = arith.constant 0 : i32
      %dma_wait3A_410 = arith.constant 0 : i32
      %dma_wait3A_411 = tpu.memref_slice %arg9[%run_scoped3A_25, %dma_wait3A_409, %dma_wait3A_410] : memref<8x128x64xf32, #tpu.memory_space<vmem>> -> memref<1x128x64xf32, #tpu.memory_space<vmem>>
      %dma_wait3A_412 = tpu.memref_squeeze %dma_wait3A_411 : memref<1x128x64xf32, #tpu.memory_space<vmem>> -> memref<128x64xf32, #tpu.memory_space<vmem>>
      %dma_wait3A_413 = arith.constant 0 : i32
      %dma_wait3A_414 = tpu.memref_slice %arg10[%add3A_24, %dma_wait3A_413] : memref<10240x64xf32, #tpu.memory_space<vmem_shared>> -> memref<128x64xf32, #tpu.memory_space<vmem_shared>>
      %dma_wait3A_415 = arith.constant 0 : i32
      %dma_wait3A_416 = tpu.memref_slice %arg10[%add3A_24, %dma_wait3A_415] : memref<10240x64xf32, #tpu.memory_space<vmem_shared>> -> memref<128x64xf32, #tpu.memory_space<vmem_shared>>
      %dma_wait3A_417 = arith.constant 0 : i32
      %dma_wait3A_418 = arith.constant 0 : i32
      %dma_wait3A_419 = tpu.memref_slice %arg9[%run_scoped3A_25, %dma_wait3A_417, %dma_wait3A_418] : memref<8x128x64xf32, #tpu.memory_space<vmem>> -> memref<1x128x64xf32, #tpu.memory_space<vmem>>
      %dma_wait3A_420 = tpu.memref_squeeze %dma_wait3A_419 : memref<1x128x64xf32, #tpu.memory_space<vmem>> -> memref<128x64xf32, #tpu.memory_space<vmem>>
      tpu.wait_dma2 semaphore(%run_scoped3A_396 : memref<!tpu.dma_semaphore, #tpu.memory_space<semaphore_mem>>) src(%dma_wait3A_420 : memref<128x64xf32, #tpu.memory_space<vmem>>) dst(%dma_wait3A_416 : memref<128x64xf32, #tpu.memory_space<vmem_shared>>)
      tpu.yield
    }) : () -> ()
    %mul3A_26 = arith.constant 80 : i32
    %mul3A_27 = arith.muli %add3A, %mul3A_26 : i32
    "tpu.region"() ({
      %run_scoped3A_396 = tpu.sem_alloc : memref<!tpu.dma_semaphore, #tpu.memory_space<semaphore_mem>>
      %dma_start3A_397 = arith.constant 0 : i32
      %dma_start3A_398 = tpu.memref_slice %arg3[%mul3A_27, %dma_start3A_397] : memref<2560x128xi32, #tpu.memory_space<hbm>> -> memref<80x128xi32, #tpu.memory_space<hbm>>
      %dma_start3A_399 = arith.constant 0 : i32
      %dma_start3A_400 = tpu.memref_slice %arg3[%mul3A_27, %dma_start3A_399] : memref<2560x128xi32, #tpu.memory_space<hbm>> -> memref<80x128xi32, #tpu.memory_space<hbm>>
      tpu.enqueue_dma source(%dma_start3A_400 : memref<80x128xi32, #tpu.memory_space<hbm>>) target(%arg7 : memref<80x128xi32, #tpu.memory_space<vmem>>) target_semaphore(%run_scoped3A_396 : memref<!tpu.dma_semaphore, #tpu.memory_space<semaphore_mem>>)
      %dma_wait3A_401 = arith.constant 0 : i32
      %dma_wait3A_402 = tpu.memref_slice %arg3[%mul3A_27, %dma_wait3A_401] : memref<2560x128xi32, #tpu.memory_space<hbm>> -> memref<80x128xi32, #tpu.memory_space<hbm>>
      %dma_wait3A_403 = arith.constant 0 : i32
      %dma_wait3A_404 = tpu.memref_slice %arg3[%mul3A_27, %dma_wait3A_403] : memref<2560x128xi32, #tpu.memory_space<hbm>> -> memref<80x128xi32, #tpu.memory_space<hbm>>
      tpu.wait_dma2 semaphore(%run_scoped3A_396 : memref<!tpu.dma_semaphore, #tpu.memory_space<semaphore_mem>>) src(%dma_wait3A_404 : memref<80x128xi32, #tpu.memory_space<hbm>>) dst(%arg7 : memref<80x128xi32, #tpu.memory_space<vmem>>)
      tpu.yield
    }) : () -> ()
    %mul3A_28 = arith.constant 80 : i32
    %mul3A_29 = arith.muli %add3A, %mul3A_28 : i32
    "tpu.region"() ({
      %run_scoped3A_396 = tpu.sem_alloc : memref<!tpu.dma_semaphore, #tpu.memory_space<semaphore_mem>>
      %dma_start3A_397 = arith.constant 0 : i32
      %dma_start3A_398 = tpu.memref_slice %arg4[%mul3A_29, %dma_start3A_397] : memref<2560x128xi32, #tpu.memory_space<hbm>> -> memref<80x128xi32, #tpu.memory_space<hbm>>
      %dma_start3A_399 = arith.constant 0 : i32
      %dma_start3A_400 = tpu.memref_slice %arg4[%mul3A_29, %dma_start3A_399] : memref<2560x128xi32, #tpu.memory_space<hbm>> -> memref<80x128xi32, #tpu.memory_space<hbm>>
      tpu.enqueue_dma source(%dma_start3A_400 : memref<80x128xi32, #tpu.memory_space<hbm>>) target(%arg8 : memref<80x128xi32, #tpu.memory_space<vmem>>) target_semaphore(%run_scoped3A_396 : memref<!tpu.dma_semaphore, #tpu.memory_space<semaphore_mem>>)
      %dma_wait3A_401 = arith.constant 0 : i32
      %dma_wait3A_402 = tpu.memref_slice %arg4[%mul3A_29, %dma_wait3A_401] : memref<2560x128xi32, #tpu.memory_space<hbm>> -> memref<80x128xi32, #tpu.memory_space<hbm>>
      %dma_wait3A_403 = arith.constant 0 : i32
      %dma_wait3A_404 = tpu.memref_slice %arg4[%mul3A_29, %dma_wait3A_403] : memref<2560x128xi32, #tpu.memory_space<hbm>> -> memref<80x128xi32, #tpu.memory_space<hbm>>
      tpu.wait_dma2 semaphore(%run_scoped3A_396 : memref<!tpu.dma_semaphore, #tpu.memory_space<semaphore_mem>>) src(%dma_wait3A_404 : memref<80x128xi32, #tpu.memory_space<hbm>>) dst(%arg8 : memref<80x128xi32, #tpu.memory_space<vmem>>)
      tpu.yield
    }) : () -> ()
    %barrier3A = arith.constant 0 : index
    tpu.barrier barrier_id(%barrier3A)
    %dma_start3A = arith.constant 0 : i32
    %dma_start3A_30 = arith.constant 0 : i32
    %dma_start3A_31 = arith.constant 0 : i32
    %dma_start3A_32 = arith.constant 0 : i32
    %dma_start3A_33 = tpu.memref_slice %arg9[%dma_start3A_30, %dma_start3A_31, %dma_start3A_32] : memref<8x128x64xf32, #tpu.memory_space<vmem>> -> memref<1x128x64xf32, #tpu.memory_space<vmem>>
    %dma_start3A_34 = tpu.memref_squeeze %dma_start3A_33 : memref<1x128x64xf32, #tpu.memory_space<vmem>> -> memref<128x64xf32, #tpu.memory_space<vmem>>
    %dma_start3A_35 = arith.constant 0 : i32
    %dma_start3A_36 = tpu.memref_slice %arg7[%dma_start3A, %dma_start3A_35] : memref<80x128xi32, #tpu.memory_space<vmem>> -> memref<1x128xi32, #tpu.memory_space<vmem>>
    %dma_start3A_37 = tpu.memref_squeeze %dma_start3A_36 : memref<1x128xi32, #tpu.memory_space<vmem>> -> memref<128xi32, #tpu.memory_space<vmem>>
    %dma_start3A_38 = arith.constant 0 : i32
    %dma_start3A_39 = arith.constant 0 : i32
    %dma_start3A_40 = tpu.memref_slice %arg2[%dma_start3A_38, %dma_start3A_39] : memref<10000x64xf32, #tpu.memory_space<hbm>> -> memref<10000x64xf32, #tpu.memory_space<hbm>>
    tpu.enqueue_indirect_dma source(%dma_start3A_40 : memref<10000x64xf32, #tpu.memory_space<hbm>>) target(%dma_start3A_34 : memref<128x64xf32, #tpu.memory_space<vmem>>) offsets(%dma_start3A_37 : memref<128xi32, #tpu.memory_space<vmem>>) semaphore(%arg11 : memref<!tpu.dma_semaphore, #tpu.memory_space<semaphore_mem>>)
    %dma_start3A_41 = arith.constant 1 : i32
    %dma_start3A_42 = arith.constant 1 : i32
    %dma_start3A_43 = arith.constant 0 : i32
    %dma_start3A_44 = arith.constant 0 : i32
    %dma_start3A_45 = tpu.memref_slice %arg9[%dma_start3A_42, %dma_start3A_43, %dma_start3A_44] : memref<8x128x64xf32, #tpu.memory_space<vmem>> -> memref<1x128x64xf32, #tpu.memory_space<vmem>>
    %dma_start3A_46 = tpu.memref_squeeze %dma_start3A_45 : memref<1x128x64xf32, #tpu.memory_space<vmem>> -> memref<128x64xf32, #tpu.memory_space<vmem>>
    %dma_start3A_47 = arith.constant 0 : i32
    %dma_start3A_48 = tpu.memref_slice %arg7[%dma_start3A_41, %dma_start3A_47] : memref<80x128xi32, #tpu.memory_space<vmem>> -> memref<1x128xi32, #tpu.memory_space<vmem>>
    %dma_start3A_49 = tpu.memref_squeeze %dma_start3A_48 : memref<1x128xi32, #tpu.memory_space<vmem>> -> memref<128xi32, #tpu.memory_space<vmem>>
    %dma_start3A_50 = arith.constant 0 : i32
    %dma_start3A_51 = arith.constant 0 : i32
    %dma_start3A_52 = tpu.memref_slice %arg2[%dma_start3A_50, %dma_start3A_51] : memref<10000x64xf32, #tpu.memory_space<hbm>> -> memref<10000x64xf32, #tpu.memory_space<hbm>>
    tpu.enqueue_indirect_dma source(%dma_start3A_52 : memref<10000x64xf32, #tpu.memory_space<hbm>>) target(%dma_start3A_46 : memref<128x64xf32, #tpu.memory_space<vmem>>) offsets(%dma_start3A_49 : memref<128xi32, #tpu.memory_space<vmem>>) semaphore(%arg12 : memref<!tpu.dma_semaphore, #tpu.memory_space<semaphore_mem>>)
    %dma_start3A_53 = arith.constant 2 : i32
    %dma_start3A_54 = arith.constant 2 : i32
    %dma_start3A_55 = arith.constant 0 : i32
    %dma_start3A_56 = arith.constant 0 : i32
    %dma_start3A_57 = tpu.memref_slice %arg9[%dma_start3A_54, %dma_start3A_55, %dma_start3A_56] : memref<8x128x64xf32, #tpu.memory_space<vmem>> -> memref<1x128x64xf32, #tpu.memory_space<vmem>>
    %dma_start3A_58 = tpu.memref_squeeze %dma_start3A_57 : memref<1x128x64xf32, #tpu.memory_space<vmem>> -> memref<128x64xf32, #tpu.memory_space<vmem>>
    %dma_start3A_59 = arith.constant 0 : i32
    %dma_start3A_60 = tpu.memref_slice %arg7[%dma_start3A_53, %dma_start3A_59] : memref<80x128xi32, #tpu.memory_space<vmem>> -> memref<1x128xi32, #tpu.memory_space<vmem>>
    %dma_start3A_61 = tpu.memref_squeeze %dma_start3A_60 : memref<1x128xi32, #tpu.memory_space<vmem>> -> memref<128xi32, #tpu.memory_space<vmem>>
    %dma_start3A_62 = arith.constant 0 : i32
    %dma_start3A_63 = arith.constant 0 : i32
    %dma_start3A_64 = tpu.memref_slice %arg2[%dma_start3A_62, %dma_start3A_63] : memref<10000x64xf32, #tpu.memory_space<hbm>> -> memref<10000x64xf32, #tpu.memory_space<hbm>>
    tpu.enqueue_indirect_dma source(%dma_start3A_64 : memref<10000x64xf32, #tpu.memory_space<hbm>>) target(%dma_start3A_58 : memref<128x64xf32, #tpu.memory_space<vmem>>) offsets(%dma_start3A_61 : memref<128xi32, #tpu.memory_space<vmem>>) semaphore(%arg13 : memref<!tpu.dma_semaphore, #tpu.memory_space<semaphore_mem>>)
    %dma_start3A_65 = arith.constant 3 : i32
    %dma_start3A_66 = arith.constant 3 : i32
    %dma_start3A_67 = arith.constant 0 : i32
    %dma_start3A_68 = arith.constant 0 : i32
    %dma_start3A_69 = tpu.memref_slice %arg9[%dma_start3A_66, %dma_start3A_67, %dma_start3A_68] : memref<8x128x64xf32, #tpu.memory_space<vmem>> -> memref<1x128x64xf32, #tpu.memory_space<vmem>>
    %dma_start3A_70 = tpu.memref_squeeze %dma_start3A_69 : memref<1x128x64xf32, #tpu.memory_space<vmem>> -> memref<128x64xf32, #tpu.memory_space<vmem>>
    %dma_start3A_71 = arith.constant 0 : i32
    %dma_start3A_72 = tpu.memref_slice %arg7[%dma_start3A_65, %dma_start3A_71] : memref<80x128xi32, #tpu.memory_space<vmem>> -> memref<1x128xi32, #tpu.memory_space<vmem>>
    %dma_start3A_73 = tpu.memref_squeeze %dma_start3A_72 : memref<1x128xi32, #tpu.memory_space<vmem>> -> memref<128xi32, #tpu.memory_space<vmem>>
    %dma_start3A_74 = arith.constant 0 : i32
    %dma_start3A_75 = arith.constant 0 : i32
    %dma_start3A_76 = tpu.memref_slice %arg2[%dma_start3A_74, %dma_start3A_75] : memref<10000x64xf32, #tpu.memory_space<hbm>> -> memref<10000x64xf32, #tpu.memory_space<hbm>>
    tpu.enqueue_indirect_dma source(%dma_start3A_76 : memref<10000x64xf32, #tpu.memory_space<hbm>>) target(%dma_start3A_70 : memref<128x64xf32, #tpu.memory_space<vmem>>) offsets(%dma_start3A_73 : memref<128xi32, #tpu.memory_space<vmem>>) semaphore(%arg14 : memref<!tpu.dma_semaphore, #tpu.memory_space<semaphore_mem>>)
    %dma_start3A_77 = arith.constant 4 : i32
    %dma_start3A_78 = arith.constant 4 : i32
    %dma_start3A_79 = arith.constant 0 : i32
    %dma_start3A_80 = arith.constant 0 : i32
    %dma_start3A_81 = tpu.memref_slice %arg9[%dma_start3A_78, %dma_start3A_79, %dma_start3A_80] : memref<8x128x64xf32, #tpu.memory_space<vmem>> -> memref<1x128x64xf32, #tpu.memory_space<vmem>>
    %dma_start3A_82 = tpu.memref_squeeze %dma_start3A_81 : memref<1x128x64xf32, #tpu.memory_space<vmem>> -> memref<128x64xf32, #tpu.memory_space<vmem>>
    %dma_start3A_83 = arith.constant 0 : i32
    %dma_start3A_84 = tpu.memref_slice %arg7[%dma_start3A_77, %dma_start3A_83] : memref<80x128xi32, #tpu.memory_space<vmem>> -> memref<1x128xi32, #tpu.memory_space<vmem>>
    %dma_start3A_85 = tpu.memref_squeeze %dma_start3A_84 : memref<1x128xi32, #tpu.memory_space<vmem>> -> memref<128xi32, #tpu.memory_space<vmem>>
    %dma_start3A_86 = arith.constant 0 : i32
    %dma_start3A_87 = arith.constant 0 : i32
    %dma_start3A_88 = tpu.memref_slice %arg2[%dma_start3A_86, %dma_start3A_87] : memref<10000x64xf32, #tpu.memory_space<hbm>> -> memref<10000x64xf32, #tpu.memory_space<hbm>>
    tpu.enqueue_indirect_dma source(%dma_start3A_88 : memref<10000x64xf32, #tpu.memory_space<hbm>>) target(%dma_start3A_82 : memref<128x64xf32, #tpu.memory_space<vmem>>) offsets(%dma_start3A_85 : memref<128xi32, #tpu.memory_space<vmem>>) semaphore(%arg15 : memref<!tpu.dma_semaphore, #tpu.memory_space<semaphore_mem>>)
    %dma_start3A_89 = arith.constant 5 : i32
    %dma_start3A_90 = arith.constant 5 : i32
    %dma_start3A_91 = arith.constant 0 : i32
    %dma_start3A_92 = arith.constant 0 : i32
    %dma_start3A_93 = tpu.memref_slice %arg9[%dma_start3A_90, %dma_start3A_91, %dma_start3A_92] : memref<8x128x64xf32, #tpu.memory_space<vmem>> -> memref<1x128x64xf32, #tpu.memory_space<vmem>>
    %dma_start3A_94 = tpu.memref_squeeze %dma_start3A_93 : memref<1x128x64xf32, #tpu.memory_space<vmem>> -> memref<128x64xf32, #tpu.memory_space<vmem>>
    %dma_start3A_95 = arith.constant 0 : i32
    %dma_start3A_96 = tpu.memref_slice %arg7[%dma_start3A_89, %dma_start3A_95] : memref<80x128xi32, #tpu.memory_space<vmem>> -> memref<1x128xi32, #tpu.memory_space<vmem>>
    %dma_start3A_97 = tpu.memref_squeeze %dma_start3A_96 : memref<1x128xi32, #tpu.memory_space<vmem>> -> memref<128xi32, #tpu.memory_space<vmem>>
    %dma_start3A_98 = arith.constant 0 : i32
    %dma_start3A_99 = arith.constant 0 : i32
    %dma_start3A_100 = tpu.memref_slice %arg2[%dma_start3A_98, %dma_start3A_99] : memref<10000x64xf32, #tpu.memory_space<hbm>> -> memref<10000x64xf32, #tpu.memory_space<hbm>>
    tpu.enqueue_indirect_dma source(%dma_start3A_100 : memref<10000x64xf32, #tpu.memory_space<hbm>>) target(%dma_start3A_94 : memref<128x64xf32, #tpu.memory_space<vmem>>) offsets(%dma_start3A_97 : memref<128xi32, #tpu.memory_space<vmem>>) semaphore(%arg16 : memref<!tpu.dma_semaphore, #tpu.memory_space<semaphore_mem>>)
    %scan3A = arith.constant 0 : i32
    %scan3A_101 = arith.constant 10 : i32
    %scan3A_102 = arith.addi %scan3A, %scan3A_101 : i32
    %scan3A_103 = arith.constant 1 : i32
    scf.for %scan3A_396 = %scan3A to %scan3A_102 step %scan3A_103  : i32 {
      %mul3A_397 = arith.constant 8 : i32
      %mul3A_398 = arith.muli %scan3A_396, %mul3A_397 : i32
      %add3A_399 = arith.constant 0 : i32
      %add3A_400 = arith.addi %add3A_399, %mul3A_398 : i32
      %add3A_401 = arith.constant 0 : i32
      %add3A_402 = arith.addi %add3A_400, %add3A_401 : i32
      %dma_wait3A_403 = arith.constant 0 : i32
      %dma_wait3A_404 = arith.constant 0 : i32
      %dma_wait3A_405 = arith.constant 0 : i32
      %dma_wait3A_406 = tpu.memref_slice %arg9[%dma_wait3A_403, %dma_wait3A_404, %dma_wait3A_405] : memref<8x128x64xf32, #tpu.memory_space<vmem>> -> memref<1x128x64xf32, #tpu.memory_space<vmem>>
      %dma_wait3A_407 = tpu.memref_squeeze %dma_wait3A_406 : memref<1x128x64xf32, #tpu.memory_space<vmem>> -> memref<128x64xf32, #tpu.memory_space<vmem>>
      %dma_wait3A_408 = arith.constant 0 : i32
      %dma_wait3A_409 = tpu.memref_slice %arg7[%add3A_402, %dma_wait3A_408] : memref<80x128xi32, #tpu.memory_space<vmem>> -> memref<1x128xi32, #tpu.memory_space<vmem>>
      %dma_wait3A_410 = tpu.memref_squeeze %dma_wait3A_409 : memref<1x128xi32, #tpu.memory_space<vmem>> -> memref<128xi32, #tpu.memory_space<vmem>>
      %dma_wait3A_411 = arith.constant 0 : i32
      %dma_wait3A_412 = arith.constant 0 : i32
      %dma_wait3A_413 = tpu.memref_slice %arg2[%dma_wait3A_411, %dma_wait3A_412] : memref<10000x64xf32, #tpu.memory_space<hbm>> -> memref<10000x64xf32, #tpu.memory_space<hbm>>
      tpu.wait_indirect_dma semaphore(%arg11 : memref<!tpu.dma_semaphore, #tpu.memory_space<semaphore_mem>>) src(%dma_wait3A_413 : memref<10000x64xf32, #tpu.memory_space<hbm>>) dst(%dma_wait3A_407 : memref<128x64xf32, #tpu.memory_space<vmem>>)
      %dma_start3A_414 = arith.constant 0 : i32
      %dma_start3A_415 = arith.constant 0 : i32
      %dma_start3A_416 = arith.constant 0 : i32
      %dma_start3A_417 = tpu.memref_slice %arg9[%dma_start3A_414, %dma_start3A_415, %dma_start3A_416] : memref<8x128x64xf32, #tpu.memory_space<vmem>> -> memref<1x128x64xf32, #tpu.memory_space<vmem>>
      %dma_start3A_418 = tpu.memref_squeeze %dma_start3A_417 : memref<1x128x64xf32, #tpu.memory_space<vmem>> -> memref<128x64xf32, #tpu.memory_space<vmem>>
      %dma_start3A_419 = arith.constant 0 : i32
      %dma_start3A_420 = tpu.memref_slice %arg8[%add3A_402, %dma_start3A_419] : memref<80x128xi32, #tpu.memory_space<vmem>> -> memref<1x128xi32, #tpu.memory_space<vmem>>
      %dma_start3A_421 = tpu.memref_squeeze %dma_start3A_420 : memref<1x128xi32, #tpu.memory_space<vmem>> -> memref<128xi32, #tpu.memory_space<vmem>>
      %dma_start3A_422 = arith.constant 0 : i32
      %dma_start3A_423 = arith.constant 0 : i32
      %dma_start3A_424 = tpu.memref_slice %arg10[%dma_start3A_422, %dma_start3A_423] : memref<10240x64xf32, #tpu.memory_space<vmem_shared>> -> memref<10240x64xf32, #tpu.memory_space<vmem_shared>>
      tpu.enqueue_indirect_dma source(%dma_start3A_418 : memref<128x64xf32, #tpu.memory_space<vmem>>) target(%dma_start3A_424 : memref<10240x64xf32, #tpu.memory_space<vmem_shared>>) offsets(%dma_start3A_421 : memref<128xi32, #tpu.memory_space<vmem>>) semaphore(%arg19 : memref<!tpu.dma_semaphore, #tpu.memory_space<semaphore_mem>>) {add = true}
      %add3A_425 = arith.constant 6 : i32
      %add3A_426 = arith.addi %add3A_402, %add3A_425 : i32
      %lt3A = arith.constant 80 : i32
      %lt3A_427 = arith.cmpi slt, %add3A_426, %lt3A : i32
      %convert_element_type3A = arith.extui %lt3A_427 : i1 to i32
      %cond3A = arith.constant 0 : i32
      %cond3A_428 = arith.cmpi ne, %convert_element_type3A, %cond3A : i32
      scf.if %cond3A_428 {
        %ge3A = arith.constant 2 : i32
        %ge3A_646 = arith.cmpi sge, %add3A_402, %ge3A : i32
        %convert_element_type3A_647 = arith.extui %ge3A_646 : i1 to i32
        %cond3A_648 = arith.constant 0 : i32
        %cond3A_649 = arith.cmpi ne, %convert_element_type3A_647, %cond3A_648 : i32
        scf.if %cond3A_649 {
          %sub3A = arith.constant 2 : i32
          %sub3A_663 = arith.subi %add3A_402, %sub3A : i32
          %dma_wait3A_664 = arith.constant 6 : i32
          %dma_wait3A_665 = arith.constant 0 : i32
          %dma_wait3A_666 = arith.constant 0 : i32
          %dma_wait3A_667 = tpu.memref_slice %arg9[%dma_wait3A_664, %dma_wait3A_665, %dma_wait3A_666] : memref<8x128x64xf32, #tpu.memory_space<vmem>> -> memref<1x128x64xf32, #tpu.memory_space<vmem>>
          %dma_wait3A_668 = tpu.memref_squeeze %dma_wait3A_667 : memref<1x128x64xf32, #tpu.memory_space<vmem>> -> memref<128x64xf32, #tpu.memory_space<vmem>>
          %dma_wait3A_669 = arith.constant 0 : i32
          %dma_wait3A_670 = tpu.memref_slice %arg8[%sub3A_663, %dma_wait3A_669] : memref<80x128xi32, #tpu.memory_space<vmem>> -> memref<1x128xi32, #tpu.memory_space<vmem>>
          %dma_wait3A_671 = tpu.memref_squeeze %dma_wait3A_670 : memref<1x128xi32, #tpu.memory_space<vmem>> -> memref<128xi32, #tpu.memory_space<vmem>>
          %dma_wait3A_672 = arith.constant 0 : i32
          %dma_wait3A_673 = arith.constant 0 : i32
          %dma_wait3A_674 = tpu.memref_slice %arg10[%dma_wait3A_672, %dma_wait3A_673] : memref<10240x64xf32, #tpu.memory_space<vmem_shared>> -> memref<10240x64xf32, #tpu.memory_space<vmem_shared>>
          tpu.wait_indirect_dma semaphore(%arg25 : memref<!tpu.dma_semaphore, #tpu.memory_space<semaphore_mem>>) src(%dma_wait3A_668 : memref<128x64xf32, #tpu.memory_space<vmem>>) dst(%dma_wait3A_674 : memref<10240x64xf32, #tpu.memory_space<vmem_shared>>)
        } else {
        }
        %add3A_650 = arith.constant 6 : i32
        %add3A_651 = arith.addi %add3A_402, %add3A_650 : i32
        %dma_start3A_652 = arith.constant 6 : i32
        %dma_start3A_653 = arith.constant 0 : i32
        %dma_start3A_654 = arith.constant 0 : i32
        %dma_start3A_655 = tpu.memref_slice %arg9[%dma_start3A_652, %dma_start3A_653, %dma_start3A_654] : memref<8x128x64xf32, #tpu.memory_space<vmem>> -> memref<1x128x64xf32, #tpu.memory_space<vmem>>
        %dma_start3A_656 = tpu.memref_squeeze %dma_start3A_655 : memref<1x128x64xf32, #tpu.memory_space<vmem>> -> memref<128x64xf32, #tpu.memory_space<vmem>>
        %dma_start3A_657 = arith.constant 0 : i32
        %dma_start3A_658 = tpu.memref_slice %arg7[%add3A_651, %dma_start3A_657] : memref<80x128xi32, #tpu.memory_space<vmem>> -> memref<1x128xi32, #tpu.memory_space<vmem>>
        %dma_start3A_659 = tpu.memref_squeeze %dma_start3A_658 : memref<1x128xi32, #tpu.memory_space<vmem>> -> memref<128xi32, #tpu.memory_space<vmem>>
        %dma_start3A_660 = arith.constant 0 : i32
        %dma_start3A_661 = arith.constant 0 : i32
        %dma_start3A_662 = tpu.memref_slice %arg2[%dma_start3A_660, %dma_start3A_661] : memref<10000x64xf32, #tpu.memory_space<hbm>> -> memref<10000x64xf32, #tpu.memory_space<hbm>>
        tpu.enqueue_indirect_dma source(%dma_start3A_662 : memref<10000x64xf32, #tpu.memory_space<hbm>>) target(%dma_start3A_656 : memref<128x64xf32, #tpu.memory_space<vmem>>) offsets(%dma_start3A_659 : memref<128xi32, #tpu.memory_space<vmem>>) semaphore(%arg17 : memref<!tpu.dma_semaphore, #tpu.memory_space<semaphore_mem>>)
      } else {
      }
      %add3A_429 = arith.constant 1 : i32
      %add3A_430 = arith.addi %add3A_400, %add3A_429 : i32
      %dma_wait3A_431 = arith.constant 1 : i32
      %dma_wait3A_432 = arith.constant 0 : i32
      %dma_wait3A_433 = arith.constant 0 : i32
      %dma_wait3A_434 = tpu.memref_slice %arg9[%dma_wait3A_431, %dma_wait3A_432, %dma_wait3A_433] : memref<8x128x64xf32, #tpu.memory_space<vmem>> -> memref<1x128x64xf32, #tpu.memory_space<vmem>>
      %dma_wait3A_435 = tpu.memref_squeeze %dma_wait3A_434 : memref<1x128x64xf32, #tpu.memory_space<vmem>> -> memref<128x64xf32, #tpu.memory_space<vmem>>
      %dma_wait3A_436 = arith.constant 0 : i32
      %dma_wait3A_437 = tpu.memref_slice %arg7[%add3A_430, %dma_wait3A_436] : memref<80x128xi32, #tpu.memory_space<vmem>> -> memref<1x128xi32, #tpu.memory_space<vmem>>
      %dma_wait3A_438 = tpu.memref_squeeze %dma_wait3A_437 : memref<1x128xi32, #tpu.memory_space<vmem>> -> memref<128xi32, #tpu.memory_space<vmem>>
      %dma_wait3A_439 = arith.constant 0 : i32
      %dma_wait3A_440 = arith.constant 0 : i32
      %dma_wait3A_441 = tpu.memref_slice %arg2[%dma_wait3A_439, %dma_wait3A_440] : memref<10000x64xf32, #tpu.memory_space<hbm>> -> memref<10000x64xf32, #tpu.memory_space<hbm>>
      tpu.wait_indirect_dma semaphore(%arg12 : memref<!tpu.dma_semaphore, #tpu.memory_space<semaphore_mem>>) src(%dma_wait3A_441 : memref<10000x64xf32, #tpu.memory_space<hbm>>) dst(%dma_wait3A_435 : memref<128x64xf32, #tpu.memory_space<vmem>>)
      %dma_start3A_442 = arith.constant 1 : i32
      %dma_start3A_443 = arith.constant 0 : i32
      %dma_start3A_444 = arith.constant 0 : i32
      %dma_start3A_445 = tpu.memref_slice %arg9[%dma_start3A_442, %dma_start3A_443, %dma_start3A_444] : memref<8x128x64xf32, #tpu.memory_space<vmem>> -> memref<1x128x64xf32, #tpu.memory_space<vmem>>
      %dma_start3A_446 = tpu.memref_squeeze %dma_start3A_445 : memref<1x128x64xf32, #tpu.memory_space<vmem>> -> memref<128x64xf32, #tpu.memory_space<vmem>>
      %dma_start3A_447 = arith.constant 0 : i32
      %dma_start3A_448 = tpu.memref_slice %arg8[%add3A_430, %dma_start3A_447] : memref<80x128xi32, #tpu.memory_space<vmem>> -> memref<1x128xi32, #tpu.memory_space<vmem>>
      %dma_start3A_449 = tpu.memref_squeeze %dma_start3A_448 : memref<1x128xi32, #tpu.memory_space<vmem>> -> memref<128xi32, #tpu.memory_space<vmem>>
      %dma_start3A_450 = arith.constant 0 : i32
      %dma_start3A_451 = arith.constant 0 : i32
      %dma_start3A_452 = tpu.memref_slice %arg10[%dma_start3A_450, %dma_start3A_451] : memref<10240x64xf32, #tpu.memory_space<vmem_shared>> -> memref<10240x64xf32, #tpu.memory_space<vmem_shared>>
      tpu.enqueue_indirect_dma source(%dma_start3A_446 : memref<128x64xf32, #tpu.memory_space<vmem>>) target(%dma_start3A_452 : memref<10240x64xf32, #tpu.memory_space<vmem_shared>>) offsets(%dma_start3A_449 : memref<128xi32, #tpu.memory_space<vmem>>) semaphore(%arg20 : memref<!tpu.dma_semaphore, #tpu.memory_space<semaphore_mem>>) {add = true}
      %add3A_453 = arith.constant 6 : i32
      %add3A_454 = arith.addi %add3A_430, %add3A_453 : i32
      %lt3A_455 = arith.constant 80 : i32
      %lt3A_456 = arith.cmpi slt, %add3A_454, %lt3A_455 : i32
      %convert_element_type3A_457 = arith.extui %lt3A_456 : i1 to i32
      %cond3A_458 = arith.constant 0 : i32
      %cond3A_459 = arith.cmpi ne, %convert_element_type3A_457, %cond3A_458 : i32
      scf.if %cond3A_459 {
        %ge3A = arith.constant 2 : i32
        %ge3A_646 = arith.cmpi sge, %add3A_430, %ge3A : i32
        %convert_element_type3A_647 = arith.extui %ge3A_646 : i1 to i32
        %cond3A_648 = arith.constant 0 : i32
        %cond3A_649 = arith.cmpi ne, %convert_element_type3A_647, %cond3A_648 : i32
        scf.if %cond3A_649 {
          %sub3A = arith.constant 2 : i32
          %sub3A_663 = arith.subi %add3A_430, %sub3A : i32
          %dma_wait3A_664 = arith.constant 7 : i32
          %dma_wait3A_665 = arith.constant 0 : i32
          %dma_wait3A_666 = arith.constant 0 : i32
          %dma_wait3A_667 = tpu.memref_slice %arg9[%dma_wait3A_664, %dma_wait3A_665, %dma_wait3A_666] : memref<8x128x64xf32, #tpu.memory_space<vmem>> -> memref<1x128x64xf32, #tpu.memory_space<vmem>>
          %dma_wait3A_668 = tpu.memref_squeeze %dma_wait3A_667 : memref<1x128x64xf32, #tpu.memory_space<vmem>> -> memref<128x64xf32, #tpu.memory_space<vmem>>
          %dma_wait3A_669 = arith.constant 0 : i32
          %dma_wait3A_670 = tpu.memref_slice %arg8[%sub3A_663, %dma_wait3A_669] : memref<80x128xi32, #tpu.memory_space<vmem>> -> memref<1x128xi32, #tpu.memory_space<vmem>>
          %dma_wait3A_671 = tpu.memref_squeeze %dma_wait3A_670 : memref<1x128xi32, #tpu.memory_space<vmem>> -> memref<128xi32, #tpu.memory_space<vmem>>
          %dma_wait3A_672 = arith.constant 0 : i32
          %dma_wait3A_673 = arith.constant 0 : i32
          %dma_wait3A_674 = tpu.memref_slice %arg10[%dma_wait3A_672, %dma_wait3A_673] : memref<10240x64xf32, #tpu.memory_space<vmem_shared>> -> memref<10240x64xf32, #tpu.memory_space<vmem_shared>>
          tpu.wait_indirect_dma semaphore(%arg26 : memref<!tpu.dma_semaphore, #tpu.memory_space<semaphore_mem>>) src(%dma_wait3A_668 : memref<128x64xf32, #tpu.memory_space<vmem>>) dst(%dma_wait3A_674 : memref<10240x64xf32, #tpu.memory_space<vmem_shared>>)
        } else {
        }
        %add3A_650 = arith.constant 6 : i32
        %add3A_651 = arith.addi %add3A_430, %add3A_650 : i32
        %dma_start3A_652 = arith.constant 7 : i32
        %dma_start3A_653 = arith.constant 0 : i32
        %dma_start3A_654 = arith.constant 0 : i32
        %dma_start3A_655 = tpu.memref_slice %arg9[%dma_start3A_652, %dma_start3A_653, %dma_start3A_654] : memref<8x128x64xf32, #tpu.memory_space<vmem>> -> memref<1x128x64xf32, #tpu.memory_space<vmem>>
        %dma_start3A_656 = tpu.memref_squeeze %dma_start3A_655 : memref<1x128x64xf32, #tpu.memory_space<vmem>> -> memref<128x64xf32, #tpu.memory_space<vmem>>
        %dma_start3A_657 = arith.constant 0 : i32
        %dma_start3A_658 = tpu.memref_slice %arg7[%add3A_651, %dma_start3A_657] : memref<80x128xi32, #tpu.memory_space<vmem>> -> memref<1x128xi32, #tpu.memory_space<vmem>>
        %dma_start3A_659 = tpu.memref_squeeze %dma_start3A_658 : memref<1x128xi32, #tpu.memory_space<vmem>> -> memref<128xi32, #tpu.memory_space<vmem>>
        %dma_start3A_660 = arith.constant 0 : i32
        %dma_start3A_661 = arith.constant 0 : i32
        %dma_start3A_662 = tpu.memref_slice %arg2[%dma_start3A_660, %dma_start3A_661] : memref<10000x64xf32, #tpu.memory_space<hbm>> -> memref<10000x64xf32, #tpu.memory_space<hbm>>
        tpu.enqueue_indirect_dma source(%dma_start3A_662 : memref<10000x64xf32, #tpu.memory_space<hbm>>) target(%dma_start3A_656 : memref<128x64xf32, #tpu.memory_space<vmem>>) offsets(%dma_start3A_659 : memref<128xi32, #tpu.memory_space<vmem>>) semaphore(%arg18 : memref<!tpu.dma_semaphore, #tpu.memory_space<semaphore_mem>>)
      } else {
      }
      %add3A_460 = arith.constant 2 : i32
      %add3A_461 = arith.addi %add3A_400, %add3A_460 : i32
      %dma_wait3A_462 = arith.constant 2 : i32
      %dma_wait3A_463 = arith.constant 0 : i32
      %dma_wait3A_464 = arith.constant 0 : i32
      %dma_wait3A_465 = tpu.memref_slice %arg9[%dma_wait3A_462, %dma_wait3A_463, %dma_wait3A_464] : memref<8x128x64xf32, #tpu.memory_space<vmem>> -> memref<1x128x64xf32, #tpu.memory_space<vmem>>
      %dma_wait3A_466 = tpu.memref_squeeze %dma_wait3A_465 : memref<1x128x64xf32, #tpu.memory_space<vmem>> -> memref<128x64xf32, #tpu.memory_space<vmem>>
      %dma_wait3A_467 = arith.constant 0 : i32
      %dma_wait3A_468 = tpu.memref_slice %arg7[%add3A_461, %dma_wait3A_467] : memref<80x128xi32, #tpu.memory_space<vmem>> -> memref<1x128xi32, #tpu.memory_space<vmem>>
      %dma_wait3A_469 = tpu.memref_squeeze %dma_wait3A_468 : memref<1x128xi32, #tpu.memory_space<vmem>> -> memref<128xi32, #tpu.memory_space<vmem>>
      %dma_wait3A_470 = arith.constant 0 : i32
      %dma_wait3A_471 = arith.constant 0 : i32
      %dma_wait3A_472 = tpu.memref_slice %arg2[%dma_wait3A_470, %dma_wait3A_471] : memref<10000x64xf32, #tpu.memory_space<hbm>> -> memref<10000x64xf32, #tpu.memory_space<hbm>>
      tpu.wait_indirect_dma semaphore(%arg13 : memref<!tpu.dma_semaphore, #tpu.memory_space<semaphore_mem>>) src(%dma_wait3A_472 : memref<10000x64xf32, #tpu.memory_space<hbm>>) dst(%dma_wait3A_466 : memref<128x64xf32, #tpu.memory_space<vmem>>)
      %dma_start3A_473 = arith.constant 2 : i32
      %dma_start3A_474 = arith.constant 0 : i32
      %dma_start3A_475 = arith.constant 0 : i32
      %dma_start3A_476 = tpu.memref_slice %arg9[%dma_start3A_473, %dma_start3A_474, %dma_start3A_475] : memref<8x128x64xf32, #tpu.memory_space<vmem>> -> memref<1x128x64xf32, #tpu.memory_space<vmem>>
      %dma_start3A_477 = tpu.memref_squeeze %dma_start3A_476 : memref<1x128x64xf32, #tpu.memory_space<vmem>> -> memref<128x64xf32, #tpu.memory_space<vmem>>
      %dma_start3A_478 = arith.constant 0 : i32
      %dma_start3A_479 = tpu.memref_slice %arg8[%add3A_461, %dma_start3A_478] : memref<80x128xi32, #tpu.memory_space<vmem>> -> memref<1x128xi32, #tpu.memory_space<vmem>>
      %dma_start3A_480 = tpu.memref_squeeze %dma_start3A_479 : memref<1x128xi32, #tpu.memory_space<vmem>> -> memref<128xi32, #tpu.memory_space<vmem>>
      %dma_start3A_481 = arith.constant 0 : i32
      %dma_start3A_482 = arith.constant 0 : i32
      %dma_start3A_483 = tpu.memref_slice %arg10[%dma_start3A_481, %dma_start3A_482] : memref<10240x64xf32, #tpu.memory_space<vmem_shared>> -> memref<10240x64xf32, #tpu.memory_space<vmem_shared>>
      tpu.enqueue_indirect_dma source(%dma_start3A_477 : memref<128x64xf32, #tpu.memory_space<vmem>>) target(%dma_start3A_483 : memref<10240x64xf32, #tpu.memory_space<vmem_shared>>) offsets(%dma_start3A_480 : memref<128xi32, #tpu.memory_space<vmem>>) semaphore(%arg21 : memref<!tpu.dma_semaphore, #tpu.memory_space<semaphore_mem>>) {add = true}
      %add3A_484 = arith.constant 6 : i32
      %add3A_485 = arith.addi %add3A_461, %add3A_484 : i32
      %lt3A_486 = arith.constant 80 : i32
      %lt3A_487 = arith.cmpi slt, %add3A_485, %lt3A_486 : i32
      %convert_element_type3A_488 = arith.extui %lt3A_487 : i1 to i32
      %cond3A_489 = arith.constant 0 : i32
      %cond3A_490 = arith.cmpi ne, %convert_element_type3A_488, %cond3A_489 : i32
      scf.if %cond3A_490 {
        %ge3A = arith.constant 2 : i32
        %ge3A_646 = arith.cmpi sge, %add3A_461, %ge3A : i32
        %convert_element_type3A_647 = arith.extui %ge3A_646 : i1 to i32
        %cond3A_648 = arith.constant 0 : i32
        %cond3A_649 = arith.cmpi ne, %convert_element_type3A_647, %cond3A_648 : i32
        scf.if %cond3A_649 {
          %sub3A = arith.constant 2 : i32
          %sub3A_663 = arith.subi %add3A_461, %sub3A : i32
          %dma_wait3A_664 = arith.constant 0 : i32
          %dma_wait3A_665 = arith.constant 0 : i32
          %dma_wait3A_666 = arith.constant 0 : i32
          %dma_wait3A_667 = tpu.memref_slice %arg9[%dma_wait3A_664, %dma_wait3A_665, %dma_wait3A_666] : memref<8x128x64xf32, #tpu.memory_space<vmem>> -> memref<1x128x64xf32, #tpu.memory_space<vmem>>
          %dma_wait3A_668 = tpu.memref_squeeze %dma_wait3A_667 : memref<1x128x64xf32, #tpu.memory_space<vmem>> -> memref<128x64xf32, #tpu.memory_space<vmem>>
          %dma_wait3A_669 = arith.constant 0 : i32
          %dma_wait3A_670 = tpu.memref_slice %arg8[%sub3A_663, %dma_wait3A_669] : memref<80x128xi32, #tpu.memory_space<vmem>> -> memref<1x128xi32, #tpu.memory_space<vmem>>
          %dma_wait3A_671 = tpu.memref_squeeze %dma_wait3A_670 : memref<1x128xi32, #tpu.memory_space<vmem>> -> memref<128xi32, #tpu.memory_space<vmem>>
          %dma_wait3A_672 = arith.constant 0 : i32
          %dma_wait3A_673 = arith.constant 0 : i32
          %dma_wait3A_674 = tpu.memref_slice %arg10[%dma_wait3A_672, %dma_wait3A_673] : memref<10240x64xf32, #tpu.memory_space<vmem_shared>> -> memref<10240x64xf32, #tpu.memory_space<vmem_shared>>
          tpu.wait_indirect_dma semaphore(%arg19 : memref<!tpu.dma_semaphore, #tpu.memory_space<semaphore_mem>>) src(%dma_wait3A_668 : memref<128x64xf32, #tpu.memory_space<vmem>>) dst(%dma_wait3A_674 : memref<10240x64xf32, #tpu.memory_space<vmem_shared>>)
        } else {
        }
        %add3A_650 = arith.constant 6 : i32
        %add3A_651 = arith.addi %add3A_461, %add3A_650 : i32
        %dma_start3A_652 = arith.constant 0 : i32
        %dma_start3A_653 = arith.constant 0 : i32
        %dma_start3A_654 = arith.constant 0 : i32
        %dma_start3A_655 = tpu.memref_slice %arg9[%dma_start3A_652, %dma_start3A_653, %dma_start3A_654] : memref<8x128x64xf32, #tpu.memory_space<vmem>> -> memref<1x128x64xf32, #tpu.memory_space<vmem>>
        %dma_start3A_656 = tpu.memref_squeeze %dma_start3A_655 : memref<1x128x64xf32, #tpu.memory_space<vmem>> -> memref<128x64xf32, #tpu.memory_space<vmem>>
        %dma_start3A_657 = arith.constant 0 : i32
        %dma_start3A_658 = tpu.memref_slice %arg7[%add3A_651, %dma_start3A_657] : memref<80x128xi32, #tpu.memory_space<vmem>> -> memref<1x128xi32, #tpu.memory_space<vmem>>
        %dma_start3A_659 = tpu.memref_squeeze %dma_start3A_658 : memref<1x128xi32, #tpu.memory_space<vmem>> -> memref<128xi32, #tpu.memory_space<vmem>>
        %dma_start3A_660 = arith.constant 0 : i32
        %dma_start3A_661 = arith.constant 0 : i32
        %dma_start3A_662 = tpu.memref_slice %arg2[%dma_start3A_660, %dma_start3A_661] : memref<10000x64xf32, #tpu.memory_space<hbm>> -> memref<10000x64xf32, #tpu.memory_space<hbm>>
        tpu.enqueue_indirect_dma source(%dma_start3A_662 : memref<10000x64xf32, #tpu.memory_space<hbm>>) target(%dma_start3A_656 : memref<128x64xf32, #tpu.memory_space<vmem>>) offsets(%dma_start3A_659 : memref<128xi32, #tpu.memory_space<vmem>>) semaphore(%arg11 : memref<!tpu.dma_semaphore, #tpu.memory_space<semaphore_mem>>)
      } else {
      }
      %add3A_491 = arith.constant 3 : i32
      %add3A_492 = arith.addi %add3A_400, %add3A_491 : i32
      %dma_wait3A_493 = arith.constant 3 : i32
      %dma_wait3A_494 = arith.constant 0 : i32
      %dma_wait3A_495 = arith.constant 0 : i32
      %dma_wait3A_496 = tpu.memref_slice %arg9[%dma_wait3A_493, %dma_wait3A_494, %dma_wait3A_495] : memref<8x128x64xf32, #tpu.memory_space<vmem>> -> memref<1x128x64xf32, #tpu.memory_space<vmem>>
      %dma_wait3A_497 = tpu.memref_squeeze %dma_wait3A_496 : memref<1x128x64xf32, #tpu.memory_space<vmem>> -> memref<128x64xf32, #tpu.memory_space<vmem>>
      %dma_wait3A_498 = arith.constant 0 : i32
      %dma_wait3A_499 = tpu.memref_slice %arg7[%add3A_492, %dma_wait3A_498] : memref<80x128xi32, #tpu.memory_space<vmem>> -> memref<1x128xi32, #tpu.memory_space<vmem>>
      %dma_wait3A_500 = tpu.memref_squeeze %dma_wait3A_499 : memref<1x128xi32, #tpu.memory_space<vmem>> -> memref<128xi32, #tpu.memory_space<vmem>>
      %dma_wait3A_501 = arith.constant 0 : i32
      %dma_wait3A_502 = arith.constant 0 : i32
      %dma_wait3A_503 = tpu.memref_slice %arg2[%dma_wait3A_501, %dma_wait3A_502] : memref<10000x64xf32, #tpu.memory_space<hbm>> -> memref<10000x64xf32, #tpu.memory_space<hbm>>
      tpu.wait_indirect_dma semaphore(%arg14 : memref<!tpu.dma_semaphore, #tpu.memory_space<semaphore_mem>>) src(%dma_wait3A_503 : memref<10000x64xf32, #tpu.memory_space<hbm>>) dst(%dma_wait3A_497 : memref<128x64xf32, #tpu.memory_space<vmem>>)
      %dma_start3A_504 = arith.constant 3 : i32
      %dma_start3A_505 = arith.constant 0 : i32
      %dma_start3A_506 = arith.constant 0 : i32
      %dma_start3A_507 = tpu.memref_slice %arg9[%dma_start3A_504, %dma_start3A_505, %dma_start3A_506] : memref<8x128x64xf32, #tpu.memory_space<vmem>> -> memref<1x128x64xf32, #tpu.memory_space<vmem>>
      %dma_start3A_508 = tpu.memref_squeeze %dma_start3A_507 : memref<1x128x64xf32, #tpu.memory_space<vmem>> -> memref<128x64xf32, #tpu.memory_space<vmem>>
      %dma_start3A_509 = arith.constant 0 : i32
      %dma_start3A_510 = tpu.memref_slice %arg8[%add3A_492, %dma_start3A_509] : memref<80x128xi32, #tpu.memory_space<vmem>> -> memref<1x128xi32, #tpu.memory_space<vmem>>
      %dma_start3A_511 = tpu.memref_squeeze %dma_start3A_510 : memref<1x128xi32, #tpu.memory_space<vmem>> -> memref<128xi32, #tpu.memory_space<vmem>>
      %dma_start3A_512 = arith.constant 0 : i32
      %dma_start3A_513 = arith.constant 0 : i32
      %dma_start3A_514 = tpu.memref_slice %arg10[%dma_start3A_512, %dma_start3A_513] : memref<10240x64xf32, #tpu.memory_space<vmem_shared>> -> memref<10240x64xf32, #tpu.memory_space<vmem_shared>>
      tpu.enqueue_indirect_dma source(%dma_start3A_508 : memref<128x64xf32, #tpu.memory_space<vmem>>) target(%dma_start3A_514 : memref<10240x64xf32, #tpu.memory_space<vmem_shared>>) offsets(%dma_start3A_511 : memref<128xi32, #tpu.memory_space<vmem>>) semaphore(%arg22 : memref<!tpu.dma_semaphore, #tpu.memory_space<semaphore_mem>>) {add = true}
      %add3A_515 = arith.constant 6 : i32
      %add3A_516 = arith.addi %add3A_492, %add3A_515 : i32
      %lt3A_517 = arith.constant 80 : i32
      %lt3A_518 = arith.cmpi slt, %add3A_516, %lt3A_517 : i32
      %convert_element_type3A_519 = arith.extui %lt3A_518 : i1 to i32
      %cond3A_520 = arith.constant 0 : i32
      %cond3A_521 = arith.cmpi ne, %convert_element_type3A_519, %cond3A_520 : i32
      scf.if %cond3A_521 {
        %ge3A = arith.constant 2 : i32
        %ge3A_646 = arith.cmpi sge, %add3A_492, %ge3A : i32
        %convert_element_type3A_647 = arith.extui %ge3A_646 : i1 to i32
        %cond3A_648 = arith.constant 0 : i32
        %cond3A_649 = arith.cmpi ne, %convert_element_type3A_647, %cond3A_648 : i32
        scf.if %cond3A_649 {
          %sub3A = arith.constant 2 : i32
          %sub3A_663 = arith.subi %add3A_492, %sub3A : i32
          %dma_wait3A_664 = arith.constant 1 : i32
          %dma_wait3A_665 = arith.constant 0 : i32
          %dma_wait3A_666 = arith.constant 0 : i32
          %dma_wait3A_667 = tpu.memref_slice %arg9[%dma_wait3A_664, %dma_wait3A_665, %dma_wait3A_666] : memref<8x128x64xf32, #tpu.memory_space<vmem>> -> memref<1x128x64xf32, #tpu.memory_space<vmem>>
          %dma_wait3A_668 = tpu.memref_squeeze %dma_wait3A_667 : memref<1x128x64xf32, #tpu.memory_space<vmem>> -> memref<128x64xf32, #tpu.memory_space<vmem>>
          %dma_wait3A_669 = arith.constant 0 : i32
          %dma_wait3A_670 = tpu.memref_slice %arg8[%sub3A_663, %dma_wait3A_669] : memref<80x128xi32, #tpu.memory_space<vmem>> -> memref<1x128xi32, #tpu.memory_space<vmem>>
          %dma_wait3A_671 = tpu.memref_squeeze %dma_wait3A_670 : memref<1x128xi32, #tpu.memory_space<vmem>> -> memref<128xi32, #tpu.memory_space<vmem>>
          %dma_wait3A_672 = arith.constant 0 : i32
          %dma_wait3A_673 = arith.constant 0 : i32
          %dma_wait3A_674 = tpu.memref_slice %arg10[%dma_wait3A_672, %dma_wait3A_673] : memref<10240x64xf32, #tpu.memory_space<vmem_shared>> -> memref<10240x64xf32, #tpu.memory_space<vmem_shared>>
          tpu.wait_indirect_dma semaphore(%arg20 : memref<!tpu.dma_semaphore, #tpu.memory_space<semaphore_mem>>) src(%dma_wait3A_668 : memref<128x64xf32, #tpu.memory_space<vmem>>) dst(%dma_wait3A_674 : memref<10240x64xf32, #tpu.memory_space<vmem_shared>>)
        } else {
        }
        %add3A_650 = arith.constant 6 : i32
        %add3A_651 = arith.addi %add3A_492, %add3A_650 : i32
        %dma_start3A_652 = arith.constant 1 : i32
        %dma_start3A_653 = arith.constant 0 : i32
        %dma_start3A_654 = arith.constant 0 : i32
        %dma_start3A_655 = tpu.memref_slice %arg9[%dma_start3A_652, %dma_start3A_653, %dma_start3A_654] : memref<8x128x64xf32, #tpu.memory_space<vmem>> -> memref<1x128x64xf32, #tpu.memory_space<vmem>>
        %dma_start3A_656 = tpu.memref_squeeze %dma_start3A_655 : memref<1x128x64xf32, #tpu.memory_space<vmem>> -> memref<128x64xf32, #tpu.memory_space<vmem>>
        %dma_start3A_657 = arith.constant 0 : i32
        %dma_start3A_658 = tpu.memref_slice %arg7[%add3A_651, %dma_start3A_657] : memref<80x128xi32, #tpu.memory_space<vmem>> -> memref<1x128xi32, #tpu.memory_space<vmem>>
        %dma_start3A_659 = tpu.memref_squeeze %dma_start3A_658 : memref<1x128xi32, #tpu.memory_space<vmem>> -> memref<128xi32, #tpu.memory_space<vmem>>
        %dma_start3A_660 = arith.constant 0 : i32
        %dma_start3A_661 = arith.constant 0 : i32
        %dma_start3A_662 = tpu.memref_slice %arg2[%dma_start3A_660, %dma_start3A_661] : memref<10000x64xf32, #tpu.memory_space<hbm>> -> memref<10000x64xf32, #tpu.memory_space<hbm>>
        tpu.enqueue_indirect_dma source(%dma_start3A_662 : memref<10000x64xf32, #tpu.memory_space<hbm>>) target(%dma_start3A_656 : memref<128x64xf32, #tpu.memory_space<vmem>>) offsets(%dma_start3A_659 : memref<128xi32, #tpu.memory_space<vmem>>) semaphore(%arg12 : memref<!tpu.dma_semaphore, #tpu.memory_space<semaphore_mem>>)
      } else {
      }
      %add3A_522 = arith.constant 4 : i32
      %add3A_523 = arith.addi %add3A_400, %add3A_522 : i32
      %dma_wait3A_524 = arith.constant 4 : i32
      %dma_wait3A_525 = arith.constant 0 : i32
      %dma_wait3A_526 = arith.constant 0 : i32
      %dma_wait3A_527 = tpu.memref_slice %arg9[%dma_wait3A_524, %dma_wait3A_525, %dma_wait3A_526] : memref<8x128x64xf32, #tpu.memory_space<vmem>> -> memref<1x128x64xf32, #tpu.memory_space<vmem>>
      %dma_wait3A_528 = tpu.memref_squeeze %dma_wait3A_527 : memref<1x128x64xf32, #tpu.memory_space<vmem>> -> memref<128x64xf32, #tpu.memory_space<vmem>>
      %dma_wait3A_529 = arith.constant 0 : i32
      %dma_wait3A_530 = tpu.memref_slice %arg7[%add3A_523, %dma_wait3A_529] : memref<80x128xi32, #tpu.memory_space<vmem>> -> memref<1x128xi32, #tpu.memory_space<vmem>>
      %dma_wait3A_531 = tpu.memref_squeeze %dma_wait3A_530 : memref<1x128xi32, #tpu.memory_space<vmem>> -> memref<128xi32, #tpu.memory_space<vmem>>
      %dma_wait3A_532 = arith.constant 0 : i32
      %dma_wait3A_533 = arith.constant 0 : i32
      %dma_wait3A_534 = tpu.memref_slice %arg2[%dma_wait3A_532, %dma_wait3A_533] : memref<10000x64xf32, #tpu.memory_space<hbm>> -> memref<10000x64xf32, #tpu.memory_space<hbm>>
      tpu.wait_indirect_dma semaphore(%arg15 : memref<!tpu.dma_semaphore, #tpu.memory_space<semaphore_mem>>) src(%dma_wait3A_534 : memref<10000x64xf32, #tpu.memory_space<hbm>>) dst(%dma_wait3A_528 : memref<128x64xf32, #tpu.memory_space<vmem>>)
      %dma_start3A_535 = arith.constant 4 : i32
      %dma_start3A_536 = arith.constant 0 : i32
      %dma_start3A_537 = arith.constant 0 : i32
      %dma_start3A_538 = tpu.memref_slice %arg9[%dma_start3A_535, %dma_start3A_536, %dma_start3A_537] : memref<8x128x64xf32, #tpu.memory_space<vmem>> -> memref<1x128x64xf32, #tpu.memory_space<vmem>>
      %dma_start3A_539 = tpu.memref_squeeze %dma_start3A_538 : memref<1x128x64xf32, #tpu.memory_space<vmem>> -> memref<128x64xf32, #tpu.memory_space<vmem>>
      %dma_start3A_540 = arith.constant 0 : i32
      %dma_start3A_541 = tpu.memref_slice %arg8[%add3A_523, %dma_start3A_540] : memref<80x128xi32, #tpu.memory_space<vmem>> -> memref<1x128xi32, #tpu.memory_space<vmem>>
      %dma_start3A_542 = tpu.memref_squeeze %dma_start3A_541 : memref<1x128xi32, #tpu.memory_space<vmem>> -> memref<128xi32, #tpu.memory_space<vmem>>
      %dma_start3A_543 = arith.constant 0 : i32
      %dma_start3A_544 = arith.constant 0 : i32
      %dma_start3A_545 = tpu.memref_slice %arg10[%dma_start3A_543, %dma_start3A_544] : memref<10240x64xf32, #tpu.memory_space<vmem_shared>> -> memref<10240x64xf32, #tpu.memory_space<vmem_shared>>
      tpu.enqueue_indirect_dma source(%dma_start3A_539 : memref<128x64xf32, #tpu.memory_space<vmem>>) target(%dma_start3A_545 : memref<10240x64xf32, #tpu.memory_space<vmem_shared>>) offsets(%dma_start3A_542 : memref<128xi32, #tpu.memory_space<vmem>>) semaphore(%arg23 : memref<!tpu.dma_semaphore, #tpu.memory_space<semaphore_mem>>) {add = true}
      %add3A_546 = arith.constant 6 : i32
      %add3A_547 = arith.addi %add3A_523, %add3A_546 : i32
      %lt3A_548 = arith.constant 80 : i32
      %lt3A_549 = arith.cmpi slt, %add3A_547, %lt3A_548 : i32
      %convert_element_type3A_550 = arith.extui %lt3A_549 : i1 to i32
      %cond3A_551 = arith.constant 0 : i32
      %cond3A_552 = arith.cmpi ne, %convert_element_type3A_550, %cond3A_551 : i32
      scf.if %cond3A_552 {
        %ge3A = arith.constant 2 : i32
        %ge3A_646 = arith.cmpi sge, %add3A_523, %ge3A : i32
        %convert_element_type3A_647 = arith.extui %ge3A_646 : i1 to i32
        %cond3A_648 = arith.constant 0 : i32
        %cond3A_649 = arith.cmpi ne, %convert_element_type3A_647, %cond3A_648 : i32
        scf.if %cond3A_649 {
          %sub3A = arith.constant 2 : i32
          %sub3A_663 = arith.subi %add3A_523, %sub3A : i32
          %dma_wait3A_664 = arith.constant 2 : i32
          %dma_wait3A_665 = arith.constant 0 : i32
          %dma_wait3A_666 = arith.constant 0 : i32
          %dma_wait3A_667 = tpu.memref_slice %arg9[%dma_wait3A_664, %dma_wait3A_665, %dma_wait3A_666] : memref<8x128x64xf32, #tpu.memory_space<vmem>> -> memref<1x128x64xf32, #tpu.memory_space<vmem>>
          %dma_wait3A_668 = tpu.memref_squeeze %dma_wait3A_667 : memref<1x128x64xf32, #tpu.memory_space<vmem>> -> memref<128x64xf32, #tpu.memory_space<vmem>>
          %dma_wait3A_669 = arith.constant 0 : i32
          %dma_wait3A_670 = tpu.memref_slice %arg8[%sub3A_663, %dma_wait3A_669] : memref<80x128xi32, #tpu.memory_space<vmem>> -> memref<1x128xi32, #tpu.memory_space<vmem>>
          %dma_wait3A_671 = tpu.memref_squeeze %dma_wait3A_670 : memref<1x128xi32, #tpu.memory_space<vmem>> -> memref<128xi32, #tpu.memory_space<vmem>>
          %dma_wait3A_672 = arith.constant 0 : i32
          %dma_wait3A_673 = arith.constant 0 : i32
          %dma_wait3A_674 = tpu.memref_slice %arg10[%dma_wait3A_672, %dma_wait3A_673] : memref<10240x64xf32, #tpu.memory_space<vmem_shared>> -> memref<10240x64xf32, #tpu.memory_space<vmem_shared>>
          tpu.wait_indirect_dma semaphore(%arg21 : memref<!tpu.dma_semaphore, #tpu.memory_space<semaphore_mem>>) src(%dma_wait3A_668 : memref<128x64xf32, #tpu.memory_space<vmem>>) dst(%dma_wait3A_674 : memref<10240x64xf32, #tpu.memory_space<vmem_shared>>)
        } else {
        }
        %add3A_650 = arith.constant 6 : i32
        %add3A_651 = arith.addi %add3A_523, %add3A_650 : i32
        %dma_start3A_652 = arith.constant 2 : i32
        %dma_start3A_653 = arith.constant 0 : i32
        %dma_start3A_654 = arith.constant 0 : i32
        %dma_start3A_655 = tpu.memref_slice %arg9[%dma_start3A_652, %dma_start3A_653, %dma_start3A_654] : memref<8x128x64xf32, #tpu.memory_space<vmem>> -> memref<1x128x64xf32, #tpu.memory_space<vmem>>
        %dma_start3A_656 = tpu.memref_squeeze %dma_start3A_655 : memref<1x128x64xf32, #tpu.memory_space<vmem>> -> memref<128x64xf32, #tpu.memory_space<vmem>>
        %dma_start3A_657 = arith.constant 0 : i32
        %dma_start3A_658 = tpu.memref_slice %arg7[%add3A_651, %dma_start3A_657] : memref<80x128xi32, #tpu.memory_space<vmem>> -> memref<1x128xi32, #tpu.memory_space<vmem>>
        %dma_start3A_659 = tpu.memref_squeeze %dma_start3A_658 : memref<1x128xi32, #tpu.memory_space<vmem>> -> memref<128xi32, #tpu.memory_space<vmem>>
        %dma_start3A_660 = arith.constant 0 : i32
        %dma_start3A_661 = arith.constant 0 : i32
        %dma_start3A_662 = tpu.memref_slice %arg2[%dma_start3A_660, %dma_start3A_661] : memref<10000x64xf32, #tpu.memory_space<hbm>> -> memref<10000x64xf32, #tpu.memory_space<hbm>>
        tpu.enqueue_indirect_dma source(%dma_start3A_662 : memref<10000x64xf32, #tpu.memory_space<hbm>>) target(%dma_start3A_656 : memref<128x64xf32, #tpu.memory_space<vmem>>) offsets(%dma_start3A_659 : memref<128xi32, #tpu.memory_space<vmem>>) semaphore(%arg13 : memref<!tpu.dma_semaphore, #tpu.memory_space<semaphore_mem>>)
      } else {
      }
      %add3A_553 = arith.constant 5 : i32
      %add3A_554 = arith.addi %add3A_400, %add3A_553 : i32
      %dma_wait3A_555 = arith.constant 5 : i32
      %dma_wait3A_556 = arith.constant 0 : i32
      %dma_wait3A_557 = arith.constant 0 : i32
      %dma_wait3A_558 = tpu.memref_slice %arg9[%dma_wait3A_555, %dma_wait3A_556, %dma_wait3A_557] : memref<8x128x64xf32, #tpu.memory_space<vmem>> -> memref<1x128x64xf32, #tpu.memory_space<vmem>>
      %dma_wait3A_559 = tpu.memref_squeeze %dma_wait3A_558 : memref<1x128x64xf32, #tpu.memory_space<vmem>> -> memref<128x64xf32, #tpu.memory_space<vmem>>
      %dma_wait3A_560 = arith.constant 0 : i32
      %dma_wait3A_561 = tpu.memref_slice %arg7[%add3A_554, %dma_wait3A_560] : memref<80x128xi32, #tpu.memory_space<vmem>> -> memref<1x128xi32, #tpu.memory_space<vmem>>
      %dma_wait3A_562 = tpu.memref_squeeze %dma_wait3A_561 : memref<1x128xi32, #tpu.memory_space<vmem>> -> memref<128xi32, #tpu.memory_space<vmem>>
      %dma_wait3A_563 = arith.constant 0 : i32
      %dma_wait3A_564 = arith.constant 0 : i32
      %dma_wait3A_565 = tpu.memref_slice %arg2[%dma_wait3A_563, %dma_wait3A_564] : memref<10000x64xf32, #tpu.memory_space<hbm>> -> memref<10000x64xf32, #tpu.memory_space<hbm>>
      tpu.wait_indirect_dma semaphore(%arg16 : memref<!tpu.dma_semaphore, #tpu.memory_space<semaphore_mem>>) src(%dma_wait3A_565 : memref<10000x64xf32, #tpu.memory_space<hbm>>) dst(%dma_wait3A_559 : memref<128x64xf32, #tpu.memory_space<vmem>>)
      %dma_start3A_566 = arith.constant 5 : i32
      %dma_start3A_567 = arith.constant 0 : i32
      %dma_start3A_568 = arith.constant 0 : i32
      %dma_start3A_569 = tpu.memref_slice %arg9[%dma_start3A_566, %dma_start3A_567, %dma_start3A_568] : memref<8x128x64xf32, #tpu.memory_space<vmem>> -> memref<1x128x64xf32, #tpu.memory_space<vmem>>
      %dma_start3A_570 = tpu.memref_squeeze %dma_start3A_569 : memref<1x128x64xf32, #tpu.memory_space<vmem>> -> memref<128x64xf32, #tpu.memory_space<vmem>>
      %dma_start3A_571 = arith.constant 0 : i32
      %dma_start3A_572 = tpu.memref_slice %arg8[%add3A_554, %dma_start3A_571] : memref<80x128xi32, #tpu.memory_space<vmem>> -> memref<1x128xi32, #tpu.memory_space<vmem>>
      %dma_start3A_573 = tpu.memref_squeeze %dma_start3A_572 : memref<1x128xi32, #tpu.memory_space<vmem>> -> memref<128xi32, #tpu.memory_space<vmem>>
      %dma_start3A_574 = arith.constant 0 : i32
      %dma_start3A_575 = arith.constant 0 : i32
      %dma_start3A_576 = tpu.memref_slice %arg10[%dma_start3A_574, %dma_start3A_575] : memref<10240x64xf32, #tpu.memory_space<vmem_shared>> -> memref<10240x64xf32, #tpu.memory_space<vmem_shared>>
      tpu.enqueue_indirect_dma source(%dma_start3A_570 : memref<128x64xf32, #tpu.memory_space<vmem>>) target(%dma_start3A_576 : memref<10240x64xf32, #tpu.memory_space<vmem_shared>>) offsets(%dma_start3A_573 : memref<128xi32, #tpu.memory_space<vmem>>) semaphore(%arg24 : memref<!tpu.dma_semaphore, #tpu.memory_space<semaphore_mem>>) {add = true}
      %add3A_577 = arith.constant 6 : i32
      %add3A_578 = arith.addi %add3A_554, %add3A_577 : i32
      %lt3A_579 = arith.constant 80 : i32
      %lt3A_580 = arith.cmpi slt, %add3A_578, %lt3A_579 : i32
      %convert_element_type3A_581 = arith.extui %lt3A_580 : i1 to i32
      %cond3A_582 = arith.constant 0 : i32
      %cond3A_583 = arith.cmpi ne, %convert_element_type3A_581, %cond3A_582 : i32
      scf.if %cond3A_583 {
        %ge3A = arith.constant 2 : i32
        %ge3A_646 = arith.cmpi sge, %add3A_554, %ge3A : i32
        %convert_element_type3A_647 = arith.extui %ge3A_646 : i1 to i32
        %cond3A_648 = arith.constant 0 : i32
        %cond3A_649 = arith.cmpi ne, %convert_element_type3A_647, %cond3A_648 : i32
        scf.if %cond3A_649 {
          %sub3A = arith.constant 2 : i32
          %sub3A_663 = arith.subi %add3A_554, %sub3A : i32
          %dma_wait3A_664 = arith.constant 3 : i32
          %dma_wait3A_665 = arith.constant 0 : i32
          %dma_wait3A_666 = arith.constant 0 : i32
          %dma_wait3A_667 = tpu.memref_slice %arg9[%dma_wait3A_664, %dma_wait3A_665, %dma_wait3A_666] : memref<8x128x64xf32, #tpu.memory_space<vmem>> -> memref<1x128x64xf32, #tpu.memory_space<vmem>>
          %dma_wait3A_668 = tpu.memref_squeeze %dma_wait3A_667 : memref<1x128x64xf32, #tpu.memory_space<vmem>> -> memref<128x64xf32, #tpu.memory_space<vmem>>
          %dma_wait3A_669 = arith.constant 0 : i32
          %dma_wait3A_670 = tpu.memref_slice %arg8[%sub3A_663, %dma_wait3A_669] : memref<80x128xi32, #tpu.memory_space<vmem>> -> memref<1x128xi32, #tpu.memory_space<vmem>>
          %dma_wait3A_671 = tpu.memref_squeeze %dma_wait3A_670 : memref<1x128xi32, #tpu.memory_space<vmem>> -> memref<128xi32, #tpu.memory_space<vmem>>
          %dma_wait3A_672 = arith.constant 0 : i32
          %dma_wait3A_673 = arith.constant 0 : i32
          %dma_wait3A_674 = tpu.memref_slice %arg10[%dma_wait3A_672, %dma_wait3A_673] : memref<10240x64xf32, #tpu.memory_space<vmem_shared>> -> memref<10240x64xf32, #tpu.memory_space<vmem_shared>>
          tpu.wait_indirect_dma semaphore(%arg22 : memref<!tpu.dma_semaphore, #tpu.memory_space<semaphore_mem>>) src(%dma_wait3A_668 : memref<128x64xf32, #tpu.memory_space<vmem>>) dst(%dma_wait3A_674 : memref<10240x64xf32, #tpu.memory_space<vmem_shared>>)
        } else {
        }
        %add3A_650 = arith.constant 6 : i32
        %add3A_651 = arith.addi %add3A_554, %add3A_650 : i32
        %dma_start3A_652 = arith.constant 3 : i32
        %dma_start3A_653 = arith.constant 0 : i32
        %dma_start3A_654 = arith.constant 0 : i32
        %dma_start3A_655 = tpu.memref_slice %arg9[%dma_start3A_652, %dma_start3A_653, %dma_start3A_654] : memref<8x128x64xf32, #tpu.memory_space<vmem>> -> memref<1x128x64xf32, #tpu.memory_space<vmem>>
        %dma_start3A_656 = tpu.memref_squeeze %dma_start3A_655 : memref<1x128x64xf32, #tpu.memory_space<vmem>> -> memref<128x64xf32, #tpu.memory_space<vmem>>
        %dma_start3A_657 = arith.constant 0 : i32
        %dma_start3A_658 = tpu.memref_slice %arg7[%add3A_651, %dma_start3A_657] : memref<80x128xi32, #tpu.memory_space<vmem>> -> memref<1x128xi32, #tpu.memory_space<vmem>>
        %dma_start3A_659 = tpu.memref_squeeze %dma_start3A_658 : memref<1x128xi32, #tpu.memory_space<vmem>> -> memref<128xi32, #tpu.memory_space<vmem>>
        %dma_start3A_660 = arith.constant 0 : i32
        %dma_start3A_661 = arith.constant 0 : i32
        %dma_start3A_662 = tpu.memref_slice %arg2[%dma_start3A_660, %dma_start3A_661] : memref<10000x64xf32, #tpu.memory_space<hbm>> -> memref<10000x64xf32, #tpu.memory_space<hbm>>
        tpu.enqueue_indirect_dma source(%dma_start3A_662 : memref<10000x64xf32, #tpu.memory_space<hbm>>) target(%dma_start3A_656 : memref<128x64xf32, #tpu.memory_space<vmem>>) offsets(%dma_start3A_659 : memref<128xi32, #tpu.memory_space<vmem>>) semaphore(%arg14 : memref<!tpu.dma_semaphore, #tpu.memory_space<semaphore_mem>>)
      } else {
      }
      %add3A_584 = arith.constant 6 : i32
      %add3A_585 = arith.addi %add3A_400, %add3A_584 : i32
      %dma_wait3A_586 = arith.constant 6 : i32
      %dma_wait3A_587 = arith.constant 0 : i32
      %dma_wait3A_588 = arith.constant 0 : i32
      %dma_wait3A_589 = tpu.memref_slice %arg9[%dma_wait3A_586, %dma_wait3A_587, %dma_wait3A_588] : memref<8x128x64xf32, #tpu.memory_space<vmem>> -> memref<1x128x64xf32, #tpu.memory_space<vmem>>
      %dma_wait3A_590 = tpu.memref_squeeze %dma_wait3A_589 : memref<1x128x64xf32, #tpu.memory_space<vmem>> -> memref<128x64xf32, #tpu.memory_space<vmem>>
      %dma_wait3A_591 = arith.constant 0 : i32
      %dma_wait3A_592 = tpu.memref_slice %arg7[%add3A_585, %dma_wait3A_591] : memref<80x128xi32, #tpu.memory_space<vmem>> -> memref<1x128xi32, #tpu.memory_space<vmem>>
      %dma_wait3A_593 = tpu.memref_squeeze %dma_wait3A_592 : memref<1x128xi32, #tpu.memory_space<vmem>> -> memref<128xi32, #tpu.memory_space<vmem>>
      %dma_wait3A_594 = arith.constant 0 : i32
      %dma_wait3A_595 = arith.constant 0 : i32
      %dma_wait3A_596 = tpu.memref_slice %arg2[%dma_wait3A_594, %dma_wait3A_595] : memref<10000x64xf32, #tpu.memory_space<hbm>> -> memref<10000x64xf32, #tpu.memory_space<hbm>>
      tpu.wait_indirect_dma semaphore(%arg17 : memref<!tpu.dma_semaphore, #tpu.memory_space<semaphore_mem>>) src(%dma_wait3A_596 : memref<10000x64xf32, #tpu.memory_space<hbm>>) dst(%dma_wait3A_590 : memref<128x64xf32, #tpu.memory_space<vmem>>)
      %dma_start3A_597 = arith.constant 6 : i32
      %dma_start3A_598 = arith.constant 0 : i32
      %dma_start3A_599 = arith.constant 0 : i32
      %dma_start3A_600 = tpu.memref_slice %arg9[%dma_start3A_597, %dma_start3A_598, %dma_start3A_599] : memref<8x128x64xf32, #tpu.memory_space<vmem>> -> memref<1x128x64xf32, #tpu.memory_space<vmem>>
      %dma_start3A_601 = tpu.memref_squeeze %dma_start3A_600 : memref<1x128x64xf32, #tpu.memory_space<vmem>> -> memref<128x64xf32, #tpu.memory_space<vmem>>
      %dma_start3A_602 = arith.constant 0 : i32
      %dma_start3A_603 = tpu.memref_slice %arg8[%add3A_585, %dma_start3A_602] : memref<80x128xi32, #tpu.memory_space<vmem>> -> memref<1x128xi32, #tpu.memory_space<vmem>>
      %dma_start3A_604 = tpu.memref_squeeze %dma_start3A_603 : memref<1x128xi32, #tpu.memory_space<vmem>> -> memref<128xi32, #tpu.memory_space<vmem>>
      %dma_start3A_605 = arith.constant 0 : i32
      %dma_start3A_606 = arith.constant 0 : i32
      %dma_start3A_607 = tpu.memref_slice %arg10[%dma_start3A_605, %dma_start3A_606] : memref<10240x64xf32, #tpu.memory_space<vmem_shared>> -> memref<10240x64xf32, #tpu.memory_space<vmem_shared>>
      tpu.enqueue_indirect_dma source(%dma_start3A_601 : memref<128x64xf32, #tpu.memory_space<vmem>>) target(%dma_start3A_607 : memref<10240x64xf32, #tpu.memory_space<vmem_shared>>) offsets(%dma_start3A_604 : memref<128xi32, #tpu.memory_space<vmem>>) semaphore(%arg25 : memref<!tpu.dma_semaphore, #tpu.memory_space<semaphore_mem>>) {add = true}
      %add3A_608 = arith.constant 6 : i32
      %add3A_609 = arith.addi %add3A_585, %add3A_608 : i32
      %lt3A_610 = arith.constant 80 : i32
      %lt3A_611 = arith.cmpi slt, %add3A_609, %lt3A_610 : i32
      %convert_element_type3A_612 = arith.extui %lt3A_611 : i1 to i32
      %cond3A_613 = arith.constant 0 : i32
      %cond3A_614 = arith.cmpi ne, %convert_element_type3A_612, %cond3A_613 : i32
      scf.if %cond3A_614 {
        %ge3A = arith.constant 2 : i32
        %ge3A_646 = arith.cmpi sge, %add3A_585, %ge3A : i32
        %convert_element_type3A_647 = arith.extui %ge3A_646 : i1 to i32
        %cond3A_648 = arith.constant 0 : i32
        %cond3A_649 = arith.cmpi ne, %convert_element_type3A_647, %cond3A_648 : i32
        scf.if %cond3A_649 {
          %sub3A = arith.constant 2 : i32
          %sub3A_663 = arith.subi %add3A_585, %sub3A : i32
          %dma_wait3A_664 = arith.constant 4 : i32
          %dma_wait3A_665 = arith.constant 0 : i32
          %dma_wait3A_666 = arith.constant 0 : i32
          %dma_wait3A_667 = tpu.memref_slice %arg9[%dma_wait3A_664, %dma_wait3A_665, %dma_wait3A_666] : memref<8x128x64xf32, #tpu.memory_space<vmem>> -> memref<1x128x64xf32, #tpu.memory_space<vmem>>
          %dma_wait3A_668 = tpu.memref_squeeze %dma_wait3A_667 : memref<1x128x64xf32, #tpu.memory_space<vmem>> -> memref<128x64xf32, #tpu.memory_space<vmem>>
          %dma_wait3A_669 = arith.constant 0 : i32
          %dma_wait3A_670 = tpu.memref_slice %arg8[%sub3A_663, %dma_wait3A_669] : memref<80x128xi32, #tpu.memory_space<vmem>> -> memref<1x128xi32, #tpu.memory_space<vmem>>
          %dma_wait3A_671 = tpu.memref_squeeze %dma_wait3A_670 : memref<1x128xi32, #tpu.memory_space<vmem>> -> memref<128xi32, #tpu.memory_space<vmem>>
          %dma_wait3A_672 = arith.constant 0 : i32
          %dma_wait3A_673 = arith.constant 0 : i32
          %dma_wait3A_674 = tpu.memref_slice %arg10[%dma_wait3A_672, %dma_wait3A_673] : memref<10240x64xf32, #tpu.memory_space<vmem_shared>> -> memref<10240x64xf32, #tpu.memory_space<vmem_shared>>
          tpu.wait_indirect_dma semaphore(%arg23 : memref<!tpu.dma_semaphore, #tpu.memory_space<semaphore_mem>>) src(%dma_wait3A_668 : memref<128x64xf32, #tpu.memory_space<vmem>>) dst(%dma_wait3A_674 : memref<10240x64xf32, #tpu.memory_space<vmem_shared>>)
        } else {
        }
        %add3A_650 = arith.constant 6 : i32
        %add3A_651 = arith.addi %add3A_585, %add3A_650 : i32
        %dma_start3A_652 = arith.constant 4 : i32
        %dma_start3A_653 = arith.constant 0 : i32
        %dma_start3A_654 = arith.constant 0 : i32
        %dma_start3A_655 = tpu.memref_slice %arg9[%dma_start3A_652, %dma_start3A_653, %dma_start3A_654] : memref<8x128x64xf32, #tpu.memory_space<vmem>> -> memref<1x128x64xf32, #tpu.memory_space<vmem>>
        %dma_start3A_656 = tpu.memref_squeeze %dma_start3A_655 : memref<1x128x64xf32, #tpu.memory_space<vmem>> -> memref<128x64xf32, #tpu.memory_space<vmem>>
        %dma_start3A_657 = arith.constant 0 : i32
        %dma_start3A_658 = tpu.memref_slice %arg7[%add3A_651, %dma_start3A_657] : memref<80x128xi32, #tpu.memory_space<vmem>> -> memref<1x128xi32, #tpu.memory_space<vmem>>
        %dma_start3A_659 = tpu.memref_squeeze %dma_start3A_658 : memref<1x128xi32, #tpu.memory_space<vmem>> -> memref<128xi32, #tpu.memory_space<vmem>>
        %dma_start3A_660 = arith.constant 0 : i32
        %dma_start3A_661 = arith.constant 0 : i32
        %dma_start3A_662 = tpu.memref_slice %arg2[%dma_start3A_660, %dma_start3A_661] : memref<10000x64xf32, #tpu.memory_space<hbm>> -> memref<10000x64xf32, #tpu.memory_space<hbm>>
        tpu.enqueue_indirect_dma source(%dma_start3A_662 : memref<10000x64xf32, #tpu.memory_space<hbm>>) target(%dma_start3A_656 : memref<128x64xf32, #tpu.memory_space<vmem>>) offsets(%dma_start3A_659 : memref<128xi32, #tpu.memory_space<vmem>>) semaphore(%arg15 : memref<!tpu.dma_semaphore, #tpu.memory_space<semaphore_mem>>)
      } else {
      }
      %add3A_615 = arith.constant 7 : i32
      %add3A_616 = arith.addi %add3A_400, %add3A_615 : i32
      %dma_wait3A_617 = arith.constant 7 : i32
      %dma_wait3A_618 = arith.constant 0 : i32
      %dma_wait3A_619 = arith.constant 0 : i32
      %dma_wait3A_620 = tpu.memref_slice %arg9[%dma_wait3A_617, %dma_wait3A_618, %dma_wait3A_619] : memref<8x128x64xf32, #tpu.memory_space<vmem>> -> memref<1x128x64xf32, #tpu.memory_space<vmem>>
      %dma_wait3A_621 = tpu.memref_squeeze %dma_wait3A_620 : memref<1x128x64xf32, #tpu.memory_space<vmem>> -> memref<128x64xf32, #tpu.memory_space<vmem>>
      %dma_wait3A_622 = arith.constant 0 : i32
      %dma_wait3A_623 = tpu.memref_slice %arg7[%add3A_616, %dma_wait3A_622] : memref<80x128xi32, #tpu.memory_space<vmem>> -> memref<1x128xi32, #tpu.memory_space<vmem>>
      %dma_wait3A_624 = tpu.memref_squeeze %dma_wait3A_623 : memref<1x128xi32, #tpu.memory_space<vmem>> -> memref<128xi32, #tpu.memory_space<vmem>>
      %dma_wait3A_625 = arith.constant 0 : i32
      %dma_wait3A_626 = arith.constant 0 : i32
      %dma_wait3A_627 = tpu.memref_slice %arg2[%dma_wait3A_625, %dma_wait3A_626] : memref<10000x64xf32, #tpu.memory_space<hbm>> -> memref<10000x64xf32, #tpu.memory_space<hbm>>
      tpu.wait_indirect_dma semaphore(%arg18 : memref<!tpu.dma_semaphore, #tpu.memory_space<semaphore_mem>>) src(%dma_wait3A_627 : memref<10000x64xf32, #tpu.memory_space<hbm>>) dst(%dma_wait3A_621 : memref<128x64xf32, #tpu.memory_space<vmem>>)
      %dma_start3A_628 = arith.constant 7 : i32
      %dma_start3A_629 = arith.constant 0 : i32
      %dma_start3A_630 = arith.constant 0 : i32
      %dma_start3A_631 = tpu.memref_slice %arg9[%dma_start3A_628, %dma_start3A_629, %dma_start3A_630] : memref<8x128x64xf32, #tpu.memory_space<vmem>> -> memref<1x128x64xf32, #tpu.memory_space<vmem>>
      %dma_start3A_632 = tpu.memref_squeeze %dma_start3A_631 : memref<1x128x64xf32, #tpu.memory_space<vmem>> -> memref<128x64xf32, #tpu.memory_space<vmem>>
      %dma_start3A_633 = arith.constant 0 : i32
      %dma_start3A_634 = tpu.memref_slice %arg8[%add3A_616, %dma_start3A_633] : memref<80x128xi32, #tpu.memory_space<vmem>> -> memref<1x128xi32, #tpu.memory_space<vmem>>
      %dma_start3A_635 = tpu.memref_squeeze %dma_start3A_634 : memref<1x128xi32, #tpu.memory_space<vmem>> -> memref<128xi32, #tpu.memory_space<vmem>>
      %dma_start3A_636 = arith.constant 0 : i32
      %dma_start3A_637 = arith.constant 0 : i32
      %dma_start3A_638 = tpu.memref_slice %arg10[%dma_start3A_636, %dma_start3A_637] : memref<10240x64xf32, #tpu.memory_space<vmem_shared>> -> memref<10240x64xf32, #tpu.memory_space<vmem_shared>>
      tpu.enqueue_indirect_dma source(%dma_start3A_632 : memref<128x64xf32, #tpu.memory_space<vmem>>) target(%dma_start3A_638 : memref<10240x64xf32, #tpu.memory_space<vmem_shared>>) offsets(%dma_start3A_635 : memref<128xi32, #tpu.memory_space<vmem>>) semaphore(%arg26 : memref<!tpu.dma_semaphore, #tpu.memory_space<semaphore_mem>>) {add = true}
      %add3A_639 = arith.constant 6 : i32
      %add3A_640 = arith.addi %add3A_616, %add3A_639 : i32
      %lt3A_641 = arith.constant 80 : i32
      %lt3A_642 = arith.cmpi slt, %add3A_640, %lt3A_641 : i32
      %convert_element_type3A_643 = arith.extui %lt3A_642 : i1 to i32
      %cond3A_644 = arith.constant 0 : i32
      %cond3A_645 = arith.cmpi ne, %convert_element_type3A_643, %cond3A_644 : i32
      scf.if %cond3A_645 {
        %ge3A = arith.constant 2 : i32
        %ge3A_646 = arith.cmpi sge, %add3A_616, %ge3A : i32
        %convert_element_type3A_647 = arith.extui %ge3A_646 : i1 to i32
        %cond3A_648 = arith.constant 0 : i32
        %cond3A_649 = arith.cmpi ne, %convert_element_type3A_647, %cond3A_648 : i32
        scf.if %cond3A_649 {
          %sub3A = arith.constant 2 : i32
          %sub3A_663 = arith.subi %add3A_616, %sub3A : i32
          %dma_wait3A_664 = arith.constant 5 : i32
          %dma_wait3A_665 = arith.constant 0 : i32
          %dma_wait3A_666 = arith.constant 0 : i32
          %dma_wait3A_667 = tpu.memref_slice %arg9[%dma_wait3A_664, %dma_wait3A_665, %dma_wait3A_666] : memref<8x128x64xf32, #tpu.memory_space<vmem>> -> memref<1x128x64xf32, #tpu.memory_space<vmem>>
          %dma_wait3A_668 = tpu.memref_squeeze %dma_wait3A_667 : memref<1x128x64xf32, #tpu.memory_space<vmem>> -> memref<128x64xf32, #tpu.memory_space<vmem>>
          %dma_wait3A_669 = arith.constant 0 : i32
          %dma_wait3A_670 = tpu.memref_slice %arg8[%sub3A_663, %dma_wait3A_669] : memref<80x128xi32, #tpu.memory_space<vmem>> -> memref<1x128xi32, #tpu.memory_space<vmem>>
          %dma_wait3A_671 = tpu.memref_squeeze %dma_wait3A_670 : memref<1x128xi32, #tpu.memory_space<vmem>> -> memref<128xi32, #tpu.memory_space<vmem>>
          %dma_wait3A_672 = arith.constant 0 : i32
          %dma_wait3A_673 = arith.constant 0 : i32
          %dma_wait3A_674 = tpu.memref_slice %arg10[%dma_wait3A_672, %dma_wait3A_673] : memref<10240x64xf32, #tpu.memory_space<vmem_shared>> -> memref<10240x64xf32, #tpu.memory_space<vmem_shared>>
          tpu.wait_indirect_dma semaphore(%arg24 : memref<!tpu.dma_semaphore, #tpu.memory_space<semaphore_mem>>) src(%dma_wait3A_668 : memref<128x64xf32, #tpu.memory_space<vmem>>) dst(%dma_wait3A_674 : memref<10240x64xf32, #tpu.memory_space<vmem_shared>>)
        } else {
        }
        %add3A_650 = arith.constant 6 : i32
        %add3A_651 = arith.addi %add3A_616, %add3A_650 : i32
        %dma_start3A_652 = arith.constant 5 : i32
        %dma_start3A_653 = arith.constant 0 : i32
        %dma_start3A_654 = arith.constant 0 : i32
        %dma_start3A_655 = tpu.memref_slice %arg9[%dma_start3A_652, %dma_start3A_653, %dma_start3A_654] : memref<8x128x64xf32, #tpu.memory_space<vmem>> -> memref<1x128x64xf32, #tpu.memory_space<vmem>>
        %dma_start3A_656 = tpu.memref_squeeze %dma_start3A_655 : memref<1x128x64xf32, #tpu.memory_space<vmem>> -> memref<128x64xf32, #tpu.memory_space<vmem>>
        %dma_start3A_657 = arith.constant 0 : i32
        %dma_start3A_658 = tpu.memref_slice %arg7[%add3A_651, %dma_start3A_657] : memref<80x128xi32, #tpu.memory_space<vmem>> -> memref<1x128xi32, #tpu.memory_space<vmem>>
        %dma_start3A_659 = tpu.memref_squeeze %dma_start3A_658 : memref<1x128xi32, #tpu.memory_space<vmem>> -> memref<128xi32, #tpu.memory_space<vmem>>
        %dma_start3A_660 = arith.constant 0 : i32
        %dma_start3A_661 = arith.constant 0 : i32
        %dma_start3A_662 = tpu.memref_slice %arg2[%dma_start3A_660, %dma_start3A_661] : memref<10000x64xf32, #tpu.memory_space<hbm>> -> memref<10000x64xf32, #tpu.memory_space<hbm>>
        tpu.enqueue_indirect_dma source(%dma_start3A_662 : memref<10000x64xf32, #tpu.memory_space<hbm>>) target(%dma_start3A_656 : memref<128x64xf32, #tpu.memory_space<vmem>>) offsets(%dma_start3A_659 : memref<128xi32, #tpu.memory_space<vmem>>) semaphore(%arg16 : memref<!tpu.dma_semaphore, #tpu.memory_space<semaphore_mem>>)
      } else {
      }
    }
    %scan3A_104 = arith.constant 10 : i32
    %dma_wait3A = arith.constant 0 : i32
    %dma_wait3A_105 = arith.constant 72 : i32
    %dma_wait3A_106 = arith.constant 0 : i32
    %dma_wait3A_107 = arith.constant 0 : i32
    %dma_wait3A_108 = tpu.memref_slice %arg9[%dma_wait3A, %dma_wait3A_106, %dma_wait3A_107] : memref<8x128x64xf32, #tpu.memory_space<vmem>> -> memref<1x128x64xf32, #tpu.memory_space<vmem>>
    %dma_wait3A_109 = tpu.memref_squeeze %dma_wait3A_108 : memref<1x128x64xf32, #tpu.memory_space<vmem>> -> memref<128x64xf32, #tpu.memory_space<vmem>>
    %dma_wait3A_110 = arith.constant 0 : i32
    %dma_wait3A_111 = tpu.memref_slice %arg8[%dma_wait3A_105, %dma_wait3A_110] : memref<80x128xi32, #tpu.memory_space<vmem>> -> memref<1x128xi32, #tpu.memory_space<vmem>>
    %dma_wait3A_112 = tpu.memref_squeeze %dma_wait3A_111 : memref<1x128xi32, #tpu.memory_space<vmem>> -> memref<128xi32, #tpu.memory_space<vmem>>
    %dma_wait3A_113 = arith.constant 0 : i32
    %dma_wait3A_114 = arith.constant 0 : i32
    %dma_wait3A_115 = tpu.memref_slice %arg10[%dma_wait3A_113, %dma_wait3A_114] : memref<10240x64xf32, #tpu.memory_space<vmem_shared>> -> memref<10240x64xf32, #tpu.memory_space<vmem_shared>>
    tpu.wait_indirect_dma semaphore(%arg19 : memref<!tpu.dma_semaphore, #tpu.memory_space<semaphore_mem>>) src(%dma_wait3A_109 : memref<128x64xf32, #tpu.memory_space<vmem>>) dst(%dma_wait3A_115 : memref<10240x64xf32, #tpu.memory_space<vmem_shared>>)
    %dma_wait3A_116 = arith.constant 1 : i32
    %dma_wait3A_117 = arith.constant 73 : i32
    %dma_wait3A_118 = arith.constant 0 : i32
    %dma_wait3A_119 = arith.constant 0 : i32
    %dma_wait3A_120 = tpu.memref_slice %arg9[%dma_wait3A_116, %dma_wait3A_118, %dma_wait3A_119] : memref<8x128x64xf32, #tpu.memory_space<vmem>> -> memref<1x128x64xf32, #tpu.memory_space<vmem>>
    %dma_wait3A_121 = tpu.memref_squeeze %dma_wait3A_120 : memref<1x128x64xf32, #tpu.memory_space<vmem>> -> memref<128x64xf32, #tpu.memory_space<vmem>>
    %dma_wait3A_122 = arith.constant 0 : i32
    %dma_wait3A_123 = tpu.memref_slice %arg8[%dma_wait3A_117, %dma_wait3A_122] : memref<80x128xi32, #tpu.memory_space<vmem>> -> memref<1x128xi32, #tpu.memory_space<vmem>>
    %dma_wait3A_124 = tpu.memref_squeeze %dma_wait3A_123 : memref<1x128xi32, #tpu.memory_space<vmem>> -> memref<128xi32, #tpu.memory_space<vmem>>
    %dma_wait3A_125 = arith.constant 0 : i32
    %dma_wait3A_126 = arith.constant 0 : i32
    %dma_wait3A_127 = tpu.memref_slice %arg10[%dma_wait3A_125, %dma_wait3A_126] : memref<10240x64xf32, #tpu.memory_space<vmem_shared>> -> memref<10240x64xf32, #tpu.memory_space<vmem_shared>>
    tpu.wait_indirect_dma semaphore(%arg20 : memref<!tpu.dma_semaphore, #tpu.memory_space<semaphore_mem>>) src(%dma_wait3A_121 : memref<128x64xf32, #tpu.memory_space<vmem>>) dst(%dma_wait3A_127 : memref<10240x64xf32, #tpu.memory_space<vmem_shared>>)
    %dma_wait3A_128 = arith.constant 2 : i32
    %dma_wait3A_129 = arith.constant 74 : i32
    %dma_wait3A_130 = arith.constant 0 : i32
    %dma_wait3A_131 = arith.constant 0 : i32
    %dma_wait3A_132 = tpu.memref_slice %arg9[%dma_wait3A_128, %dma_wait3A_130, %dma_wait3A_131] : memref<8x128x64xf32, #tpu.memory_space<vmem>> -> memref<1x128x64xf32, #tpu.memory_space<vmem>>
    %dma_wait3A_133 = tpu.memref_squeeze %dma_wait3A_132 : memref<1x128x64xf32, #tpu.memory_space<vmem>> -> memref<128x64xf32, #tpu.memory_space<vmem>>
    %dma_wait3A_134 = arith.constant 0 : i32
    %dma_wait3A_135 = tpu.memref_slice %arg8[%dma_wait3A_129, %dma_wait3A_134] : memref<80x128xi32, #tpu.memory_space<vmem>> -> memref<1x128xi32, #tpu.memory_space<vmem>>
    %dma_wait3A_136 = tpu.memref_squeeze %dma_wait3A_135 : memref<1x128xi32, #tpu.memory_space<vmem>> -> memref<128xi32, #tpu.memory_space<vmem>>
    %dma_wait3A_137 = arith.constant 0 : i32
    %dma_wait3A_138 = arith.constant 0 : i32
    %dma_wait3A_139 = tpu.memref_slice %arg10[%dma_wait3A_137, %dma_wait3A_138] : memref<10240x64xf32, #tpu.memory_space<vmem_shared>> -> memref<10240x64xf32, #tpu.memory_space<vmem_shared>>
    tpu.wait_indirect_dma semaphore(%arg21 : memref<!tpu.dma_semaphore, #tpu.memory_space<semaphore_mem>>) src(%dma_wait3A_133 : memref<128x64xf32, #tpu.memory_space<vmem>>) dst(%dma_wait3A_139 : memref<10240x64xf32, #tpu.memory_space<vmem_shared>>)
    %dma_wait3A_140 = arith.constant 3 : i32
    %dma_wait3A_141 = arith.constant 75 : i32
    %dma_wait3A_142 = arith.constant 0 : i32
    %dma_wait3A_143 = arith.constant 0 : i32
    %dma_wait3A_144 = tpu.memref_slice %arg9[%dma_wait3A_140, %dma_wait3A_142, %dma_wait3A_143] : memref<8x128x64xf32, #tpu.memory_space<vmem>> -> memref<1x128x64xf32, #tpu.memory_space<vmem>>
    %dma_wait3A_145 = tpu.memref_squeeze %dma_wait3A_144 : memref<1x128x64xf32, #tpu.memory_space<vmem>> -> memref<128x64xf32, #tpu.memory_space<vmem>>
    %dma_wait3A_146 = arith.constant 0 : i32
    %dma_wait3A_147 = tpu.memref_slice %arg8[%dma_wait3A_141, %dma_wait3A_146] : memref<80x128xi32, #tpu.memory_space<vmem>> -> memref<1x128xi32, #tpu.memory_space<vmem>>
    %dma_wait3A_148 = tpu.memref_squeeze %dma_wait3A_147 : memref<1x128xi32, #tpu.memory_space<vmem>> -> memref<128xi32, #tpu.memory_space<vmem>>
    %dma_wait3A_149 = arith.constant 0 : i32
    %dma_wait3A_150 = arith.constant 0 : i32
    %dma_wait3A_151 = tpu.memref_slice %arg10[%dma_wait3A_149, %dma_wait3A_150] : memref<10240x64xf32, #tpu.memory_space<vmem_shared>> -> memref<10240x64xf32, #tpu.memory_space<vmem_shared>>
    tpu.wait_indirect_dma semaphore(%arg22 : memref<!tpu.dma_semaphore, #tpu.memory_space<semaphore_mem>>) src(%dma_wait3A_145 : memref<128x64xf32, #tpu.memory_space<vmem>>) dst(%dma_wait3A_151 : memref<10240x64xf32, #tpu.memory_space<vmem_shared>>)
    %dma_wait3A_152 = arith.constant 4 : i32
    %dma_wait3A_153 = arith.constant 76 : i32
    %dma_wait3A_154 = arith.constant 0 : i32
    %dma_wait3A_155 = arith.constant 0 : i32
    %dma_wait3A_156 = tpu.memref_slice %arg9[%dma_wait3A_152, %dma_wait3A_154, %dma_wait3A_155] : memref<8x128x64xf32, #tpu.memory_space<vmem>> -> memref<1x128x64xf32, #tpu.memory_space<vmem>>
    %dma_wait3A_157 = tpu.memref_squeeze %dma_wait3A_156 : memref<1x128x64xf32, #tpu.memory_space<vmem>> -> memref<128x64xf32, #tpu.memory_space<vmem>>
    %dma_wait3A_158 = arith.constant 0 : i32
    %dma_wait3A_159 = tpu.memref_slice %arg8[%dma_wait3A_153, %dma_wait3A_158] : memref<80x128xi32, #tpu.memory_space<vmem>> -> memref<1x128xi32, #tpu.memory_space<vmem>>
    %dma_wait3A_160 = tpu.memref_squeeze %dma_wait3A_159 : memref<1x128xi32, #tpu.memory_space<vmem>> -> memref<128xi32, #tpu.memory_space<vmem>>
    %dma_wait3A_161 = arith.constant 0 : i32
    %dma_wait3A_162 = arith.constant 0 : i32
    %dma_wait3A_163 = tpu.memref_slice %arg10[%dma_wait3A_161, %dma_wait3A_162] : memref<10240x64xf32, #tpu.memory_space<vmem_shared>> -> memref<10240x64xf32, #tpu.memory_space<vmem_shared>>
    tpu.wait_indirect_dma semaphore(%arg23 : memref<!tpu.dma_semaphore, #tpu.memory_space<semaphore_mem>>) src(%dma_wait3A_157 : memref<128x64xf32, #tpu.memory_space<vmem>>) dst(%dma_wait3A_163 : memref<10240x64xf32, #tpu.memory_space<vmem_shared>>)
    %dma_wait3A_164 = arith.constant 5 : i32
    %dma_wait3A_165 = arith.constant 77 : i32
    %dma_wait3A_166 = arith.constant 0 : i32
    %dma_wait3A_167 = arith.constant 0 : i32
    %dma_wait3A_168 = tpu.memref_slice %arg9[%dma_wait3A_164, %dma_wait3A_166, %dma_wait3A_167] : memref<8x128x64xf32, #tpu.memory_space<vmem>> -> memref<1x128x64xf32, #tpu.memory_space<vmem>>
    %dma_wait3A_169 = tpu.memref_squeeze %dma_wait3A_168 : memref<1x128x64xf32, #tpu.memory_space<vmem>> -> memref<128x64xf32, #tpu.memory_space<vmem>>
    %dma_wait3A_170 = arith.constant 0 : i32
    %dma_wait3A_171 = tpu.memref_slice %arg8[%dma_wait3A_165, %dma_wait3A_170] : memref<80x128xi32, #tpu.memory_space<vmem>> -> memref<1x128xi32, #tpu.memory_space<vmem>>
    %dma_wait3A_172 = tpu.memref_squeeze %dma_wait3A_171 : memref<1x128xi32, #tpu.memory_space<vmem>> -> memref<128xi32, #tpu.memory_space<vmem>>
    %dma_wait3A_173 = arith.constant 0 : i32
    %dma_wait3A_174 = arith.constant 0 : i32
    %dma_wait3A_175 = tpu.memref_slice %arg10[%dma_wait3A_173, %dma_wait3A_174] : memref<10240x64xf32, #tpu.memory_space<vmem_shared>> -> memref<10240x64xf32, #tpu.memory_space<vmem_shared>>
    tpu.wait_indirect_dma semaphore(%arg24 : memref<!tpu.dma_semaphore, #tpu.memory_space<semaphore_mem>>) src(%dma_wait3A_169 : memref<128x64xf32, #tpu.memory_space<vmem>>) dst(%dma_wait3A_175 : memref<10240x64xf32, #tpu.memory_space<vmem_shared>>)
    %dma_wait3A_176 = arith.constant 6 : i32
    %dma_wait3A_177 = arith.constant 78 : i32
    %dma_wait3A_178 = arith.constant 0 : i32
    %dma_wait3A_179 = arith.constant 0 : i32
    %dma_wait3A_180 = tpu.memref_slice %arg9[%dma_wait3A_176, %dma_wait3A_178, %dma_wait3A_179] : memref<8x128x64xf32, #tpu.memory_space<vmem>> -> memref<1x128x64xf32, #tpu.memory_space<vmem>>
    %dma_wait3A_181 = tpu.memref_squeeze %dma_wait3A_180 : memref<1x128x64xf32, #tpu.memory_space<vmem>> -> memref<128x64xf32, #tpu.memory_space<vmem>>
    %dma_wait3A_182 = arith.constant 0 : i32
    %dma_wait3A_183 = tpu.memref_slice %arg8[%dma_wait3A_177, %dma_wait3A_182] : memref<80x128xi32, #tpu.memory_space<vmem>> -> memref<1x128xi32, #tpu.memory_space<vmem>>
    %dma_wait3A_184 = tpu.memref_squeeze %dma_wait3A_183 : memref<1x128xi32, #tpu.memory_space<vmem>> -> memref<128xi32, #tpu.memory_space<vmem>>
    %dma_wait3A_185 = arith.constant 0 : i32
    %dma_wait3A_186 = arith.constant 0 : i32
    %dma_wait3A_187 = tpu.memref_slice %arg10[%dma_wait3A_185, %dma_wait3A_186] : memref<10240x64xf32, #tpu.memory_space<vmem_shared>> -> memref<10240x64xf32, #tpu.memory_space<vmem_shared>>
    tpu.wait_indirect_dma semaphore(%arg25 : memref<!tpu.dma_semaphore, #tpu.memory_space<semaphore_mem>>) src(%dma_wait3A_181 : memref<128x64xf32, #tpu.memory_space<vmem>>) dst(%dma_wait3A_187 : memref<10240x64xf32, #tpu.memory_space<vmem_shared>>)
    %dma_wait3A_188 = arith.constant 7 : i32
    %dma_wait3A_189 = arith.constant 79 : i32
    %dma_wait3A_190 = arith.constant 0 : i32
    %dma_wait3A_191 = arith.constant 0 : i32
    %dma_wait3A_192 = tpu.memref_slice %arg9[%dma_wait3A_188, %dma_wait3A_190, %dma_wait3A_191] : memref<8x128x64xf32, #tpu.memory_space<vmem>> -> memref<1x128x64xf32, #tpu.memory_space<vmem>>
    %dma_wait3A_193 = tpu.memref_squeeze %dma_wait3A_192 : memref<1x128x64xf32, #tpu.memory_space<vmem>> -> memref<128x64xf32, #tpu.memory_space<vmem>>
    %dma_wait3A_194 = arith.constant 0 : i32
    %dma_wait3A_195 = tpu.memref_slice %arg8[%dma_wait3A_189, %dma_wait3A_194] : memref<80x128xi32, #tpu.memory_space<vmem>> -> memref<1x128xi32, #tpu.memory_space<vmem>>
    %dma_wait3A_196 = tpu.memref_squeeze %dma_wait3A_195 : memref<1x128xi32, #tpu.memory_space<vmem>> -> memref<128xi32, #tpu.memory_space<vmem>>
    %dma_wait3A_197 = arith.constant 0 : i32
    %dma_wait3A_198 = arith.constant 0 : i32
    %dma_wait3A_199 = tpu.memref_slice %arg10[%dma_wait3A_197, %dma_wait3A_198] : memref<10240x64xf32, #tpu.memory_space<vmem_shared>> -> memref<10240x64xf32, #tpu.memory_space<vmem_shared>>
    tpu.wait_indirect_dma semaphore(%arg26 : memref<!tpu.dma_semaphore, #tpu.memory_space<semaphore_mem>>) src(%dma_wait3A_193 : memref<128x64xf32, #tpu.memory_space<vmem>>) dst(%dma_wait3A_199 : memref<10240x64xf32, #tpu.memory_space<vmem_shared>>)
    %barrier3A_200 = arith.constant 0 : index
    tpu.barrier barrier_id(%barrier3A_200)
    %mul3A_201 = arith.constant 640 : i32
    %mul3A_202 = arith.muli %arg1, %mul3A_201 : i32
    %add3A_203 = arith.constant 0 : i32
    %add3A_204 = arith.addi %mul3A_202, %add3A_203 : i32
    %run_scoped3A_205 = arith.constant 0 : i32
    "tpu.region"() ({
      %run_scoped3A_396 = tpu.sem_alloc : memref<!tpu.dma_semaphore, #tpu.memory_space<semaphore_mem>>
      %dma_start3A_397 = arith.constant 0 : i32
      %dma_start3A_398 = arith.constant 0 : i32
      %dma_start3A_399 = tpu.memref_slice %arg9[%run_scoped3A_205, %dma_start3A_397, %dma_start3A_398] : memref<8x128x64xf32, #tpu.memory_space<vmem>> -> memref<1x128x64xf32, #tpu.memory_space<vmem>>
      %dma_start3A_400 = tpu.memref_squeeze %dma_start3A_399 : memref<1x128x64xf32, #tpu.memory_space<vmem>> -> memref<128x64xf32, #tpu.memory_space<vmem>>
      %dma_start3A_401 = arith.constant 0 : i32
      %dma_start3A_402 = tpu.memref_slice %arg10[%add3A_204, %dma_start3A_401] : memref<10240x64xf32, #tpu.memory_space<vmem_shared>> -> memref<128x64xf32, #tpu.memory_space<vmem_shared>>
      %dma_start3A_403 = arith.constant 0 : i32
      %dma_start3A_404 = arith.constant 0 : i32
      %dma_start3A_405 = tpu.memref_slice %arg9[%run_scoped3A_205, %dma_start3A_403, %dma_start3A_404] : memref<8x128x64xf32, #tpu.memory_space<vmem>> -> memref<1x128x64xf32, #tpu.memory_space<vmem>>
      %dma_start3A_406 = tpu.memref_squeeze %dma_start3A_405 : memref<1x128x64xf32, #tpu.memory_space<vmem>> -> memref<128x64xf32, #tpu.memory_space<vmem>>
      %dma_start3A_407 = arith.constant 0 : i32
      %dma_start3A_408 = tpu.memref_slice %arg10[%add3A_204, %dma_start3A_407] : memref<10240x64xf32, #tpu.memory_space<vmem_shared>> -> memref<128x64xf32, #tpu.memory_space<vmem_shared>>
      tpu.enqueue_dma source(%dma_start3A_408 : memref<128x64xf32, #tpu.memory_space<vmem_shared>>) target(%dma_start3A_406 : memref<128x64xf32, #tpu.memory_space<vmem>>) target_semaphore(%run_scoped3A_396 : memref<!tpu.dma_semaphore, #tpu.memory_space<semaphore_mem>>)
      %dma_wait3A_409 = arith.constant 0 : i32
      %dma_wait3A_410 = arith.constant 0 : i32
      %dma_wait3A_411 = tpu.memref_slice %arg9[%run_scoped3A_205, %dma_wait3A_409, %dma_wait3A_410] : memref<8x128x64xf32, #tpu.memory_space<vmem>> -> memref<1x128x64xf32, #tpu.memory_space<vmem>>
      %dma_wait3A_412 = tpu.memref_squeeze %dma_wait3A_411 : memref<1x128x64xf32, #tpu.memory_space<vmem>> -> memref<128x64xf32, #tpu.memory_space<vmem>>
      %dma_wait3A_413 = arith.constant 0 : i32
      %dma_wait3A_414 = tpu.memref_slice %arg10[%add3A_204, %dma_wait3A_413] : memref<10240x64xf32, #tpu.memory_space<vmem_shared>> -> memref<128x64xf32, #tpu.memory_space<vmem_shared>>
      %dma_wait3A_415 = arith.constant 0 : i32
      %dma_wait3A_416 = arith.constant 0 : i32
      %dma_wait3A_417 = tpu.memref_slice %arg9[%run_scoped3A_205, %dma_wait3A_415, %dma_wait3A_416] : memref<8x128x64xf32, #tpu.memory_space<vmem>> -> memref<1x128x64xf32, #tpu.memory_space<vmem>>
      %dma_wait3A_418 = tpu.memref_squeeze %dma_wait3A_417 : memref<1x128x64xf32, #tpu.memory_space<vmem>> -> memref<128x64xf32, #tpu.memory_space<vmem>>
      %dma_wait3A_419 = arith.constant 0 : i32
      %dma_wait3A_420 = tpu.memref_slice %arg10[%add3A_204, %dma_wait3A_419] : memref<10240x64xf32, #tpu.memory_space<vmem_shared>> -> memref<128x64xf32, #tpu.memory_space<vmem_shared>>
      tpu.wait_dma2 semaphore(%run_scoped3A_396 : memref<!tpu.dma_semaphore, #tpu.memory_space<semaphore_mem>>) src(%dma_wait3A_420 : memref<128x64xf32, #tpu.memory_space<vmem_shared>>) dst(%dma_wait3A_418 : memref<128x64xf32, #tpu.memory_space<vmem>>)
      tpu.yield
    }) : () -> ()
    %mul3A_206 = arith.constant 640 : i32
    %mul3A_207 = arith.muli %add3A, %mul3A_206 : i32
    %add3A_208 = arith.constant 0 : i32
    %add3A_209 = arith.addi %mul3A_207, %add3A_208 : i32
    %dma_start3A_210 = arith.constant 0 : i32
    %dma_start3A_211 = arith.constant 0 : i32
    %dma_start3A_212 = arith.constant 0 : i32
    %dma_start3A_213 = tpu.memref_slice %arg9[%dma_start3A_210, %dma_start3A_211, %dma_start3A_212] : memref<8x128x64xf32, #tpu.memory_space<vmem>> -> memref<1x128x64xf32, #tpu.memory_space<vmem>>
    %dma_start3A_214 = tpu.memref_squeeze %dma_start3A_213 : memref<1x128x64xf32, #tpu.memory_space<vmem>> -> memref<128x64xf32, #tpu.memory_space<vmem>>
    %dma_start3A_215 = arith.constant 0 : i32
    %dma_start3A_216 = tpu.memref_slice %arg6[%add3A_209, %dma_start3A_215] : memref<20480x64xf32, #tpu.memory_space<hbm>> -> memref<128x64xf32, #tpu.memory_space<hbm>>
    %dma_start3A_217 = arith.constant 0 : i32
    %dma_start3A_218 = tpu.memref_slice %arg6[%add3A_209, %dma_start3A_217] : memref<20480x64xf32, #tpu.memory_space<hbm>> -> memref<128x64xf32, #tpu.memory_space<hbm>>
    %dma_start3A_219 = arith.constant 0 : i32
    %dma_start3A_220 = arith.constant 0 : i32
    %dma_start3A_221 = tpu.memref_slice %arg9[%dma_start3A_210, %dma_start3A_219, %dma_start3A_220] : memref<8x128x64xf32, #tpu.memory_space<vmem>> -> memref<1x128x64xf32, #tpu.memory_space<vmem>>
    %dma_start3A_222 = tpu.memref_squeeze %dma_start3A_221 : memref<1x128x64xf32, #tpu.memory_space<vmem>> -> memref<128x64xf32, #tpu.memory_space<vmem>>
    tpu.enqueue_dma source(%dma_start3A_222 : memref<128x64xf32, #tpu.memory_space<vmem>>) target(%dma_start3A_218 : memref<128x64xf32, #tpu.memory_space<hbm>>) target_semaphore(%arg11 : memref<!tpu.dma_semaphore, #tpu.memory_space<semaphore_mem>>)
    %mul3A_223 = arith.constant 640 : i32
    %mul3A_224 = arith.muli %arg1, %mul3A_223 : i32
    %add3A_225 = arith.constant 128 : i32
    %add3A_226 = arith.addi %mul3A_224, %add3A_225 : i32
    %run_scoped3A_227 = arith.constant 1 : i32
    "tpu.region"() ({
      %run_scoped3A_396 = tpu.sem_alloc : memref<!tpu.dma_semaphore, #tpu.memory_space<semaphore_mem>>
      %dma_start3A_397 = arith.constant 0 : i32
      %dma_start3A_398 = arith.constant 0 : i32
      %dma_start3A_399 = tpu.memref_slice %arg9[%run_scoped3A_227, %dma_start3A_397, %dma_start3A_398] : memref<8x128x64xf32, #tpu.memory_space<vmem>> -> memref<1x128x64xf32, #tpu.memory_space<vmem>>
      %dma_start3A_400 = tpu.memref_squeeze %dma_start3A_399 : memref<1x128x64xf32, #tpu.memory_space<vmem>> -> memref<128x64xf32, #tpu.memory_space<vmem>>
      %dma_start3A_401 = arith.constant 0 : i32
      %dma_start3A_402 = tpu.memref_slice %arg10[%add3A_226, %dma_start3A_401] : memref<10240x64xf32, #tpu.memory_space<vmem_shared>> -> memref<128x64xf32, #tpu.memory_space<vmem_shared>>
      %dma_start3A_403 = arith.constant 0 : i32
      %dma_start3A_404 = arith.constant 0 : i32
      %dma_start3A_405 = tpu.memref_slice %arg9[%run_scoped3A_227, %dma_start3A_403, %dma_start3A_404] : memref<8x128x64xf32, #tpu.memory_space<vmem>> -> memref<1x128x64xf32, #tpu.memory_space<vmem>>
      %dma_start3A_406 = tpu.memref_squeeze %dma_start3A_405 : memref<1x128x64xf32, #tpu.memory_space<vmem>> -> memref<128x64xf32, #tpu.memory_space<vmem>>
      %dma_start3A_407 = arith.constant 0 : i32
      %dma_start3A_408 = tpu.memref_slice %arg10[%add3A_226, %dma_start3A_407] : memref<10240x64xf32, #tpu.memory_space<vmem_shared>> -> memref<128x64xf32, #tpu.memory_space<vmem_shared>>
      tpu.enqueue_dma source(%dma_start3A_408 : memref<128x64xf32, #tpu.memory_space<vmem_shared>>) target(%dma_start3A_406 : memref<128x64xf32, #tpu.memory_space<vmem>>) target_semaphore(%run_scoped3A_396 : memref<!tpu.dma_semaphore, #tpu.memory_space<semaphore_mem>>)
      %dma_wait3A_409 = arith.constant 0 : i32
      %dma_wait3A_410 = arith.constant 0 : i32
      %dma_wait3A_411 = tpu.memref_slice %arg9[%run_scoped3A_227, %dma_wait3A_409, %dma_wait3A_410] : memref<8x128x64xf32, #tpu.memory_space<vmem>> -> memref<1x128x64xf32, #tpu.memory_space<vmem>>
      %dma_wait3A_412 = tpu.memref_squeeze %dma_wait3A_411 : memref<1x128x64xf32, #tpu.memory_space<vmem>> -> memref<128x64xf32, #tpu.memory_space<vmem>>
      %dma_wait3A_413 = arith.constant 0 : i32
      %dma_wait3A_414 = tpu.memref_slice %arg10[%add3A_226, %dma_wait3A_413] : memref<10240x64xf32, #tpu.memory_space<vmem_shared>> -> memref<128x64xf32, #tpu.memory_space<vmem_shared>>
      %dma_wait3A_415 = arith.constant 0 : i32
      %dma_wait3A_416 = arith.constant 0 : i32
      %dma_wait3A_417 = tpu.memref_slice %arg9[%run_scoped3A_227, %dma_wait3A_415, %dma_wait3A_416] : memref<8x128x64xf32, #tpu.memory_space<vmem>> -> memref<1x128x64xf32, #tpu.memory_space<vmem>>
      %dma_wait3A_418 = tpu.memref_squeeze %dma_wait3A_417 : memref<1x128x64xf32, #tpu.memory_space<vmem>> -> memref<128x64xf32, #tpu.memory_space<vmem>>
      %dma_wait3A_419 = arith.constant 0 : i32
      %dma_wait3A_420 = tpu.memref_slice %arg10[%add3A_226, %dma_wait3A_419] : memref<10240x64xf32, #tpu.memory_space<vmem_shared>> -> memref<128x64xf32, #tpu.memory_space<vmem_shared>>
      tpu.wait_dma2 semaphore(%run_scoped3A_396 : memref<!tpu.dma_semaphore, #tpu.memory_space<semaphore_mem>>) src(%dma_wait3A_420 : memref<128x64xf32, #tpu.memory_space<vmem_shared>>) dst(%dma_wait3A_418 : memref<128x64xf32, #tpu.memory_space<vmem>>)
      tpu.yield
    }) : () -> ()
    %mul3A_228 = arith.constant 640 : i32
    %mul3A_229 = arith.muli %add3A, %mul3A_228 : i32
    %add3A_230 = arith.constant 128 : i32
    %add3A_231 = arith.addi %mul3A_229, %add3A_230 : i32
    %dma_start3A_232 = arith.constant 1 : i32
    %dma_start3A_233 = arith.constant 0 : i32
    %dma_start3A_234 = arith.constant 0 : i32
    %dma_start3A_235 = tpu.memref_slice %arg9[%dma_start3A_232, %dma_start3A_233, %dma_start3A_234] : memref<8x128x64xf32, #tpu.memory_space<vmem>> -> memref<1x128x64xf32, #tpu.memory_space<vmem>>
    %dma_start3A_236 = tpu.memref_squeeze %dma_start3A_235 : memref<1x128x64xf32, #tpu.memory_space<vmem>> -> memref<128x64xf32, #tpu.memory_space<vmem>>
    %dma_start3A_237 = arith.constant 0 : i32
    %dma_start3A_238 = tpu.memref_slice %arg6[%add3A_231, %dma_start3A_237] : memref<20480x64xf32, #tpu.memory_space<hbm>> -> memref<128x64xf32, #tpu.memory_space<hbm>>
    %dma_start3A_239 = arith.constant 0 : i32
    %dma_start3A_240 = tpu.memref_slice %arg6[%add3A_231, %dma_start3A_239] : memref<20480x64xf32, #tpu.memory_space<hbm>> -> memref<128x64xf32, #tpu.memory_space<hbm>>
    %dma_start3A_241 = arith.constant 0 : i32
    %dma_start3A_242 = arith.constant 0 : i32
    %dma_start3A_243 = tpu.memref_slice %arg9[%dma_start3A_232, %dma_start3A_241, %dma_start3A_242] : memref<8x128x64xf32, #tpu.memory_space<vmem>> -> memref<1x128x64xf32, #tpu.memory_space<vmem>>
    %dma_start3A_244 = tpu.memref_squeeze %dma_start3A_243 : memref<1x128x64xf32, #tpu.memory_space<vmem>> -> memref<128x64xf32, #tpu.memory_space<vmem>>
    tpu.enqueue_dma source(%dma_start3A_244 : memref<128x64xf32, #tpu.memory_space<vmem>>) target(%dma_start3A_240 : memref<128x64xf32, #tpu.memory_space<hbm>>) target_semaphore(%arg12 : memref<!tpu.dma_semaphore, #tpu.memory_space<semaphore_mem>>)
    %mul3A_245 = arith.constant 640 : i32
    %mul3A_246 = arith.muli %arg1, %mul3A_245 : i32
    %add3A_247 = arith.constant 256 : i32
    %add3A_248 = arith.addi %mul3A_246, %add3A_247 : i32
    %run_scoped3A_249 = arith.constant 2 : i32
    "tpu.region"() ({
      %run_scoped3A_396 = tpu.sem_alloc : memref<!tpu.dma_semaphore, #tpu.memory_space<semaphore_mem>>
      %dma_start3A_397 = arith.constant 0 : i32
      %dma_start3A_398 = arith.constant 0 : i32
      %dma_start3A_399 = tpu.memref_slice %arg9[%run_scoped3A_249, %dma_start3A_397, %dma_start3A_398] : memref<8x128x64xf32, #tpu.memory_space<vmem>> -> memref<1x128x64xf32, #tpu.memory_space<vmem>>
      %dma_start3A_400 = tpu.memref_squeeze %dma_start3A_399 : memref<1x128x64xf32, #tpu.memory_space<vmem>> -> memref<128x64xf32, #tpu.memory_space<vmem>>
      %dma_start3A_401 = arith.constant 0 : i32
      %dma_start3A_402 = tpu.memref_slice %arg10[%add3A_248, %dma_start3A_401] : memref<10240x64xf32, #tpu.memory_space<vmem_shared>> -> memref<128x64xf32, #tpu.memory_space<vmem_shared>>
      %dma_start3A_403 = arith.constant 0 : i32
      %dma_start3A_404 = arith.constant 0 : i32
      %dma_start3A_405 = tpu.memref_slice %arg9[%run_scoped3A_249, %dma_start3A_403, %dma_start3A_404] : memref<8x128x64xf32, #tpu.memory_space<vmem>> -> memref<1x128x64xf32, #tpu.memory_space<vmem>>
      %dma_start3A_406 = tpu.memref_squeeze %dma_start3A_405 : memref<1x128x64xf32, #tpu.memory_space<vmem>> -> memref<128x64xf32, #tpu.memory_space<vmem>>
      %dma_start3A_407 = arith.constant 0 : i32
      %dma_start3A_408 = tpu.memref_slice %arg10[%add3A_248, %dma_start3A_407] : memref<10240x64xf32, #tpu.memory_space<vmem_shared>> -> memref<128x64xf32, #tpu.memory_space<vmem_shared>>
      tpu.enqueue_dma source(%dma_start3A_408 : memref<128x64xf32, #tpu.memory_space<vmem_shared>>) target(%dma_start3A_406 : memref<128x64xf32, #tpu.memory_space<vmem>>) target_semaphore(%run_scoped3A_396 : memref<!tpu.dma_semaphore, #tpu.memory_space<semaphore_mem>>)
      %dma_wait3A_409 = arith.constant 0 : i32
      %dma_wait3A_410 = arith.constant 0 : i32
      %dma_wait3A_411 = tpu.memref_slice %arg9[%run_scoped3A_249, %dma_wait3A_409, %dma_wait3A_410] : memref<8x128x64xf32, #tpu.memory_space<vmem>> -> memref<1x128x64xf32, #tpu.memory_space<vmem>>
      %dma_wait3A_412 = tpu.memref_squeeze %dma_wait3A_411 : memref<1x128x64xf32, #tpu.memory_space<vmem>> -> memref<128x64xf32, #tpu.memory_space<vmem>>
      %dma_wait3A_413 = arith.constant 0 : i32
      %dma_wait3A_414 = tpu.memref_slice %arg10[%add3A_248, %dma_wait3A_413] : memref<10240x64xf32, #tpu.memory_space<vmem_shared>> -> memref<128x64xf32, #tpu.memory_space<vmem_shared>>
      %dma_wait3A_415 = arith.constant 0 : i32
      %dma_wait3A_416 = arith.constant 0 : i32
      %dma_wait3A_417 = tpu.memref_slice %arg9[%run_scoped3A_249, %dma_wait3A_415, %dma_wait3A_416] : memref<8x128x64xf32, #tpu.memory_space<vmem>> -> memref<1x128x64xf32, #tpu.memory_space<vmem>>
      %dma_wait3A_418 = tpu.memref_squeeze %dma_wait3A_417 : memref<1x128x64xf32, #tpu.memory_space<vmem>> -> memref<128x64xf32, #tpu.memory_space<vmem>>
      %dma_wait3A_419 = arith.constant 0 : i32
      %dma_wait3A_420 = tpu.memref_slice %arg10[%add3A_248, %dma_wait3A_419] : memref<10240x64xf32, #tpu.memory_space<vmem_shared>> -> memref<128x64xf32, #tpu.memory_space<vmem_shared>>
      tpu.wait_dma2 semaphore(%run_scoped3A_396 : memref<!tpu.dma_semaphore, #tpu.memory_space<semaphore_mem>>) src(%dma_wait3A_420 : memref<128x64xf32, #tpu.memory_space<vmem_shared>>) dst(%dma_wait3A_418 : memref<128x64xf32, #tpu.memory_space<vmem>>)
      tpu.yield
    }) : () -> ()
    %mul3A_250 = arith.constant 640 : i32
    %mul3A_251 = arith.muli %add3A, %mul3A_250 : i32
    %add3A_252 = arith.constant 256 : i32
    %add3A_253 = arith.addi %mul3A_251, %add3A_252 : i32
    %dma_start3A_254 = arith.constant 2 : i32
    %dma_start3A_255 = arith.constant 0 : i32
    %dma_start3A_256 = arith.constant 0 : i32
    %dma_start3A_257 = tpu.memref_slice %arg9[%dma_start3A_254, %dma_start3A_255, %dma_start3A_256] : memref<8x128x64xf32, #tpu.memory_space<vmem>> -> memref<1x128x64xf32, #tpu.memory_space<vmem>>
    %dma_start3A_258 = tpu.memref_squeeze %dma_start3A_257 : memref<1x128x64xf32, #tpu.memory_space<vmem>> -> memref<128x64xf32, #tpu.memory_space<vmem>>
    %dma_start3A_259 = arith.constant 0 : i32
    %dma_start3A_260 = tpu.memref_slice %arg6[%add3A_253, %dma_start3A_259] : memref<20480x64xf32, #tpu.memory_space<hbm>> -> memref<128x64xf32, #tpu.memory_space<hbm>>
    %dma_start3A_261 = arith.constant 0 : i32
    %dma_start3A_262 = tpu.memref_slice %arg6[%add3A_253, %dma_start3A_261] : memref<20480x64xf32, #tpu.memory_space<hbm>> -> memref<128x64xf32, #tpu.memory_space<hbm>>
    %dma_start3A_263 = arith.constant 0 : i32
    %dma_start3A_264 = arith.constant 0 : i32
    %dma_start3A_265 = tpu.memref_slice %arg9[%dma_start3A_254, %dma_start3A_263, %dma_start3A_264] : memref<8x128x64xf32, #tpu.memory_space<vmem>> -> memref<1x128x64xf32, #tpu.memory_space<vmem>>
    %dma_start3A_266 = tpu.memref_squeeze %dma_start3A_265 : memref<1x128x64xf32, #tpu.memory_space<vmem>> -> memref<128x64xf32, #tpu.memory_space<vmem>>
    tpu.enqueue_dma source(%dma_start3A_266 : memref<128x64xf32, #tpu.memory_space<vmem>>) target(%dma_start3A_262 : memref<128x64xf32, #tpu.memory_space<hbm>>) target_semaphore(%arg13 : memref<!tpu.dma_semaphore, #tpu.memory_space<semaphore_mem>>)
    %mul3A_267 = arith.constant 640 : i32
    %mul3A_268 = arith.muli %arg1, %mul3A_267 : i32
    %add3A_269 = arith.constant 384 : i32
    %add3A_270 = arith.addi %mul3A_268, %add3A_269 : i32
    %run_scoped3A_271 = arith.constant 3 : i32
    "tpu.region"() ({
      %run_scoped3A_396 = tpu.sem_alloc : memref<!tpu.dma_semaphore, #tpu.memory_space<semaphore_mem>>
      %dma_start3A_397 = arith.constant 0 : i32
      %dma_start3A_398 = arith.constant 0 : i32
      %dma_start3A_399 = tpu.memref_slice %arg9[%run_scoped3A_271, %dma_start3A_397, %dma_start3A_398] : memref<8x128x64xf32, #tpu.memory_space<vmem>> -> memref<1x128x64xf32, #tpu.memory_space<vmem>>
      %dma_start3A_400 = tpu.memref_squeeze %dma_start3A_399 : memref<1x128x64xf32, #tpu.memory_space<vmem>> -> memref<128x64xf32, #tpu.memory_space<vmem>>
      %dma_start3A_401 = arith.constant 0 : i32
      %dma_start3A_402 = tpu.memref_slice %arg10[%add3A_270, %dma_start3A_401] : memref<10240x64xf32, #tpu.memory_space<vmem_shared>> -> memref<128x64xf32, #tpu.memory_space<vmem_shared>>
      %dma_start3A_403 = arith.constant 0 : i32
      %dma_start3A_404 = arith.constant 0 : i32
      %dma_start3A_405 = tpu.memref_slice %arg9[%run_scoped3A_271, %dma_start3A_403, %dma_start3A_404] : memref<8x128x64xf32, #tpu.memory_space<vmem>> -> memref<1x128x64xf32, #tpu.memory_space<vmem>>
      %dma_start3A_406 = tpu.memref_squeeze %dma_start3A_405 : memref<1x128x64xf32, #tpu.memory_space<vmem>> -> memref<128x64xf32, #tpu.memory_space<vmem>>
      %dma_start3A_407 = arith.constant 0 : i32
      %dma_start3A_408 = tpu.memref_slice %arg10[%add3A_270, %dma_start3A_407] : memref<10240x64xf32, #tpu.memory_space<vmem_shared>> -> memref<128x64xf32, #tpu.memory_space<vmem_shared>>
      tpu.enqueue_dma source(%dma_start3A_408 : memref<128x64xf32, #tpu.memory_space<vmem_shared>>) target(%dma_start3A_406 : memref<128x64xf32, #tpu.memory_space<vmem>>) target_semaphore(%run_scoped3A_396 : memref<!tpu.dma_semaphore, #tpu.memory_space<semaphore_mem>>)
      %dma_wait3A_409 = arith.constant 0 : i32
      %dma_wait3A_410 = arith.constant 0 : i32
      %dma_wait3A_411 = tpu.memref_slice %arg9[%run_scoped3A_271, %dma_wait3A_409, %dma_wait3A_410] : memref<8x128x64xf32, #tpu.memory_space<vmem>> -> memref<1x128x64xf32, #tpu.memory_space<vmem>>
      %dma_wait3A_412 = tpu.memref_squeeze %dma_wait3A_411 : memref<1x128x64xf32, #tpu.memory_space<vmem>> -> memref<128x64xf32, #tpu.memory_space<vmem>>
      %dma_wait3A_413 = arith.constant 0 : i32
      %dma_wait3A_414 = tpu.memref_slice %arg10[%add3A_270, %dma_wait3A_413] : memref<10240x64xf32, #tpu.memory_space<vmem_shared>> -> memref<128x64xf32, #tpu.memory_space<vmem_shared>>
      %dma_wait3A_415 = arith.constant 0 : i32
      %dma_wait3A_416 = arith.constant 0 : i32
      %dma_wait3A_417 = tpu.memref_slice %arg9[%run_scoped3A_271, %dma_wait3A_415, %dma_wait3A_416] : memref<8x128x64xf32, #tpu.memory_space<vmem>> -> memref<1x128x64xf32, #tpu.memory_space<vmem>>
      %dma_wait3A_418 = tpu.memref_squeeze %dma_wait3A_417 : memref<1x128x64xf32, #tpu.memory_space<vmem>> -> memref<128x64xf32, #tpu.memory_space<vmem>>
      %dma_wait3A_419 = arith.constant 0 : i32
      %dma_wait3A_420 = tpu.memref_slice %arg10[%add3A_270, %dma_wait3A_419] : memref<10240x64xf32, #tpu.memory_space<vmem_shared>> -> memref<128x64xf32, #tpu.memory_space<vmem_shared>>
      tpu.wait_dma2 semaphore(%run_scoped3A_396 : memref<!tpu.dma_semaphore, #tpu.memory_space<semaphore_mem>>) src(%dma_wait3A_420 : memref<128x64xf32, #tpu.memory_space<vmem_shared>>) dst(%dma_wait3A_418 : memref<128x64xf32, #tpu.memory_space<vmem>>)
      tpu.yield
    }) : () -> ()
    %mul3A_272 = arith.constant 640 : i32
    %mul3A_273 = arith.muli %add3A, %mul3A_272 : i32
    %add3A_274 = arith.constant 384 : i32
    %add3A_275 = arith.addi %mul3A_273, %add3A_274 : i32
    %dma_start3A_276 = arith.constant 3 : i32
    %dma_start3A_277 = arith.constant 0 : i32
    %dma_start3A_278 = arith.constant 0 : i32
    %dma_start3A_279 = tpu.memref_slice %arg9[%dma_start3A_276, %dma_start3A_277, %dma_start3A_278] : memref<8x128x64xf32, #tpu.memory_space<vmem>> -> memref<1x128x64xf32, #tpu.memory_space<vmem>>
    %dma_start3A_280 = tpu.memref_squeeze %dma_start3A_279 : memref<1x128x64xf32, #tpu.memory_space<vmem>> -> memref<128x64xf32, #tpu.memory_space<vmem>>
    %dma_start3A_281 = arith.constant 0 : i32
    %dma_start3A_282 = tpu.memref_slice %arg6[%add3A_275, %dma_start3A_281] : memref<20480x64xf32, #tpu.memory_space<hbm>> -> memref<128x64xf32, #tpu.memory_space<hbm>>
    %dma_start3A_283 = arith.constant 0 : i32
    %dma_start3A_284 = tpu.memref_slice %arg6[%add3A_275, %dma_start3A_283] : memref<20480x64xf32, #tpu.memory_space<hbm>> -> memref<128x64xf32, #tpu.memory_space<hbm>>
    %dma_start3A_285 = arith.constant 0 : i32
    %dma_start3A_286 = arith.constant 0 : i32
    %dma_start3A_287 = tpu.memref_slice %arg9[%dma_start3A_276, %dma_start3A_285, %dma_start3A_286] : memref<8x128x64xf32, #tpu.memory_space<vmem>> -> memref<1x128x64xf32, #tpu.memory_space<vmem>>
    %dma_start3A_288 = tpu.memref_squeeze %dma_start3A_287 : memref<1x128x64xf32, #tpu.memory_space<vmem>> -> memref<128x64xf32, #tpu.memory_space<vmem>>
    tpu.enqueue_dma source(%dma_start3A_288 : memref<128x64xf32, #tpu.memory_space<vmem>>) target(%dma_start3A_284 : memref<128x64xf32, #tpu.memory_space<hbm>>) target_semaphore(%arg14 : memref<!tpu.dma_semaphore, #tpu.memory_space<semaphore_mem>>)
    %mul3A_289 = arith.constant 640 : i32
    %mul3A_290 = arith.muli %arg1, %mul3A_289 : i32
    %add3A_291 = arith.constant 512 : i32
    %add3A_292 = arith.addi %mul3A_290, %add3A_291 : i32
    %run_scoped3A_293 = arith.constant 4 : i32
    "tpu.region"() ({
      %run_scoped3A_396 = tpu.sem_alloc : memref<!tpu.dma_semaphore, #tpu.memory_space<semaphore_mem>>
      %dma_start3A_397 = arith.constant 0 : i32
      %dma_start3A_398 = arith.constant 0 : i32
      %dma_start3A_399 = tpu.memref_slice %arg9[%run_scoped3A_293, %dma_start3A_397, %dma_start3A_398] : memref<8x128x64xf32, #tpu.memory_space<vmem>> -> memref<1x128x64xf32, #tpu.memory_space<vmem>>
      %dma_start3A_400 = tpu.memref_squeeze %dma_start3A_399 : memref<1x128x64xf32, #tpu.memory_space<vmem>> -> memref<128x64xf32, #tpu.memory_space<vmem>>
      %dma_start3A_401 = arith.constant 0 : i32
      %dma_start3A_402 = tpu.memref_slice %arg10[%add3A_292, %dma_start3A_401] : memref<10240x64xf32, #tpu.memory_space<vmem_shared>> -> memref<128x64xf32, #tpu.memory_space<vmem_shared>>
      %dma_start3A_403 = arith.constant 0 : i32
      %dma_start3A_404 = arith.constant 0 : i32
      %dma_start3A_405 = tpu.memref_slice %arg9[%run_scoped3A_293, %dma_start3A_403, %dma_start3A_404] : memref<8x128x64xf32, #tpu.memory_space<vmem>> -> memref<1x128x64xf32, #tpu.memory_space<vmem>>
      %dma_start3A_406 = tpu.memref_squeeze %dma_start3A_405 : memref<1x128x64xf32, #tpu.memory_space<vmem>> -> memref<128x64xf32, #tpu.memory_space<vmem>>
      %dma_start3A_407 = arith.constant 0 : i32
      %dma_start3A_408 = tpu.memref_slice %arg10[%add3A_292, %dma_start3A_407] : memref<10240x64xf32, #tpu.memory_space<vmem_shared>> -> memref<128x64xf32, #tpu.memory_space<vmem_shared>>
      tpu.enqueue_dma source(%dma_start3A_408 : memref<128x64xf32, #tpu.memory_space<vmem_shared>>) target(%dma_start3A_406 : memref<128x64xf32, #tpu.memory_space<vmem>>) target_semaphore(%run_scoped3A_396 : memref<!tpu.dma_semaphore, #tpu.memory_space<semaphore_mem>>)
      %dma_wait3A_409 = arith.constant 0 : i32
      %dma_wait3A_410 = arith.constant 0 : i32
      %dma_wait3A_411 = tpu.memref_slice %arg9[%run_scoped3A_293, %dma_wait3A_409, %dma_wait3A_410] : memref<8x128x64xf32, #tpu.memory_space<vmem>> -> memref<1x128x64xf32, #tpu.memory_space<vmem>>
      %dma_wait3A_412 = tpu.memref_squeeze %dma_wait3A_411 : memref<1x128x64xf32, #tpu.memory_space<vmem>> -> memref<128x64xf32, #tpu.memory_space<vmem>>
      %dma_wait3A_413 = arith.constant 0 : i32
      %dma_wait3A_414 = tpu.memref_slice %arg10[%add3A_292, %dma_wait3A_413] : memref<10240x64xf32, #tpu.memory_space<vmem_shared>> -> memref<128x64xf32, #tpu.memory_space<vmem_shared>>
      %dma_wait3A_415 = arith.constant 0 : i32
      %dma_wait3A_416 = arith.constant 0 : i32
      %dma_wait3A_417 = tpu.memref_slice %arg9[%run_scoped3A_293, %dma_wait3A_415, %dma_wait3A_416] : memref<8x128x64xf32, #tpu.memory_space<vmem>> -> memref<1x128x64xf32, #tpu.memory_space<vmem>>
      %dma_wait3A_418 = tpu.memref_squeeze %dma_wait3A_417 : memref<1x128x64xf32, #tpu.memory_space<vmem>> -> memref<128x64xf32, #tpu.memory_space<vmem>>
      %dma_wait3A_419 = arith.constant 0 : i32
      %dma_wait3A_420 = tpu.memref_slice %arg10[%add3A_292, %dma_wait3A_419] : memref<10240x64xf32, #tpu.memory_space<vmem_shared>> -> memref<128x64xf32, #tpu.memory_space<vmem_shared>>
      tpu.wait_dma2 semaphore(%run_scoped3A_396 : memref<!tpu.dma_semaphore, #tpu.memory_space<semaphore_mem>>) src(%dma_wait3A_420 : memref<128x64xf32, #tpu.memory_space<vmem_shared>>) dst(%dma_wait3A_418 : memref<128x64xf32, #tpu.memory_space<vmem>>)
      tpu.yield
    }) : () -> ()
    %mul3A_294 = arith.constant 640 : i32
    %mul3A_295 = arith.muli %add3A, %mul3A_294 : i32
    %add3A_296 = arith.constant 512 : i32
    %add3A_297 = arith.addi %mul3A_295, %add3A_296 : i32
    %dma_start3A_298 = arith.constant 4 : i32
    %dma_start3A_299 = arith.constant 0 : i32
    %dma_start3A_300 = arith.constant 0 : i32
    %dma_start3A_301 = tpu.memref_slice %arg9[%dma_start3A_298, %dma_start3A_299, %dma_start3A_300] : memref<8x128x64xf32, #tpu.memory_space<vmem>> -> memref<1x128x64xf32, #tpu.memory_space<vmem>>
    %dma_start3A_302 = tpu.memref_squeeze %dma_start3A_301 : memref<1x128x64xf32, #tpu.memory_space<vmem>> -> memref<128x64xf32, #tpu.memory_space<vmem>>
    %dma_start3A_303 = arith.constant 0 : i32
    %dma_start3A_304 = tpu.memref_slice %arg6[%add3A_297, %dma_start3A_303] : memref<20480x64xf32, #tpu.memory_space<hbm>> -> memref<128x64xf32, #tpu.memory_space<hbm>>
    %dma_start3A_305 = arith.constant 0 : i32
    %dma_start3A_306 = tpu.memref_slice %arg6[%add3A_297, %dma_start3A_305] : memref<20480x64xf32, #tpu.memory_space<hbm>> -> memref<128x64xf32, #tpu.memory_space<hbm>>
    %dma_start3A_307 = arith.constant 0 : i32
    %dma_start3A_308 = arith.constant 0 : i32
    %dma_start3A_309 = tpu.memref_slice %arg9[%dma_start3A_298, %dma_start3A_307, %dma_start3A_308] : memref<8x128x64xf32, #tpu.memory_space<vmem>> -> memref<1x128x64xf32, #tpu.memory_space<vmem>>
    %dma_start3A_310 = tpu.memref_squeeze %dma_start3A_309 : memref<1x128x64xf32, #tpu.memory_space<vmem>> -> memref<128x64xf32, #tpu.memory_space<vmem>>
    tpu.enqueue_dma source(%dma_start3A_310 : memref<128x64xf32, #tpu.memory_space<vmem>>) target(%dma_start3A_306 : memref<128x64xf32, #tpu.memory_space<hbm>>) target_semaphore(%arg15 : memref<!tpu.dma_semaphore, #tpu.memory_space<semaphore_mem>>)
    %mul3A_311 = arith.constant 640 : i32
    %mul3A_312 = arith.muli %add3A, %mul3A_311 : i32
    %add3A_313 = arith.constant 0 : i32
    %add3A_314 = arith.addi %mul3A_312, %add3A_313 : i32
    %dma_wait3A_315 = arith.constant 0 : i32
    %dma_wait3A_316 = arith.constant 0 : i32
    %dma_wait3A_317 = arith.constant 0 : i32
    %dma_wait3A_318 = tpu.memref_slice %arg9[%dma_wait3A_315, %dma_wait3A_316, %dma_wait3A_317] : memref<8x128x64xf32, #tpu.memory_space<vmem>> -> memref<1x128x64xf32, #tpu.memory_space<vmem>>
    %dma_wait3A_319 = tpu.memref_squeeze %dma_wait3A_318 : memref<1x128x64xf32, #tpu.memory_space<vmem>> -> memref<128x64xf32, #tpu.memory_space<vmem>>
    %dma_wait3A_320 = arith.constant 0 : i32
    %dma_wait3A_321 = tpu.memref_slice %arg6[%add3A_314, %dma_wait3A_320] : memref<20480x64xf32, #tpu.memory_space<hbm>> -> memref<128x64xf32, #tpu.memory_space<hbm>>
    %dma_wait3A_322 = arith.constant 0 : i32
    %dma_wait3A_323 = tpu.memref_slice %arg6[%add3A_314, %dma_wait3A_322] : memref<20480x64xf32, #tpu.memory_space<hbm>> -> memref<128x64xf32, #tpu.memory_space<hbm>>
    %dma_wait3A_324 = arith.constant 0 : i32
    %dma_wait3A_325 = arith.constant 0 : i32
    %dma_wait3A_326 = tpu.memref_slice %arg9[%dma_wait3A_315, %dma_wait3A_324, %dma_wait3A_325] : memref<8x128x64xf32, #tpu.memory_space<vmem>> -> memref<1x128x64xf32, #tpu.memory_space<vmem>>
    %dma_wait3A_327 = tpu.memref_squeeze %dma_wait3A_326 : memref<1x128x64xf32, #tpu.memory_space<vmem>> -> memref<128x64xf32, #tpu.memory_space<vmem>>
    tpu.wait_dma2 semaphore(%arg11 : memref<!tpu.dma_semaphore, #tpu.memory_space<semaphore_mem>>) src(%dma_wait3A_327 : memref<128x64xf32, #tpu.memory_space<vmem>>) dst(%dma_wait3A_323 : memref<128x64xf32, #tpu.memory_space<hbm>>)
    %mul3A_328 = arith.constant 640 : i32
    %mul3A_329 = arith.muli %add3A, %mul3A_328 : i32
    %add3A_330 = arith.constant 128 : i32
    %add3A_331 = arith.addi %mul3A_329, %add3A_330 : i32
    %dma_wait3A_332 = arith.constant 1 : i32
    %dma_wait3A_333 = arith.constant 0 : i32
    %dma_wait3A_334 = arith.constant 0 : i32
    %dma_wait3A_335 = tpu.memref_slice %arg9[%dma_wait3A_332, %dma_wait3A_333, %dma_wait3A_334] : memref<8x128x64xf32, #tpu.memory_space<vmem>> -> memref<1x128x64xf32, #tpu.memory_space<vmem>>
    %dma_wait3A_336 = tpu.memref_squeeze %dma_wait3A_335 : memref<1x128x64xf32, #tpu.memory_space<vmem>> -> memref<128x64xf32, #tpu.memory_space<vmem>>
    %dma_wait3A_337 = arith.constant 0 : i32
    %dma_wait3A_338 = tpu.memref_slice %arg6[%add3A_331, %dma_wait3A_337] : memref<20480x64xf32, #tpu.memory_space<hbm>> -> memref<128x64xf32, #tpu.memory_space<hbm>>
    %dma_wait3A_339 = arith.constant 0 : i32
    %dma_wait3A_340 = tpu.memref_slice %arg6[%add3A_331, %dma_wait3A_339] : memref<20480x64xf32, #tpu.memory_space<hbm>> -> memref<128x64xf32, #tpu.memory_space<hbm>>
    %dma_wait3A_341 = arith.constant 0 : i32
    %dma_wait3A_342 = arith.constant 0 : i32
    %dma_wait3A_343 = tpu.memref_slice %arg9[%dma_wait3A_332, %dma_wait3A_341, %dma_wait3A_342] : memref<8x128x64xf32, #tpu.memory_space<vmem>> -> memref<1x128x64xf32, #tpu.memory_space<vmem>>
    %dma_wait3A_344 = tpu.memref_squeeze %dma_wait3A_343 : memref<1x128x64xf32, #tpu.memory_space<vmem>> -> memref<128x64xf32, #tpu.memory_space<vmem>>
    tpu.wait_dma2 semaphore(%arg12 : memref<!tpu.dma_semaphore, #tpu.memory_space<semaphore_mem>>) src(%dma_wait3A_344 : memref<128x64xf32, #tpu.memory_space<vmem>>) dst(%dma_wait3A_340 : memref<128x64xf32, #tpu.memory_space<hbm>>)
    %mul3A_345 = arith.constant 640 : i32
    %mul3A_346 = arith.muli %add3A, %mul3A_345 : i32
    %add3A_347 = arith.constant 256 : i32
    %add3A_348 = arith.addi %mul3A_346, %add3A_347 : i32
    %dma_wait3A_349 = arith.constant 2 : i32
    %dma_wait3A_350 = arith.constant 0 : i32
    %dma_wait3A_351 = arith.constant 0 : i32
    %dma_wait3A_352 = tpu.memref_slice %arg9[%dma_wait3A_349, %dma_wait3A_350, %dma_wait3A_351] : memref<8x128x64xf32, #tpu.memory_space<vmem>> -> memref<1x128x64xf32, #tpu.memory_space<vmem>>
    %dma_wait3A_353 = tpu.memref_squeeze %dma_wait3A_352 : memref<1x128x64xf32, #tpu.memory_space<vmem>> -> memref<128x64xf32, #tpu.memory_space<vmem>>
    %dma_wait3A_354 = arith.constant 0 : i32
    %dma_wait3A_355 = tpu.memref_slice %arg6[%add3A_348, %dma_wait3A_354] : memref<20480x64xf32, #tpu.memory_space<hbm>> -> memref<128x64xf32, #tpu.memory_space<hbm>>
    %dma_wait3A_356 = arith.constant 0 : i32
    %dma_wait3A_357 = tpu.memref_slice %arg6[%add3A_348, %dma_wait3A_356] : memref<20480x64xf32, #tpu.memory_space<hbm>> -> memref<128x64xf32, #tpu.memory_space<hbm>>
    %dma_wait3A_358 = arith.constant 0 : i32
    %dma_wait3A_359 = arith.constant 0 : i32
    %dma_wait3A_360 = tpu.memref_slice %arg9[%dma_wait3A_349, %dma_wait3A_358, %dma_wait3A_359] : memref<8x128x64xf32, #tpu.memory_space<vmem>> -> memref<1x128x64xf32, #tpu.memory_space<vmem>>
    %dma_wait3A_361 = tpu.memref_squeeze %dma_wait3A_360 : memref<1x128x64xf32, #tpu.memory_space<vmem>> -> memref<128x64xf32, #tpu.memory_space<vmem>>
    tpu.wait_dma2 semaphore(%arg13 : memref<!tpu.dma_semaphore, #tpu.memory_space<semaphore_mem>>) src(%dma_wait3A_361 : memref<128x64xf32, #tpu.memory_space<vmem>>) dst(%dma_wait3A_357 : memref<128x64xf32, #tpu.memory_space<hbm>>)
    %mul3A_362 = arith.constant 640 : i32
    %mul3A_363 = arith.muli %add3A, %mul3A_362 : i32
    %add3A_364 = arith.constant 384 : i32
    %add3A_365 = arith.addi %mul3A_363, %add3A_364 : i32
    %dma_wait3A_366 = arith.constant 3 : i32
    %dma_wait3A_367 = arith.constant 0 : i32
    %dma_wait3A_368 = arith.constant 0 : i32
    %dma_wait3A_369 = tpu.memref_slice %arg9[%dma_wait3A_366, %dma_wait3A_367, %dma_wait3A_368] : memref<8x128x64xf32, #tpu.memory_space<vmem>> -> memref<1x128x64xf32, #tpu.memory_space<vmem>>
    %dma_wait3A_370 = tpu.memref_squeeze %dma_wait3A_369 : memref<1x128x64xf32, #tpu.memory_space<vmem>> -> memref<128x64xf32, #tpu.memory_space<vmem>>
    %dma_wait3A_371 = arith.constant 0 : i32
    %dma_wait3A_372 = tpu.memref_slice %arg6[%add3A_365, %dma_wait3A_371] : memref<20480x64xf32, #tpu.memory_space<hbm>> -> memref<128x64xf32, #tpu.memory_space<hbm>>
    %dma_wait3A_373 = arith.constant 0 : i32
    %dma_wait3A_374 = tpu.memref_slice %arg6[%add3A_365, %dma_wait3A_373] : memref<20480x64xf32, #tpu.memory_space<hbm>> -> memref<128x64xf32, #tpu.memory_space<hbm>>
    %dma_wait3A_375 = arith.constant 0 : i32
    %dma_wait3A_376 = arith.constant 0 : i32
    %dma_wait3A_377 = tpu.memref_slice %arg9[%dma_wait3A_366, %dma_wait3A_375, %dma_wait3A_376] : memref<8x128x64xf32, #tpu.memory_space<vmem>> -> memref<1x128x64xf32, #tpu.memory_space<vmem>>
    %dma_wait3A_378 = tpu.memref_squeeze %dma_wait3A_377 : memref<1x128x64xf32, #tpu.memory_space<vmem>> -> memref<128x64xf32, #tpu.memory_space<vmem>>
    tpu.wait_dma2 semaphore(%arg14 : memref<!tpu.dma_semaphore, #tpu.memory_space<semaphore_mem>>) src(%dma_wait3A_378 : memref<128x64xf32, #tpu.memory_space<vmem>>) dst(%dma_wait3A_374 : memref<128x64xf32, #tpu.memory_space<hbm>>)
    %mul3A_379 = arith.constant 640 : i32
    %mul3A_380 = arith.muli %add3A, %mul3A_379 : i32
    %add3A_381 = arith.constant 512 : i32
    %add3A_382 = arith.addi %mul3A_380, %add3A_381 : i32
    %dma_wait3A_383 = arith.constant 4 : i32
    %dma_wait3A_384 = arith.constant 0 : i32
    %dma_wait3A_385 = arith.constant 0 : i32
    %dma_wait3A_386 = tpu.memref_slice %arg9[%dma_wait3A_383, %dma_wait3A_384, %dma_wait3A_385] : memref<8x128x64xf32, #tpu.memory_space<vmem>> -> memref<1x128x64xf32, #tpu.memory_space<vmem>>
    %dma_wait3A_387 = tpu.memref_squeeze %dma_wait3A_386 : memref<1x128x64xf32, #tpu.memory_space<vmem>> -> memref<128x64xf32, #tpu.memory_space<vmem>>
    %dma_wait3A_388 = arith.constant 0 : i32
    %dma_wait3A_389 = tpu.memref_slice %arg6[%add3A_382, %dma_wait3A_388] : memref<20480x64xf32, #tpu.memory_space<hbm>> -> memref<128x64xf32, #tpu.memory_space<hbm>>
    %dma_wait3A_390 = arith.constant 0 : i32
    %dma_wait3A_391 = tpu.memref_slice %arg6[%add3A_382, %dma_wait3A_390] : memref<20480x64xf32, #tpu.memory_space<hbm>> -> memref<128x64xf32, #tpu.memory_space<hbm>>
    %dma_wait3A_392 = arith.constant 0 : i32
    %dma_wait3A_393 = arith.constant 0 : i32
    %dma_wait3A_394 = tpu.memref_slice %arg9[%dma_wait3A_383, %dma_wait3A_392, %dma_wait3A_393] : memref<8x128x64xf32, #tpu.memory_space<vmem>> -> memref<1x128x64xf32, #tpu.memory_space<vmem>>
    %dma_wait3A_395 = tpu.memref_squeeze %dma_wait3A_394 : memref<1x128x64xf32, #tpu.memory_space<vmem>> -> memref<128x64xf32, #tpu.memory_space<vmem>>
    tpu.wait_dma2 semaphore(%arg15 : memref<!tpu.dma_semaphore, #tpu.memory_space<semaphore_mem>>) src(%dma_wait3A_395 : memref<128x64xf32, #tpu.memory_space<vmem>>) dst(%dma_wait3A_391 : memref<128x64xf32, #tpu.memory_space<hbm>>)
    return
  }
}

module attributes {stable_mosaic.version = 14 : i64} {
  func.func @_mm_body(%arg0: memref<10000x128xf32, #tpu.memory_space<vmem>>, %arg1: memref<128x64xf32, #tpu.memory_space<vmem>>, %arg2: memref<10000x64xf32, #tpu.memory_space<vmem>>) attributes {dimension_semantics = [], scalar_prefetch = 0 : i64, scratch_operands = 0 : i64, tpu.core_type = #tpu.core_type<tc>} {
    %get3A = arith.constant 0 : index
    %get3A_0 = arith.constant 0 : index
    %get3A_1 = vector.load %arg0[%get3A, %get3A_0] : memref<10000x128xf32, #tpu.memory_space<vmem>>, vector<10000x128xf32>
    %get3A_2 = arith.constant 0 : index
    %get3A_3 = arith.constant 0 : index
    %get3A_4 = vector.load %arg1[%get3A_2, %get3A_3] : memref<128x64xf32, #tpu.memory_space<vmem>>, vector<128x64xf32>
    %dot_general3A = arith.constant dense<0.000000e+00> : vector<10000x64xf32>
    %dot_general3A_5 = tpu.matmul %get3A_1, %get3A_4, %dot_general3A {dimension_numbers = #tpu.dot_dimension_numbers<[1], [0], [0], [1], [0, 0, 1, 1], [], []>, transpose_lhs_hint = false} : vector<10000x128xf32>, vector<128x64xf32>, vector<10000x64xf32> -> vector<10000x64xf32>
    %swap3A = arith.constant 0 : index
    %swap3A_6 = arith.constant 0 : index
    %swap3A_7 = vector.load %arg2[%swap3A, %swap3A_6] : memref<10000x64xf32, #tpu.memory_space<vmem>>, vector<10000x64xf32>
    tpu.vector_store %arg2[%swap3A, %swap3A_6], %dot_general3A_5 {strides = array<i32>} : memref<10000x64xf32, #tpu.memory_space<vmem>>, vector<10000x64xf32>,
    return
  }
}

module attributes {stable_mosaic.version = 14 : i64} {
  func.func @_pad_idx_body(%arg0: memref<2x2500x128xi32, #tpu.memory_space<vmem>>, %arg1: memref<60x128xi32, #tpu.memory_space<vmem>>, %arg2: memref<60x128xi32, #tpu.memory_space<vmem>>, %arg3: memref<2560x128xi32, #tpu.memory_space<vmem>>, %arg4: memref<2560x128xi32, #tpu.memory_space<vmem>>) attributes {dimension_semantics = [], scalar_prefetch = 0 : i64, scratch_operands = 0 : i64, tpu.core_type = #tpu.core_type<tc>} {
    %get3A = arith.constant 0 : index
    %get3A_0 = arith.constant 0 : index
    %get3A_1 = arith.constant 0 : index
    %get3A_2 = vector.load %arg0[%get3A, %get3A_0, %get3A_1] : memref<2x2500x128xi32, #tpu.memory_space<vmem>>, vector<1x2500x128xi32>
    %get3A_3 = vector.shape_cast %get3A_2 : vector<1x2500x128xi32> to vector<2500x128xi32>
    %swap3A = arith.constant 0 : index
    %swap3A_4 = arith.constant 0 : index
    %swap3A_5 = vector.load %arg3[%swap3A, %swap3A_4] : memref<2560x128xi32, #tpu.memory_space<vmem>>, vector<2500x128xi32>
    tpu.vector_store %arg3[%swap3A, %swap3A_4], %get3A_3 {strides = array<i32>} : memref<2560x128xi32, #tpu.memory_space<vmem>>, vector<2500x128xi32>,
    %get3A_6 = arith.constant 0 : index
    %get3A_7 = arith.constant 0 : index
    %get3A_8 = vector.load %arg1[%get3A_6, %get3A_7] : memref<60x128xi32, #tpu.memory_space<vmem>>, vector<60x128xi32>
    %swap3A_9 = arith.constant 2500 : index
    %swap3A_10 = arith.constant 0 : index
    %swap3A_11 = vector.load %arg3[%swap3A_9, %swap3A_10] : memref<2560x128xi32, #tpu.memory_space<vmem>>, vector<60x128xi32>
    tpu.vector_store %arg3[%swap3A_9, %swap3A_10], %get3A_8 {strides = array<i32>} : memref<2560x128xi32, #tpu.memory_space<vmem>>, vector<60x128xi32>,
    %get3A_12 = arith.constant 1 : index
    %get3A_13 = arith.constant 0 : index
    %get3A_14 = arith.constant 0 : index
    %get3A_15 = vector.load %arg0[%get3A_12, %get3A_13, %get3A_14] : memref<2x2500x128xi32, #tpu.memory_space<vmem>>, vector<1x2500x128xi32>
    %get3A_16 = vector.shape_cast %get3A_15 : vector<1x2500x128xi32> to vector<2500x128xi32>
    %swap3A_17 = arith.constant 0 : index
    %swap3A_18 = arith.constant 0 : index
    %swap3A_19 = vector.load %arg4[%swap3A_17, %swap3A_18] : memref<2560x128xi32, #tpu.memory_space<vmem>>, vector<2500x128xi32>
    tpu.vector_store %arg4[%swap3A_17, %swap3A_18], %get3A_16 {strides = array<i32>} : memref<2560x128xi32, #tpu.memory_space<vmem>>, vector<2500x128xi32>,
    %get3A_20 = arith.constant 0 : index
    %get3A_21 = arith.constant 0 : index
    %get3A_22 = vector.load %arg2[%get3A_20, %get3A_21] : memref<60x128xi32, #tpu.memory_space<vmem>>, vector<60x128xi32>
    %swap3A_23 = arith.constant 2500 : index
    %swap3A_24 = arith.constant 0 : index
    %swap3A_25 = vector.load %arg4[%swap3A_23, %swap3A_24] : memref<2560x128xi32, #tpu.memory_space<vmem>>, vector<60x128xi32>
    tpu.vector_store %arg4[%swap3A_23, %swap3A_24], %get3A_22 {strides = array<i32>} : memref<2560x128xi32, #tpu.memory_space<vmem>>, vector<60x128xi32>,
    return
  }
}

module attributes {stable_mosaic.version = 14 : i64} {
  func.func @_mid_body(%arg0: memref<20480x64xf32, #tpu.memory_space<vmem>>, %arg1: memref<10000x64xf32, #tpu.memory_space<vmem>>, %arg2: memref<1x64xf32, #tpu.memory_space<vmem>>, %arg3: memref<64x64xf32, #tpu.memory_space<vmem>>, %arg4: memref<1x64xf32, #tpu.memory_space<vmem>>, %arg5: memref<64x64xf32, #tpu.memory_space<vmem>>, %arg6: memref<10000x64xf32, #tpu.memory_space<vmem>>) attributes {dimension_semantics = [], scalar_prefetch = 0 : i64, scratch_operands = 0 : i64, tpu.core_type = #tpu.core_type<tc>} {
    %get3A = arith.constant 0 : index
    %get3A_0 = arith.constant 0 : index
    %get3A_1 = vector.load %arg0[%get3A, %get3A_0] : memref<20480x64xf32, #tpu.memory_space<vmem>>, vector<10000x64xf32>
    %get3A_2 = arith.constant 10240 : index
    %get3A_3 = arith.constant 0 : index
    %get3A_4 = vector.load %arg0[%get3A_2, %get3A_3] : memref<20480x64xf32, #tpu.memory_space<vmem>>, vector<10000x64xf32>
    %add3A = arith.addf %get3A_1, %get3A_4 : vector<10000x64xf32>
    %get3A_5 = arith.constant 0 : index
    %get3A_6 = arith.constant 0 : index
    %get3A_7 = vector.load %arg1[%get3A_5, %get3A_6] : memref<10000x64xf32, #tpu.memory_space<vmem>>, vector<10000x64xf32>
    %add3A_8 = arith.addf %get3A_7, %add3A : vector<10000x64xf32>
    %get3A_9 = arith.constant 0 : index
    %get3A_10 = arith.constant 0 : index
    %get3A_11 = vector.load %arg2[%get3A_9, %get3A_10] : memref<1x64xf32, #tpu.memory_space<vmem>>, vector<1x64xf32>
    %add3A_12 = vector.broadcast %get3A_11 : vector<1x64xf32> to vector<10000x64xf32>
    %add3A_13 = arith.addf %add3A_8, %add3A_12 : vector<10000x64xf32>
    %max3A = arith.constant 0.000000e+00 : f32
    %max3A_14 = vector.broadcast %max3A : f32 to vector<10000x64xf32>
    %max3A_15 = arith.maximumf %add3A_13, %max3A_14 : vector<10000x64xf32>
    %get3A_16 = arith.constant 0 : index
    %get3A_17 = arith.constant 0 : index
    %get3A_18 = vector.load %arg3[%get3A_16, %get3A_17] : memref<64x64xf32, #tpu.memory_space<vmem>>, vector<64x64xf32>
    %dot_general3A = arith.constant dense<0.000000e+00> : vector<10000x64xf32>
    %dot_general3A_19 = tpu.matmul %max3A_15, %get3A_18, %dot_general3A {dimension_numbers = #tpu.dot_dimension_numbers<[1], [0], [0], [1], [0, 0, 1, 1], [], []>, transpose_lhs_hint = false} : vector<10000x64xf32>, vector<64x64xf32>, vector<10000x64xf32> -> vector<10000x64xf32>
    %get3A_20 = arith.constant 0 : index
    %get3A_21 = arith.constant 0 : index
    %get3A_22 = vector.load %arg4[%get3A_20, %get3A_21] : memref<1x64xf32, #tpu.memory_space<vmem>>, vector<1x64xf32>
    %add3A_23 = vector.broadcast %get3A_22 : vector<1x64xf32> to vector<10000x64xf32>
    %add3A_24 = arith.addf %dot_general3A_19, %add3A_23 : vector<10000x64xf32>
    %max3A_25 = arith.constant 0.000000e+00 : f32
    %max3A_26 = vector.broadcast %max3A_25 : f32 to vector<10000x64xf32>
    %max3A_27 = arith.maximumf %add3A_24, %max3A_26 : vector<10000x64xf32>
    %get3A_28 = arith.constant 0 : index
    %get3A_29 = arith.constant 0 : index
    %get3A_30 = vector.load %arg5[%get3A_28, %get3A_29] : memref<64x64xf32, #tpu.memory_space<vmem>>, vector<64x64xf32>
    %dot_general3A_31 = arith.constant dense<0.000000e+00> : vector<10000x64xf32>
    %dot_general3A_32 = tpu.matmul %max3A_27, %get3A_30, %dot_general3A_31 {dimension_numbers = #tpu.dot_dimension_numbers<[1], [0], [0], [1], [0, 0, 1, 1], [], []>, transpose_lhs_hint = false} : vector<10000x64xf32>, vector<64x64xf32>, vector<10000x64xf32> -> vector<10000x64xf32>
    %swap3A = arith.constant 0 : index
    %swap3A_33 = arith.constant 0 : index
    %swap3A_34 = vector.load %arg6[%swap3A, %swap3A_33] : memref<10000x64xf32, #tpu.memory_space<vmem>>, vector<10000x64xf32>
    tpu.vector_store %arg6[%swap3A, %swap3A_33], %dot_general3A_32 {strides = array<i32>} : memref<10000x64xf32, #tpu.memory_space<vmem>>, vector<10000x64xf32>,
    return
  }
}

module attributes {stable_mosaic.version = 14 : i64} {
  func.func @_final_body(%arg0: memref<20480x64xf32, #tpu.memory_space<vmem>>, %arg1: memref<10000x64xf32, #tpu.memory_space<vmem>>, %arg2: memref<1x64xf32, #tpu.memory_space<vmem>>, %arg3: memref<64x64xf32, #tpu.memory_space<vmem>>, %arg4: memref<1x64xf32, #tpu.memory_space<vmem>>, %arg5: memref<10000x1xi32, #tpu.memory_space<vmem>>, %arg6: memref<64x128xf32, #tpu.memory_space<vmem>>, %arg7: memref<1x128xf32, #tpu.memory_space<vmem>>, %arg8: memref<64x128xf32, #tpu.memory_space<vmem>>) attributes {dimension_semantics = [], scalar_prefetch = 0 : i64, scratch_operands = 0 : i64, tpu.core_type = #tpu.core_type<tc>} {
    %get3A = arith.constant 0 : index
    %get3A_0 = arith.constant 0 : index
    %get3A_1 = vector.load %arg0[%get3A, %get3A_0] : memref<20480x64xf32, #tpu.memory_space<vmem>>, vector<10000x64xf32>
    %get3A_2 = arith.constant 10240 : index
    %get3A_3 = arith.constant 0 : index
    %get3A_4 = vector.load %arg0[%get3A_2, %get3A_3] : memref<20480x64xf32, #tpu.memory_space<vmem>>, vector<10000x64xf32>
    %add3A = arith.addf %get3A_1, %get3A_4 : vector<10000x64xf32>
    %get3A_5 = arith.constant 0 : index
    %get3A_6 = arith.constant 0 : index
    %get3A_7 = vector.load %arg1[%get3A_5, %get3A_6] : memref<10000x64xf32, #tpu.memory_space<vmem>>, vector<10000x64xf32>
    %add3A_8 = arith.addf %get3A_7, %add3A : vector<10000x64xf32>
    %get3A_9 = arith.constant 0 : index
    %get3A_10 = arith.constant 0 : index
    %get3A_11 = vector.load %arg2[%get3A_9, %get3A_10] : memref<1x64xf32, #tpu.memory_space<vmem>>, vector<1x64xf32>
    %add3A_12 = vector.broadcast %get3A_11 : vector<1x64xf32> to vector<10000x64xf32>
    %add3A_13 = arith.addf %add3A_8, %add3A_12 : vector<10000x64xf32>
    %max3A = arith.constant 0.000000e+00 : f32
    %max3A_14 = vector.broadcast %max3A : f32 to vector<10000x64xf32>
    %max3A_15 = arith.maximumf %add3A_13, %max3A_14 : vector<10000x64xf32>
    %get3A_16 = arith.constant 0 : index
    %get3A_17 = arith.constant 0 : index
    %get3A_18 = vector.load %arg3[%get3A_16, %get3A_17] : memref<64x64xf32, #tpu.memory_space<vmem>>, vector<64x64xf32>
    %dot_general3A = arith.constant dense<0.000000e+00> : vector<10000x64xf32>
    %dot_general3A_19 = tpu.matmul %max3A_15, %get3A_18, %dot_general3A {dimension_numbers = #tpu.dot_dimension_numbers<[1], [0], [0], [1], [0, 0, 1, 1], [], []>, transpose_lhs_hint = false} : vector<10000x64xf32>, vector<64x64xf32>, vector<10000x64xf32> -> vector<10000x64xf32>
    %get3A_20 = arith.constant 0 : index
    %get3A_21 = arith.constant 0 : index
    %get3A_22 = vector.load %arg4[%get3A_20, %get3A_21] : memref<1x64xf32, #tpu.memory_space<vmem>>, vector<1x64xf32>
    %add3A_23 = vector.broadcast %get3A_22 : vector<1x64xf32> to vector<10000x64xf32>
    %add3A_24 = arith.addf %dot_general3A_19, %add3A_23 : vector<10000x64xf32>
    %max3A_25 = arith.constant 0.000000e+00 : f32
    %max3A_26 = vector.broadcast %max3A_25 : f32 to vector<10000x64xf32>
    %max3A_27 = arith.maximumf %add3A_24, %max3A_26 : vector<10000x64xf32>
    %iota3A = tpu.iota {dimensions = array<i32: 1>} : vector<1x64xi32>
    %get3A_28 = arith.constant 0 : index
    %get3A_29 = arith.constant 0 : index
    %get3A_30 = vector.load %arg5[%get3A_28, %get3A_29] : memref<10000x1xi32, #tpu.memory_space<vmem>>, vector<10000x1xi32>
    %eq3A = vector.broadcast %get3A_30 : vector<10000x1xi32> to vector<10000x64xi32>
    %eq3A_31 = vector.broadcast %iota3A : vector<1x64xi32> to vector<10000x64xi32>
    %eq3A_32 = arith.cmpi eq, %eq3A, %eq3A_31 : vector<10000x64xi32>
    %convert_element_type3A = arith.extui %eq3A_32 : vector<10000x64xi1> to vector<10000x64xi32>
    %convert_element_type3A_33 = arith.sitofp %convert_element_type3A : vector<10000x64xi32> to vector<10000x64xf32>
    %dot_general3A_34 = arith.constant dense<0.000000e+00> : vector<64x64xf32>
    %dot_general3A_35 = tpu.matmul %convert_element_type3A_33, %max3A_27, %dot_general3A_34 {dimension_numbers = #tpu.dot_dimension_numbers<[0], [0], [1], [1], [0, 1, 1, 1], [], []>, transpose_lhs_hint = false} : vector<10000x64xf32>, vector<10000x64xf32>, vector<64x64xf32> -> vector<64x64xf32>
    %broadcast_in_dim3A = arith.constant 1.000000e+00 : f32
    %broadcast_in_dim3A_36 = vector.broadcast %broadcast_in_dim3A : f32 to vector<10000x1xf32>
    %dot_general3A_37 = arith.constant dense<0.000000e+00> : vector<64x1xf32>
    %dot_general3A_38 = tpu.matmul %convert_element_type3A_33, %broadcast_in_dim3A_36, %dot_general3A_37 {dimension_numbers = #tpu.dot_dimension_numbers<[0], [0], [1], [1], [0, 1, 1, 1], [], []>, transpose_lhs_hint = false} : vector<10000x64xf32>, vector<10000x1xf32>, vector<64x1xf32> -> vector<64x1xf32>
    %max3A_39 = arith.constant 1.000000e+00 : f32
    %max3A_40 = vector.broadcast %max3A_39 : f32 to vector<64x1xf32>
    %max3A_41 = arith.maximumf %dot_general3A_38, %max3A_40 : vector<64x1xf32>
    %div3A = vector.broadcast %max3A_41 : vector<64x1xf32> to vector<64x64xf32>
    %div3A_42 = arith.divf %dot_general3A_35, %div3A : vector<64x64xf32>
    %get3A_43 = arith.constant 0 : index
    %get3A_44 = arith.constant 0 : index
    %get3A_45 = vector.load %arg6[%get3A_43, %get3A_44] : memref<64x128xf32, #tpu.memory_space<vmem>>, vector<64x128xf32>
    %dot_general3A_46 = arith.constant dense<0.000000e+00> : vector<64x128xf32>
    %dot_general3A_47 = tpu.matmul %div3A_42, %get3A_45, %dot_general3A_46 {dimension_numbers = #tpu.dot_dimension_numbers<[1], [0], [0], [1], [0, 0, 1, 1], [], []>, transpose_lhs_hint = false} : vector<64x64xf32>, vector<64x128xf32>, vector<64x128xf32> -> vector<64x128xf32>
    %get3A_48 = arith.constant 0 : index
    %get3A_49 = arith.constant 0 : index
    %get3A_50 = vector.load %arg7[%get3A_48, %get3A_49] : memref<1x128xf32, #tpu.memory_space<vmem>>, vector<1x128xf32>
    %add3A_51 = vector.broadcast %get3A_50 : vector<1x128xf32> to vector<64x128xf32>
    %add3A_52 = arith.addf %dot_general3A_47, %add3A_51 : vector<64x128xf32>
    %swap3A = arith.constant 0 : index
    %swap3A_53 = arith.constant 0 : index
    %swap3A_54 = vector.load %arg8[%swap3A, %swap3A_53] : memref<64x128xf32, #tpu.memory_space<vmem>>, vector<64x128xf32>
    tpu.vector_store %arg8[%swap3A, %swap3A_53], %add3A_52 {strides = array<i32>} : memref<64x128xf32, #tpu.memory_space<vmem>>, vector<64x128xf32>,
    return
  }
}

</mosaic_0001>

<sc_bundles>
// kernel: kernel.11.cloned.1.call-start
scs
__scs_entry_jumppad:
0x0: {  	(pc) =	sbr.rel $0x88, $3  }
0x1: {  	(tag) =	ssettag $0x0;
	lr =	simm.s32 $0x1  }
0x2: {  	[smem:$0x3F94] =	sst lr;
	_ =	strace $0xD0000000  }
0x3: {  	_ = 	snop  }
0x4: {  	_ = 	snop  }
0x5: {  	_ = 	snop  }
0x6: {  	_ = 	snop  }
0x7: {  	_ = 	snop  }
__scs_overlays_trampoline_lowered:
0x8: {  	[smem:$0x3FA3] =	sst s0  }
0x9: {  	[smem:$0x3FA4] =	sst s1  }
0xa: {  	[smem:$0x3FA5] =	sst s2  }
0xb: {  	[smem:$0x3FA6] =	sst s3  }
0xc: {  	[smem:$0x3FA7] =	sst s4  }
0xd: {  	[smem:$0x3FA8] =	sst s5  }
0xe: {  	[smem:$0x3FA9] =	sst s6  }
0xf: {  	[smem:$0x3FAA] =	sst s7  }
0x10: {  	[smem:$0x3FAB] =	sst s8  }
0x11: {  	[smem:$0x3FAC] =	sst s9;
	s0 =	simm.s32 @!p0 $0x0  }
0x12: {  	s1 =	sld [smem:$0x3F92];
	s0 =	simm.s32 @p0 $0x1  }
0x13: {  	[smem:$0x3FAD] =	sst s0;
	s0 =	simm.s32 @!p1 $0x0  }
0x14: {  	s2 =	sld [smem:$0x3F91];
	s0 =	simm.s32 @p1 $0x1  }
0x15: {  	[smem:$0x3FAE] =	sst s0;
	s0 =	simm.s32 @!p2 $0x0  }
0x16: {  	s3 =	sld [smem:$0x3FDB];
	s0 =	simm.s32 @p2 $0x1  }
0x17: {  	s4 =	simm.s32 $0x1BF5;
	[smem:$0x3FB0] =	sst s0  }
0x18: {  	s0 =	sld [smem:$0x3F93];
	_ =	swait.ge [sflag:s4], $0x0  }
0x19: {  	s7 =	sld [smem:$0x3F94]  }
0x1a: {  	s8 =	sadd.s32 $0xFFFFE003, lr  }
0x1b: {  	s9 =	sadd.s32 $0xFFFFFEF7, lr;
	s5 =	simm.s32 $0xFFFFFFFF;
	p2 =	slt.u32 s8, $0xFFFFF086  }
0x1c: {  	p1 =	slt.u32 s9, $0xF7A;
	s5 =	simm.s32 @!p2 $0x0  }
0x1d: {  	s5 =	simm.s32 @p1 $0x1;
	p0 =	seq.s32 s7, s2  }
0x1e: {  	s7 =	smul.u32 @!p0 $0xF7A, s2;
	p2 =	seq.s32 @!p0 s5, $0x0  }
0x1f: {  	s9 =	smul.u32 $0xF7A, s1;
	s8 =	simm.s32 @!p0 $0x1BF5;
	p2 =	por !p2, p0  }
0x20: {  	[sflag:s8] =	ssyncset.s32 @!p0 $0xFFFFF086;
	s6 =	sadd.s32 @!p0 s3, s7;
	s7 =	simm.s32 @!p0 $0x108  }
0x21: {  	s3 =	sadd.s32 s3, s9;
	s6 =	sadd.s32 @!p0 $0x88, s6;
	s7 =	simm.s32 @p2 $0x1082  }
0x22: {  	[simem:s7], [sflag:s8] =	dma.local @!p0 [hbm:s6], $0xF7A  }
0x23: {  	s9 =	sor.u32 $0xD0000000, s2;
	s6 =	simm.s32 $0x108;
	_ =	swait.ge @!p0 [sflag:s8], $0x0  }
0x24: {  	s3 =	sadd.s32 $0x88, s3;
	s6 =	simm.s32 @!p1 $0x1082;
	[sflag:s4] =	ssyncset.s32 $0xFFFFF086  }
0x25: {  	[simem:s6], [sflag:s4] =	dma.local [hbm:s3], $0xF7A  }
0x26: {  	[smem:$0x3F94] =	sst s1;
	(tag) =	ssettag s2;
	_ =	strace s9  }
0x27: {  	s1 =	sld [smem:$0x3FA4]  }
0x28: {  	s2 =	sld [smem:$0x3FA5]  }
0x29: {  	s4 =	sld [smem:$0x3FA7]  }
0x2a: {  	p0 =	seq.s32 s5, $0x0;
	s5 =	sld [smem:$0x3FA8]  }
0x2b: {  	s6 =	sld [smem:$0x3FA9]  }
0x2c: {  	s7 =	sld [smem:$0x3FAA]  }
0x2d: {  	s3 =	simm.s32 $0x108;
	s8 =	sld [smem:$0x3FAB]  }
0x2e: {  	s3 =	simm.s32 @!p0 $0x1082;
	s9 =	sld [smem:$0x3FAC]  }
0x2f: {  	lr =	sadd.s32 s0, s3;
	s0 =	sld [smem:$0x3FA3]  }
0x30: {  	s3 =	sld [smem:$0x3FA6]  }
0x31: {  	[smem:$0x3FAF] =	sst s10  }
0x32: {  	s10 =	sld [smem:$0x3FAD];
	_ =	sdelay $0x3  }
0x33: {  	p0 =	seq.s32 s10, $0x1;
	s10 =	sld [smem:$0x3FAF];
	_ =	sdelay $0x3  }
0x34: {  	[smem:$0x3FAF] =	sst s10  }
0x35: {  	s10 =	sld [smem:$0x3FAE];
	_ =	sdelay $0x3  }
0x36: {  	p1 =	seq.s32 s10, $0x1;
	s10 =	sld [smem:$0x3FAF];
	_ =	sdelay $0x3  }
0x37: {  	[smem:$0x3FAF] =	sst s10  }
0x38: {  	s10 =	sld [smem:$0x3FB0]  }
0x39: {  	_ = 	snop;
	(pc) =	sbr.ind lr, $3  }
0x3a: {  	_ = 	snop  }
0x3b: {  	_ = 	snop  }
0x3c: {  	p2 =	seq.s32 s10, $0x1;
	s10 =	sld [smem:$0x3FAF]  }
0x3d: {  	_ =	shalt  }
0x3e: {  	_ =	shalt  }
0x3f: {  	_ =	shalt  }
0x40: {  	_ =	shalt  }
0x41: {  	_ =	shalt  }
0x42: {  	_ =	shalt  }
0x43: {  	_ =	shalt  }
0x44: {  	_ =	shalt  }
0x45: {  	_ =	shalt  }
0x46: {  	_ =	shalt  }
0x47: {  	_ =	shalt  }
0x48: {  	_ =	shalt  }
0x49: {  	_ =	shalt  }
0x4a: {  	_ =	shalt  }
0x4b: {  	_ =	shalt  }
0x4c: {  	_ =	shalt  }
0x4d: {  	_ =	shalt  }
0x4e: {  	_ =	shalt  }
0x4f: {  	_ =	shalt  }
0x50: {  	_ =	shalt  }
0x51: {  	_ =	shalt  }
0x52: {  	_ =	shalt  }
0x53: {  	_ =	shalt  }
0x54: {  	_ =	shalt  }
0x55: {  	_ =	shalt  }
0x56: {  	_ =	shalt  }
0x57: {  	_ =	shalt  }
0x58: {  	_ =	shalt  }
0x59: {  	_ =	shalt  }
0x5a: {  	_ =	shalt  }
0x5b: {  	_ =	shalt  }
0x5c: {  	_ =	shalt  }
0x5d: {  	_ =	shalt  }
0x5e: {  	_ =	shalt  }
0x5f: {  	_ =	shalt  }
0x60: {  	_ =	shalt  }
0x61: {  	_ =	shalt  }
0x62: {  	_ =	shalt  }
0x63: {  	_ =	shalt  }
0x64: {  	_ =	shalt  }
0x65: {  	_ =	shalt  }
0x66: {  	_ =	shalt  }
0x67: {  	_ =	shalt  }
0x68: {  	_ =	shalt  }
0x69: {  	_ =	shalt  }
0x6a: {  	_ =	shalt  }
0x6b: {  	_ =	shalt  }
0x6c: {  	_ =	shalt  }
0x6d: {  	_ =	shalt  }
0x6e: {  	_ =	shalt  }
0x6f: {  	_ =	shalt  }
0x70: {  	_ =	shalt  }
0x71: {  	_ =	shalt  }
0x72: {  	_ =	shalt  }
0x73: {  	_ =	shalt  }
0x74: {  	_ =	shalt  }
0x75: {  	_ =	shalt  }
0x76: {  	_ =	shalt  }
0x77: {  	_ =	shalt  }
0x78: {  	_ =	shalt  }
0x79: {  	_ =	shalt  }
0x7a: {  	_ =	shalt  }
0x7b: {  	_ =	shalt  }
0x7c: {  	_ =	shalt  }
0x7d: {  	_ =	shalt  }
0x7e: {  	_ =	shalt  }
0x7f: {  	_ =	shalt  }
0x80: {  	_ =	shalt  }
0x81: {  	_ =	shalt  }
0x82: {  	_ =	shalt  }
0x83: {  	_ =	shalt  }
0x84: {  	_ =	shalt  }
0x85: {  	_ =	shalt  }
0x86: {  	_ =	shalt  }
0x87: {  	_ =	shalt  }
.Lfunc_end0:
.L_simem_size_0:
called_computation.1_lowered:
.L_overlay_start_0:
0x88: {  	s2 =	sld [smem:$0x3FD9]  }
0x89: {  	s3 =	sld [smem:$0x3FFE];
	_ =	sdelay $0x1  }
0x8a: {  	s1 =	srdreg.scid  }
0x8b: {  	s0 =	sand.u32 $0x1, s1  }
0x8c: {  	s16 =	sshll.u32 s0, $0xA;
	s2 =	sadd.s32 s3, s2  }
0x8d: {  	s2 =	sadd.s32 s2, s16  }
0x8e: {  	[smem:$0x3FBB] =	sst s2  }
0x8f: {  	_ = 	snop  }
0x90: {  	(tm) =	ssettm $0x1  }
0x91: {  	s17 =	sld [smem:$0x3FFB];
	_ =	sdelay $0x3  }
0x92: {  	_ =	strace s17  }
0x93: {  	s2 =	sld [smem:$0x3FFC];
	_ =	sdelay $0x3  }
0x94: {  	_ =	strace s2  }
0x95: {  	s2 =	sld [smem:$0x3FFD];
	_ =	sdelay $0x3  }
0x96: {  	_ =	strace s2  }
0x97: {  	_ =	strace $0x8FFFFFFF  }
0x98: {  	s18 =	sld [smem:$0x3FDB];
	_ =	sdelay $0x1  }
0x99: {  	s19 =	simm.s32 $_scs_section_size  }
0x9a: {  	s4 =	simm.s32 $_size__tile_overlayer_lowered;
	s5 =	simm.s32 $_tile_overlayer_lowered  }
0x9b: {  	s22 =	simm.s32 $0x1BFF;
	s21 =	sshll.u32 s5, $0x1;
	s2 =	sadd.s32 s19, s18  }
0x9c: {  	s6 =	simm.s32 $0x0;
	s20 =	sshll.u32 s4, $0x1;
	s4 =	sadd.s32 s21, s2  }
0x9d: {  	[timem:s6], [sflag:s22] =	dma.local [hbm:s4], s20  }
0x9e: {  	_ =	swait.ge [sflag:s22], s20  }
0x9f: {  	s3 =	ssub.s32 $0x0, s20;
	[sflag:s22] =	ssyncset.done $0x0  }
0xa0: {  	[sflag:s22] =	ssyncadd.s32 s3;
	_ =	sdelay $0x1  }
0xa1: {  	s23 =	simm.s32 $0x1B8B  }
0xa2: {  	_ =	swait.ge [sflag:s23], $0x1  }
0xa3: {  	[sflag:s23] =	ssyncset.done $0x0  }
0xa4: {  	s25 =	simm.s32 $0x1B8E;
	s24 =	sld [smem:$0x3FFE];
	[sflag:s23] =	ssyncadd.s32 $0xFFFFFFFF  }
0xa5: {  	s26 =	simm.s32 $execute0_lowered;
	[smem:$0x3FD2] =	sst s25  }
0xa6: {  	s4 =	sshll.u32 s26, $0x1;
	_ =	strace $0x80000049;
	[dreg:$0x1] =	wrdreg $0xFFFFFFFF  }
0xa7: {  	s28 =	simm.s32 $_size_execute0_lowered;
	s2 =	sadd.s32 s2, s4;
	[dreg:$0x0] =	wrdreg $0x0  }
0xa8: {  	s4 =	sshll.u32 s28, $0x1;
	[dreg:$0x2] =	wrdreg s2  }
0xa9: {  	[dreg:$0x3] =	wrdreg s4  }
0xaa: {  	[dreg:$0x4] =	wrdreg $0xC0  }
0xab: {  	_ =	task [dreg:s6], $0x5FFFF  }
0xac: {  	[dreg:$0x1] =	wrdreg $0xFFFFFFFF  }
0xad: {  	[dreg:$0x0] =	wrdreg $0x60  }
0xae: {  	[dreg:$0x2] =	wrdreg s24  }
0xaf: {  	[dreg:$0x3] =	wrdreg $0x150000  }
0xb0: {  	[dreg:$0x4] =	wrdreg $0x9  }
0xb1: {  	_ =	task.clear_ibuf [dreg:s6], $0x5FFFF;
	_ =	strace $0x90000049  }
0xb2: {  	s29 =	simm.s32 $0x9;
	_ =	strace $0x8000004B  }
0xb3: {  	_ =	swait.ge [sflag:s29], $0x1  }
0xb4: {  	[sflag:s29] =	ssyncadd.s32 $0xFFFFFFFF  }
0xb5: {  	_ =	strace $0x9000004B  }
0xb6: {  	_ =	sfence  }
0xb7: {  	s30 =	sld [smem:$0x0];
	_ =	sdelay $0x2  }
0xb8: {  	s31 =	sshll.u32 s1, $0xD;
	s1 =	sshrl.u32 s1, $0x2  }
0xb9: {  	s3 =	sand.u32 $0x4000, s31;
	s1 =	sadd.s32 s1, s30  }
0xba: {  	s0 =	sor.u32 s3, s0;
	s1 =	sshll.u32 s1, $0x11  }
0xbb: {  	s0 =	sor.u32 s1, s0  }
0xbc: {  	s0 =	sadd.s32 $0x8F2B, s0  }
0xbd: {  	[sflag:s0] =	ssyncadd.remote.s32 $0x1  }
0xbe: {  	_ =	sfence.sel $0xFFFF  }
0xbf: {  	[dreg:$0x0] =	wrdreg $0xFFFFFFFF;
	(pc) =	sbr.abs _section_cstart, $3  }
0xc0: {  	[dreg:$0x1] =	wrdreg $0xFFFFFFFF  }
0xc1: {  	_ =	task.clear_ibuf [dreg:s6], $0x2FFFF;
	_ =	strace $0x9FFFFFFF  }
0xc2: {  	(tm) =	ssettm $0x7FFFFFFF  }
0xc3: {  	_ =	shalt  }
tec
execute0_lowered:
.L_overlay_start_1:
0x0: {  	(tag) =	ssettag $0x1  }
0x1: {  	s0 =	srdreg.scid;
	s1 =	rddreg [dreg:$0x0]  }
0x2: {  	s4 =	stileid.u32;
	s2 =	rddreg [dreg:$0x1]  }
0x3: {  	s19 =	simm.s32 $0x5000;
	s30 =	simm.s32 $0xD000;
	s29 =	simm.s32 $0x3  }
0x4: {  	s31 =	simm.s32 $0x5;
	s16 =	simm.s32 $0xD;
	s17 =	simm.s32 $0xE  }
0x5: {  	s13 =	simm.s32 $0x0;
	s0 =	sand.u32 $0x1, s0;
	s7 =	smul.u32 $0x28000, s4  }
0x6: {  	s20 =	sadd.s32 $0x2A000, s1;
	s3 =	sshll.u32 s0, $0x4;
	s0 =	ssub.s32 $0x2, s0  }
0x7: {  	s5 =	sor.u32 s4, s3;
	s3 =	simm.s32 $0x0;
	s4 =	sadd.s32 $0x2600, s1  }
0x8: {  	s21 =	sshrl.u32 s7, $0x2;
	s22 =	sshrl.u32 s0, $0x1;
	s6 =	smul.u32 $0x500, s5  }
0x9: {  	[smem:$0x7FF] =	sst s3;
	s9 =	sadd.s32 s21, s2;
	s12 =	smul.u32 $0xA000, s5  }
0xa: {  	s0 =	ssub.s32 s0, s22;
	s5 =	smul.u32 $0x1400, s5;
	s22 =	simm.s32 $0x80  }
0xb: {  	_ =	strace $0x8000004A;
	[dreg:$0x3] =	wrdreg s20;
	s0 =	smax.u32 s0, $0x1  }
0xc: {  	s21 =	simm.s32 $0x11000;
	s8 =	sadd.s32 $0x2000, s9;
	[dreg:$0xf] =	wrdreg s0  }
0xd: {  	s10 =	sadd.s32 $0x4000, s9;
	s14 =	sadd.s32 $0x6000, s9;
	[dreg:$0x4] =	wrdreg s8  }
0xe: {  	s15 =	sadd.s32 $0x8000, s9;
	s20 =	simm.s32 $0x11;
	[dreg:$0x5] =	wrdreg s10  }
0xf: {  	s11 =	sadd.s32 s6, s1;
	s1 =	sadd.s32 $0x2A400, s1;
	[dreg:$0x6] =	wrdreg s14  }
0x10: {  	s12 =	sshrl.u32 s12, $0x3;
	[dreg:$0x7] =	wrdreg s15;
	s23 =	sadd.s32 $0x16000, s11  }
0x11: {  	s0 =	simm.s32 $0x1;
	s24 =	sadd.s32 $0x20000, s11;
	[dreg:$0x8] =	wrdreg s23  }
0x12: {  	s5 =	sadd.s32 s1, s5;
	s1 =	sadd.s32 s1, s12;
	[dreg:$0x9] =	wrdreg s24  }
0x13: {  	s12 =	simm.s32 $0xB000;
	[dreg:$0xa] =	wrdreg s5;
	s25 =	sadd.s32 $0x400, s1  }
.Ltmp0:
0x14: {  	s26 =	sadd.s32 $0x800, s1;
	[dreg:$0xb] =	wrdreg s25;
	(pc) =	sbr.rel .LBB2_1-.Ltmp0, $4  }
0x15: {  	s11 =	simm.s32 $0x8;
	s28 =	sadd.s32 $0xC00, s1;
	[dreg:$0xc] =	wrdreg s26  }
0x16: {  	s1 =	sadd.s32 $0x1000, s1;
	s23 =	simm.s32 $0x7000;
	[dreg:$0xd] =	wrdreg s28  }
0x17: {  	s24 =	simm.s32 $0x2;
	s5 =	simm.s32 $0x7;
	[dreg:$0xe] =	wrdreg s1  }
0x18: {  	s25 =	simm.s32 $0x9000;
	s1 =	simm.s32 $0xF000;
	s26 =	simm.s32 $0x13000  }
.LBB2_4:
0x19: {  	_ =	swait.ge [sflag:s11], $0x2000  }
0x1a: {  	[sflag:s11] =	ssyncset.done $0x0  }
0x1b: {  	s7 =	simm.s32 $0x9;
	[sflag:s11] =	ssyncadd.s32 $0xFFFFE000  }
0x1c: {  	[spmem:s2] =	stream.indirect.scatter.add.f32 [tilespmem:s26], [sflag:$0x10], $0x40, s18, s22, $0xb8;
	[tilespmem:$0x1F000] =	vst v63  }
0x1d: {  	_ =	swait.ge [sflag:s7], $0x2000  }
0x1e: {  	[sflag:s7] =	ssyncset.done $0x0  }
0x1f: {  	s28 =	simm.s32 $0xA;
	[sflag:s7] =	ssyncadd.s32 $0xFFFFE000  }
0x20: {  	_ =	swait.ge [sflag:s28], $0x2000  }
0x21: {  	[sflag:s28] =	ssyncset.done $0x0  }
0x22: {  	s8 =	simm.s32 $0xB;
	[sflag:s28] =	ssyncadd.s32 $0xFFFFE000  }
0x23: {  	_ =	swait.ge [sflag:s8], $0x2000  }
0x24: {  	[sflag:s8] =	ssyncset.done $0x0  }
0x25: {  	s9 =	simm.s32 $0xC;
	[sflag:s8] =	ssyncadd.s32 $0xFFFFE000  }
0x26: {  	_ =	swait.ge [sflag:s9], $0x2000  }
0x27: {  	[sflag:s9] =	ssyncset.done $0x0  }
0x28: {  	[sflag:s9] =	ssyncadd.s32 $0xFFFFE000  }
0x29: {  	_ =	swait.ge [sflag:s16], $0x2000  }
0x2a: {  	[sflag:s16] =	ssyncset.done $0x0  }
0x2b: {  	[sflag:s16] =	ssyncadd.s32 $0xFFFFE000  }
0x2c: {  	_ =	swait.ge [sflag:s17], $0x2000  }
0x2d: {  	[sflag:s17] =	ssyncset.done $0x0  }
0x2e: {  	s10 =	simm.s32 $0xF;
	[sflag:s17] =	ssyncadd.s32 $0xFFFFE000  }
0x2f: {  	_ =	swait.ge [sflag:s10], $0x2000  }
0x30: {  	[sflag:s10] =	ssyncset.done $0x0  }
0x31: {  	s12 =	simm.s32 $0x10;
	[sflag:s10] =	ssyncadd.s32 $0xFFFFE000  }
0x32: {  	_ =	swait.ge [sflag:s12], $0x2000  }
0x33: {  	[sflag:s12] =	ssyncset.done $0x0  }
0x34: {  	[sflag:s12] =	ssyncadd.s32 $0xFFFFE000  }
0x35: {  	[bflag:$0x0] =	sbarrier.arrive $0xFFFF  }
0x36: {  	[tilespmem:s19], [sflag:$0x11] =	stream.linear.gather [spmem:s6], $0x2000, $0x38;
	[tilespmem:$0x1F000] =	vst v63  }
0x37: {  	_ =	swait.ge [sflag:s20], $0x2000  }
0x38: {  	[sflag:s20] =	ssyncset.done $0x0  }
0x39: {  	s14 =	rddreg [dreg:$0xa];
	[sflag:s20] =	ssyncadd.s32 $0xFFFFE000  }
0x3a: {  	[hbm4b:s14+s3] =	stream.linear.scatter [tilespmem:s19], [sflag:$0x1], $0x2000, $0x38;
	[tilespmem:$0x1F000] =	vst v63  }
0x3b: {  	s8 =	rddreg [dreg:$0x4]  }
0x3c: {  	[tilespmem:s23], [sflag:$0x11] =	stream.linear.gather [spmem:s8], $0x2000, $0x38;
	[tilespmem:$0x1F000] =	vst v63  }
0x3d: {  	_ =	swait.ge [sflag:s20], $0x2000  }
0x3e: {  	[sflag:s20] =	ssyncset.done $0x0  }
0x3f: {  	s15 =	rddreg [dreg:$0xb];
	[sflag:s20] =	ssyncadd.s32 $0xFFFFE000  }
0x40: {  	[hbm4b:s15+s3] =	stream.linear.scatter [tilespmem:s23], [sflag:$0x2], $0x2000, $0x38;
	[tilespmem:$0x1F000] =	vst v63  }
0x41: {  	s10 =	rddreg [dreg:$0x5]  }
0x42: {  	[tilespmem:s25], [sflag:$0x11] =	stream.linear.gather [spmem:s10], $0x2000, $0x38;
	[tilespmem:$0x1F000] =	vst v63  }
0x43: {  	_ =	swait.ge [sflag:s20], $0x2000  }
0x44: {  	[sflag:s20] =	ssyncset.done $0x0  }
0x45: {  	s18 =	rddreg [dreg:$0xc];
	[sflag:s20] =	ssyncadd.s32 $0xFFFFE000  }
0x46: {  	[hbm4b:s18+s3] =	stream.linear.scatter [tilespmem:s25], [sflag:$0x3], $0x2000, $0x38;
	[tilespmem:$0x1F000] =	vst v63  }
0x47: {  	s12 =	simm.s32 $0xB000;
	s14 =	rddreg [dreg:$0x6]  }
0x48: {  	[tilespmem:s12], [sflag:$0x11] =	stream.linear.gather [spmem:s14], $0x2000, $0x38;
	[tilespmem:$0x1F000] =	vst v63  }
0x49: {  	_ =	swait.ge [sflag:s20], $0x2000  }
0x4a: {  	[sflag:s20] =	ssyncset.done $0x0  }
0x4b: {  	s28 =	rddreg [dreg:$0xd];
	[sflag:s20] =	ssyncadd.s32 $0xFFFFE000  }
0x4c: {  	[hbm4b:s28+s3] =	stream.linear.scatter [tilespmem:s12], [sflag:$0x4], $0x2000, $0x38;
	[tilespmem:$0x1F000] =	vst v63  }
0x4d: {  	s15 =	rddreg [dreg:$0x7]  }
0x4e: {  	[tilespmem:s30], [sflag:$0x11] =	stream.linear.gather [spmem:s15], $0x2000, $0x38;
	[tilespmem:$0x1F000] =	vst v63  }
0x4f: {  	_ =	swait.ge [sflag:s20], $0x2000  }
0x50: {  	[sflag:s20] =	ssyncset.done $0x0  }
0x51: {  	s7 =	rddreg [dreg:$0xe];
	[sflag:s20] =	ssyncadd.s32 $0xFFFFE000  }
0x52: {  	[hbm4b:s7+s3] =	stream.linear.scatter [tilespmem:s30], [sflag:$0x5], $0x2000, $0x38;
	[tilespmem:$0x1F000] =	vst v63  }
0x53: {  	_ =	swait.ge [sflag:s0], $0x2000  }
0x54: {  	[sflag:s0] =	ssyncset.done $0x0  }
0x55: {  	[sflag:s0] =	ssyncadd.s32 $0xFFFFE000  }
0x56: {  	_ =	swait.ge [sflag:s24], $0x2000  }
0x57: {  	[sflag:s24] =	ssyncset.done $0x0  }
0x58: {  	[sflag:s24] =	ssyncadd.s32 $0xFFFFE000  }
0x59: {  	_ =	swait.ge [sflag:s29], $0x2000  }
0x5a: {  	[sflag:s29] =	ssyncset.done $0x0  }
0x5b: {  	s18 =	simm.s32 $0x4;
	[sflag:s29] =	ssyncadd.s32 $0xFFFFE000  }
0x5c: {  	_ =	swait.ge [sflag:s18], $0x2000  }
0x5d: {  	[sflag:s18] =	ssyncset.done $0x0  }
0x5e: {  	[sflag:s18] =	ssyncadd.s32 $0xFFFFE000  }
0x5f: {  	_ =	swait.ge [sflag:s31], $0x2000  }
0x60: {  	s13 =	sadd.s32 $0x1, s13;
	s28 =	rddreg [dreg:$0xf]  }
0x61: {  	p0 =	sne.s32 s13, s28  }
.Ltmp1:
0x62: {  	_ = 	snop;
	(pc) =	sbr.rel @!p0 .LBB2_5-.Ltmp1, $3  }
0x63: {  	_ =	sdelay $0x1  }
0x64: {  	[sflag:s31] =	ssyncset.done $0x0  }
0x65: {  	s9 =	smov.u32 s6;
	[sflag:s31] =	ssyncadd.s32 $0xFFFFE000  }
.LBB2_1:
0x66: {  	s7 =	rddreg [dreg:$0x3]  }
0x67: {  	[tilespmem:s19], [sflag:$0x11] =	stream.linear.gather [hbm4b:s7+s3], $0x2000, $0x38;
	[tilespmem:$0x1F000] =	vst v63  }
0x68: {  	_ =	swait.ge [sflag:s20], $0x2000  }
0x69: {  	[sflag:s20] =	ssyncset.done $0x0  }
0x6a: {  	[sflag:s20] =	ssyncadd.s32 $0xFFFFE000  }
0x6b: {  	[spmem:s9] =	stream.linear.scatter [tilespmem:s19], [sflag:$0x11], $0x2000, $0x38;
	[tilespmem:$0x1F000] =	vst v63  }
0x6c: {  	_ =	swait.ge [sflag:s20], $0x2000  }
0x6d: {  	[sflag:s20] =	ssyncset.done $0x0  }
0x6e: {  	[sflag:s20] =	ssyncadd.s32 $0xFFFFE000  }
0x6f: {  	[spmem:s8] =	stream.linear.scatter [tilespmem:s19], [sflag:$0x11], $0x2000, $0x38;
	[tilespmem:$0x1F000] =	vst v63  }
0x70: {  	_ =	swait.ge [sflag:s20], $0x2000  }
0x71: {  	[sflag:s20] =	ssyncset.done $0x0  }
0x72: {  	[sflag:s20] =	ssyncadd.s32 $0xFFFFE000  }
0x73: {  	[spmem:s10] =	stream.linear.scatter [tilespmem:s19], [sflag:$0x11], $0x2000, $0x38;
	[tilespmem:$0x1F000] =	vst v63  }
0x74: {  	_ =	swait.ge [sflag:s20], $0x2000  }
0x75: {  	[sflag:s20] =	ssyncset.done $0x0  }
0x76: {  	[sflag:s20] =	ssyncadd.s32 $0xFFFFE000  }
0x77: {  	[spmem:s14] =	stream.linear.scatter [tilespmem:s19], [sflag:$0x11], $0x2000, $0x38;
	[tilespmem:$0x1F000] =	vst v63  }
0x78: {  	_ =	swait.ge [sflag:s20], $0x2000  }
0x79: {  	[sflag:s20] =	ssyncset.done $0x0  }
0x7a: {  	[sflag:s20] =	ssyncadd.s32 $0xFFFFE000  }
0x7b: {  	[spmem:s15] =	stream.linear.scatter [tilespmem:s19], [sflag:$0x11], $0x2000, $0x38;
	[tilespmem:$0x1F000] =	vst v63  }
0x7c: {  	_ =	swait.ge [sflag:s20], $0x2000  }
0x7d: {  	[sflag:s20] =	ssyncset.done $0x0  }
0x7e: {  	s8 =	rddreg [dreg:$0x8];
	[sflag:s20] =	ssyncadd.s32 $0xFFFFE000  }
0x7f: {  	[tilespmem:s3], [sflag:$0x11] =	stream.linear.gather [hbm4b:s8+s3], $0x2800, $0x38;
	[tilespmem:$0x1F000] =	vst v63  }
0x80: {  	_ =	swait.ge [sflag:s20], $0x2800  }
0x81: {  	s6 =	smov.u32 s9;
	[sflag:s20] =	ssyncset.done $0x0  }
0x82: {  	s10 =	simm.s32 $0x2800;
	s9 =	rddreg [dreg:$0x9];
	[sflag:s20] =	ssyncadd.s32 $0xFFFFD800  }
0x83: {  	[tilespmem:s10], [sflag:$0x11] =	stream.linear.gather [hbm4b:s9+s3], $0x2800, $0x38;
	[tilespmem:$0x1F000] =	vst v63  }
0x84: {  	_ =	swait.ge [sflag:s20], $0x2800  }
0x85: {  	[sflag:s20] =	ssyncset.done $0x0  }
0x86: {  	[sflag:s20] =	ssyncadd.s32 $0xFFFFD800  }
0x87: {  	[bflag:$0x0] =	sbarrier.arrive $0xFFFF  }
0x88: {  	[tilespmem:s19], [sflag:$0x1] =	stream.indirect.gather [hbm4b:s4+s22], $0x40, s3, s22, $0xb8;
	[tilespmem:$0x1F000] =	vst v63  }
0x89: {  	_ = 	snop  }
0x8a: {  	[tilespmem:s23], [sflag:$0x2] =	stream.indirect.gather [hbm4b:s4+s22], $0x40, s22, s22, $0xb8;
	[tilespmem:$0x1F000] =	vst v63  }
0x8b: {  	s14 =	simm.s32 $0x100  }
0x8c: {  	[tilespmem:s25], [sflag:$0x3] =	stream.indirect.gather [hbm4b:s4+s22], $0x40, s14, s22, $0xb8;
	[tilespmem:$0x1F000] =	vst v63  }
0x8d: {  	s15 =	simm.s32 $0x180  }
0x8e: {  	[tilespmem:s12], [sflag:$0x4] =	stream.indirect.gather [hbm4b:s4+s22], $0x40, s15, s22, $0xb8;
	[tilespmem:$0x1F000] =	vst v63  }
0x8f: {  	s18 =	simm.s32 $0x200  }
0x90: {  	[tilespmem:s30], [sflag:$0x5] =	stream.indirect.gather [hbm4b:s4+s22], $0x40, s18, s22, $0xb8;
	[tilespmem:$0x1F000] =	vst v63  }
0x91: {  	s28 =	simm.s32 $0x280;
	s14 =	simm.s32 $0x0  }
0x92: {  	[tilespmem:s1], [sflag:$0x6] =	stream.indirect.gather [hbm4b:s4+s22], $0x40, s28, s22, $0xb8;
	[tilespmem:$0x1F000] =	vst v63  }
.LBB2_2:
0x93: {  	_ =	swait.ge [sflag:s0], $0x2000  }
0x94: {  	s15 =	sshra.s32 s14, $0x2;
	[sflag:s0] =	ssyncset.done $0x0  }
0x95: {  	p0 =	seq.s32 s14, $0x0;
	s18 =	sadd.s32 $0x2800, s15;
	[sflag:s0] =	ssyncadd.s32 $0xFFFFE000  }
0x96: {  	[spmem:s2] =	stream.indirect.scatter.add.f32 [tilespmem:s19], [sflag:$0x9], $0x40, s18, s22, $0xb8;
	[tilespmem:$0x1F000] =	vst v63  }
0x97: {  	s18 =	simm.s32 @!p0 $0xF  }
0x98: {  	_ =	swait.ge @!p0 [sflag:s18], $0x2000  }
0x99: {  	[sflag:s18] =	ssyncset.done @!p0 $0x0  }
0x9a: {  	s28 =	sadd.s32 $0x300, s15;
	[sflag:s18] =	ssyncadd.s32 @!p0 $0xFFFFE000  }
0x9b: {  	[tilespmem:s21], [sflag:$0x7] =	stream.indirect.gather [hbm4b:s4+s22], $0x40, s28, s22, $0xb8;
	[tilespmem:$0x1F000] =	vst v63  }
0x9c: {  	_ =	swait.ge [sflag:s24], $0x2000  }
0x9d: {  	[sflag:s24] =	ssyncset.done $0x0  }
0x9e: {  	s7 =	sadd.s32 $0x2880, s15;
	s18 =	simm.s32 @!p0 $0x10;
	[sflag:s24] =	ssyncadd.s32 $0xFFFFE000  }
0x9f: {  	[spmem:s2] =	stream.indirect.scatter.add.f32 [tilespmem:s23], [sflag:$0xA], $0x40, s7, s22, $0xb8;
	[tilespmem:$0x1F000] =	vst v63  }
0xa0: {  	_ =	swait.ge @!p0 [sflag:s18], $0x2000  }
0xa1: {  	[sflag:s18] =	ssyncset.done @!p0 $0x0  }
0xa2: {  	s8 =	sadd.s32 $0x380, s15;
	[sflag:s18] =	ssyncadd.s32 @!p0 $0xFFFFE000  }
0xa3: {  	[tilespmem:s26], [sflag:$0x8] =	stream.indirect.gather [hbm4b:s4+s22], $0x40, s8, s22, $0xb8;
	[tilespmem:$0x1F000] =	vst v63  }
0xa4: {  	_ =	swait.ge [sflag:s29], $0x2000  }
0xa5: {  	p0 =	seq.s32 s14, $0x9000;
	[sflag:s29] =	ssyncset.done $0x0  }
0xa6: {  	s9 =	sadd.s32 $0x2900, s15;
	s18 =	simm.s32 @p0 $0x4;
	[sflag:s29] =	ssyncadd.s32 $0xFFFFE000  }
0xa7: {  	[spmem:s2] =	stream.indirect.scatter.add.f32 [tilespmem:s25], [sflag:$0xB], $0x40, s9, s22, $0xb8;
	[tilespmem:$0x1F000] =	vst v63  }
0xa8: {  	_ =	swait.ge @p0 [sflag:s18], $0x2000  }
0xa9: {  	[sflag:s18] =	ssyncset.done @p0 $0x0  }
0xaa: {  	[sflag:s18] =	ssyncadd.s32 @p0 $0xFFFFE000;
	s18 =	sshra.s32 @p0 s14, $0x2  }
0xab: {  	s12 =	simm.s32 @p0 $0x80;
	s7 =	simm.s32 @p0 $0xB000;
	s28 =	sadd.s32 @p0 $0x2980, s18  }
0xac: {  	[spmem:s2] =	stream.indirect.scatter.add.f32 @p0 [tilespmem:s7], [sflag:$0xC], $0x40, s28, s12, $0xb8;
	[tilespmem:$0x1F000] =	vst v63  }
0xad: {  	s7 =	simm.s32 @!p0 $0x9  }
0xae: {  	_ =	swait.ge @!p0 [sflag:s7], $0x2000  }
0xaf: {  	[sflag:s7] =	ssyncset.done @!p0 $0x0  }
0xb0: {  	[sflag:s7] =	ssyncadd.s32 @!p0 $0xFFFFE000;
	s7 =	sshra.s32 @!p0 s14, $0x2  }
0xb1: {  	s8 =	simm.s32 @!p0 $0x80;
	s9 =	simm.s32 @!p0 $0x5000;
	s28 =	sadd.s32 @!p0 $0x400, s7  }
0xb2: {  	[tilespmem:s9], [sflag:$0x1] =	stream.indirect.gather @!p0 [hbm4b:s4+s8], $0x40, s28, s8, $0xb8;
	[tilespmem:$0x1F000] =	vst v63  }
0xb3: {  	s9 =	simm.s32 @!p0 $0x4  }
0xb4: {  	_ =	swait.ge @!p0 [sflag:s9], $0x2000  }
0xb5: {  	[sflag:s9] =	ssyncset.done @!p0 $0x0  }
0xb6: {  	s28 =	simm.s32 @!p0 $0xB000;
	[sflag:s9] =	ssyncadd.s32 @!p0 $0xFFFFE000;
	s9 =	sadd.s32 @!p0 $0x2980, s7  }
0xb7: {  	[spmem:s2] =	stream.indirect.scatter.add.f32 @!p0 [tilespmem:s28], [sflag:$0xC], $0x40, s9, s8, $0xb8;
	[tilespmem:$0x1F000] =	vst v63  }
0xb8: {  	s9 =	simm.s32 @!p0 $0xA  }
0xb9: {  	_ =	swait.ge @!p0 [sflag:s9], $0x2000  }
0xba: {  	[sflag:s9] =	ssyncset.done @!p0 $0x0  }
0xbb: {  	s10 =	simm.s32 @!p0 $0x7000;
	[sflag:s9] =	ssyncadd.s32 @!p0 $0xFFFFE000;
	s9 =	sadd.s32 @!p0 $0x480, s7  }
0xbc: {  	[tilespmem:s10], [sflag:$0x2] =	stream.indirect.gather @!p0 [hbm4b:s4+s8], $0x40, s9, s8, $0xb8;
	[tilespmem:$0x1F000] =	vst v63  }
0xbd: {  	_ =	swait.ge [sflag:s31], $0x2000  }
0xbe: {  	[sflag:s31] =	ssyncset.done $0x0  }
0xbf: {  	s10 =	sadd.s32 $0x2A00, s15;
	s9 =	simm.s32 @p0 $0x6;
	[sflag:s31] =	ssyncadd.s32 $0xFFFFE000  }
0xc0: {  	[spmem:s2] =	stream.indirect.scatter.add.f32 [tilespmem:s30], [sflag:$0xD], $0x40, s10, s22, $0xb8;
	[tilespmem:$0x1F000] =	vst v63  }
0xc1: {  	_ =	swait.ge @p0 [sflag:s9], $0x2000  }
0xc2: {  	[sflag:s9] =	ssyncset.done @p0 $0x0  }
0xc3: {  	s10 =	simm.s32 @p0 $0xF000;
	[sflag:s9] =	ssyncadd.s32 @p0 $0xFFFFE000;
	s9 =	sadd.s32 @p0 $0x2A80, s18  }
0xc4: {  	[spmem:s2] =	stream.indirect.scatter.add.f32 @p0 [tilespmem:s10], [sflag:$0xE], $0x40, s9, s12, $0xb8;
	[tilespmem:$0x1F000] =	vst v63  }
0xc5: {  	s9 =	simm.s32 @!p0 $0xB  }
0xc6: {  	_ =	swait.ge @!p0 [sflag:s9], $0x2000  }
0xc7: {  	[sflag:s9] =	ssyncset.done @!p0 $0x0  }
0xc8: {  	s10 =	simm.s32 @!p0 $0x9000;
	[sflag:s9] =	ssyncadd.s32 @!p0 $0xFFFFE000;
	s9 =	sadd.s32 @!p0 $0x500, s7  }
0xc9: {  	[tilespmem:s10], [sflag:$0x3] =	stream.indirect.gather @!p0 [hbm4b:s4+s8], $0x40, s9, s8, $0xb8;
	[tilespmem:$0x1F000] =	vst v63  }
0xca: {  	s9 =	simm.s32 @!p0 $0x6  }
0xcb: {  	_ =	swait.ge @!p0 [sflag:s9], $0x2000  }
0xcc: {  	[sflag:s9] =	ssyncset.done @!p0 $0x0  }
0xcd: {  	s10 =	simm.s32 @!p0 $0xF000;
	[sflag:s9] =	ssyncadd.s32 @!p0 $0xFFFFE000;
	s9 =	sadd.s32 @!p0 $0x2A80, s7  }
0xce: {  	[spmem:s2] =	stream.indirect.scatter.add.f32 @!p0 [tilespmem:s10], [sflag:$0xE], $0x40, s9, s8, $0xb8;
	[tilespmem:$0x1F000] =	vst v63  }
0xcf: {  	s9 =	simm.s32 @!p0 $0xC  }
0xd0: {  	_ =	swait.ge @!p0 [sflag:s9], $0x2000  }
0xd1: {  	[sflag:s9] =	ssyncset.done @!p0 $0x0  }
0xd2: {  	s7 =	sadd.s32 @!p0 $0x580, s7;
	[sflag:s9] =	ssyncadd.s32 @!p0 $0xFFFFE000  }
0xd3: {  	[tilespmem:s28], [sflag:$0x4] =	stream.indirect.gather @!p0 [hbm4b:s4+s8], $0x40, s7, s8, $0xb8;
	[tilespmem:$0x1F000] =	vst v63  }
.Ltmp2:
0xd4: {  	_ = 	snop;
	(pc) =	sbr.rel @p0 .LBB2_4-.Ltmp2, $4  }
0xd5: {  	_ =	swait.ge [sflag:s5], $0x2000  }
0xd6: {  	[sflag:s5] =	ssyncset.done $0x0  }
0xd7: {  	s18 =	sadd.s32 $0x2B80, s15;
	s28 =	sadd.s32 $0x2B00, s15;
	[sflag:s5] =	ssyncadd.s32 $0xFFFFE000  }
0xd8: {  	[spmem:s2] =	stream.indirect.scatter.add.f32 [tilespmem:s21], [sflag:$0xF], $0x40, s28, s22, $0xb8;
	[tilespmem:$0x1F000] =	vst v63  }
0xd9: {  	_ =	swait.ge [sflag:s16], $0x2000  }
0xda: {  	[sflag:s16] =	ssyncset.done $0x0  }
0xdb: {  	s7 =	sadd.s32 $0x600, s15;
	[sflag:s16] =	ssyncadd.s32 $0xFFFFE000  }
0xdc: {  	[tilespmem:s30], [sflag:$0x5] =	stream.indirect.gather [hbm4b:s4+s22], $0x40, s7, s22, $0xb8;
	[tilespmem:$0x1F000] =	vst v63  }
0xdd: {  	_ =	swait.ge [sflag:s11], $0x2000  }
0xde: {  	[sflag:s11] =	ssyncset.done $0x0  }
0xdf: {  	[sflag:s11] =	ssyncadd.s32 $0xFFFFE000  }
0xe0: {  	[spmem:s2] =	stream.indirect.scatter.add.f32 [tilespmem:s26], [sflag:$0x10], $0x40, s18, s22, $0xb8;
	[tilespmem:$0x1F000] =	vst v63  }
.Ltmp3:
0xe1: {  	_ = 	snop;
	(pc) =	sbr.rel .LBB2_2-.Ltmp3, $4  }
0xe2: {  	_ =	swait.ge [sflag:s17], $0x2000  }
0xe3: {  	[sflag:s17] =	ssyncset.done $0x0  }
0xe4: {  	s28 =	sadd.s32 $0x680, s15;
	s14 =	sadd.s32 $0x1000, s14;
	[sflag:s17] =	ssyncadd.s32 $0xFFFFE000  }
0xe5: {  	[tilespmem:s1], [sflag:$0x6] =	stream.indirect.gather [hbm4b:s4+s22], $0x40, s28, s22, $0xb8;
	[tilespmem:$0x1F000] =	vst v63  }
.LBB2_5:
0xe6: {  	_ =	sfence.sel $0x180000  }
0xe7: {  	[bflag:$0x0] =	sbarrier.arrive $0xFFFF  }
0xe8: {  	_ =	strace $0x9000004A  }
0xe9: {  	s0 =	stileid.u32;
	[bflag:$0x2] =	sbarrier.arrive $0xFFFF  }
0xea: {  	p0 =	sne.s32 s0, $0x0;
	s0 =	rddreg [dreg:$0x2]  }
0xeb: {  	s0 =	sadd.s32 @!p0 $0x100000, s0  }
0xec: {  	[sflag:s0] =	ssyncadd.tile.s32 @!p0 $0x1;
	_ =	shalt  }
.Lfunc_end2:
_tile_overlayer_lowered:
.L_overlay_start_2:
0xed: {  	(tag) =	ssettag $0x2  }
0xee: {  	s0 =	rddreg [dreg:$0x0];
	s2 =	stileid.u32  }
0xef: {  	s1 =	rddreg [dreg:$0x1];
	p0 =	sne.s32 s2, $0x0  }
0xf0: {  	s3 =	rddreg [dreg:$0x2];
	[bflag:$0x3] =	sbarrier.arrive $0xFFFF;
	s2 =	simm.s32 @!p0 $0x1C11  }
0xf1: {  	[timem:s3], [sflag:s2] =	dma.local @!p0 [hbm:s0], s1  }
0xf2: {  	s0 =	simm.s32 @!p0 $0x11  }
0xf3: {  	_ =	swait.ge @!p0 [sflag:s0], s1  }
0xf4: {  	s1 =	ssub.s32 @!p0 $0x0, s1;
	[sflag:s0] =	ssyncset.done @!p0 $0x0  }
0xf5: {  	[sflag:s0] =	ssyncadd.s32 @!p0 s1  }
0xf6: {  	[bflag:$0x3] =	sbarrier.arrive $0xFFFF  }
0xf7: {  	_ =	shalt  }

// kernel: kernel.8.cloned.1.call-start
scs
__scs_entry_jumppad:
0x0: {  	(pc) =	sbr.rel $0x88, $3  }
0x1: {  	(tag) =	ssettag $0x0;
	lr =	simm.s32 $0x1  }
0x2: {  	[smem:$0x3F94] =	sst lr;
	_ =	strace $0xD0000000  }
0x3: {  	_ = 	snop  }
0x4: {  	_ = 	snop  }
0x5: {  	_ = 	snop  }
0x6: {  	_ = 	snop  }
0x7: {  	_ = 	snop  }
__scs_overlays_trampoline_lowered:
0x8: {  	[smem:$0x3FA3] =	sst s0  }
0x9: {  	[smem:$0x3FA4] =	sst s1  }
0xa: {  	[smem:$0x3FA5] =	sst s2  }
0xb: {  	[smem:$0x3FA6] =	sst s3  }
0xc: {  	[smem:$0x3FA7] =	sst s4  }
0xd: {  	[smem:$0x3FA8] =	sst s5  }
0xe: {  	[smem:$0x3FA9] =	sst s6  }
0xf: {  	[smem:$0x3FAA] =	sst s7  }
0x10: {  	[smem:$0x3FAB] =	sst s8  }
0x11: {  	[smem:$0x3FAC] =	sst s9;
	s0 =	simm.s32 @!p0 $0x0  }
0x12: {  	s1 =	sld [smem:$0x3F92];
	s0 =	simm.s32 @p0 $0x1  }
0x13: {  	[smem:$0x3FAD] =	sst s0;
	s0 =	simm.s32 @!p1 $0x0  }
0x14: {  	s2 =	sld [smem:$0x3F91];
	s0 =	simm.s32 @p1 $0x1  }
0x15: {  	[smem:$0x3FAE] =	sst s0;
	s0 =	simm.s32 @!p2 $0x0  }
0x16: {  	s3 =	sld [smem:$0x3FDB];
	s0 =	simm.s32 @p2 $0x1  }
0x17: {  	s4 =	simm.s32 $0x1BF5;
	[smem:$0x3FB0] =	sst s0  }
0x18: {  	s0 =	sld [smem:$0x3F93];
	_ =	swait.ge [sflag:s4], $0x0  }
0x19: {  	s7 =	sld [smem:$0x3F94]  }
0x1a: {  	s8 =	sadd.s32 $0xFFFFE003, lr  }
0x1b: {  	s9 =	sadd.s32 $0xFFFFFEF7, lr;
	s5 =	simm.s32 $0xFFFFFFFF;
	p2 =	slt.u32 s8, $0xFFFFF086  }
0x1c: {  	p1 =	slt.u32 s9, $0xF7A;
	s5 =	simm.s32 @!p2 $0x0  }
0x1d: {  	s5 =	simm.s32 @p1 $0x1;
	p0 =	seq.s32 s7, s2  }
0x1e: {  	s7 =	smul.u32 @!p0 $0xF7A, s2;
	p2 =	seq.s32 @!p0 s5, $0x0  }
0x1f: {  	s9 =	smul.u32 $0xF7A, s1;
	s8 =	simm.s32 @!p0 $0x1BF5;
	p2 =	por !p2, p0  }
0x20: {  	[sflag:s8] =	ssyncset.s32 @!p0 $0xFFFFF086;
	s6 =	sadd.s32 @!p0 s3, s7;
	s7 =	simm.s32 @!p0 $0x108  }
0x21: {  	s3 =	sadd.s32 s3, s9;
	s6 =	sadd.s32 @!p0 $0x88, s6;
	s7 =	simm.s32 @p2 $0x1082  }
0x22: {  	[simem:s7], [sflag:s8] =	dma.local @!p0 [hbm:s6], $0xF7A  }
0x23: {  	s9 =	sor.u32 $0xD0000000, s2;
	s6 =	simm.s32 $0x108;
	_ =	swait.ge @!p0 [sflag:s8], $0x0  }
0x24: {  	s3 =	sadd.s32 $0x88, s3;
	s6 =	simm.s32 @!p1 $0x1082;
	[sflag:s4] =	ssyncset.s32 $0xFFFFF086  }
0x25: {  	[simem:s6], [sflag:s4] =	dma.local [hbm:s3], $0xF7A  }
0x26: {  	[smem:$0x3F94] =	sst s1;
	(tag) =	ssettag s2;
	_ =	strace s9  }
0x27: {  	s1 =	sld [smem:$0x3FA4]  }
0x28: {  	s2 =	sld [smem:$0x3FA5]  }
0x29: {  	s4 =	sld [smem:$0x3FA7]  }
0x2a: {  	p0 =	seq.s32 s5, $0x0;
	s5 =	sld [smem:$0x3FA8]  }
0x2b: {  	s6 =	sld [smem:$0x3FA9]  }
0x2c: {  	s7 =	sld [smem:$0x3FAA]  }
0x2d: {  	s3 =	simm.s32 $0x108;
	s8 =	sld [smem:$0x3FAB]  }
0x2e: {  	s3 =	simm.s32 @!p0 $0x1082;
	s9 =	sld [smem:$0x3FAC]  }
0x2f: {  	lr =	sadd.s32 s0, s3;
	s0 =	sld [smem:$0x3FA3]  }
0x30: {  	s3 =	sld [smem:$0x3FA6]  }
0x31: {  	[smem:$0x3FAF] =	sst s10  }
0x32: {  	s10 =	sld [smem:$0x3FAD];
	_ =	sdelay $0x3  }
0x33: {  	p0 =	seq.s32 s10, $0x1;
	s10 =	sld [smem:$0x3FAF];
	_ =	sdelay $0x3  }
0x34: {  	[smem:$0x3FAF] =	sst s10  }
0x35: {  	s10 =	sld [smem:$0x3FAE];
	_ =	sdelay $0x3  }
0x36: {  	p1 =	seq.s32 s10, $0x1;
	s10 =	sld [smem:$0x3FAF];
	_ =	sdelay $0x3  }
0x37: {  	[smem:$0x3FAF] =	sst s10  }
0x38: {  	s10 =	sld [smem:$0x3FB0]  }
0x39: {  	_ = 	snop;
	(pc) =	sbr.ind lr, $3  }
0x3a: {  	_ = 	snop  }
0x3b: {  	_ = 	snop  }
0x3c: {  	p2 =	seq.s32 s10, $0x1;
	s10 =	sld [smem:$0x3FAF]  }
0x3d: {  	_ =	shalt  }
0x3e: {  	_ =	shalt  }
0x3f: {  	_ =	shalt  }
0x40: {  	_ =	shalt  }
0x41: {  	_ =	shalt  }
0x42: {  	_ =	shalt  }
0x43: {  	_ =	shalt  }
0x44: {  	_ =	shalt  }
0x45: {  	_ =	shalt  }
0x46: {  	_ =	shalt  }
0x47: {  	_ =	shalt  }
0x48: {  	_ =	shalt  }
0x49: {  	_ =	shalt  }
0x4a: {  	_ =	shalt  }
0x4b: {  	_ =	shalt  }
0x4c: {  	_ =	shalt  }
0x4d: {  	_ =	shalt  }
0x4e: {  	_ =	shalt  }
0x4f: {  	_ =	shalt  }
0x50: {  	_ =	shalt  }
0x51: {  	_ =	shalt  }
0x52: {  	_ =	shalt  }
0x53: {  	_ =	shalt  }
0x54: {  	_ =	shalt  }
0x55: {  	_ =	shalt  }
0x56: {  	_ =	shalt  }
0x57: {  	_ =	shalt  }
0x58: {  	_ =	shalt  }
0x59: {  	_ =	shalt  }
0x5a: {  	_ =	shalt  }
0x5b: {  	_ =	shalt  }
0x5c: {  	_ =	shalt  }
0x5d: {  	_ =	shalt  }
0x5e: {  	_ =	shalt  }
0x5f: {  	_ =	shalt  }
0x60: {  	_ =	shalt  }
0x61: {  	_ =	shalt  }
0x62: {  	_ =	shalt  }
0x63: {  	_ =	shalt  }
0x64: {  	_ =	shalt  }
0x65: {  	_ =	shalt  }
0x66: {  	_ =	shalt  }
0x67: {  	_ =	shalt  }
0x68: {  	_ =	shalt  }
0x69: {  	_ =	shalt  }
0x6a: {  	_ =	shalt  }
0x6b: {  	_ =	shalt  }
0x6c: {  	_ =	shalt  }
0x6d: {  	_ =	shalt  }
0x6e: {  	_ =	shalt  }
0x6f: {  	_ =	shalt  }
0x70: {  	_ =	shalt  }
0x71: {  	_ =	shalt  }
0x72: {  	_ =	shalt  }
0x73: {  	_ =	shalt  }
0x74: {  	_ =	shalt  }
0x75: {  	_ =	shalt  }
0x76: {  	_ =	shalt  }
0x77: {  	_ =	shalt  }
0x78: {  	_ =	shalt  }
0x79: {  	_ =	shalt  }
0x7a: {  	_ =	shalt  }
0x7b: {  	_ =	shalt  }
0x7c: {  	_ =	shalt  }
0x7d: {  	_ =	shalt  }
0x7e: {  	_ =	shalt  }
0x7f: {  	_ =	shalt  }
0x80: {  	_ =	shalt  }
0x81: {  	_ =	shalt  }
0x82: {  	_ =	shalt  }
0x83: {  	_ =	shalt  }
0x84: {  	_ =	shalt  }
0x85: {  	_ =	shalt  }
0x86: {  	_ =	shalt  }
0x87: {  	_ =	shalt  }
.Lfunc_end0:
.L_simem_size_0:
called_computation_lowered:
.L_overlay_start_0:
0x88: {  	s2 =	sld [smem:$0x3FD9]  }
0x89: {  	s3 =	sld [smem:$0x3FFE];
	_ =	sdelay $0x1  }
0x8a: {  	s1 =	srdreg.scid  }
0x8b: {  	s0 =	sand.u32 $0x1, s1  }
0x8c: {  	s16 =	sshll.u32 s0, $0xA;
	s2 =	sadd.s32 s3, s2  }
0x8d: {  	s2 =	sadd.s32 s2, s16  }
0x8e: {  	[smem:$0x3FBB] =	sst s2  }
0x8f: {  	_ = 	snop  }
0x90: {  	(tm) =	ssettm $0x1  }
0x91: {  	s17 =	sld [smem:$0x3FFB];
	_ =	sdelay $0x3  }
0x92: {  	_ =	strace s17  }
0x93: {  	s2 =	sld [smem:$0x3FFC];
	_ =	sdelay $0x3  }
0x94: {  	_ =	strace s2  }
0x95: {  	s2 =	sld [smem:$0x3FFD];
	_ =	sdelay $0x3  }
0x96: {  	_ =	strace s2  }
0x97: {  	_ =	strace $0x8FFFFFFF  }
0x98: {  	s18 =	sld [smem:$0x3FDB];
	_ =	sdelay $0x1  }
0x99: {  	s19 =	simm.s32 $_scs_section_size  }
0x9a: {  	s4 =	simm.s32 $_size__tile_overlayer_lowered;
	s5 =	simm.s32 $_tile_overlayer_lowered  }
0x9b: {  	s22 =	simm.s32 $0x1BFF;
	s21 =	sshll.u32 s5, $0x1;
	s2 =	sadd.s32 s19, s18  }
0x9c: {  	s6 =	simm.s32 $0x0;
	s20 =	sshll.u32 s4, $0x1;
	s4 =	sadd.s32 s21, s2  }
0x9d: {  	[timem:s6], [sflag:s22] =	dma.local [hbm:s4], s20  }
0x9e: {  	_ =	swait.ge [sflag:s22], s20  }
0x9f: {  	s3 =	ssub.s32 $0x0, s20;
	[sflag:s22] =	ssyncset.done $0x0  }
0xa0: {  	[sflag:s22] =	ssyncadd.s32 s3;
	_ =	sdelay $0x1  }
0xa1: {  	s23 =	simm.s32 $0x1B8B  }
0xa2: {  	_ =	swait.ge [sflag:s23], $0x1  }
0xa3: {  	[sflag:s23] =	ssyncset.done $0x0  }
0xa4: {  	s25 =	simm.s32 $0x1B8E;
	s24 =	sld [smem:$0x3FFE];
	[sflag:s23] =	ssyncadd.s32 $0xFFFFFFFF  }
0xa5: {  	s26 =	simm.s32 $execute0_lowered;
	[smem:$0x3FD2] =	sst s25  }
0xa6: {  	s4 =	sshll.u32 s26, $0x1;
	_ =	strace $0x80000046;
	[dreg:$0x1] =	wrdreg $0xFFFFFFFF  }
0xa7: {  	s28 =	simm.s32 $_size_execute0_lowered;
	s2 =	sadd.s32 s2, s4;
	[dreg:$0x0] =	wrdreg $0x0  }
0xa8: {  	s4 =	sshll.u32 s28, $0x1;
	[dreg:$0x2] =	wrdreg s2  }
0xa9: {  	[dreg:$0x3] =	wrdreg s4  }
0xaa: {  	[dreg:$0x4] =	wrdreg $0xC0  }
0xab: {  	_ =	task [dreg:s6], $0x5FFFF  }
0xac: {  	[dreg:$0x1] =	wrdreg $0xFFFFFFFF  }
0xad: {  	[dreg:$0x0] =	wrdreg $0x60  }
0xae: {  	[dreg:$0x2] =	wrdreg s24  }
0xaf: {  	[dreg:$0x3] =	wrdreg $0x150000  }
0xb0: {  	[dreg:$0x4] =	wrdreg $0x9  }
0xb1: {  	_ =	task.clear_ibuf [dreg:s6], $0x5FFFF;
	_ =	strace $0x90000046  }
0xb2: {  	s29 =	simm.s32 $0x9;
	_ =	strace $0x80000048  }
0xb3: {  	_ =	swait.ge [sflag:s29], $0x1  }
0xb4: {  	[sflag:s29] =	ssyncadd.s32 $0xFFFFFFFF  }
0xb5: {  	_ =	strace $0x90000048  }
0xb6: {  	_ =	sfence  }
0xb7: {  	s30 =	sld [smem:$0x0];
	_ =	sdelay $0x2  }
0xb8: {  	s31 =	sshll.u32 s1, $0xD;
	s1 =	sshrl.u32 s1, $0x2  }
0xb9: {  	s3 =	sand.u32 $0x4000, s31;
	s1 =	sadd.s32 s1, s30  }
0xba: {  	s0 =	sor.u32 s3, s0;
	s1 =	sshll.u32 s1, $0x11  }
0xbb: {  	s0 =	sor.u32 s1, s0  }
0xbc: {  	s0 =	sadd.s32 $0x8F2B, s0  }
0xbd: {  	[sflag:s0] =	ssyncadd.remote.s32 $0x1  }
0xbe: {  	_ =	sfence.sel $0xFFFF  }
0xbf: {  	[dreg:$0x0] =	wrdreg $0xFFFFFFFF;
	(pc) =	sbr.abs _section_cstart, $3  }
0xc0: {  	[dreg:$0x1] =	wrdreg $0xFFFFFFFF  }
0xc1: {  	_ =	task.clear_ibuf [dreg:s6], $0x2FFFF;
	_ =	strace $0x9FFFFFFF  }
0xc2: {  	(tm) =	ssettm $0x7FFFFFFF  }
0xc3: {  	_ =	shalt  }
tec
execute0_lowered:
.L_overlay_start_1:
0x0: {  	(tag) =	ssettag $0x1  }
0x1: {  	s0 =	srdreg.scid;
	s1 =	rddreg [dreg:$0x0]  }
0x2: {  	s4 =	stileid.u32;
	s2 =	rddreg [dreg:$0x1]  }
0x3: {  	s19 =	simm.s32 $0x5000;
	s30 =	simm.s32 $0xD000;
	s29 =	simm.s32 $0x3  }
0x4: {  	s31 =	simm.s32 $0x5;
	s16 =	simm.s32 $0xD;
	s17 =	simm.s32 $0xE  }
0x5: {  	s13 =	simm.s32 $0x0;
	s0 =	sand.u32 $0x1, s0;
	s7 =	smul.u32 $0x28000, s4  }
0x6: {  	s20 =	sadd.s32 $0x2A000, s1;
	s3 =	sshll.u32 s0, $0x4;
	s0 =	ssub.s32 $0x2, s0  }
0x7: {  	s5 =	sor.u32 s4, s3;
	s3 =	simm.s32 $0x0;
	s4 =	sadd.s32 $0x2600, s1  }
0x8: {  	s21 =	sshrl.u32 s7, $0x2;
	s22 =	sshrl.u32 s0, $0x1;
	s6 =	smul.u32 $0x500, s5  }
0x9: {  	[smem:$0x7FF] =	sst s3;
	s9 =	sadd.s32 s21, s2;
	s12 =	smul.u32 $0xA000, s5  }
0xa: {  	s0 =	ssub.s32 s0, s22;
	s5 =	smul.u32 $0x1400, s5;
	s22 =	simm.s32 $0x80  }
0xb: {  	_ =	strace $0x80000047;
	[dreg:$0x3] =	wrdreg s20;
	s0 =	smax.u32 s0, $0x1  }
0xc: {  	s21 =	simm.s32 $0x11000;
	s8 =	sadd.s32 $0x2000, s9;
	[dreg:$0xf] =	wrdreg s0  }
0xd: {  	s10 =	sadd.s32 $0x4000, s9;
	s14 =	sadd.s32 $0x6000, s9;
	[dreg:$0x4] =	wrdreg s8  }
0xe: {  	s15 =	sadd.s32 $0x8000, s9;
	s20 =	simm.s32 $0x11;
	[dreg:$0x5] =	wrdreg s10  }
0xf: {  	s11 =	sadd.s32 s6, s1;
	s1 =	sadd.s32 $0x2A400, s1;
	[dreg:$0x6] =	wrdreg s14  }
0x10: {  	s12 =	sshrl.u32 s12, $0x3;
	[dreg:$0x7] =	wrdreg s15;
	s23 =	sadd.s32 $0x16000, s11  }
0x11: {  	s0 =	simm.s32 $0x1;
	s24 =	sadd.s32 $0x20000, s11;
	[dreg:$0x8] =	wrdreg s23  }
0x12: {  	s5 =	sadd.s32 s1, s5;
	s1 =	sadd.s32 s1, s12;
	[dreg:$0x9] =	wrdreg s24  }
0x13: {  	s12 =	simm.s32 $0xB000;
	[dreg:$0xa] =	wrdreg s5;
	s25 =	sadd.s32 $0x400, s1  }
.Ltmp0:
0x14: {  	s26 =	sadd.s32 $0x800, s1;
	[dreg:$0xb] =	wrdreg s25;
	(pc) =	sbr.rel .LBB2_1-.Ltmp0, $4  }
0x15: {  	s11 =	simm.s32 $0x8;
	s28 =	sadd.s32 $0xC00, s1;
	[dreg:$0xc] =	wrdreg s26  }
0x16: {  	s1 =	sadd.s32 $0x1000, s1;
	s23 =	simm.s32 $0x7000;
	[dreg:$0xd] =	wrdreg s28  }
0x17: {  	s24 =	simm.s32 $0x2;
	s5 =	simm.s32 $0x7;
	[dreg:$0xe] =	wrdreg s1  }
0x18: {  	s25 =	simm.s32 $0x9000;
	s1 =	simm.s32 $0xF000;
	s26 =	simm.s32 $0x13000  }
.LBB2_4:
0x19: {  	_ =	swait.ge [sflag:s11], $0x2000  }
0x1a: {  	[sflag:s11] =	ssyncset.done $0x0  }
0x1b: {  	s7 =	simm.s32 $0x9;
	[sflag:s11] =	ssyncadd.s32 $0xFFFFE000  }
0x1c: {  	[spmem:s2] =	stream.indirect.scatter.add.f32 [tilespmem:s26], [sflag:$0x10], $0x40, s18, s22, $0xb8;
	[tilespmem:$0x1F000] =	vst v63  }
0x1d: {  	_ =	swait.ge [sflag:s7], $0x2000  }
0x1e: {  	[sflag:s7] =	ssyncset.done $0x0  }
0x1f: {  	s28 =	simm.s32 $0xA;
	[sflag:s7] =	ssyncadd.s32 $0xFFFFE000  }
0x20: {  	_ =	swait.ge [sflag:s28], $0x2000  }
0x21: {  	[sflag:s28] =	ssyncset.done $0x0  }
0x22: {  	s8 =	simm.s32 $0xB;
	[sflag:s28] =	ssyncadd.s32 $0xFFFFE000  }
0x23: {  	_ =	swait.ge [sflag:s8], $0x2000  }
0x24: {  	[sflag:s8] =	ssyncset.done $0x0  }
0x25: {  	s9 =	simm.s32 $0xC;
	[sflag:s8] =	ssyncadd.s32 $0xFFFFE000  }
0x26: {  	_ =	swait.ge [sflag:s9], $0x2000  }
0x27: {  	[sflag:s9] =	ssyncset.done $0x0  }
0x28: {  	[sflag:s9] =	ssyncadd.s32 $0xFFFFE000  }
0x29: {  	_ =	swait.ge [sflag:s16], $0x2000  }
0x2a: {  	[sflag:s16] =	ssyncset.done $0x0  }
0x2b: {  	[sflag:s16] =	ssyncadd.s32 $0xFFFFE000  }
0x2c: {  	_ =	swait.ge [sflag:s17], $0x2000  }
0x2d: {  	[sflag:s17] =	ssyncset.done $0x0  }
0x2e: {  	s10 =	simm.s32 $0xF;
	[sflag:s17] =	ssyncadd.s32 $0xFFFFE000  }
0x2f: {  	_ =	swait.ge [sflag:s10], $0x2000  }
0x30: {  	[sflag:s10] =	ssyncset.done $0x0  }
0x31: {  	s12 =	simm.s32 $0x10;
	[sflag:s10] =	ssyncadd.s32 $0xFFFFE000  }
0x32: {  	_ =	swait.ge [sflag:s12], $0x2000  }
0x33: {  	[sflag:s12] =	ssyncset.done $0x0  }
0x34: {  	[sflag:s12] =	ssyncadd.s32 $0xFFFFE000  }
0x35: {  	[bflag:$0x0] =	sbarrier.arrive $0xFFFF  }
0x36: {  	[tilespmem:s19], [sflag:$0x11] =	stream.linear.gather [spmem:s6], $0x2000, $0x38;
	[tilespmem:$0x1F000] =	vst v63  }
0x37: {  	_ =	swait.ge [sflag:s20], $0x2000  }
0x38: {  	[sflag:s20] =	ssyncset.done $0x0  }
0x39: {  	s14 =	rddreg [dreg:$0xa];
	[sflag:s20] =	ssyncadd.s32 $0xFFFFE000  }
0x3a: {  	[hbm4b:s14+s3] =	stream.linear.scatter [tilespmem:s19], [sflag:$0x1], $0x2000, $0x38;
	[tilespmem:$0x1F000] =	vst v63  }
0x3b: {  	s8 =	rddreg [dreg:$0x4]  }
0x3c: {  	[tilespmem:s23], [sflag:$0x11] =	stream.linear.gather [spmem:s8], $0x2000, $0x38;
	[tilespmem:$0x1F000] =	vst v63  }
0x3d: {  	_ =	swait.ge [sflag:s20], $0x2000  }
0x3e: {  	[sflag:s20] =	ssyncset.done $0x0  }
0x3f: {  	s15 =	rddreg [dreg:$0xb];
	[sflag:s20] =	ssyncadd.s32 $0xFFFFE000  }
0x40: {  	[hbm4b:s15+s3] =	stream.linear.scatter [tilespmem:s23], [sflag:$0x2], $0x2000, $0x38;
	[tilespmem:$0x1F000] =	vst v63  }
0x41: {  	s10 =	rddreg [dreg:$0x5]  }
0x42: {  	[tilespmem:s25], [sflag:$0x11] =	stream.linear.gather [spmem:s10], $0x2000, $0x38;
	[tilespmem:$0x1F000] =	vst v63  }
0x43: {  	_ =	swait.ge [sflag:s20], $0x2000  }
0x44: {  	[sflag:s20] =	ssyncset.done $0x0  }
0x45: {  	s18 =	rddreg [dreg:$0xc];
	[sflag:s20] =	ssyncadd.s32 $0xFFFFE000  }
0x46: {  	[hbm4b:s18+s3] =	stream.linear.scatter [tilespmem:s25], [sflag:$0x3], $0x2000, $0x38;
	[tilespmem:$0x1F000] =	vst v63  }
0x47: {  	s12 =	simm.s32 $0xB000;
	s14 =	rddreg [dreg:$0x6]  }
0x48: {  	[tilespmem:s12], [sflag:$0x11] =	stream.linear.gather [spmem:s14], $0x2000, $0x38;
	[tilespmem:$0x1F000] =	vst v63  }
0x49: {  	_ =	swait.ge [sflag:s20], $0x2000  }
0x4a: {  	[sflag:s20] =	ssyncset.done $0x0  }
0x4b: {  	s28 =	rddreg [dreg:$0xd];
	[sflag:s20] =	ssyncadd.s32 $0xFFFFE000  }
0x4c: {  	[hbm4b:s28+s3] =	stream.linear.scatter [tilespmem:s12], [sflag:$0x4], $0x2000, $0x38;
	[tilespmem:$0x1F000] =	vst v63  }
0x4d: {  	s15 =	rddreg [dreg:$0x7]  }
0x4e: {  	[tilespmem:s30], [sflag:$0x11] =	stream.linear.gather [spmem:s15], $0x2000, $0x38;
	[tilespmem:$0x1F000] =	vst v63  }
0x4f: {  	_ =	swait.ge [sflag:s20], $0x2000  }
0x50: {  	[sflag:s20] =	ssyncset.done $0x0  }
0x51: {  	s7 =	rddreg [dreg:$0xe];
	[sflag:s20] =	ssyncadd.s32 $0xFFFFE000  }
0x52: {  	[hbm4b:s7+s3] =	stream.linear.scatter [tilespmem:s30], [sflag:$0x5], $0x2000, $0x38;
	[tilespmem:$0x1F000] =	vst v63  }
0x53: {  	_ =	swait.ge [sflag:s0], $0x2000  }
0x54: {  	[sflag:s0] =	ssyncset.done $0x0  }
0x55: {  	[sflag:s0] =	ssyncadd.s32 $0xFFFFE000  }
0x56: {  	_ =	swait.ge [sflag:s24], $0x2000  }
0x57: {  	[sflag:s24] =	ssyncset.done $0x0  }
0x58: {  	[sflag:s24] =	ssyncadd.s32 $0xFFFFE000  }
0x59: {  	_ =	swait.ge [sflag:s29], $0x2000  }
0x5a: {  	[sflag:s29] =	ssyncset.done $0x0  }
0x5b: {  	s18 =	simm.s32 $0x4;
	[sflag:s29] =	ssyncadd.s32 $0xFFFFE000  }
0x5c: {  	_ =	swait.ge [sflag:s18], $0x2000  }
0x5d: {  	[sflag:s18] =	ssyncset.done $0x0  }
0x5e: {  	[sflag:s18] =	ssyncadd.s32 $0xFFFFE000  }
0x5f: {  	_ =	swait.ge [sflag:s31], $0x2000  }
0x60: {  	s13 =	sadd.s32 $0x1, s13;
	s28 =	rddreg [dreg:$0xf]  }
0x61: {  	p0 =	sne.s32 s13, s28  }
.Ltmp1:
0x62: {  	_ = 	snop;
	(pc) =	sbr.rel @!p0 .LBB2_5-.Ltmp1, $3  }
0x63: {  	_ =	sdelay $0x1  }
0x64: {  	[sflag:s31] =	ssyncset.done $0x0  }
0x65: {  	s9 =	smov.u32 s6;
	[sflag:s31] =	ssyncadd.s32 $0xFFFFE000  }
.LBB2_1:
0x66: {  	s7 =	rddreg [dreg:$0x3]  }
0x67: {  	[tilespmem:s19], [sflag:$0x11] =	stream.linear.gather [hbm4b:s7+s3], $0x2000, $0x38;
	[tilespmem:$0x1F000] =	vst v63  }
0x68: {  	_ =	swait.ge [sflag:s20], $0x2000  }
0x69: {  	[sflag:s20] =	ssyncset.done $0x0  }
0x6a: {  	[sflag:s20] =	ssyncadd.s32 $0xFFFFE000  }
0x6b: {  	[spmem:s9] =	stream.linear.scatter [tilespmem:s19], [sflag:$0x11], $0x2000, $0x38;
	[tilespmem:$0x1F000] =	vst v63  }
0x6c: {  	_ =	swait.ge [sflag:s20], $0x2000  }
0x6d: {  	[sflag:s20] =	ssyncset.done $0x0  }
0x6e: {  	[sflag:s20] =	ssyncadd.s32 $0xFFFFE000  }
0x6f: {  	[spmem:s8] =	stream.linear.scatter [tilespmem:s19], [sflag:$0x11], $0x2000, $0x38;
	[tilespmem:$0x1F000] =	vst v63  }
0x70: {  	_ =	swait.ge [sflag:s20], $0x2000  }
0x71: {  	[sflag:s20] =	ssyncset.done $0x0  }
0x72: {  	[sflag:s20] =	ssyncadd.s32 $0xFFFFE000  }
0x73: {  	[spmem:s10] =	stream.linear.scatter [tilespmem:s19], [sflag:$0x11], $0x2000, $0x38;
	[tilespmem:$0x1F000] =	vst v63  }
0x74: {  	_ =	swait.ge [sflag:s20], $0x2000  }
0x75: {  	[sflag:s20] =	ssyncset.done $0x0  }
0x76: {  	[sflag:s20] =	ssyncadd.s32 $0xFFFFE000  }
0x77: {  	[spmem:s14] =	stream.linear.scatter [tilespmem:s19], [sflag:$0x11], $0x2000, $0x38;
	[tilespmem:$0x1F000] =	vst v63  }
0x78: {  	_ =	swait.ge [sflag:s20], $0x2000  }
0x79: {  	[sflag:s20] =	ssyncset.done $0x0  }
0x7a: {  	[sflag:s20] =	ssyncadd.s32 $0xFFFFE000  }
0x7b: {  	[spmem:s15] =	stream.linear.scatter [tilespmem:s19], [sflag:$0x11], $0x2000, $0x38;
	[tilespmem:$0x1F000] =	vst v63  }
0x7c: {  	_ =	swait.ge [sflag:s20], $0x2000  }
0x7d: {  	[sflag:s20] =	ssyncset.done $0x0  }
0x7e: {  	s8 =	rddreg [dreg:$0x8];
	[sflag:s20] =	ssyncadd.s32 $0xFFFFE000  }
0x7f: {  	[tilespmem:s3], [sflag:$0x11] =	stream.linear.gather [hbm4b:s8+s3], $0x2800, $0x38;
	[tilespmem:$0x1F000] =	vst v63  }
0x80: {  	_ =	swait.ge [sflag:s20], $0x2800  }
0x81: {  	s6 =	smov.u32 s9;
	[sflag:s20] =	ssyncset.done $0x0  }
0x82: {  	s10 =	simm.s32 $0x2800;
	s9 =	rddreg [dreg:$0x9];
	[sflag:s20] =	ssyncadd.s32 $0xFFFFD800  }
0x83: {  	[tilespmem:s10], [sflag:$0x11] =	stream.linear.gather [hbm4b:s9+s3], $0x2800, $0x38;
	[tilespmem:$0x1F000] =	vst v63  }
0x84: {  	_ =	swait.ge [sflag:s20], $0x2800  }
0x85: {  	[sflag:s20] =	ssyncset.done $0x0  }
0x86: {  	[sflag:s20] =	ssyncadd.s32 $0xFFFFD800  }
0x87: {  	[bflag:$0x0] =	sbarrier.arrive $0xFFFF  }
0x88: {  	[tilespmem:s19], [sflag:$0x1] =	stream.indirect.gather [hbm4b:s4+s22], $0x40, s3, s22, $0xb8;
	[tilespmem:$0x1F000] =	vst v63  }
0x89: {  	_ = 	snop  }
0x8a: {  	[tilespmem:s23], [sflag:$0x2] =	stream.indirect.gather [hbm4b:s4+s22], $0x40, s22, s22, $0xb8;
	[tilespmem:$0x1F000] =	vst v63  }
0x8b: {  	s14 =	simm.s32 $0x100  }
0x8c: {  	[tilespmem:s25], [sflag:$0x3] =	stream.indirect.gather [hbm4b:s4+s22], $0x40, s14, s22, $0xb8;
	[tilespmem:$0x1F000] =	vst v63  }
0x8d: {  	s15 =	simm.s32 $0x180  }
0x8e: {  	[tilespmem:s12], [sflag:$0x4] =	stream.indirect.gather [hbm4b:s4+s22], $0x40, s15, s22, $0xb8;
	[tilespmem:$0x1F000] =	vst v63  }
0x8f: {  	s18 =	simm.s32 $0x200  }
0x90: {  	[tilespmem:s30], [sflag:$0x5] =	stream.indirect.gather [hbm4b:s4+s22], $0x40, s18, s22, $0xb8;
	[tilespmem:$0x1F000] =	vst v63  }
0x91: {  	s28 =	simm.s32 $0x280;
	s14 =	simm.s32 $0x0  }
0x92: {  	[tilespmem:s1], [sflag:$0x6] =	stream.indirect.gather [hbm4b:s4+s22], $0x40, s28, s22, $0xb8;
	[tilespmem:$0x1F000] =	vst v63  }
.LBB2_2:
0x93: {  	_ =	swait.ge [sflag:s0], $0x2000  }
0x94: {  	s15 =	sshra.s32 s14, $0x2;
	[sflag:s0] =	ssyncset.done $0x0  }
0x95: {  	p0 =	seq.s32 s14, $0x0;
	s18 =	sadd.s32 $0x2800, s15;
	[sflag:s0] =	ssyncadd.s32 $0xFFFFE000  }
0x96: {  	[spmem:s2] =	stream.indirect.scatter.add.f32 [tilespmem:s19], [sflag:$0x9], $0x40, s18, s22, $0xb8;
	[tilespmem:$0x1F000] =	vst v63  }
0x97: {  	s18 =	simm.s32 @!p0 $0xF  }
0x98: {  	_ =	swait.ge @!p0 [sflag:s18], $0x2000  }
0x99: {  	[sflag:s18] =	ssyncset.done @!p0 $0x0  }
0x9a: {  	s28 =	sadd.s32 $0x300, s15;
	[sflag:s18] =	ssyncadd.s32 @!p0 $0xFFFFE000  }
0x9b: {  	[tilespmem:s21], [sflag:$0x7] =	stream.indirect.gather [hbm4b:s4+s22], $0x40, s28, s22, $0xb8;
	[tilespmem:$0x1F000] =	vst v63  }
0x9c: {  	_ =	swait.ge [sflag:s24], $0x2000  }
0x9d: {  	[sflag:s24] =	ssyncset.done $0x0  }
0x9e: {  	s7 =	sadd.s32 $0x2880, s15;
	s18 =	simm.s32 @!p0 $0x10;
	[sflag:s24] =	ssyncadd.s32 $0xFFFFE000  }
0x9f: {  	[spmem:s2] =	stream.indirect.scatter.add.f32 [tilespmem:s23], [sflag:$0xA], $0x40, s7, s22, $0xb8;
	[tilespmem:$0x1F000] =	vst v63  }
0xa0: {  	_ =	swait.ge @!p0 [sflag:s18], $0x2000  }
0xa1: {  	[sflag:s18] =	ssyncset.done @!p0 $0x0  }
0xa2: {  	s8 =	sadd.s32 $0x380, s15;
	[sflag:s18] =	ssyncadd.s32 @!p0 $0xFFFFE000  }
0xa3: {  	[tilespmem:s26], [sflag:$0x8] =	stream.indirect.gather [hbm4b:s4+s22], $0x40, s8, s22, $0xb8;
	[tilespmem:$0x1F000] =	vst v63  }
0xa4: {  	_ =	swait.ge [sflag:s29], $0x2000  }
0xa5: {  	p0 =	seq.s32 s14, $0x9000;
	[sflag:s29] =	ssyncset.done $0x0  }
0xa6: {  	s9 =	sadd.s32 $0x2900, s15;
	s18 =	simm.s32 @p0 $0x4;
	[sflag:s29] =	ssyncadd.s32 $0xFFFFE000  }
0xa7: {  	[spmem:s2] =	stream.indirect.scatter.add.f32 [tilespmem:s25], [sflag:$0xB], $0x40, s9, s22, $0xb8;
	[tilespmem:$0x1F000] =	vst v63  }
0xa8: {  	_ =	swait.ge @p0 [sflag:s18], $0x2000  }
0xa9: {  	[sflag:s18] =	ssyncset.done @p0 $0x0  }
0xaa: {  	[sflag:s18] =	ssyncadd.s32 @p0 $0xFFFFE000;
	s18 =	sshra.s32 @p0 s14, $0x2  }
0xab: {  	s12 =	simm.s32 @p0 $0x80;
	s7 =	simm.s32 @p0 $0xB000;
	s28 =	sadd.s32 @p0 $0x2980, s18  }
0xac: {  	[spmem:s2] =	stream.indirect.scatter.add.f32 @p0 [tilespmem:s7], [sflag:$0xC], $0x40, s28, s12, $0xb8;
	[tilespmem:$0x1F000] =	vst v63  }
0xad: {  	s7 =	simm.s32 @!p0 $0x9  }
0xae: {  	_ =	swait.ge @!p0 [sflag:s7], $0x2000  }
0xaf: {  	[sflag:s7] =	ssyncset.done @!p0 $0x0  }
0xb0: {  	[sflag:s7] =	ssyncadd.s32 @!p0 $0xFFFFE000;
	s7 =	sshra.s32 @!p0 s14, $0x2  }
0xb1: {  	s8 =	simm.s32 @!p0 $0x80;
	s9 =	simm.s32 @!p0 $0x5000;
	s28 =	sadd.s32 @!p0 $0x400, s7  }
0xb2: {  	[tilespmem:s9], [sflag:$0x1] =	stream.indirect.gather @!p0 [hbm4b:s4+s8], $0x40, s28, s8, $0xb8;
	[tilespmem:$0x1F000] =	vst v63  }
0xb3: {  	s9 =	simm.s32 @!p0 $0x4  }
0xb4: {  	_ =	swait.ge @!p0 [sflag:s9], $0x2000  }
0xb5: {  	[sflag:s9] =	ssyncset.done @!p0 $0x0  }
0xb6: {  	s28 =	simm.s32 @!p0 $0xB000;
	[sflag:s9] =	ssyncadd.s32 @!p0 $0xFFFFE000;
	s9 =	sadd.s32 @!p0 $0x2980, s7  }
0xb7: {  	[spmem:s2] =	stream.indirect.scatter.add.f32 @!p0 [tilespmem:s28], [sflag:$0xC], $0x40, s9, s8, $0xb8;
	[tilespmem:$0x1F000] =	vst v63  }
0xb8: {  	s9 =	simm.s32 @!p0 $0xA  }
0xb9: {  	_ =	swait.ge @!p0 [sflag:s9], $0x2000  }
0xba: {  	[sflag:s9] =	ssyncset.done @!p0 $0x0  }
0xbb: {  	s10 =	simm.s32 @!p0 $0x7000;
	[sflag:s9] =	ssyncadd.s32 @!p0 $0xFFFFE000;
	s9 =	sadd.s32 @!p0 $0x480, s7  }
0xbc: {  	[tilespmem:s10], [sflag:$0x2] =	stream.indirect.gather @!p0 [hbm4b:s4+s8], $0x40, s9, s8, $0xb8;
	[tilespmem:$0x1F000] =	vst v63  }
0xbd: {  	_ =	swait.ge [sflag:s31], $0x2000  }
0xbe: {  	[sflag:s31] =	ssyncset.done $0x0  }
0xbf: {  	s10 =	sadd.s32 $0x2A00, s15;
	s9 =	simm.s32 @p0 $0x6;
	[sflag:s31] =	ssyncadd.s32 $0xFFFFE000  }
0xc0: {  	[spmem:s2] =	stream.indirect.scatter.add.f32 [tilespmem:s30], [sflag:$0xD], $0x40, s10, s22, $0xb8;
	[tilespmem:$0x1F000] =	vst v63  }
0xc1: {  	_ =	swait.ge @p0 [sflag:s9], $0x2000  }
0xc2: {  	[sflag:s9] =	ssyncset.done @p0 $0x0  }
0xc3: {  	s10 =	simm.s32 @p0 $0xF000;
	[sflag:s9] =	ssyncadd.s32 @p0 $0xFFFFE000;
	s9 =	sadd.s32 @p0 $0x2A80, s18  }
0xc4: {  	[spmem:s2] =	stream.indirect.scatter.add.f32 @p0 [tilespmem:s10], [sflag:$0xE], $0x40, s9, s12, $0xb8;
	[tilespmem:$0x1F000] =	vst v63  }
0xc5: {  	s9 =	simm.s32 @!p0 $0xB  }
0xc6: {  	_ =	swait.ge @!p0 [sflag:s9], $0x2000  }
0xc7: {  	[sflag:s9] =	ssyncset.done @!p0 $0x0  }
0xc8: {  	s10 =	simm.s32 @!p0 $0x9000;
	[sflag:s9] =	ssyncadd.s32 @!p0 $0xFFFFE000;
	s9 =	sadd.s32 @!p0 $0x500, s7  }
0xc9: {  	[tilespmem:s10], [sflag:$0x3] =	stream.indirect.gather @!p0 [hbm4b:s4+s8], $0x40, s9, s8, $0xb8;
	[tilespmem:$0x1F000] =	vst v63  }
0xca: {  	s9 =	simm.s32 @!p0 $0x6  }
0xcb: {  	_ =	swait.ge @!p0 [sflag:s9], $0x2000  }
0xcc: {  	[sflag:s9] =	ssyncset.done @!p0 $0x0  }
0xcd: {  	s10 =	simm.s32 @!p0 $0xF000;
	[sflag:s9] =	ssyncadd.s32 @!p0 $0xFFFFE000;
	s9 =	sadd.s32 @!p0 $0x2A80, s7  }
0xce: {  	[spmem:s2] =	stream.indirect.scatter.add.f32 @!p0 [tilespmem:s10], [sflag:$0xE], $0x40, s9, s8, $0xb8;
	[tilespmem:$0x1F000] =	vst v63  }
0xcf: {  	s9 =	simm.s32 @!p0 $0xC  }
0xd0: {  	_ =	swait.ge @!p0 [sflag:s9], $0x2000  }
0xd1: {  	[sflag:s9] =	ssyncset.done @!p0 $0x0  }
0xd2: {  	s7 =	sadd.s32 @!p0 $0x580, s7;
	[sflag:s9] =	ssyncadd.s32 @!p0 $0xFFFFE000  }
0xd3: {  	[tilespmem:s28], [sflag:$0x4] =	stream.indirect.gather @!p0 [hbm4b:s4+s8], $0x40, s7, s8, $0xb8;
	[tilespmem:$0x1F000] =	vst v63  }
.Ltmp2:
0xd4: {  	_ = 	snop;
	(pc) =	sbr.rel @p0 .LBB2_4-.Ltmp2, $4  }
0xd5: {  	_ =	swait.ge [sflag:s5], $0x2000  }
0xd6: {  	[sflag:s5] =	ssyncset.done $0x0  }
0xd7: {  	s18 =	sadd.s32 $0x2B80, s15;
	s28 =	sadd.s32 $0x2B00, s15;
	[sflag:s5] =	ssyncadd.s32 $0xFFFFE000  }
0xd8: {  	[spmem:s2] =	stream.indirect.scatter.add.f32 [tilespmem:s21], [sflag:$0xF], $0x40, s28, s22, $0xb8;
	[tilespmem:$0x1F000] =	vst v63  }
0xd9: {  	_ =	swait.ge [sflag:s16], $0x2000  }
0xda: {  	[sflag:s16] =	ssyncset.done $0x0  }
0xdb: {  	s7 =	sadd.s32 $0x600, s15;
	[sflag:s16] =	ssyncadd.s32 $0xFFFFE000  }
0xdc: {  	[tilespmem:s30], [sflag:$0x5] =	stream.indirect.gather [hbm4b:s4+s22], $0x40, s7, s22, $0xb8;
	[tilespmem:$0x1F000] =	vst v63  }
0xdd: {  	_ =	swait.ge [sflag:s11], $0x2000  }
0xde: {  	[sflag:s11] =	ssyncset.done $0x0  }
0xdf: {  	[sflag:s11] =	ssyncadd.s32 $0xFFFFE000  }
0xe0: {  	[spmem:s2] =	stream.indirect.scatter.add.f32 [tilespmem:s26], [sflag:$0x10], $0x40, s18, s22, $0xb8;
	[tilespmem:$0x1F000] =	vst v63  }
.Ltmp3:
0xe1: {  	_ = 	snop;
	(pc) =	sbr.rel .LBB2_2-.Ltmp3, $4  }
0xe2: {  	_ =	swait.ge [sflag:s17], $0x2000  }
0xe3: {  	[sflag:s17] =	ssyncset.done $0x0  }
0xe4: {  	s28 =	sadd.s32 $0x680, s15;
	s14 =	sadd.s32 $0x1000, s14;
	[sflag:s17] =	ssyncadd.s32 $0xFFFFE000  }
0xe5: {  	[tilespmem:s1], [sflag:$0x6] =	stream.indirect.gather [hbm4b:s4+s22], $0x40, s28, s22, $0xb8;
	[tilespmem:$0x1F000] =	vst v63  }
.LBB2_5:
0xe6: {  	_ =	sfence.sel $0x180000  }
0xe7: {  	[bflag:$0x0] =	sbarrier.arrive $0xFFFF  }
0xe8: {  	_ =	strace $0x90000047  }
0xe9: {  	s0 =	stileid.u32;
	[bflag:$0x2] =	sbarrier.arrive $0xFFFF  }
0xea: {  	p0 =	sne.s32 s0, $0x0;
	s0 =	rddreg [dreg:$0x2]  }
0xeb: {  	s0 =	sadd.s32 @!p0 $0x100000, s0  }
0xec: {  	[sflag:s0] =	ssyncadd.tile.s32 @!p0 $0x1;
	_ =	shalt  }
.Lfunc_end2:
_tile_overlayer_lowered:
.L_overlay_start_2:
0xed: {  	(tag) =	ssettag $0x2  }
0xee: {  	s0 =	rddreg [dreg:$0x0];
	s2 =	stileid.u32  }
0xef: {  	s1 =	rddreg [dreg:$0x1];
	p0 =	sne.s32 s2, $0x0  }
0xf0: {  	s3 =	rddreg [dreg:$0x2];
	[bflag:$0x3] =	sbarrier.arrive $0xFFFF;
	s2 =	simm.s32 @!p0 $0x1C11  }
0xf1: {  	[timem:s3], [sflag:s2] =	dma.local @!p0 [hbm:s0], s1  }
0xf2: {  	s0 =	simm.s32 @!p0 $0x11  }
0xf3: {  	_ =	swait.ge @!p0 [sflag:s0], s1  }
0xf4: {  	s1 =	ssub.s32 @!p0 $0x0, s1;
	[sflag:s0] =	ssyncset.done @!p0 $0x0  }
0xf5: {  	[sflag:s0] =	ssyncadd.s32 @!p0 s1  }
0xf6: {  	[bflag:$0x3] =	sbarrier.arrive $0xFFFF  }
0xf7: {  	_ =	shalt  }

</sc_bundles>
